<compile_context>
chip_gen: v7x
topology: tpu7x:2x2x1
jax: 0.10.2.dev20260603
libtpu: 0.0.44.dev20260713+nightly
codegen_flags: <defaults>
</compile_context>

<pallas_src>
import functools

import numpy as np
import jax
import jax.numpy as jnp
from jax import lax
from jax.experimental import pallas as pl
from jax.experimental.pallas import tpu as pltpu
from jax.experimental.pallas import tpu_sc as plsc

BATCH = 128
F = 32768
L = 16
NV = F // L
NBKT = 2048
MSB = np.int32(-(2 ** 31))


def _splat_sum(v):
  fwd = plsc.cumsum(v)
  bwd = lax.rev(plsc.cumsum(lax.rev(v, (0,))), (0,))
  return fwd + bwd - v


def _row_select_mask_scale(x_v, u_v, hist_v, k_splat, s_splat):
  lanes = lax.iota(jnp.int32, L)
  ones = jnp.ones((L,), jnp.int32)
  zeros_i = jnp.zeros((L,), jnp.int32)

  def scan_hist(K, num_groups, want_through=False):
    def g_body(g, carry):
      c_tot, bstar, below, through = carry
      goff = pl.multiple_of(g * L, L)
      acc = hist_v[pl.ds(goff, L)]
      hist_v[pl.ds(goff, L)] = zeros_i
      cumv = plsc.cumsum(acc)
      mlt = (c_tot + cumv) < K
      p = plsc.all_reduce_population_count(mlt)
      bstar = bstar + p
      below = below + _splat_sum(jnp.where(mlt, acc, 0))
      if want_through:
        mle = (c_tot + cumv - acc) < K
        through = through + _splat_sum(jnp.where(mle, acc, 0))
      c_tot = c_tot + _splat_sum(acc)
      return c_tot, bstar, below, through

    init = (zeros_i, zeros_i, zeros_i, zeros_i)
    _, bstar, below, through = lax.fori_loop(0, num_groups, g_body, init)
    if want_through:
      return bstar, below, through
    return bstar, below

  @plsc.parallel_loop(0, F, L, unroll=8)
  def _pass1(off):
    off = pl.multiple_of(off, L)
    xb = x_v[pl.ds(off, L)]
    b = lax.bitcast_convert_type(xb, jnp.int32)
    m = lax.shift_right_arithmetic(b, 31)
    u = b ^ (m | MSB)
    u_v[pl.ds(off, L)] = u
    bucket = lax.shift_right_logical(u, 21)
    plsc.addupdate_scatter(hist_v, [bucket], ones)

  K = k_splat
  bstar, below = scan_hist(K, NBKT // L)
  K = K - below
  prefix = lax.shift_left(bstar, 21)

  for sh, hi, mask_bits, ngroups in ((10, 21, 0x7FF, NBKT // L),
                                     (0, 10, 0x3FF, NBKT // (2 * L))):
    pref_hi = lax.shift_right_logical(prefix, hi)

    @plsc.parallel_loop(0, F, L, unroll=8)
    def _passn(off, hi=hi, sh=sh, mask_bits=mask_bits, pref_hi=pref_hi):
      off = pl.multiple_of(off, L)
      u = u_v[pl.ds(off, L)]
      cand = lax.shift_right_logical(u, hi) == pref_hi
      bucket = lax.shift_right_logical(u, sh) & mask_bits
      plsc.addupdate_scatter(hist_v, [bucket], ones, mask=cand)

    if sh == 0:
      bstar, below, through = scan_hist(K, ngroups, want_through=True)
      count_eq = through - below
    else:
      bstar, below = scan_hist(K, ngroups)
    K = K - below
    prefix = prefix | lax.shift_left(bstar, sh)

  thresh = prefix
  thresh_s = thresh ^ MSB
  need_eq = K

  pure = jnp.sum(jnp.where(lanes == 0, need_eq - count_eq, zeros_i)) == 0

  @pl.when(pure)
  def _fast():
    @plsc.parallel_loop(0, F, L, unroll=8)
    def _final_fast(off):
      off = pl.multiple_of(off, L)
      u = u_v[pl.ds(off, L)]
      xb = x_v[pl.ds(off, L)]
      keep = (u ^ MSB) <= thresh_s
      x_v[pl.ds(off, L)] = jnp.where(keep, xb * s_splat, jnp.float32(0.0))

  @pl.when(jnp.logical_not(pure))
  def _slow():
    @plsc.parallel_loop(0, F, L, unroll=8, carry=jnp.zeros((L,), jnp.int32))
    def _final(off, runner):
      off = pl.multiple_of(off, L)
      u = u_v[pl.ds(off, L)]
      xb = x_v[pl.ds(off, L)]
      skey = u ^ MSB
      less = skey < thresh_s
      eq = u == thresh
      cumv = plsc.cumsum(eq.astype(jnp.int32))
      keep = less | (eq & ((runner + cumv) <= need_eq))
      x_v[pl.ds(off, L)] = jnp.where(keep, xb * s_splat, jnp.float32(0.0))
      return runner + plsc.all_reduce_population_count(eq)


def _make_sc_call():
  mesh = plsc.VectorSubcoreMesh(core_axis_name="c", subcore_axis_name="s")
  n_workers = mesh.num_cores * mesh.num_subcores
  rows_per_worker = BATCH // n_workers

  @functools.partial(
      pl.kernel,
      mesh=mesh,
      compiler_params=pltpu.CompilerParams(needs_layout_passes=False),
      out_type=jax.ShapeDtypeStruct((BATCH, F), jnp.float32),
      scratch_types=[
          pltpu.VMEM((F,), jnp.float32),
          pltpu.VMEM((F,), jnp.float32),
          pltpu.VMEM((F,), jnp.int32),
          pltpu.VMEM((NBKT,), jnp.int32),
          pltpu.VMEM((BATCH,), jnp.int32),
          pltpu.VMEM((BATCH,), jnp.float32),
          pltpu.SemaphoreType.DMA,
          pltpu.SemaphoreType.DMA,
          pltpu.SemaphoreType.DMA,
          pltpu.SemaphoreType.DMA,
      ],
  )
  def sc_kernel(feat_ref, k_ref, s_ref, out_ref, xa_v, xb_v, u_v, hist_v,
                ks_v, ss_v, si0, si1, so0, so1):
    nc = mesh.num_cores
    wid = lax.axis_index("s") * nc + lax.axis_index("c")
    pltpu.sync_copy(k_ref, ks_v)
    pltpu.sync_copy(s_ref, ss_v)
    zeros_i = jnp.zeros((L,), jnp.int32)
    bufs = (xa_v, xb_v)
    sem_in = (si0, si1)
    sem_out = (so0, so1)

    @plsc.parallel_loop(0, NBKT, L, unroll=8)
    def _zero(off):
      hist_v[pl.ds(pl.multiple_of(off, L), L)] = zeros_i

    rows = [wid * rows_per_worker + j for j in range(rows_per_worker)]

    in_h = {0: pltpu.async_copy(feat_ref.at[rows[0]], bufs[0], sem_in[0])}
    out_h = {}
    for j in range(rows_per_worker):
      b = j % 2
      nb = (j + 1) % 2
      if j + 1 < rows_per_worker:
        if j >= 1:
          out_h[j - 1].wait()
        in_h[j + 1] = pltpu.async_copy(
            feat_ref.at[rows[j + 1]], bufs[nb], sem_in[nb])
      in_h[j].wait()

      row = rows[j]
      base = pl.multiple_of((row // L) * L, L)
      sel = lax.iota(jnp.int32, L) == (row - (row // L) * L)
      k_splat = jnp.broadcast_to(
          jnp.sum(jnp.where(sel, ks_v[pl.ds(base, L)], 0)), (L,))
      s_splat = jnp.broadcast_to(
          jnp.sum(jnp.where(sel, ss_v[pl.ds(base, L)], jnp.float32(0.0))),
          (L,))
      _row_select_mask_scale(bufs[b], u_v, hist_v, k_splat, s_splat)

      out_h[j] = pltpu.async_copy(bufs[b], out_ref.at[row], sem_out[b])

    out_h[rows_per_worker - 2].wait()
    out_h[rows_per_worker - 1].wait()

  return sc_kernel


def kernel(feat, prop, scale):
  s = (scale / prop).astype(jnp.float32)
  kvec = jnp.round(jnp.float32(F) * prop).astype(jnp.int32)
  return _make_sc_call()(feat, kvec, s)

# --- scband reference (transcript-rebuilt; emitter-appended) ---
"""Pipeline reference for scband-norm-active-adapt-drop-with-loss-3891240370806 (READ-ONLY COPY).

The authoritative reference and input builder live on the scoring server;
editing this copy changes nothing except your own understanding.
"""

import jax, jax.numpy as jnp
import numpy as np

BATCH = 128
FEATSIZE = 32768


def setup_inputs(seed: int = 0) -> dict:
    key = jax.random.key(seed)
    k1, k2 = jax.random.split(key)
    feat = jax.random.normal(k1, (BATCH, FEATSIZE), dtype=jnp.float32)
    # prop in (0, 1), bounded away from 0 to avoid division blow-up
    prop = jax.random.uniform(k2, (BATCH,), dtype=jnp.float32, minval=0.05, maxval=0.95)
    # learned scalar parameter, initialized to 1.0 as in the torch module
    scale = jnp.ones((1,), dtype=jnp.float32)
    return {"feat": feat, "prop": prop, "scale": scale}


def reference(feat, prop, scale):
    batch, featsize = feat.shape
    # scale = self.scale / prop  -> per-row scale [B]
    s = scale / prop  # broadcasts (1,)/(B,) -> (B,)
    # toKeep = round(featsize * prop)  -> per-row count of smallest elements to keep
    toKeep = jnp.round(featsize * prop)  # [B], float
    # ascending argsort along dim=1
    order = jnp.argsort(feat, axis=1)  # [B, F]
    # mask[i, order[i, k]] = 1.0 for k < toKeep[i]
    k_idx = jnp.arange(featsize, dtype=jnp.float32)[None, :]  # [1, F]
    keep = (k_idx < toKeep[:, None]).astype(feat.dtype)  # [B, F] in sorted order
    rows = jnp.arange(batch)[:, None]
    mask = jnp.zeros_like(feat).at[rows, order].set(keep)  # scatter-overwrite
    # feat *= mask * scale (scale broadcast across features)
    out = feat * mask * s[:, None]
    return out

if __name__ == "__main__":
    import jax
    _d = setup_inputs()
    print(jax.jit(kernel)(*tuple(_d.values())))

</pallas_src>

<mosaic_0001>
#map = affine_map<(d0, d1) -> (0, 0)>
#map1 = affine_map<(d0, d1) -> (0)>
module attributes {stable_mosaic.version = 14 : i64} {
  func.func @sc_kernel(%arg0: i32, %arg1: i32, %arg2: memref<128x32768xf32, #tpu.memory_space<hbm>>, %arg3: memref<128xi32, #tpu.memory_space<hbm>>, %arg4: memref<128xf32, #tpu.memory_space<hbm>>, %arg5: memref<128x32768xf32, #tpu.memory_space<hbm>>, %arg6: memref<32768xf32, #tpu.memory_space<vmem>>, %arg7: memref<32768xf32, #tpu.memory_space<vmem>>, %arg8: memref<32768xi32, #tpu.memory_space<vmem>>, %arg9: memref<2048xi32, #tpu.memory_space<vmem>>, %arg10: memref<128xi32, #tpu.memory_space<vmem>>, %arg11: memref<128xf32, #tpu.memory_space<vmem>>, %arg12: memref<!tpu.dma_semaphore, #tpu.memory_space<semaphore_mem>>, %arg13: memref<!tpu.dma_semaphore, #tpu.memory_space<semaphore_mem>>, %arg14: memref<!tpu.dma_semaphore, #tpu.memory_space<semaphore_mem>>, %arg15: memref<!tpu.dma_semaphore, #tpu.memory_space<semaphore_mem>>) attributes {dimension_semantics = [#tpu.dimension_semantics<core_parallel>, #tpu.dimension_semantics<subcore_parallel>], iteration_bounds = array<i64: 2, 16>, scalar_prefetch = 0 : i64, scratch_operands = 10 : i64, tpu.core_type = #tpu.core_type<sc_vector_subcore>, window_params = [{transform_indices = #map}, {transform_indices = #map1}, {transform_indices = #map1}, {transform_indices = #map}]} {
    %mul3A = arith.constant 2 : i32
    %mul3A_0 = arith.muli %arg1, %mul3A : i32
    %add3A = arith.addi %mul3A_0, %arg0 : i32
    "tpu.region"() ({
      %run_scoped3A = tpu.sem_alloc : memref<!tpu.dma_semaphore, #tpu.memory_space<semaphore_mem>>
      tpu.enqueue_dma source(%arg3 : memref<128xi32, #tpu.memory_space<hbm>>) target(%arg10 : memref<128xi32, #tpu.memory_space<vmem>>) target_semaphore(%run_scoped3A : memref<!tpu.dma_semaphore, #tpu.memory_space<semaphore_mem>>)
      tpu.wait_dma2 semaphore(%run_scoped3A : memref<!tpu.dma_semaphore, #tpu.memory_space<semaphore_mem>>) src(%arg3 : memref<128xi32, #tpu.memory_space<hbm>>) dst(%arg10 : memref<128xi32, #tpu.memory_space<vmem>>)
      tpu.yield
    }) : () -> ()
    "tpu.region"() ({
      %run_scoped3A = tpu.sem_alloc : memref<!tpu.dma_semaphore, #tpu.memory_space<semaphore_mem>>
      tpu.enqueue_dma source(%arg4 : memref<128xf32, #tpu.memory_space<hbm>>) target(%arg11 : memref<128xf32, #tpu.memory_space<vmem>>) target_semaphore(%run_scoped3A : memref<!tpu.dma_semaphore, #tpu.memory_space<semaphore_mem>>)
      tpu.wait_dma2 semaphore(%run_scoped3A : memref<!tpu.dma_semaphore, #tpu.memory_space<semaphore_mem>>) src(%arg4 : memref<128xf32, #tpu.memory_space<hbm>>) dst(%arg11 : memref<128xf32, #tpu.memory_space<vmem>>)
      tpu.yield
    }) : () -> ()
    %broadcast_in_dim3A = arith.constant 0 : i32
    %broadcast_in_dim3A_1 = vector.broadcast %broadcast_in_dim3A : i32 to vector<16xi32>
    %parallel_loop3A = arith.constant 0 : i32
    %parallel_loop3A_2 = arith.constant 2048 : i32
    %parallel_loop3A_3 = arith.constant 16 : i32
    scf.for %parallel_loop3A_701 = %parallel_loop3A to %parallel_loop3A_2 step %parallel_loop3A_3  : i32 {
      %parallel_loop3A_702 = tpu.assume_multiple %parallel_loop3A_701, 16 : i32
      %parallel_loop3A_703 = arith.index_cast %parallel_loop3A_702 : i32 to index
      %parallel_loop3A_704 = tpu.vector_load %arg9[%parallel_loop3A_703] {strides = array<i32>} : memref<2048xi32, #tpu.memory_space<vmem>>, vector<16xi32>,
      tpu.vector_store %arg9[%parallel_loop3A_703], %broadcast_in_dim3A_1 {strides = array<i32>} : memref<2048xi32, #tpu.memory_space<vmem>>, vector<16xi32>,
    } {sc.loop_unroll_factor = 8 : i64, sc.parallel_access}
    %mul3A_4 = arith.constant 4 : i32
    %mul3A_5 = arith.muli %add3A, %mul3A_4 : i32
    %add3A_6 = arith.constant 0 : i32
    %add3A_7 = arith.addi %mul3A_5, %add3A_6 : i32
    %mul3A_8 = arith.constant 4 : i32
    %mul3A_9 = arith.muli %add3A, %mul3A_8 : i32
    %add3A_10 = arith.constant 1 : i32
    %add3A_11 = arith.addi %mul3A_9, %add3A_10 : i32
    %mul3A_12 = arith.constant 4 : i32
    %mul3A_13 = arith.muli %add3A, %mul3A_12 : i32
    %add3A_14 = arith.constant 2 : i32
    %add3A_15 = arith.addi %mul3A_13, %add3A_14 : i32
    %mul3A_16 = arith.constant 4 : i32
    %mul3A_17 = arith.muli %add3A, %mul3A_16 : i32
    %add3A_18 = arith.constant 3 : i32
    %add3A_19 = arith.addi %mul3A_17, %add3A_18 : i32
    %dma_start3A = arith.constant 0 : i32
    %dma_start3A_20 = tpu.memref_slice %arg2[%add3A_7, %dma_start3A] : memref<128x32768xf32, #tpu.memory_space<hbm>> -> memref<1x32768xf32, #tpu.memory_space<hbm>>
    %dma_start3A_21 = tpu.memref_squeeze %dma_start3A_20 : memref<1x32768xf32, #tpu.memory_space<hbm>> -> memref<32768xf32, #tpu.memory_space<hbm>>
    %dma_start3A_22 = arith.constant 0 : i32
    %dma_start3A_23 = tpu.memref_slice %arg2[%add3A_7, %dma_start3A_22] : memref<128x32768xf32, #tpu.memory_space<hbm>> -> memref<1x32768xf32, #tpu.memory_space<hbm>>
    %dma_start3A_24 = tpu.memref_squeeze %dma_start3A_23 : memref<1x32768xf32, #tpu.memory_space<hbm>> -> memref<32768xf32, #tpu.memory_space<hbm>>
    tpu.enqueue_dma source(%dma_start3A_24 : memref<32768xf32, #tpu.memory_space<hbm>>) target(%arg6 : memref<32768xf32, #tpu.memory_space<vmem>>) target_semaphore(%arg12 : memref<!tpu.dma_semaphore, #tpu.memory_space<semaphore_mem>>)
    %dma_start3A_25 = arith.constant 0 : i32
    %dma_start3A_26 = tpu.memref_slice %arg2[%add3A_11, %dma_start3A_25] : memref<128x32768xf32, #tpu.memory_space<hbm>> -> memref<1x32768xf32, #tpu.memory_space<hbm>>
    %dma_start3A_27 = tpu.memref_squeeze %dma_start3A_26 : memref<1x32768xf32, #tpu.memory_space<hbm>> -> memref<32768xf32, #tpu.memory_space<hbm>>
    %dma_start3A_28 = arith.constant 0 : i32
    %dma_start3A_29 = tpu.memref_slice %arg2[%add3A_11, %dma_start3A_28] : memref<128x32768xf32, #tpu.memory_space<hbm>> -> memref<1x32768xf32, #tpu.memory_space<hbm>>
    %dma_start3A_30 = tpu.memref_squeeze %dma_start3A_29 : memref<1x32768xf32, #tpu.memory_space<hbm>> -> memref<32768xf32, #tpu.memory_space<hbm>>
    tpu.enqueue_dma source(%dma_start3A_30 : memref<32768xf32, #tpu.memory_space<hbm>>) target(%arg7 : memref<32768xf32, #tpu.memory_space<vmem>>) target_semaphore(%arg13 : memref<!tpu.dma_semaphore, #tpu.memory_space<semaphore_mem>>)
    %dma_wait3A = arith.constant 0 : i32
    %dma_wait3A_31 = tpu.memref_slice %arg2[%add3A_7, %dma_wait3A] : memref<128x32768xf32, #tpu.memory_space<hbm>> -> memref<1x32768xf32, #tpu.memory_space<hbm>>
    %dma_wait3A_32 = tpu.memref_squeeze %dma_wait3A_31 : memref<1x32768xf32, #tpu.memory_space<hbm>> -> memref<32768xf32, #tpu.memory_space<hbm>>
    %dma_wait3A_33 = arith.constant 0 : i32
    %dma_wait3A_34 = tpu.memref_slice %arg2[%add3A_7, %dma_wait3A_33] : memref<128x32768xf32, #tpu.memory_space<hbm>> -> memref<1x32768xf32, #tpu.memory_space<hbm>>
    %dma_wait3A_35 = tpu.memref_squeeze %dma_wait3A_34 : memref<1x32768xf32, #tpu.memory_space<hbm>> -> memref<32768xf32, #tpu.memory_space<hbm>>
    tpu.wait_dma2 semaphore(%arg12 : memref<!tpu.dma_semaphore, #tpu.memory_space<semaphore_mem>>) src(%dma_wait3A_35 : memref<32768xf32, #tpu.memory_space<hbm>>) dst(%arg6 : memref<32768xf32, #tpu.memory_space<vmem>>)
    %jit3A = arith.constant 16 : i32
    %div3A = arith.divsi %add3A_7, %jit3A : i32
    %sign3A = arith.constant 0 : i32
    %sign3A_36 = arith.cmpi sgt, %add3A_7, %sign3A : i32
    %sign3A_37 = arith.extui %sign3A_36 : i1 to i32
    %sign3A_38 = arith.constant 0 : i32
    %sign3A_39 = arith.cmpi slt, %add3A_7, %sign3A_38 : i32
    %sign3A_40 = arith.extui %sign3A_39 : i1 to i32
    %sign3A_41 = arith.subi %sign3A_37, %sign3A_40 : i32
    %sign3A_42 = arith.constant 0 : i32
    %sign3A_43 = arith.cmpi sgt, %jit3A, %sign3A_42 : i32
    %sign3A_44 = arith.extui %sign3A_43 : i1 to i32
    %sign3A_45 = arith.constant 0 : i32
    %sign3A_46 = arith.cmpi slt, %jit3A, %sign3A_45 : i32
    %sign3A_47 = arith.extui %sign3A_46 : i1 to i32
    %sign3A_48 = arith.subi %sign3A_44, %sign3A_47 : i32
    %ne3A = arith.cmpi ne, %sign3A_41, %sign3A_48 : i32
    %rem3A = arith.remsi %add3A_7, %jit3A : i32
    %ne3A_49 = arith.constant 0 : i32
    %ne3A_50 = arith.cmpi ne, %rem3A, %ne3A_49 : i32
    %and3A = arith.andi %ne3A, %ne3A_50 : i1
    %sub3A = arith.constant 1 : i32
    %sub3A_51 = arith.subi %div3A, %sub3A : i32
    %select_n3A = arith.select %and3A, %sub3A_51, %div3A : i32
    %mul3A_52 = arith.constant 16 : i32
    %mul3A_53 = arith.muli %select_n3A, %mul3A_52 : i32
    %multiple_of3A = tpu.assume_multiple %mul3A_53, 16 : i32
    %iota3A = tpu.iota {dimensions = array<i32: 0>} : vector<16xi32>
    %jit3A_54 = arith.constant 16 : i32
    %div3A_55 = arith.divsi %add3A_7, %jit3A_54 : i32
    %sign3A_56 = arith.constant 0 : i32
    %sign3A_57 = arith.cmpi sgt, %add3A_7, %sign3A_56 : i32
    %sign3A_58 = arith.extui %sign3A_57 : i1 to i32
    %sign3A_59 = arith.constant 0 : i32
    %sign3A_60 = arith.cmpi slt, %add3A_7, %sign3A_59 : i32
    %sign3A_61 = arith.extui %sign3A_60 : i1 to i32
    %sign3A_62 = arith.subi %sign3A_58, %sign3A_61 : i32
    %sign3A_63 = arith.constant 0 : i32
    %sign3A_64 = arith.cmpi sgt, %jit3A_54, %sign3A_63 : i32
    %sign3A_65 = arith.extui %sign3A_64 : i1 to i32
    %sign3A_66 = arith.constant 0 : i32
    %sign3A_67 = arith.cmpi slt, %jit3A_54, %sign3A_66 : i32
    %sign3A_68 = arith.extui %sign3A_67 : i1 to i32
    %sign3A_69 = arith.subi %sign3A_65, %sign3A_68 : i32
    %ne3A_70 = arith.cmpi ne, %sign3A_62, %sign3A_69 : i32
    %rem3A_71 = arith.remsi %add3A_7, %jit3A_54 : i32
    %ne3A_72 = arith.constant 0 : i32
    %ne3A_73 = arith.cmpi ne, %rem3A_71, %ne3A_72 : i32
    %and3A_74 = arith.andi %ne3A_70, %ne3A_73 : i1
    %sub3A_75 = arith.constant 1 : i32
    %sub3A_76 = arith.subi %div3A_55, %sub3A_75 : i32
    %select_n3A_77 = arith.select %and3A_74, %sub3A_76, %div3A_55 : i32
    %mul3A_78 = arith.constant 16 : i32
    %mul3A_79 = arith.muli %select_n3A_77, %mul3A_78 : i32
    %sub3A_80 = arith.subi %add3A_7, %mul3A_79 : i32
    %eq3A = vector.broadcast %sub3A_80 : i32 to vector<16xi32>
    %eq3A_81 = arith.cmpi eq, %iota3A, %eq3A : vector<16xi32>
    %get3A = arith.index_cast %multiple_of3A : i32 to index
    %get3A_82 = tpu.vector_load %arg10[%get3A] {strides = array<i32>} : memref<128xi32, #tpu.memory_space<vmem>>, vector<16xi32>,
    %jit3A_83 = arith.constant 0 : i32
    %broadcast_in_dim3A_84 = vector.broadcast %jit3A_83 : i32 to vector<16xi32>
    %select_n3A_85 = arith.select %eq3A_81, %get3A_82, %broadcast_in_dim3A_84 : vector<16xi1>, vector<16xi32>
    %reduce_sum3A = arith.constant true
    %reduce_sum3A_86 = vector.broadcast %reduce_sum3A : i1 to vector<16xi1>
    %reduce_sum3A_87 = tpu.scan <sum>, %select_n3A_85 masked %reduce_sum3A_86 : vector<16xi32>, vector<16xi1> -> vector<16xi32>
    %reduce_sum3A_88 = vector.extract %reduce_sum3A_87[15] : i32 from vector<16xi32>
    %broadcast_in_dim3A_89 = vector.broadcast %reduce_sum3A_88 : i32 to vector<16xi32>
    %get3A_90 = arith.index_cast %multiple_of3A : i32 to index
    %get3A_91 = tpu.vector_load %arg11[%get3A_90] {strides = array<i32>} : memref<128xf32, #tpu.memory_space<vmem>>, vector<16xf32>,
    %jit3A_92 = arith.constant 0.000000e+00 : f32
    %broadcast_in_dim3A_93 = vector.broadcast %jit3A_92 : f32 to vector<16xf32>
    %select_n3A_94 = arith.select %eq3A_81, %get3A_91, %broadcast_in_dim3A_93 : vector<16xi1>, vector<16xf32>
    %reduce_sum3A_95 = arith.constant true
    %reduce_sum3A_96 = vector.broadcast %reduce_sum3A_95 : i1 to vector<16xi1>
    %reduce_sum3A_97 = tpu.scan <sum>, %select_n3A_94 masked %reduce_sum3A_96 : vector<16xf32>, vector<16xi1> -> vector<16xf32>
    %reduce_sum3A_98 = vector.extract %reduce_sum3A_97[15] : f32 from vector<16xf32>
    %broadcast_in_dim3A_99 = vector.broadcast %reduce_sum3A_98 : f32 to vector<16xf32>
    %iota3A_100 = tpu.iota {dimensions = array<i32: 0>} : vector<16xi32>
    %broadcast_in_dim3A_101 = arith.constant 1 : i32
    %broadcast_in_dim3A_102 = vector.broadcast %broadcast_in_dim3A_101 : i32 to vector<16xi32>
    %broadcast_in_dim3A_103 = arith.constant 0 : i32
    %broadcast_in_dim3A_104 = vector.broadcast %broadcast_in_dim3A_103 : i32 to vector<16xi32>
    %parallel_loop3A_105 = arith.constant 0 : i32
    %parallel_loop3A_106 = arith.constant 32768 : i32
    %parallel_loop3A_107 = arith.constant 16 : i32
    scf.for %parallel_loop3A_701 = %parallel_loop3A_105 to %parallel_loop3A_106 step %parallel_loop3A_107  : i32 {
      %parallel_loop3A_702 = tpu.assume_multiple %parallel_loop3A_701, 16 : i32
      %parallel_loop3A_703 = arith.index_cast %parallel_loop3A_702 : i32 to index
      %parallel_loop3A_704 = tpu.vector_load %arg6[%parallel_loop3A_703] {strides = array<i32>} : memref<32768xf32, #tpu.memory_space<vmem>>, vector<16xf32>,
      %parallel_loop3A_705 = tpu.bitcast %parallel_loop3A_704 : vector<16xf32> -> vector<16xi32>
      %parallel_loop3A_706 = arith.constant 31 : i32
      %parallel_loop3A_707 = vector.broadcast %parallel_loop3A_706 : i32 to vector<16xi32>
      %parallel_loop3A_708 = arith.shrsi %parallel_loop3A_705, %parallel_loop3A_707 : vector<16xi32>
      %parallel_loop3A_709 = arith.constant -2147483648 : i32
      %parallel_loop3A_710 = vector.broadcast %parallel_loop3A_709 : i32 to vector<16xi32>
      %parallel_loop3A_711 = arith.ori %parallel_loop3A_708, %parallel_loop3A_710 : vector<16xi32>
      %parallel_loop3A_712 = arith.xori %parallel_loop3A_705, %parallel_loop3A_711 : vector<16xi32>
      %parallel_loop3A_713 = arith.index_cast %parallel_loop3A_702 : i32 to index
      %parallel_loop3A_714 = tpu.vector_load %arg8[%parallel_loop3A_713] {strides = array<i32>} : memref<32768xi32, #tpu.memory_space<vmem>>, vector<16xi32>,
      tpu.vector_store %arg8[%parallel_loop3A_713], %parallel_loop3A_712 {strides = array<i32>} : memref<32768xi32, #tpu.memory_space<vmem>>, vector<16xi32>,
      %parallel_loop3A_715 = arith.constant 21 : i32
      %parallel_loop3A_716 = vector.broadcast %parallel_loop3A_715 : i32 to vector<16xi32>
      %parallel_loop3A_717 = arith.shrui %parallel_loop3A_712, %parallel_loop3A_716 : vector<16xi32>
      tpu.vector_store_idx %arg9[%parallel_loop3A_717], %broadcast_in_dim3A_102 {add = true} : memref<2048xi32, #tpu.memory_space<vmem>>[vector<16xi32>], vector<16xi32>,
    } {sc.loop_unroll_factor = 8 : i64, sc.parallel_access}
    %scan3A = arith.constant 0 : i32
    %scan3A_108 = arith.constant 128 : i32
    %scan3A_109 = arith.addi %scan3A, %scan3A_108 : i32
    %scan3A_110 = arith.constant 1 : i32
    %scan3A_111:3 = scf.for %scan3A_701 = %scan3A to %scan3A_109 step %scan3A_110 iter_args(%scan3A_702 = %broadcast_in_dim3A_104, %scan3A_703 = %broadcast_in_dim3A_104, %scan3A_704 = %broadcast_in_dim3A_104) -> (vector<16xi32>, vector<16xi32>, vector<16xi32>)  : i32 {
      %mul3A_705 = arith.constant 16 : i32
      %mul3A_706 = arith.muli %scan3A_701, %mul3A_705 : i32
      %multiple_of3A_707 = tpu.assume_multiple %mul3A_706, 16 : i32
      %get3A_708 = arith.index_cast %multiple_of3A_707 : i32 to index
      %get3A_709 = tpu.vector_load %arg9[%get3A_708] {strides = array<i32>} : memref<2048xi32, #tpu.memory_space<vmem>>, vector<16xi32>,
      %swap3A = arith.index_cast %multiple_of3A_707 : i32 to index
      %swap3A_710 = tpu.vector_load %arg9[%swap3A] {strides = array<i32>} : memref<2048xi32, #tpu.memory_space<vmem>>, vector<16xi32>,
      tpu.vector_store %arg9[%swap3A], %broadcast_in_dim3A_104 {strides = array<i32>} : memref<2048xi32, #tpu.memory_space<vmem>>, vector<16xi32>,
      %broadcast_in_dim3A_711 = arith.constant true
      %broadcast_in_dim3A_712 = vector.broadcast %broadcast_in_dim3A_711 : i1 to vector<16xi1>
      %masked_cumsum3A = tpu.scan <sum>, %get3A_709 masked %broadcast_in_dim3A_712 : vector<16xi32>, vector<16xi1> -> vector<16xi32>
      %add3A_713 = arith.addi %scan3A_702, %masked_cumsum3A : vector<16xi32>
      %lt3A = arith.cmpi slt, %add3A_713, %broadcast_in_dim3A_89 : vector<16xi32>
      %all_reduce_population_count3A = tpu.all_reduce %lt3A {dim = 0 : i64, kind = #tpu.reduction_kind<sum>} : vector<16xi1> -> vector<16xi32>
      %add3A_714 = arith.addi %scan3A_703, %all_reduce_population_count3A : vector<16xi32>
      %jit3A_715 = arith.constant 0 : i32
      %broadcast_in_dim3A_716 = vector.broadcast %jit3A_715 : i32 to vector<16xi32>
      %select_n3A_717 = arith.select %lt3A, %get3A_709, %broadcast_in_dim3A_716 : vector<16xi1>, vector<16xi32>
      %broadcast_in_dim3A_718 = arith.constant true
      %broadcast_in_dim3A_719 = vector.broadcast %broadcast_in_dim3A_718 : i1 to vector<16xi1>
      %masked_cumsum3A_720 = tpu.scan <sum>, %select_n3A_717 masked %broadcast_in_dim3A_719 : vector<16xi32>, vector<16xi1> -> vector<16xi32>
      %rev3A = arith.constant 15 : i32
      %rev3A_721 = vector.broadcast %rev3A : i32 to vector<16xi32>
      %rev3A_722 = tpu.iota {dimensions = array<i32: 0>} : vector<16xi32>
      %rev3A_723 = arith.subi %rev3A_721, %rev3A_722 : vector<16xi32>
      %rev3A_724 = tpu.dynamic_gather %select_n3A_717[%rev3A_723] in [0] : vector<16xi32>, vector<16xi32> -> vector<16xi32>
      %broadcast_in_dim3A_725 = arith.constant true
      %broadcast_in_dim3A_726 = vector.broadcast %broadcast_in_dim3A_725 : i1 to vector<16xi1>
      %masked_cumsum3A_727 = tpu.scan <sum>, %rev3A_724 masked %broadcast_in_dim3A_726 : vector<16xi32>, vector<16xi1> -> vector<16xi32>
      %rev3A_728 = arith.constant 15 : i32
      %rev3A_729 = vector.broadcast %rev3A_728 : i32 to vector<16xi32>
      %rev3A_730 = tpu.iota {dimensions = array<i32: 0>} : vector<16xi32>
      %rev3A_731 = arith.subi %rev3A_729, %rev3A_730 : vector<16xi32>
      %rev3A_732 = tpu.dynamic_gather %masked_cumsum3A_727[%rev3A_731] in [0] : vector<16xi32>, vector<16xi32> -> vector<16xi32>
      %add3A_733 = arith.addi %masked_cumsum3A_720, %rev3A_732 : vector<16xi32>
      %sub3A_734 = arith.subi %add3A_733, %select_n3A_717 : vector<16xi32>
      %add3A_735 = arith.addi %scan3A_704, %sub3A_734 : vector<16xi32>
      %broadcast_in_dim3A_736 = arith.constant true
      %broadcast_in_dim3A_737 = vector.broadcast %broadcast_in_dim3A_736 : i1 to vector<16xi1>
      %masked_cumsum3A_738 = tpu.scan <sum>, %get3A_709 masked %broadcast_in_dim3A_737 : vector<16xi32>, vector<16xi1> -> vector<16xi32>
      %rev3A_739 = arith.constant 15 : i32
      %rev3A_740 = vector.broadcast %rev3A_739 : i32 to vector<16xi32>
      %rev3A_741 = tpu.iota {dimensions = array<i32: 0>} : vector<16xi32>
      %rev3A_742 = arith.subi %rev3A_740, %rev3A_741 : vector<16xi32>
      %rev3A_743 = tpu.dynamic_gather %get3A_709[%rev3A_742] in [0] : vector<16xi32>, vector<16xi32> -> vector<16xi32>
      %broadcast_in_dim3A_744 = arith.constant true
      %broadcast_in_dim3A_745 = vector.broadcast %broadcast_in_dim3A_744 : i1 to vector<16xi1>
      %masked_cumsum3A_746 = tpu.scan <sum>, %rev3A_743 masked %broadcast_in_dim3A_745 : vector<16xi32>, vector<16xi1> -> vector<16xi32>
      %rev3A_747 = arith.constant 15 : i32
      %rev3A_748 = vector.broadcast %rev3A_747 : i32 to vector<16xi32>
      %rev3A_749 = tpu.iota {dimensions = array<i32: 0>} : vector<16xi32>
      %rev3A_750 = arith.subi %rev3A_748, %rev3A_749 : vector<16xi32>
      %rev3A_751 = tpu.dynamic_gather %masked_cumsum3A_746[%rev3A_750] in [0] : vector<16xi32>, vector<16xi32> -> vector<16xi32>
      %add3A_752 = arith.addi %masked_cumsum3A_738, %rev3A_751 : vector<16xi32>
      %sub3A_753 = arith.subi %add3A_752, %get3A_709 : vector<16xi32>
      %add3A_754 = arith.addi %scan3A_702, %sub3A_753 : vector<16xi32>
      scf.yield %add3A_754, %add3A_714, %add3A_735 : vector<16xi32>, vector<16xi32>, vector<16xi32>
    }
    %scan3A_112 = arith.constant 128 : i32
    %sub3A_113 = arith.subi %broadcast_in_dim3A_89, %scan3A_111#2 : vector<16xi32>
    %shift_left3A = arith.constant 21 : i32
    %shift_left3A_114 = vector.broadcast %shift_left3A : i32 to vector<16xi32>
    %shift_left3A_115 = arith.shli %scan3A_111#1, %shift_left3A_114 : vector<16xi32>
    %shift_right_logical3A = arith.constant 21 : i32
    %shift_right_logical3A_116 = vector.broadcast %shift_right_logical3A : i32 to vector<16xi32>
    %shift_right_logical3A_117 = arith.shrui %shift_left3A_115, %shift_right_logical3A_116 : vector<16xi32>
    %parallel_loop3A_118 = arith.constant 0 : i32
    %parallel_loop3A_119 = arith.constant 32768 : i32
    %parallel_loop3A_120 = arith.constant 16 : i32
    scf.for %parallel_loop3A_701 = %parallel_loop3A_118 to %parallel_loop3A_119 step %parallel_loop3A_120  : i32 {
      %parallel_loop3A_702 = tpu.assume_multiple %parallel_loop3A_701, 16 : i32
      %parallel_loop3A_703 = arith.index_cast %parallel_loop3A_702 : i32 to index
      %parallel_loop3A_704 = tpu.vector_load %arg8[%parallel_loop3A_703] {strides = array<i32>} : memref<32768xi32, #tpu.memory_space<vmem>>, vector<16xi32>,
      %parallel_loop3A_705 = arith.constant 21 : i32
      %parallel_loop3A_706 = vector.broadcast %parallel_loop3A_705 : i32 to vector<16xi32>
      %parallel_loop3A_707 = arith.shrui %parallel_loop3A_704, %parallel_loop3A_706 : vector<16xi32>
      %parallel_loop3A_708 = arith.cmpi eq, %parallel_loop3A_707, %shift_right_logical3A_117 : vector<16xi32>
      %parallel_loop3A_709 = arith.constant 10 : i32
      %parallel_loop3A_710 = vector.broadcast %parallel_loop3A_709 : i32 to vector<16xi32>
      %parallel_loop3A_711 = arith.shrui %parallel_loop3A_704, %parallel_loop3A_710 : vector<16xi32>
      %parallel_loop3A_712 = arith.constant 2047 : i32
      %parallel_loop3A_713 = vector.broadcast %parallel_loop3A_712 : i32 to vector<16xi32>
      %parallel_loop3A_714 = arith.andi %parallel_loop3A_711, %parallel_loop3A_713 : vector<16xi32>
      tpu.vector_store_idx %arg9[%parallel_loop3A_714], %broadcast_in_dim3A_102 masked %parallel_loop3A_708 {add = true} : memref<2048xi32, #tpu.memory_space<vmem>>[vector<16xi32>], vector<16xi32>, vector<16xi1>
    } {sc.loop_unroll_factor = 8 : i64, sc.parallel_access}
    %scan3A_121 = arith.constant 0 : i32
    %scan3A_122 = arith.constant 128 : i32
    %scan3A_123 = arith.addi %scan3A_121, %scan3A_122 : i32
    %scan3A_124 = arith.constant 1 : i32
    %scan3A_125:3 = scf.for %scan3A_701 = %scan3A_121 to %scan3A_123 step %scan3A_124 iter_args(%scan3A_702 = %broadcast_in_dim3A_104, %scan3A_703 = %broadcast_in_dim3A_104, %scan3A_704 = %broadcast_in_dim3A_104) -> (vector<16xi32>, vector<16xi32>, vector<16xi32>)  : i32 {
      %mul3A_705 = arith.constant 16 : i32
      %mul3A_706 = arith.muli %scan3A_701, %mul3A_705 : i32
      %multiple_of3A_707 = tpu.assume_multiple %mul3A_706, 16 : i32
      %get3A_708 = arith.index_cast %multiple_of3A_707 : i32 to index
      %get3A_709 = tpu.vector_load %arg9[%get3A_708] {strides = array<i32>} : memref<2048xi32, #tpu.memory_space<vmem>>, vector<16xi32>,
      %swap3A = arith.index_cast %multiple_of3A_707 : i32 to index
      %swap3A_710 = tpu.vector_load %arg9[%swap3A] {strides = array<i32>} : memref<2048xi32, #tpu.memory_space<vmem>>, vector<16xi32>,
      tpu.vector_store %arg9[%swap3A], %broadcast_in_dim3A_104 {strides = array<i32>} : memref<2048xi32, #tpu.memory_space<vmem>>, vector<16xi32>,
      %broadcast_in_dim3A_711 = arith.constant true
      %broadcast_in_dim3A_712 = vector.broadcast %broadcast_in_dim3A_711 : i1 to vector<16xi1>
      %masked_cumsum3A = tpu.scan <sum>, %get3A_709 masked %broadcast_in_dim3A_712 : vector<16xi32>, vector<16xi1> -> vector<16xi32>
      %add3A_713 = arith.addi %scan3A_702, %masked_cumsum3A : vector<16xi32>
      %lt3A = arith.cmpi slt, %add3A_713, %sub3A_113 : vector<16xi32>
      %all_reduce_population_count3A = tpu.all_reduce %lt3A {dim = 0 : i64, kind = #tpu.reduction_kind<sum>} : vector<16xi1> -> vector<16xi32>
      %add3A_714 = arith.addi %scan3A_703, %all_reduce_population_count3A : vector<16xi32>
      %jit3A_715 = arith.constant 0 : i32
      %broadcast_in_dim3A_716 = vector.broadcast %jit3A_715 : i32 to vector<16xi32>
      %select_n3A_717 = arith.select %lt3A, %get3A_709, %broadcast_in_dim3A_716 : vector<16xi1>, vector<16xi32>
      %broadcast_in_dim3A_718 = arith.constant true
      %broadcast_in_dim3A_719 = vector.broadcast %broadcast_in_dim3A_718 : i1 to vector<16xi1>
      %masked_cumsum3A_720 = tpu.scan <sum>, %select_n3A_717 masked %broadcast_in_dim3A_719 : vector<16xi32>, vector<16xi1> -> vector<16xi32>
      %rev3A = arith.constant 15 : i32
      %rev3A_721 = vector.broadcast %rev3A : i32 to vector<16xi32>
      %rev3A_722 = tpu.iota {dimensions = array<i32: 0>} : vector<16xi32>
      %rev3A_723 = arith.subi %rev3A_721, %rev3A_722 : vector<16xi32>
      %rev3A_724 = tpu.dynamic_gather %select_n3A_717[%rev3A_723] in [0] : vector<16xi32>, vector<16xi32> -> vector<16xi32>
      %broadcast_in_dim3A_725 = arith.constant true
      %broadcast_in_dim3A_726 = vector.broadcast %broadcast_in_dim3A_725 : i1 to vector<16xi1>
      %masked_cumsum3A_727 = tpu.scan <sum>, %rev3A_724 masked %broadcast_in_dim3A_726 : vector<16xi32>, vector<16xi1> -> vector<16xi32>
      %rev3A_728 = arith.constant 15 : i32
      %rev3A_729 = vector.broadcast %rev3A_728 : i32 to vector<16xi32>
      %rev3A_730 = tpu.iota {dimensions = array<i32: 0>} : vector<16xi32>
      %rev3A_731 = arith.subi %rev3A_729, %rev3A_730 : vector<16xi32>
      %rev3A_732 = tpu.dynamic_gather %masked_cumsum3A_727[%rev3A_731] in [0] : vector<16xi32>, vector<16xi32> -> vector<16xi32>
      %add3A_733 = arith.addi %masked_cumsum3A_720, %rev3A_732 : vector<16xi32>
      %sub3A_734 = arith.subi %add3A_733, %select_n3A_717 : vector<16xi32>
      %add3A_735 = arith.addi %scan3A_704, %sub3A_734 : vector<16xi32>
      %broadcast_in_dim3A_736 = arith.constant true
      %broadcast_in_dim3A_737 = vector.broadcast %broadcast_in_dim3A_736 : i1 to vector<16xi1>
      %masked_cumsum3A_738 = tpu.scan <sum>, %get3A_709 masked %broadcast_in_dim3A_737 : vector<16xi32>, vector<16xi1> -> vector<16xi32>
      %rev3A_739 = arith.constant 15 : i32
      %rev3A_740 = vector.broadcast %rev3A_739 : i32 to vector<16xi32>
      %rev3A_741 = tpu.iota {dimensions = array<i32: 0>} : vector<16xi32>
      %rev3A_742 = arith.subi %rev3A_740, %rev3A_741 : vector<16xi32>
      %rev3A_743 = tpu.dynamic_gather %get3A_709[%rev3A_742] in [0] : vector<16xi32>, vector<16xi32> -> vector<16xi32>
      %broadcast_in_dim3A_744 = arith.constant true
      %broadcast_in_dim3A_745 = vector.broadcast %broadcast_in_dim3A_744 : i1 to vector<16xi1>
      %masked_cumsum3A_746 = tpu.scan <sum>, %rev3A_743 masked %broadcast_in_dim3A_745 : vector<16xi32>, vector<16xi1> -> vector<16xi32>
      %rev3A_747 = arith.constant 15 : i32
      %rev3A_748 = vector.broadcast %rev3A_747 : i32 to vector<16xi32>
      %rev3A_749 = tpu.iota {dimensions = array<i32: 0>} : vector<16xi32>
      %rev3A_750 = arith.subi %rev3A_748, %rev3A_749 : vector<16xi32>
      %rev3A_751 = tpu.dynamic_gather %masked_cumsum3A_746[%rev3A_750] in [0] : vector<16xi32>, vector<16xi32> -> vector<16xi32>
      %add3A_752 = arith.addi %masked_cumsum3A_738, %rev3A_751 : vector<16xi32>
      %sub3A_753 = arith.subi %add3A_752, %get3A_709 : vector<16xi32>
      %add3A_754 = arith.addi %scan3A_702, %sub3A_753 : vector<16xi32>
      scf.yield %add3A_754, %add3A_714, %add3A_735 : vector<16xi32>, vector<16xi32>, vector<16xi32>
    }
    %scan3A_126 = arith.constant 128 : i32
    %sub3A_127 = arith.subi %sub3A_113, %scan3A_125#2 : vector<16xi32>
    %shift_left3A_128 = arith.constant 10 : i32
    %shift_left3A_129 = vector.broadcast %shift_left3A_128 : i32 to vector<16xi32>
    %shift_left3A_130 = arith.shli %scan3A_125#1, %shift_left3A_129 : vector<16xi32>
    %or3A = arith.ori %shift_left3A_115, %shift_left3A_130 : vector<16xi32>
    %shift_right_logical3A_131 = arith.constant 10 : i32
    %shift_right_logical3A_132 = vector.broadcast %shift_right_logical3A_131 : i32 to vector<16xi32>
    %shift_right_logical3A_133 = arith.shrui %or3A, %shift_right_logical3A_132 : vector<16xi32>
    %parallel_loop3A_134 = arith.constant 0 : i32
    %parallel_loop3A_135 = arith.constant 32768 : i32
    %parallel_loop3A_136 = arith.constant 16 : i32
    scf.for %parallel_loop3A_701 = %parallel_loop3A_134 to %parallel_loop3A_135 step %parallel_loop3A_136  : i32 {
      %parallel_loop3A_702 = tpu.assume_multiple %parallel_loop3A_701, 16 : i32
      %parallel_loop3A_703 = arith.index_cast %parallel_loop3A_702 : i32 to index
      %parallel_loop3A_704 = tpu.vector_load %arg8[%parallel_loop3A_703] {strides = array<i32>} : memref<32768xi32, #tpu.memory_space<vmem>>, vector<16xi32>,
      %parallel_loop3A_705 = arith.constant 10 : i32
      %parallel_loop3A_706 = vector.broadcast %parallel_loop3A_705 : i32 to vector<16xi32>
      %parallel_loop3A_707 = arith.shrui %parallel_loop3A_704, %parallel_loop3A_706 : vector<16xi32>
      %parallel_loop3A_708 = arith.cmpi eq, %parallel_loop3A_707, %shift_right_logical3A_133 : vector<16xi32>
      %parallel_loop3A_709 = arith.constant 0 : i32
      %parallel_loop3A_710 = vector.broadcast %parallel_loop3A_709 : i32 to vector<16xi32>
      %parallel_loop3A_711 = arith.shrui %parallel_loop3A_704, %parallel_loop3A_710 : vector<16xi32>
      %parallel_loop3A_712 = arith.constant 1023 : i32
      %parallel_loop3A_713 = vector.broadcast %parallel_loop3A_712 : i32 to vector<16xi32>
      %parallel_loop3A_714 = arith.andi %parallel_loop3A_711, %parallel_loop3A_713 : vector<16xi32>
      tpu.vector_store_idx %arg9[%parallel_loop3A_714], %broadcast_in_dim3A_102 masked %parallel_loop3A_708 {add = true} : memref<2048xi32, #tpu.memory_space<vmem>>[vector<16xi32>], vector<16xi32>, vector<16xi1>
    } {sc.loop_unroll_factor = 8 : i64, sc.parallel_access}
    %scan3A_137 = arith.constant 0 : i32
    %scan3A_138 = arith.constant 64 : i32
    %scan3A_139 = arith.addi %scan3A_137, %scan3A_138 : i32
    %scan3A_140 = arith.constant 1 : i32
    %scan3A_141:4 = scf.for %scan3A_701 = %scan3A_137 to %scan3A_139 step %scan3A_140 iter_args(%scan3A_702 = %broadcast_in_dim3A_104, %scan3A_703 = %broadcast_in_dim3A_104, %scan3A_704 = %broadcast_in_dim3A_104, %scan3A_705 = %broadcast_in_dim3A_104) -> (vector<16xi32>, vector<16xi32>, vector<16xi32>, vector<16xi32>)  : i32 {
      %mul3A_706 = arith.constant 16 : i32
      %mul3A_707 = arith.muli %scan3A_701, %mul3A_706 : i32
      %multiple_of3A_708 = tpu.assume_multiple %mul3A_707, 16 : i32
      %get3A_709 = arith.index_cast %multiple_of3A_708 : i32 to index
      %get3A_710 = tpu.vector_load %arg9[%get3A_709] {strides = array<i32>} : memref<2048xi32, #tpu.memory_space<vmem>>, vector<16xi32>,
      %swap3A = arith.index_cast %multiple_of3A_708 : i32 to index
      %swap3A_711 = tpu.vector_load %arg9[%swap3A] {strides = array<i32>} : memref<2048xi32, #tpu.memory_space<vmem>>, vector<16xi32>,
      tpu.vector_store %arg9[%swap3A], %broadcast_in_dim3A_104 {strides = array<i32>} : memref<2048xi32, #tpu.memory_space<vmem>>, vector<16xi32>,
      %broadcast_in_dim3A_712 = arith.constant true
      %broadcast_in_dim3A_713 = vector.broadcast %broadcast_in_dim3A_712 : i1 to vector<16xi1>
      %masked_cumsum3A = tpu.scan <sum>, %get3A_710 masked %broadcast_in_dim3A_713 : vector<16xi32>, vector<16xi1> -> vector<16xi32>
      %add3A_714 = arith.addi %scan3A_702, %masked_cumsum3A : vector<16xi32>
      %lt3A = arith.cmpi slt, %add3A_714, %sub3A_127 : vector<16xi32>
      %all_reduce_population_count3A = tpu.all_reduce %lt3A {dim = 0 : i64, kind = #tpu.reduction_kind<sum>} : vector<16xi1> -> vector<16xi32>
      %add3A_715 = arith.addi %scan3A_703, %all_reduce_population_count3A : vector<16xi32>
      %jit3A_716 = arith.constant 0 : i32
      %broadcast_in_dim3A_717 = vector.broadcast %jit3A_716 : i32 to vector<16xi32>
      %select_n3A_718 = arith.select %lt3A, %get3A_710, %broadcast_in_dim3A_717 : vector<16xi1>, vector<16xi32>
      %broadcast_in_dim3A_719 = arith.constant true
      %broadcast_in_dim3A_720 = vector.broadcast %broadcast_in_dim3A_719 : i1 to vector<16xi1>
      %masked_cumsum3A_721 = tpu.scan <sum>, %select_n3A_718 masked %broadcast_in_dim3A_720 : vector<16xi32>, vector<16xi1> -> vector<16xi32>
      %rev3A = arith.constant 15 : i32
      %rev3A_722 = vector.broadcast %rev3A : i32 to vector<16xi32>
      %rev3A_723 = tpu.iota {dimensions = array<i32: 0>} : vector<16xi32>
      %rev3A_724 = arith.subi %rev3A_722, %rev3A_723 : vector<16xi32>
      %rev3A_725 = tpu.dynamic_gather %select_n3A_718[%rev3A_724] in [0] : vector<16xi32>, vector<16xi32> -> vector<16xi32>
      %broadcast_in_dim3A_726 = arith.constant true
      %broadcast_in_dim3A_727 = vector.broadcast %broadcast_in_dim3A_726 : i1 to vector<16xi1>
      %masked_cumsum3A_728 = tpu.scan <sum>, %rev3A_725 masked %broadcast_in_dim3A_727 : vector<16xi32>, vector<16xi1> -> vector<16xi32>
      %rev3A_729 = arith.constant 15 : i32
      %rev3A_730 = vector.broadcast %rev3A_729 : i32 to vector<16xi32>
      %rev3A_731 = tpu.iota {dimensions = array<i32: 0>} : vector<16xi32>
      %rev3A_732 = arith.subi %rev3A_730, %rev3A_731 : vector<16xi32>
      %rev3A_733 = tpu.dynamic_gather %masked_cumsum3A_728[%rev3A_732] in [0] : vector<16xi32>, vector<16xi32> -> vector<16xi32>
      %add3A_734 = arith.addi %masked_cumsum3A_721, %rev3A_733 : vector<16xi32>
      %sub3A_735 = arith.subi %add3A_734, %select_n3A_718 : vector<16xi32>
      %add3A_736 = arith.addi %scan3A_704, %sub3A_735 : vector<16xi32>
      %add3A_737 = arith.addi %scan3A_702, %masked_cumsum3A : vector<16xi32>
      %sub3A_738 = arith.subi %add3A_737, %get3A_710 : vector<16xi32>
      %lt3A_739 = arith.cmpi slt, %sub3A_738, %sub3A_127 : vector<16xi32>
      %jit3A_740 = arith.constant 0 : i32
      %broadcast_in_dim3A_741 = vector.broadcast %jit3A_740 : i32 to vector<16xi32>
      %select_n3A_742 = arith.select %lt3A_739, %get3A_710, %broadcast_in_dim3A_741 : vector<16xi1>, vector<16xi32>
      %broadcast_in_dim3A_743 = arith.constant true
      %broadcast_in_dim3A_744 = vector.broadcast %broadcast_in_dim3A_743 : i1 to vector<16xi1>
      %masked_cumsum3A_745 = tpu.scan <sum>, %select_n3A_742 masked %broadcast_in_dim3A_744 : vector<16xi32>, vector<16xi1> -> vector<16xi32>
      %rev3A_746 = arith.constant 15 : i32
      %rev3A_747 = vector.broadcast %rev3A_746 : i32 to vector<16xi32>
      %rev3A_748 = tpu.iota {dimensions = array<i32: 0>} : vector<16xi32>
      %rev3A_749 = arith.subi %rev3A_747, %rev3A_748 : vector<16xi32>
      %rev3A_750 = tpu.dynamic_gather %select_n3A_742[%rev3A_749] in [0] : vector<16xi32>, vector<16xi32> -> vector<16xi32>
      %broadcast_in_dim3A_751 = arith.constant true
      %broadcast_in_dim3A_752 = vector.broadcast %broadcast_in_dim3A_751 : i1 to vector<16xi1>
      %masked_cumsum3A_753 = tpu.scan <sum>, %rev3A_750 masked %broadcast_in_dim3A_752 : vector<16xi32>, vector<16xi1> -> vector<16xi32>
      %rev3A_754 = arith.constant 15 : i32
      %rev3A_755 = vector.broadcast %rev3A_754 : i32 to vector<16xi32>
      %rev3A_756 = tpu.iota {dimensions = array<i32: 0>} : vector<16xi32>
      %rev3A_757 = arith.subi %rev3A_755, %rev3A_756 : vector<16xi32>
      %rev3A_758 = tpu.dynamic_gather %masked_cumsum3A_753[%rev3A_757] in [0] : vector<16xi32>, vector<16xi32> -> vector<16xi32>
      %add3A_759 = arith.addi %masked_cumsum3A_745, %rev3A_758 : vector<16xi32>
      %sub3A_760 = arith.subi %add3A_759, %select_n3A_742 : vector<16xi32>
      %add3A_761 = arith.addi %scan3A_705, %sub3A_760 : vector<16xi32>
      %broadcast_in_dim3A_762 = arith.constant true
      %broadcast_in_dim3A_763 = vector.broadcast %broadcast_in_dim3A_762 : i1 to vector<16xi1>
      %masked_cumsum3A_764 = tpu.scan <sum>, %get3A_710 masked %broadcast_in_dim3A_763 : vector<16xi32>, vector<16xi1> -> vector<16xi32>
      %rev3A_765 = arith.constant 15 : i32
      %rev3A_766 = vector.broadcast %rev3A_765 : i32 to vector<16xi32>
      %rev3A_767 = tpu.iota {dimensions = array<i32: 0>} : vector<16xi32>
      %rev3A_768 = arith.subi %rev3A_766, %rev3A_767 : vector<16xi32>
      %rev3A_769 = tpu.dynamic_gather %get3A_710[%rev3A_768] in [0] : vector<16xi32>, vector<16xi32> -> vector<16xi32>
      %broadcast_in_dim3A_770 = arith.constant true
      %broadcast_in_dim3A_771 = vector.broadcast %broadcast_in_dim3A_770 : i1 to vector<16xi1>
      %masked_cumsum3A_772 = tpu.scan <sum>, %rev3A_769 masked %broadcast_in_dim3A_771 : vector<16xi32>, vector<16xi1> -> vector<16xi32>
      %rev3A_773 = arith.constant 15 : i32
      %rev3A_774 = vector.broadcast %rev3A_773 : i32 to vector<16xi32>
      %rev3A_775 = tpu.iota {dimensions = array<i32: 0>} : vector<16xi32>
      %rev3A_776 = arith.subi %rev3A_774, %rev3A_775 : vector<16xi32>
      %rev3A_777 = tpu.dynamic_gather %masked_cumsum3A_772[%rev3A_776] in [0] : vector<16xi32>, vector<16xi32> -> vector<16xi32>
      %add3A_778 = arith.addi %masked_cumsum3A_764, %rev3A_777 : vector<16xi32>
      %sub3A_779 = arith.subi %add3A_778, %get3A_710 : vector<16xi32>
      %add3A_780 = arith.addi %scan3A_702, %sub3A_779 : vector<16xi32>
      scf.yield %add3A_780, %add3A_715, %add3A_736, %add3A_761 : vector<16xi32>, vector<16xi32>, vector<16xi32>, vector<16xi32>
    }
    %scan3A_142 = arith.constant 64 : i32
    %sub3A_143 = arith.subi %scan3A_141#3, %scan3A_141#2 : vector<16xi32>
    %sub3A_144 = arith.subi %sub3A_127, %scan3A_141#2 : vector<16xi32>
    %shift_left3A_145 = arith.constant 0 : i32
    %shift_left3A_146 = vector.broadcast %shift_left3A_145 : i32 to vector<16xi32>
    %shift_left3A_147 = arith.shli %scan3A_141#1, %shift_left3A_146 : vector<16xi32>
    %or3A_148 = arith.ori %or3A, %shift_left3A_147 : vector<16xi32>
    %xor3A = arith.constant -2147483648 : i32
    %xor3A_149 = vector.broadcast %xor3A : i32 to vector<16xi32>
    %xor3A_150 = arith.xori %or3A_148, %xor3A_149 : vector<16xi32>
    %eq3A_151 = arith.constant 0 : i32
    %eq3A_152 = vector.broadcast %eq3A_151 : i32 to vector<16xi32>
    %eq3A_153 = arith.cmpi eq, %iota3A_100, %eq3A_152 : vector<16xi32>
    %sub3A_154 = arith.subi %sub3A_144, %sub3A_143 : vector<16xi32>
    %select_n3A_155 = arith.select %eq3A_153, %sub3A_154, %broadcast_in_dim3A_104 : vector<16xi1>, vector<16xi32>
    %reduce_sum3A_156 = arith.constant true
    %reduce_sum3A_157 = vector.broadcast %reduce_sum3A_156 : i1 to vector<16xi1>
    %reduce_sum3A_158 = tpu.scan <sum>, %select_n3A_155 masked %reduce_sum3A_157 : vector<16xi32>, vector<16xi1> -> vector<16xi32>
    %reduce_sum3A_159 = vector.extract %reduce_sum3A_158[15] : i32 from vector<16xi32>
    %eq3A_160 = arith.constant 0 : i32
    %eq3A_161 = arith.cmpi eq, %reduce_sum3A_159, %eq3A_160 : i32
    %convert_element_type3A = arith.extui %eq3A_161 : i1 to i32
    %cond3A = arith.constant 0 : i32
    %cond3A_162 = arith.cmpi ne, %convert_element_type3A, %cond3A : i32
    scf.if %cond3A_162 {
      %parallel_loop3A_701 = arith.constant 0 : i32
      %parallel_loop3A_702 = arith.constant 32768 : i32
      %parallel_loop3A_703 = arith.constant 16 : i32
      scf.for %parallel_loop3A_704 = %parallel_loop3A_701 to %parallel_loop3A_702 step %parallel_loop3A_703  : i32 {
        %parallel_loop3A_705 = tpu.assume_multiple %parallel_loop3A_704, 16 : i32
        %parallel_loop3A_706 = arith.index_cast %parallel_loop3A_705 : i32 to index
        %parallel_loop3A_707 = tpu.vector_load %arg8[%parallel_loop3A_706] {strides = array<i32>} : memref<32768xi32, #tpu.memory_space<vmem>>, vector<16xi32>,
        %parallel_loop3A_708 = arith.index_cast %parallel_loop3A_705 : i32 to index
        %parallel_loop3A_709 = tpu.vector_load %arg6[%parallel_loop3A_708] {strides = array<i32>} : memref<32768xf32, #tpu.memory_space<vmem>>, vector<16xf32>,
        %parallel_loop3A_710 = arith.constant -2147483648 : i32
        %parallel_loop3A_711 = vector.broadcast %parallel_loop3A_710 : i32 to vector<16xi32>
        %parallel_loop3A_712 = arith.xori %parallel_loop3A_707, %parallel_loop3A_711 : vector<16xi32>
        %parallel_loop3A_713 = arith.cmpi sle, %parallel_loop3A_712, %xor3A_150 : vector<16xi32>
        %parallel_loop3A_714 = arith.mulf %parallel_loop3A_709, %broadcast_in_dim3A_99 : vector<16xf32>
        %parallel_loop3A_715 = arith.constant 0.000000e+00 : f32
        %parallel_loop3A_716 = vector.broadcast %parallel_loop3A_715 : f32 to vector<16xf32>
        %parallel_loop3A_717 = arith.select %parallel_loop3A_713, %parallel_loop3A_714, %parallel_loop3A_716 : vector<16xi1>, vector<16xf32>
        %parallel_loop3A_718 = arith.index_cast %parallel_loop3A_705 : i32 to index
        %parallel_loop3A_719 = tpu.vector_load %arg6[%parallel_loop3A_718] {strides = array<i32>} : memref<32768xf32, #tpu.memory_space<vmem>>, vector<16xf32>,
        tpu.vector_store %arg6[%parallel_loop3A_718], %parallel_loop3A_717 {strides = array<i32>} : memref<32768xf32, #tpu.memory_space<vmem>>, vector<16xf32>,
      } {sc.loop_unroll_factor = 8 : i64, sc.parallel_access}
    } else {
    }
    %not3A = arith.constant true
    %not3A_163 = arith.xori %eq3A_161, %not3A : i1
    %convert_element_type3A_164 = arith.extui %not3A_163 : i1 to i32
    %cond3A_165 = arith.constant 0 : i32
    %cond3A_166 = arith.cmpi ne, %convert_element_type3A_164, %cond3A_165 : i32
    scf.if %cond3A_166 {
      %broadcast_in_dim3A_701 = arith.constant 0 : i32
      %broadcast_in_dim3A_702 = vector.broadcast %broadcast_in_dim3A_701 : i32 to vector<16xi32>
      %parallel_loop3A_703 = arith.constant 0 : i32
      %parallel_loop3A_704 = arith.constant 32768 : i32
      %parallel_loop3A_705 = arith.constant 16 : i32
      %parallel_loop3A_706 = scf.for %parallel_loop3A_707 = %parallel_loop3A_703 to %parallel_loop3A_704 step %parallel_loop3A_705 iter_args(%parallel_loop3A_708 = %broadcast_in_dim3A_702) -> (vector<16xi32>)  : i32 {
        %parallel_loop3A_709 = tpu.assume_multiple %parallel_loop3A_707, 16 : i32
        %parallel_loop3A_710 = arith.index_cast %parallel_loop3A_709 : i32 to index
        %parallel_loop3A_711 = tpu.vector_load %arg8[%parallel_loop3A_710] {strides = array<i32>} : memref<32768xi32, #tpu.memory_space<vmem>>, vector<16xi32>,
        %parallel_loop3A_712 = arith.index_cast %parallel_loop3A_709 : i32 to index
        %parallel_loop3A_713 = tpu.vector_load %arg6[%parallel_loop3A_712] {strides = array<i32>} : memref<32768xf32, #tpu.memory_space<vmem>>, vector<16xf32>,
        %parallel_loop3A_714 = arith.constant -2147483648 : i32
        %parallel_loop3A_715 = vector.broadcast %parallel_loop3A_714 : i32 to vector<16xi32>
        %parallel_loop3A_716 = arith.xori %parallel_loop3A_711, %parallel_loop3A_715 : vector<16xi32>
        %parallel_loop3A_717 = arith.cmpi slt, %parallel_loop3A_716, %xor3A_150 : vector<16xi32>
        %parallel_loop3A_718 = arith.cmpi eq, %parallel_loop3A_711, %or3A_148 : vector<16xi32>
        %parallel_loop3A_719 = arith.extui %parallel_loop3A_718 : vector<16xi1> to vector<16xi32>
        %parallel_loop3A_720 = arith.constant true
        %parallel_loop3A_721 = vector.broadcast %parallel_loop3A_720 : i1 to vector<16xi1>
        %parallel_loop3A_722 = tpu.scan <sum>, %parallel_loop3A_719 masked %parallel_loop3A_721 : vector<16xi32>, vector<16xi1> -> vector<16xi32>
        %parallel_loop3A_723 = arith.addi %parallel_loop3A_708, %parallel_loop3A_722 : vector<16xi32>
        %parallel_loop3A_724 = arith.cmpi sle, %parallel_loop3A_723, %sub3A_144 : vector<16xi32>
        %parallel_loop3A_725 = arith.andi %parallel_loop3A_718, %parallel_loop3A_724 : vector<16xi1>
        %parallel_loop3A_726 = arith.ori %parallel_loop3A_717, %parallel_loop3A_725 : vector<16xi1>
        %parallel_loop3A_727 = arith.mulf %parallel_loop3A_713, %broadcast_in_dim3A_99 : vector<16xf32>
        %parallel_loop3A_728 = arith.constant 0.000000e+00 : f32
        %parallel_loop3A_729 = vector.broadcast %parallel_loop3A_728 : f32 to vector<16xf32>
        %parallel_loop3A_730 = arith.select %parallel_loop3A_726, %parallel_loop3A_727, %parallel_loop3A_729 : vector<16xi1>, vector<16xf32>
        %parallel_loop3A_731 = arith.index_cast %parallel_loop3A_709 : i32 to index
        %parallel_loop3A_732 = tpu.vector_load %arg6[%parallel_loop3A_731] {strides = array<i32>} : memref<32768xf32, #tpu.memory_space<vmem>>, vector<16xf32>,
        tpu.vector_store %arg6[%parallel_loop3A_731], %parallel_loop3A_730 {strides = array<i32>} : memref<32768xf32, #tpu.memory_space<vmem>>, vector<16xf32>,
        %parallel_loop3A_733 = tpu.all_reduce %parallel_loop3A_718 {dim = 0 : i64, kind = #tpu.reduction_kind<sum>} : vector<16xi1> -> vector<16xi32>
        %parallel_loop3A_734 = arith.addi %parallel_loop3A_708, %parallel_loop3A_733 : vector<16xi32>
        scf.yield %parallel_loop3A_734 : vector<16xi32>
      } {sc.loop_unroll_factor = 8 : i64, sc.parallel_access}
    } else {
    }
    %dma_start3A_167 = arith.constant 0 : i32
    %dma_start3A_168 = tpu.memref_slice %arg5[%add3A_7, %dma_start3A_167] : memref<128x32768xf32, #tpu.memory_space<hbm>> -> memref<1x32768xf32, #tpu.memory_space<hbm>>
    %dma_start3A_169 = tpu.memref_squeeze %dma_start3A_168 : memref<1x32768xf32, #tpu.memory_space<hbm>> -> memref<32768xf32, #tpu.memory_space<hbm>>
    %dma_start3A_170 = arith.constant 0 : i32
    %dma_start3A_171 = tpu.memref_slice %arg5[%add3A_7, %dma_start3A_170] : memref<128x32768xf32, #tpu.memory_space<hbm>> -> memref<1x32768xf32, #tpu.memory_space<hbm>>
    %dma_start3A_172 = tpu.memref_squeeze %dma_start3A_171 : memref<1x32768xf32, #tpu.memory_space<hbm>> -> memref<32768xf32, #tpu.memory_space<hbm>>
    tpu.enqueue_dma source(%arg6 : memref<32768xf32, #tpu.memory_space<vmem>>) target(%dma_start3A_172 : memref<32768xf32, #tpu.memory_space<hbm>>) target_semaphore(%arg14 : memref<!tpu.dma_semaphore, #tpu.memory_space<semaphore_mem>>)
    %dma_wait3A_173 = arith.constant 0 : i32
    %dma_wait3A_174 = tpu.memref_slice %arg5[%add3A_7, %dma_wait3A_173] : memref<128x32768xf32, #tpu.memory_space<hbm>> -> memref<1x32768xf32, #tpu.memory_space<hbm>>
    %dma_wait3A_175 = tpu.memref_squeeze %dma_wait3A_174 : memref<1x32768xf32, #tpu.memory_space<hbm>> -> memref<32768xf32, #tpu.memory_space<hbm>>
    %dma_wait3A_176 = arith.constant 0 : i32
    %dma_wait3A_177 = tpu.memref_slice %arg5[%add3A_7, %dma_wait3A_176] : memref<128x32768xf32, #tpu.memory_space<hbm>> -> memref<1x32768xf32, #tpu.memory_space<hbm>>
    %dma_wait3A_178 = tpu.memref_squeeze %dma_wait3A_177 : memref<1x32768xf32, #tpu.memory_space<hbm>> -> memref<32768xf32, #tpu.memory_space<hbm>>
    tpu.wait_dma2 semaphore(%arg14 : memref<!tpu.dma_semaphore, #tpu.memory_space<semaphore_mem>>) src(%arg6 : memref<32768xf32, #tpu.memory_space<vmem>>) dst(%dma_wait3A_178 : memref<32768xf32, #tpu.memory_space<hbm>>)
    %dma_start3A_179 = arith.constant 0 : i32
    %dma_start3A_180 = tpu.memref_slice %arg2[%add3A_15, %dma_start3A_179] : memref<128x32768xf32, #tpu.memory_space<hbm>> -> memref<1x32768xf32, #tpu.memory_space<hbm>>
    %dma_start3A_181 = tpu.memref_squeeze %dma_start3A_180 : memref<1x32768xf32, #tpu.memory_space<hbm>> -> memref<32768xf32, #tpu.memory_space<hbm>>
    %dma_start3A_182 = arith.constant 0 : i32
    %dma_start3A_183 = tpu.memref_slice %arg2[%add3A_15, %dma_start3A_182] : memref<128x32768xf32, #tpu.memory_space<hbm>> -> memref<1x32768xf32, #tpu.memory_space<hbm>>
    %dma_start3A_184 = tpu.memref_squeeze %dma_start3A_183 : memref<1x32768xf32, #tpu.memory_space<hbm>> -> memref<32768xf32, #tpu.memory_space<hbm>>
    tpu.enqueue_dma source(%dma_start3A_184 : memref<32768xf32, #tpu.memory_space<hbm>>) target(%arg6 : memref<32768xf32, #tpu.memory_space<vmem>>) target_semaphore(%arg12 : memref<!tpu.dma_semaphore, #tpu.memory_space<semaphore_mem>>)
    %dma_wait3A_185 = arith.constant 0 : i32
    %dma_wait3A_186 = tpu.memref_slice %arg2[%add3A_11, %dma_wait3A_185] : memref<128x32768xf32, #tpu.memory_space<hbm>> -> memref<1x32768xf32, #tpu.memory_space<hbm>>
    %dma_wait3A_187 = tpu.memref_squeeze %dma_wait3A_186 : memref<1x32768xf32, #tpu.memory_space<hbm>> -> memref<32768xf32, #tpu.memory_space<hbm>>
    %dma_wait3A_188 = arith.constant 0 : i32
    %dma_wait3A_189 = tpu.memref_slice %arg2[%add3A_11, %dma_wait3A_188] : memref<128x32768xf32, #tpu.memory_space<hbm>> -> memref<1x32768xf32, #tpu.memory_space<hbm>>
    %dma_wait3A_190 = tpu.memref_squeeze %dma_wait3A_189 : memref<1x32768xf32, #tpu.memory_space<hbm>> -> memref<32768xf32, #tpu.memory_space<hbm>>
    tpu.wait_dma2 semaphore(%arg13 : memref<!tpu.dma_semaphore, #tpu.memory_space<semaphore_mem>>) src(%dma_wait3A_190 : memref<32768xf32, #tpu.memory_space<hbm>>) dst(%arg7 : memref<32768xf32, #tpu.memory_space<vmem>>)
    %jit3A_191 = arith.constant 16 : i32
    %div3A_192 = arith.divsi %add3A_11, %jit3A_191 : i32
    %sign3A_193 = arith.constant 0 : i32
    %sign3A_194 = arith.cmpi sgt, %add3A_11, %sign3A_193 : i32
    %sign3A_195 = arith.extui %sign3A_194 : i1 to i32
    %sign3A_196 = arith.constant 0 : i32
    %sign3A_197 = arith.cmpi slt, %add3A_11, %sign3A_196 : i32
    %sign3A_198 = arith.extui %sign3A_197 : i1 to i32
    %sign3A_199 = arith.subi %sign3A_195, %sign3A_198 : i32
    %sign3A_200 = arith.constant 0 : i32
    %sign3A_201 = arith.cmpi sgt, %jit3A_191, %sign3A_200 : i32
    %sign3A_202 = arith.extui %sign3A_201 : i1 to i32
    %sign3A_203 = arith.constant 0 : i32
    %sign3A_204 = arith.cmpi slt, %jit3A_191, %sign3A_203 : i32
    %sign3A_205 = arith.extui %sign3A_204 : i1 to i32
    %sign3A_206 = arith.subi %sign3A_202, %sign3A_205 : i32
    %ne3A_207 = arith.cmpi ne, %sign3A_199, %sign3A_206 : i32
    %rem3A_208 = arith.remsi %add3A_11, %jit3A_191 : i32
    %ne3A_209 = arith.constant 0 : i32
    %ne3A_210 = arith.cmpi ne, %rem3A_208, %ne3A_209 : i32
    %and3A_211 = arith.andi %ne3A_207, %ne3A_210 : i1
    %sub3A_212 = arith.constant 1 : i32
    %sub3A_213 = arith.subi %div3A_192, %sub3A_212 : i32
    %select_n3A_214 = arith.select %and3A_211, %sub3A_213, %div3A_192 : i32
    %mul3A_215 = arith.constant 16 : i32
    %mul3A_216 = arith.muli %select_n3A_214, %mul3A_215 : i32
    %multiple_of3A_217 = tpu.assume_multiple %mul3A_216, 16 : i32
    %iota3A_218 = tpu.iota {dimensions = array<i32: 0>} : vector<16xi32>
    %jit3A_219 = arith.constant 16 : i32
    %div3A_220 = arith.divsi %add3A_11, %jit3A_219 : i32
    %sign3A_221 = arith.constant 0 : i32
    %sign3A_222 = arith.cmpi sgt, %add3A_11, %sign3A_221 : i32
    %sign3A_223 = arith.extui %sign3A_222 : i1 to i32
    %sign3A_224 = arith.constant 0 : i32
    %sign3A_225 = arith.cmpi slt, %add3A_11, %sign3A_224 : i32
    %sign3A_226 = arith.extui %sign3A_225 : i1 to i32
    %sign3A_227 = arith.subi %sign3A_223, %sign3A_226 : i32
    %sign3A_228 = arith.constant 0 : i32
    %sign3A_229 = arith.cmpi sgt, %jit3A_219, %sign3A_228 : i32
    %sign3A_230 = arith.extui %sign3A_229 : i1 to i32
    %sign3A_231 = arith.constant 0 : i32
    %sign3A_232 = arith.cmpi slt, %jit3A_219, %sign3A_231 : i32
    %sign3A_233 = arith.extui %sign3A_232 : i1 to i32
    %sign3A_234 = arith.subi %sign3A_230, %sign3A_233 : i32
    %ne3A_235 = arith.cmpi ne, %sign3A_227, %sign3A_234 : i32
    %rem3A_236 = arith.remsi %add3A_11, %jit3A_219 : i32
    %ne3A_237 = arith.constant 0 : i32
    %ne3A_238 = arith.cmpi ne, %rem3A_236, %ne3A_237 : i32
    %and3A_239 = arith.andi %ne3A_235, %ne3A_238 : i1
    %sub3A_240 = arith.constant 1 : i32
    %sub3A_241 = arith.subi %div3A_220, %sub3A_240 : i32
    %select_n3A_242 = arith.select %and3A_239, %sub3A_241, %div3A_220 : i32
    %mul3A_243 = arith.constant 16 : i32
    %mul3A_244 = arith.muli %select_n3A_242, %mul3A_243 : i32
    %sub3A_245 = arith.subi %add3A_11, %mul3A_244 : i32
    %eq3A_246 = vector.broadcast %sub3A_245 : i32 to vector<16xi32>
    %eq3A_247 = arith.cmpi eq, %iota3A_218, %eq3A_246 : vector<16xi32>
    %get3A_248 = arith.index_cast %multiple_of3A_217 : i32 to index
    %get3A_249 = tpu.vector_load %arg10[%get3A_248] {strides = array<i32>} : memref<128xi32, #tpu.memory_space<vmem>>, vector<16xi32>,
    %jit3A_250 = arith.constant 0 : i32
    %broadcast_in_dim3A_251 = vector.broadcast %jit3A_250 : i32 to vector<16xi32>
    %select_n3A_252 = arith.select %eq3A_247, %get3A_249, %broadcast_in_dim3A_251 : vector<16xi1>, vector<16xi32>
    %reduce_sum3A_253 = arith.constant true
    %reduce_sum3A_254 = vector.broadcast %reduce_sum3A_253 : i1 to vector<16xi1>
    %reduce_sum3A_255 = tpu.scan <sum>, %select_n3A_252 masked %reduce_sum3A_254 : vector<16xi32>, vector<16xi1> -> vector<16xi32>
    %reduce_sum3A_256 = vector.extract %reduce_sum3A_255[15] : i32 from vector<16xi32>
    %broadcast_in_dim3A_257 = vector.broadcast %reduce_sum3A_256 : i32 to vector<16xi32>
    %get3A_258 = arith.index_cast %multiple_of3A_217 : i32 to index
    %get3A_259 = tpu.vector_load %arg11[%get3A_258] {strides = array<i32>} : memref<128xf32, #tpu.memory_space<vmem>>, vector<16xf32>,
    %jit3A_260 = arith.constant 0.000000e+00 : f32
    %broadcast_in_dim3A_261 = vector.broadcast %jit3A_260 : f32 to vector<16xf32>
    %select_n3A_262 = arith.select %eq3A_247, %get3A_259, %broadcast_in_dim3A_261 : vector<16xi1>, vector<16xf32>
    %reduce_sum3A_263 = arith.constant true
    %reduce_sum3A_264 = vector.broadcast %reduce_sum3A_263 : i1 to vector<16xi1>
    %reduce_sum3A_265 = tpu.scan <sum>, %select_n3A_262 masked %reduce_sum3A_264 : vector<16xf32>, vector<16xi1> -> vector<16xf32>
    %reduce_sum3A_266 = vector.extract %reduce_sum3A_265[15] : f32 from vector<16xf32>
    %broadcast_in_dim3A_267 = vector.broadcast %reduce_sum3A_266 : f32 to vector<16xf32>
    %iota3A_268 = tpu.iota {dimensions = array<i32: 0>} : vector<16xi32>
    %broadcast_in_dim3A_269 = arith.constant 1 : i32
    %broadcast_in_dim3A_270 = vector.broadcast %broadcast_in_dim3A_269 : i32 to vector<16xi32>
    %broadcast_in_dim3A_271 = arith.constant 0 : i32
    %broadcast_in_dim3A_272 = vector.broadcast %broadcast_in_dim3A_271 : i32 to vector<16xi32>
    %parallel_loop3A_273 = arith.constant 0 : i32
    %parallel_loop3A_274 = arith.constant 32768 : i32
    %parallel_loop3A_275 = arith.constant 16 : i32
    scf.for %parallel_loop3A_701 = %parallel_loop3A_273 to %parallel_loop3A_274 step %parallel_loop3A_275  : i32 {
      %parallel_loop3A_702 = tpu.assume_multiple %parallel_loop3A_701, 16 : i32
      %parallel_loop3A_703 = arith.index_cast %parallel_loop3A_702 : i32 to index
      %parallel_loop3A_704 = tpu.vector_load %arg7[%parallel_loop3A_703] {strides = array<i32>} : memref<32768xf32, #tpu.memory_space<vmem>>, vector<16xf32>,
      %parallel_loop3A_705 = tpu.bitcast %parallel_loop3A_704 : vector<16xf32> -> vector<16xi32>
      %parallel_loop3A_706 = arith.constant 31 : i32
      %parallel_loop3A_707 = vector.broadcast %parallel_loop3A_706 : i32 to vector<16xi32>
      %parallel_loop3A_708 = arith.shrsi %parallel_loop3A_705, %parallel_loop3A_707 : vector<16xi32>
      %parallel_loop3A_709 = arith.constant -2147483648 : i32
      %parallel_loop3A_710 = vector.broadcast %parallel_loop3A_709 : i32 to vector<16xi32>
      %parallel_loop3A_711 = arith.ori %parallel_loop3A_708, %parallel_loop3A_710 : vector<16xi32>
      %parallel_loop3A_712 = arith.xori %parallel_loop3A_705, %parallel_loop3A_711 : vector<16xi32>
      %parallel_loop3A_713 = arith.index_cast %parallel_loop3A_702 : i32 to index
      %parallel_loop3A_714 = tpu.vector_load %arg8[%parallel_loop3A_713] {strides = array<i32>} : memref<32768xi32, #tpu.memory_space<vmem>>, vector<16xi32>,
      tpu.vector_store %arg8[%parallel_loop3A_713], %parallel_loop3A_712 {strides = array<i32>} : memref<32768xi32, #tpu.memory_space<vmem>>, vector<16xi32>,
      %parallel_loop3A_715 = arith.constant 21 : i32
      %parallel_loop3A_716 = vector.broadcast %parallel_loop3A_715 : i32 to vector<16xi32>
      %parallel_loop3A_717 = arith.shrui %parallel_loop3A_712, %parallel_loop3A_716 : vector<16xi32>
      tpu.vector_store_idx %arg9[%parallel_loop3A_717], %broadcast_in_dim3A_270 {add = true} : memref<2048xi32, #tpu.memory_space<vmem>>[vector<16xi32>], vector<16xi32>,
    } {sc.loop_unroll_factor = 8 : i64, sc.parallel_access}
    %scan3A_276 = arith.constant 0 : i32
    %scan3A_277 = arith.constant 128 : i32
    %scan3A_278 = arith.addi %scan3A_276, %scan3A_277 : i32
    %scan3A_279 = arith.constant 1 : i32
    %scan3A_280:3 = scf.for %scan3A_701 = %scan3A_276 to %scan3A_278 step %scan3A_279 iter_args(%scan3A_702 = %broadcast_in_dim3A_272, %scan3A_703 = %broadcast_in_dim3A_272, %scan3A_704 = %broadcast_in_dim3A_272) -> (vector<16xi32>, vector<16xi32>, vector<16xi32>)  : i32 {
      %mul3A_705 = arith.constant 16 : i32
      %mul3A_706 = arith.muli %scan3A_701, %mul3A_705 : i32
      %multiple_of3A_707 = tpu.assume_multiple %mul3A_706, 16 : i32
      %get3A_708 = arith.index_cast %multiple_of3A_707 : i32 to index
      %get3A_709 = tpu.vector_load %arg9[%get3A_708] {strides = array<i32>} : memref<2048xi32, #tpu.memory_space<vmem>>, vector<16xi32>,
      %swap3A = arith.index_cast %multiple_of3A_707 : i32 to index
      %swap3A_710 = tpu.vector_load %arg9[%swap3A] {strides = array<i32>} : memref<2048xi32, #tpu.memory_space<vmem>>, vector<16xi32>,
      tpu.vector_store %arg9[%swap3A], %broadcast_in_dim3A_272 {strides = array<i32>} : memref<2048xi32, #tpu.memory_space<vmem>>, vector<16xi32>,
      %broadcast_in_dim3A_711 = arith.constant true
      %broadcast_in_dim3A_712 = vector.broadcast %broadcast_in_dim3A_711 : i1 to vector<16xi1>
      %masked_cumsum3A = tpu.scan <sum>, %get3A_709 masked %broadcast_in_dim3A_712 : vector<16xi32>, vector<16xi1> -> vector<16xi32>
      %add3A_713 = arith.addi %scan3A_702, %masked_cumsum3A : vector<16xi32>
      %lt3A = arith.cmpi slt, %add3A_713, %broadcast_in_dim3A_257 : vector<16xi32>
      %all_reduce_population_count3A = tpu.all_reduce %lt3A {dim = 0 : i64, kind = #tpu.reduction_kind<sum>} : vector<16xi1> -> vector<16xi32>
      %add3A_714 = arith.addi %scan3A_703, %all_reduce_population_count3A : vector<16xi32>
      %jit3A_715 = arith.constant 0 : i32
      %broadcast_in_dim3A_716 = vector.broadcast %jit3A_715 : i32 to vector<16xi32>
      %select_n3A_717 = arith.select %lt3A, %get3A_709, %broadcast_in_dim3A_716 : vector<16xi1>, vector<16xi32>
      %broadcast_in_dim3A_718 = arith.constant true
      %broadcast_in_dim3A_719 = vector.broadcast %broadcast_in_dim3A_718 : i1 to vector<16xi1>
      %masked_cumsum3A_720 = tpu.scan <sum>, %select_n3A_717 masked %broadcast_in_dim3A_719 : vector<16xi32>, vector<16xi1> -> vector<16xi32>
      %rev3A = arith.constant 15 : i32
      %rev3A_721 = vector.broadcast %rev3A : i32 to vector<16xi32>
      %rev3A_722 = tpu.iota {dimensions = array<i32: 0>} : vector<16xi32>
      %rev3A_723 = arith.subi %rev3A_721, %rev3A_722 : vector<16xi32>
      %rev3A_724 = tpu.dynamic_gather %select_n3A_717[%rev3A_723] in [0] : vector<16xi32>, vector<16xi32> -> vector<16xi32>
      %broadcast_in_dim3A_725 = arith.constant true
      %broadcast_in_dim3A_726 = vector.broadcast %broadcast_in_dim3A_725 : i1 to vector<16xi1>
      %masked_cumsum3A_727 = tpu.scan <sum>, %rev3A_724 masked %broadcast_in_dim3A_726 : vector<16xi32>, vector<16xi1> -> vector<16xi32>
      %rev3A_728 = arith.constant 15 : i32
      %rev3A_729 = vector.broadcast %rev3A_728 : i32 to vector<16xi32>
      %rev3A_730 = tpu.iota {dimensions = array<i32: 0>} : vector<16xi32>
      %rev3A_731 = arith.subi %rev3A_729, %rev3A_730 : vector<16xi32>
      %rev3A_732 = tpu.dynamic_gather %masked_cumsum3A_727[%rev3A_731] in [0] : vector<16xi32>, vector<16xi32> -> vector<16xi32>
      %add3A_733 = arith.addi %masked_cumsum3A_720, %rev3A_732 : vector<16xi32>
      %sub3A_734 = arith.subi %add3A_733, %select_n3A_717 : vector<16xi32>
      %add3A_735 = arith.addi %scan3A_704, %sub3A_734 : vector<16xi32>
      %broadcast_in_dim3A_736 = arith.constant true
      %broadcast_in_dim3A_737 = vector.broadcast %broadcast_in_dim3A_736 : i1 to vector<16xi1>
      %masked_cumsum3A_738 = tpu.scan <sum>, %get3A_709 masked %broadcast_in_dim3A_737 : vector<16xi32>, vector<16xi1> -> vector<16xi32>
      %rev3A_739 = arith.constant 15 : i32
      %rev3A_740 = vector.broadcast %rev3A_739 : i32 to vector<16xi32>
      %rev3A_741 = tpu.iota {dimensions = array<i32: 0>} : vector<16xi32>
      %rev3A_742 = arith.subi %rev3A_740, %rev3A_741 : vector<16xi32>
      %rev3A_743 = tpu.dynamic_gather %get3A_709[%rev3A_742] in [0] : vector<16xi32>, vector<16xi32> -> vector<16xi32>
      %broadcast_in_dim3A_744 = arith.constant true
      %broadcast_in_dim3A_745 = vector.broadcast %broadcast_in_dim3A_744 : i1 to vector<16xi1>
      %masked_cumsum3A_746 = tpu.scan <sum>, %rev3A_743 masked %broadcast_in_dim3A_745 : vector<16xi32>, vector<16xi1> -> vector<16xi32>
      %rev3A_747 = arith.constant 15 : i32
      %rev3A_748 = vector.broadcast %rev3A_747 : i32 to vector<16xi32>
      %rev3A_749 = tpu.iota {dimensions = array<i32: 0>} : vector<16xi32>
      %rev3A_750 = arith.subi %rev3A_748, %rev3A_749 : vector<16xi32>
      %rev3A_751 = tpu.dynamic_gather %masked_cumsum3A_746[%rev3A_750] in [0] : vector<16xi32>, vector<16xi32> -> vector<16xi32>
      %add3A_752 = arith.addi %masked_cumsum3A_738, %rev3A_751 : vector<16xi32>
      %sub3A_753 = arith.subi %add3A_752, %get3A_709 : vector<16xi32>
      %add3A_754 = arith.addi %scan3A_702, %sub3A_753 : vector<16xi32>
      scf.yield %add3A_754, %add3A_714, %add3A_735 : vector<16xi32>, vector<16xi32>, vector<16xi32>
    }
    %scan3A_281 = arith.constant 128 : i32
    %sub3A_282 = arith.subi %broadcast_in_dim3A_257, %scan3A_280#2 : vector<16xi32>
    %shift_left3A_283 = arith.constant 21 : i32
    %shift_left3A_284 = vector.broadcast %shift_left3A_283 : i32 to vector<16xi32>
    %shift_left3A_285 = arith.shli %scan3A_280#1, %shift_left3A_284 : vector<16xi32>
    %shift_right_logical3A_286 = arith.constant 21 : i32
    %shift_right_logical3A_287 = vector.broadcast %shift_right_logical3A_286 : i32 to vector<16xi32>
    %shift_right_logical3A_288 = arith.shrui %shift_left3A_285, %shift_right_logical3A_287 : vector<16xi32>
    %parallel_loop3A_289 = arith.constant 0 : i32
    %parallel_loop3A_290 = arith.constant 32768 : i32
    %parallel_loop3A_291 = arith.constant 16 : i32
    scf.for %parallel_loop3A_701 = %parallel_loop3A_289 to %parallel_loop3A_290 step %parallel_loop3A_291  : i32 {
      %parallel_loop3A_702 = tpu.assume_multiple %parallel_loop3A_701, 16 : i32
      %parallel_loop3A_703 = arith.index_cast %parallel_loop3A_702 : i32 to index
      %parallel_loop3A_704 = tpu.vector_load %arg8[%parallel_loop3A_703] {strides = array<i32>} : memref<32768xi32, #tpu.memory_space<vmem>>, vector<16xi32>,
      %parallel_loop3A_705 = arith.constant 21 : i32
      %parallel_loop3A_706 = vector.broadcast %parallel_loop3A_705 : i32 to vector<16xi32>
      %parallel_loop3A_707 = arith.shrui %parallel_loop3A_704, %parallel_loop3A_706 : vector<16xi32>
      %parallel_loop3A_708 = arith.cmpi eq, %parallel_loop3A_707, %shift_right_logical3A_288 : vector<16xi32>
      %parallel_loop3A_709 = arith.constant 10 : i32
      %parallel_loop3A_710 = vector.broadcast %parallel_loop3A_709 : i32 to vector<16xi32>
      %parallel_loop3A_711 = arith.shrui %parallel_loop3A_704, %parallel_loop3A_710 : vector<16xi32>
      %parallel_loop3A_712 = arith.constant 2047 : i32
      %parallel_loop3A_713 = vector.broadcast %parallel_loop3A_712 : i32 to vector<16xi32>
      %parallel_loop3A_714 = arith.andi %parallel_loop3A_711, %parallel_loop3A_713 : vector<16xi32>
      tpu.vector_store_idx %arg9[%parallel_loop3A_714], %broadcast_in_dim3A_270 masked %parallel_loop3A_708 {add = true} : memref<2048xi32, #tpu.memory_space<vmem>>[vector<16xi32>], vector<16xi32>, vector<16xi1>
    } {sc.loop_unroll_factor = 8 : i64, sc.parallel_access}
    %scan3A_292 = arith.constant 0 : i32
    %scan3A_293 = arith.constant 128 : i32
    %scan3A_294 = arith.addi %scan3A_292, %scan3A_293 : i32
    %scan3A_295 = arith.constant 1 : i32
    %scan3A_296:3 = scf.for %scan3A_701 = %scan3A_292 to %scan3A_294 step %scan3A_295 iter_args(%scan3A_702 = %broadcast_in_dim3A_272, %scan3A_703 = %broadcast_in_dim3A_272, %scan3A_704 = %broadcast_in_dim3A_272) -> (vector<16xi32>, vector<16xi32>, vector<16xi32>)  : i32 {
      %mul3A_705 = arith.constant 16 : i32
      %mul3A_706 = arith.muli %scan3A_701, %mul3A_705 : i32
      %multiple_of3A_707 = tpu.assume_multiple %mul3A_706, 16 : i32
      %get3A_708 = arith.index_cast %multiple_of3A_707 : i32 to index
      %get3A_709 = tpu.vector_load %arg9[%get3A_708] {strides = array<i32>} : memref<2048xi32, #tpu.memory_space<vmem>>, vector<16xi32>,
      %swap3A = arith.index_cast %multiple_of3A_707 : i32 to index
      %swap3A_710 = tpu.vector_load %arg9[%swap3A] {strides = array<i32>} : memref<2048xi32, #tpu.memory_space<vmem>>, vector<16xi32>,
      tpu.vector_store %arg9[%swap3A], %broadcast_in_dim3A_272 {strides = array<i32>} : memref<2048xi32, #tpu.memory_space<vmem>>, vector<16xi32>,
      %broadcast_in_dim3A_711 = arith.constant true
      %broadcast_in_dim3A_712 = vector.broadcast %broadcast_in_dim3A_711 : i1 to vector<16xi1>
      %masked_cumsum3A = tpu.scan <sum>, %get3A_709 masked %broadcast_in_dim3A_712 : vector<16xi32>, vector<16xi1> -> vector<16xi32>
      %add3A_713 = arith.addi %scan3A_702, %masked_cumsum3A : vector<16xi32>
      %lt3A = arith.cmpi slt, %add3A_713, %sub3A_282 : vector<16xi32>
      %all_reduce_population_count3A = tpu.all_reduce %lt3A {dim = 0 : i64, kind = #tpu.reduction_kind<sum>} : vector<16xi1> -> vector<16xi32>
      %add3A_714 = arith.addi %scan3A_703, %all_reduce_population_count3A : vector<16xi32>
      %jit3A_715 = arith.constant 0 : i32
      %broadcast_in_dim3A_716 = vector.broadcast %jit3A_715 : i32 to vector<16xi32>
      %select_n3A_717 = arith.select %lt3A, %get3A_709, %broadcast_in_dim3A_716 : vector<16xi1>, vector<16xi32>
      %broadcast_in_dim3A_718 = arith.constant true
      %broadcast_in_dim3A_719 = vector.broadcast %broadcast_in_dim3A_718 : i1 to vector<16xi1>
      %masked_cumsum3A_720 = tpu.scan <sum>, %select_n3A_717 masked %broadcast_in_dim3A_719 : vector<16xi32>, vector<16xi1> -> vector<16xi32>
      %rev3A = arith.constant 15 : i32
      %rev3A_721 = vector.broadcast %rev3A : i32 to vector<16xi32>
      %rev3A_722 = tpu.iota {dimensions = array<i32: 0>} : vector<16xi32>
      %rev3A_723 = arith.subi %rev3A_721, %rev3A_722 : vector<16xi32>
      %rev3A_724 = tpu.dynamic_gather %select_n3A_717[%rev3A_723] in [0] : vector<16xi32>, vector<16xi32> -> vector<16xi32>
      %broadcast_in_dim3A_725 = arith.constant true
      %broadcast_in_dim3A_726 = vector.broadcast %broadcast_in_dim3A_725 : i1 to vector<16xi1>
      %masked_cumsum3A_727 = tpu.scan <sum>, %rev3A_724 masked %broadcast_in_dim3A_726 : vector<16xi32>, vector<16xi1> -> vector<16xi32>
      %rev3A_728 = arith.constant 15 : i32
      %rev3A_729 = vector.broadcast %rev3A_728 : i32 to vector<16xi32>
      %rev3A_730 = tpu.iota {dimensions = array<i32: 0>} : vector<16xi32>
      %rev3A_731 = arith.subi %rev3A_729, %rev3A_730 : vector<16xi32>
      %rev3A_732 = tpu.dynamic_gather %masked_cumsum3A_727[%rev3A_731] in [0] : vector<16xi32>, vector<16xi32> -> vector<16xi32>
      %add3A_733 = arith.addi %masked_cumsum3A_720, %rev3A_732 : vector<16xi32>
      %sub3A_734 = arith.subi %add3A_733, %select_n3A_717 : vector<16xi32>
      %add3A_735 = arith.addi %scan3A_704, %sub3A_734 : vector<16xi32>
      %broadcast_in_dim3A_736 = arith.constant true
      %broadcast_in_dim3A_737 = vector.broadcast %broadcast_in_dim3A_736 : i1 to vector<16xi1>
      %masked_cumsum3A_738 = tpu.scan <sum>, %get3A_709 masked %broadcast_in_dim3A_737 : vector<16xi32>, vector<16xi1> -> vector<16xi32>
      %rev3A_739 = arith.constant 15 : i32
      %rev3A_740 = vector.broadcast %rev3A_739 : i32 to vector<16xi32>
      %rev3A_741 = tpu.iota {dimensions = array<i32: 0>} : vector<16xi32>
      %rev3A_742 = arith.subi %rev3A_740, %rev3A_741 : vector<16xi32>
      %rev3A_743 = tpu.dynamic_gather %get3A_709[%rev3A_742] in [0] : vector<16xi32>, vector<16xi32> -> vector<16xi32>
      %broadcast_in_dim3A_744 = arith.constant true
      %broadcast_in_dim3A_745 = vector.broadcast %broadcast_in_dim3A_744 : i1 to vector<16xi1>
      %masked_cumsum3A_746 = tpu.scan <sum>, %rev3A_743 masked %broadcast_in_dim3A_745 : vector<16xi32>, vector<16xi1> -> vector<16xi32>
      %rev3A_747 = arith.constant 15 : i32
      %rev3A_748 = vector.broadcast %rev3A_747 : i32 to vector<16xi32>
      %rev3A_749 = tpu.iota {dimensions = array<i32: 0>} : vector<16xi32>
      %rev3A_750 = arith.subi %rev3A_748, %rev3A_749 : vector<16xi32>
      %rev3A_751 = tpu.dynamic_gather %masked_cumsum3A_746[%rev3A_750] in [0] : vector<16xi32>, vector<16xi32> -> vector<16xi32>
      %add3A_752 = arith.addi %masked_cumsum3A_738, %rev3A_751 : vector<16xi32>
      %sub3A_753 = arith.subi %add3A_752, %get3A_709 : vector<16xi32>
      %add3A_754 = arith.addi %scan3A_702, %sub3A_753 : vector<16xi32>
      scf.yield %add3A_754, %add3A_714, %add3A_735 : vector<16xi32>, vector<16xi32>, vector<16xi32>
    }
    %scan3A_297 = arith.constant 128 : i32
    %sub3A_298 = arith.subi %sub3A_282, %scan3A_296#2 : vector<16xi32>
    %shift_left3A_299 = arith.constant 10 : i32
    %shift_left3A_300 = vector.broadcast %shift_left3A_299 : i32 to vector<16xi32>
    %shift_left3A_301 = arith.shli %scan3A_296#1, %shift_left3A_300 : vector<16xi32>
    %or3A_302 = arith.ori %shift_left3A_285, %shift_left3A_301 : vector<16xi32>
    %shift_right_logical3A_303 = arith.constant 10 : i32
    %shift_right_logical3A_304 = vector.broadcast %shift_right_logical3A_303 : i32 to vector<16xi32>
    %shift_right_logical3A_305 = arith.shrui %or3A_302, %shift_right_logical3A_304 : vector<16xi32>
    %parallel_loop3A_306 = arith.constant 0 : i32
    %parallel_loop3A_307 = arith.constant 32768 : i32
    %parallel_loop3A_308 = arith.constant 16 : i32
    scf.for %parallel_loop3A_701 = %parallel_loop3A_306 to %parallel_loop3A_307 step %parallel_loop3A_308  : i32 {
      %parallel_loop3A_702 = tpu.assume_multiple %parallel_loop3A_701, 16 : i32
      %parallel_loop3A_703 = arith.index_cast %parallel_loop3A_702 : i32 to index
      %parallel_loop3A_704 = tpu.vector_load %arg8[%parallel_loop3A_703] {strides = array<i32>} : memref<32768xi32, #tpu.memory_space<vmem>>, vector<16xi32>,
      %parallel_loop3A_705 = arith.constant 10 : i32
      %parallel_loop3A_706 = vector.broadcast %parallel_loop3A_705 : i32 to vector<16xi32>
      %parallel_loop3A_707 = arith.shrui %parallel_loop3A_704, %parallel_loop3A_706 : vector<16xi32>
      %parallel_loop3A_708 = arith.cmpi eq, %parallel_loop3A_707, %shift_right_logical3A_305 : vector<16xi32>
      %parallel_loop3A_709 = arith.constant 0 : i32
      %parallel_loop3A_710 = vector.broadcast %parallel_loop3A_709 : i32 to vector<16xi32>
      %parallel_loop3A_711 = arith.shrui %parallel_loop3A_704, %parallel_loop3A_710 : vector<16xi32>
      %parallel_loop3A_712 = arith.constant 1023 : i32
      %parallel_loop3A_713 = vector.broadcast %parallel_loop3A_712 : i32 to vector<16xi32>
      %parallel_loop3A_714 = arith.andi %parallel_loop3A_711, %parallel_loop3A_713 : vector<16xi32>
      tpu.vector_store_idx %arg9[%parallel_loop3A_714], %broadcast_in_dim3A_270 masked %parallel_loop3A_708 {add = true} : memref<2048xi32, #tpu.memory_space<vmem>>[vector<16xi32>], vector<16xi32>, vector<16xi1>
    } {sc.loop_unroll_factor = 8 : i64, sc.parallel_access}
    %scan3A_309 = arith.constant 0 : i32
    %scan3A_310 = arith.constant 64 : i32
    %scan3A_311 = arith.addi %scan3A_309, %scan3A_310 : i32
    %scan3A_312 = arith.constant 1 : i32
    %scan3A_313:4 = scf.for %scan3A_701 = %scan3A_309 to %scan3A_311 step %scan3A_312 iter_args(%scan3A_702 = %broadcast_in_dim3A_272, %scan3A_703 = %broadcast_in_dim3A_272, %scan3A_704 = %broadcast_in_dim3A_272, %scan3A_705 = %broadcast_in_dim3A_272) -> (vector<16xi32>, vector<16xi32>, vector<16xi32>, vector<16xi32>)  : i32 {
      %mul3A_706 = arith.constant 16 : i32
      %mul3A_707 = arith.muli %scan3A_701, %mul3A_706 : i32
      %multiple_of3A_708 = tpu.assume_multiple %mul3A_707, 16 : i32
      %get3A_709 = arith.index_cast %multiple_of3A_708 : i32 to index
      %get3A_710 = tpu.vector_load %arg9[%get3A_709] {strides = array<i32>} : memref<2048xi32, #tpu.memory_space<vmem>>, vector<16xi32>,
      %swap3A = arith.index_cast %multiple_of3A_708 : i32 to index
      %swap3A_711 = tpu.vector_load %arg9[%swap3A] {strides = array<i32>} : memref<2048xi32, #tpu.memory_space<vmem>>, vector<16xi32>,
      tpu.vector_store %arg9[%swap3A], %broadcast_in_dim3A_272 {strides = array<i32>} : memref<2048xi32, #tpu.memory_space<vmem>>, vector<16xi32>,
      %broadcast_in_dim3A_712 = arith.constant true
      %broadcast_in_dim3A_713 = vector.broadcast %broadcast_in_dim3A_712 : i1 to vector<16xi1>
      %masked_cumsum3A = tpu.scan <sum>, %get3A_710 masked %broadcast_in_dim3A_713 : vector<16xi32>, vector<16xi1> -> vector<16xi32>
      %add3A_714 = arith.addi %scan3A_702, %masked_cumsum3A : vector<16xi32>
      %lt3A = arith.cmpi slt, %add3A_714, %sub3A_298 : vector<16xi32>
      %all_reduce_population_count3A = tpu.all_reduce %lt3A {dim = 0 : i64, kind = #tpu.reduction_kind<sum>} : vector<16xi1> -> vector<16xi32>
      %add3A_715 = arith.addi %scan3A_703, %all_reduce_population_count3A : vector<16xi32>
      %jit3A_716 = arith.constant 0 : i32
      %broadcast_in_dim3A_717 = vector.broadcast %jit3A_716 : i32 to vector<16xi32>
      %select_n3A_718 = arith.select %lt3A, %get3A_710, %broadcast_in_dim3A_717 : vector<16xi1>, vector<16xi32>
      %broadcast_in_dim3A_719 = arith.constant true
      %broadcast_in_dim3A_720 = vector.broadcast %broadcast_in_dim3A_719 : i1 to vector<16xi1>
      %masked_cumsum3A_721 = tpu.scan <sum>, %select_n3A_718 masked %broadcast_in_dim3A_720 : vector<16xi32>, vector<16xi1> -> vector<16xi32>
      %rev3A = arith.constant 15 : i32
      %rev3A_722 = vector.broadcast %rev3A : i32 to vector<16xi32>
      %rev3A_723 = tpu.iota {dimensions = array<i32: 0>} : vector<16xi32>
      %rev3A_724 = arith.subi %rev3A_722, %rev3A_723 : vector<16xi32>
      %rev3A_725 = tpu.dynamic_gather %select_n3A_718[%rev3A_724] in [0] : vector<16xi32>, vector<16xi32> -> vector<16xi32>
      %broadcast_in_dim3A_726 = arith.constant true
      %broadcast_in_dim3A_727 = vector.broadcast %broadcast_in_dim3A_726 : i1 to vector<16xi1>
      %masked_cumsum3A_728 = tpu.scan <sum>, %rev3A_725 masked %broadcast_in_dim3A_727 : vector<16xi32>, vector<16xi1> -> vector<16xi32>
      %rev3A_729 = arith.constant 15 : i32
      %rev3A_730 = vector.broadcast %rev3A_729 : i32 to vector<16xi32>
      %rev3A_731 = tpu.iota {dimensions = array<i32: 0>} : vector<16xi32>
      %rev3A_732 = arith.subi %rev3A_730, %rev3A_731 : vector<16xi32>
      %rev3A_733 = tpu.dynamic_gather %masked_cumsum3A_728[%rev3A_732] in [0] : vector<16xi32>, vector<16xi32> -> vector<16xi32>
      %add3A_734 = arith.addi %masked_cumsum3A_721, %rev3A_733 : vector<16xi32>
      %sub3A_735 = arith.subi %add3A_734, %select_n3A_718 : vector<16xi32>
      %add3A_736 = arith.addi %scan3A_704, %sub3A_735 : vector<16xi32>
      %add3A_737 = arith.addi %scan3A_702, %masked_cumsum3A : vector<16xi32>
      %sub3A_738 = arith.subi %add3A_737, %get3A_710 : vector<16xi32>
      %lt3A_739 = arith.cmpi slt, %sub3A_738, %sub3A_298 : vector<16xi32>
      %jit3A_740 = arith.constant 0 : i32
      %broadcast_in_dim3A_741 = vector.broadcast %jit3A_740 : i32 to vector<16xi32>
      %select_n3A_742 = arith.select %lt3A_739, %get3A_710, %broadcast_in_dim3A_741 : vector<16xi1>, vector<16xi32>
      %broadcast_in_dim3A_743 = arith.constant true
      %broadcast_in_dim3A_744 = vector.broadcast %broadcast_in_dim3A_743 : i1 to vector<16xi1>
      %masked_cumsum3A_745 = tpu.scan <sum>, %select_n3A_742 masked %broadcast_in_dim3A_744 : vector<16xi32>, vector<16xi1> -> vector<16xi32>
      %rev3A_746 = arith.constant 15 : i32
      %rev3A_747 = vector.broadcast %rev3A_746 : i32 to vector<16xi32>
      %rev3A_748 = tpu.iota {dimensions = array<i32: 0>} : vector<16xi32>
      %rev3A_749 = arith.subi %rev3A_747, %rev3A_748 : vector<16xi32>
      %rev3A_750 = tpu.dynamic_gather %select_n3A_742[%rev3A_749] in [0] : vector<16xi32>, vector<16xi32> -> vector<16xi32>
      %broadcast_in_dim3A_751 = arith.constant true
      %broadcast_in_dim3A_752 = vector.broadcast %broadcast_in_dim3A_751 : i1 to vector<16xi1>
      %masked_cumsum3A_753 = tpu.scan <sum>, %rev3A_750 masked %broadcast_in_dim3A_752 : vector<16xi32>, vector<16xi1> -> vector<16xi32>
      %rev3A_754 = arith.constant 15 : i32
      %rev3A_755 = vector.broadcast %rev3A_754 : i32 to vector<16xi32>
      %rev3A_756 = tpu.iota {dimensions = array<i32: 0>} : vector<16xi32>
      %rev3A_757 = arith.subi %rev3A_755, %rev3A_756 : vector<16xi32>
      %rev3A_758 = tpu.dynamic_gather %masked_cumsum3A_753[%rev3A_757] in [0] : vector<16xi32>, vector<16xi32> -> vector<16xi32>
      %add3A_759 = arith.addi %masked_cumsum3A_745, %rev3A_758 : vector<16xi32>
      %sub3A_760 = arith.subi %add3A_759, %select_n3A_742 : vector<16xi32>
      %add3A_761 = arith.addi %scan3A_705, %sub3A_760 : vector<16xi32>
      %broadcast_in_dim3A_762 = arith.constant true
      %broadcast_in_dim3A_763 = vector.broadcast %broadcast_in_dim3A_762 : i1 to vector<16xi1>
      %masked_cumsum3A_764 = tpu.scan <sum>, %get3A_710 masked %broadcast_in_dim3A_763 : vector<16xi32>, vector<16xi1> -> vector<16xi32>
      %rev3A_765 = arith.constant 15 : i32
      %rev3A_766 = vector.broadcast %rev3A_765 : i32 to vector<16xi32>
      %rev3A_767 = tpu.iota {dimensions = array<i32: 0>} : vector<16xi32>
      %rev3A_768 = arith.subi %rev3A_766, %rev3A_767 : vector<16xi32>
      %rev3A_769 = tpu.dynamic_gather %get3A_710[%rev3A_768] in [0] : vector<16xi32>, vector<16xi32> -> vector<16xi32>
      %broadcast_in_dim3A_770 = arith.constant true
      %broadcast_in_dim3A_771 = vector.broadcast %broadcast_in_dim3A_770 : i1 to vector<16xi1>
      %masked_cumsum3A_772 = tpu.scan <sum>, %rev3A_769 masked %broadcast_in_dim3A_771 : vector<16xi32>, vector<16xi1> -> vector<16xi32>
      %rev3A_773 = arith.constant 15 : i32
      %rev3A_774 = vector.broadcast %rev3A_773 : i32 to vector<16xi32>
      %rev3A_775 = tpu.iota {dimensions = array<i32: 0>} : vector<16xi32>
      %rev3A_776 = arith.subi %rev3A_774, %rev3A_775 : vector<16xi32>
      %rev3A_777 = tpu.dynamic_gather %masked_cumsum3A_772[%rev3A_776] in [0] : vector<16xi32>, vector<16xi32> -> vector<16xi32>
      %add3A_778 = arith.addi %masked_cumsum3A_764, %rev3A_777 : vector<16xi32>
      %sub3A_779 = arith.subi %add3A_778, %get3A_710 : vector<16xi32>
      %add3A_780 = arith.addi %scan3A_702, %sub3A_779 : vector<16xi32>
      scf.yield %add3A_780, %add3A_715, %add3A_736, %add3A_761 : vector<16xi32>, vector<16xi32>, vector<16xi32>, vector<16xi32>
    }
    %scan3A_314 = arith.constant 64 : i32
    %sub3A_315 = arith.subi %scan3A_313#3, %scan3A_313#2 : vector<16xi32>
    %sub3A_316 = arith.subi %sub3A_298, %scan3A_313#2 : vector<16xi32>
    %shift_left3A_317 = arith.constant 0 : i32
    %shift_left3A_318 = vector.broadcast %shift_left3A_317 : i32 to vector<16xi32>
    %shift_left3A_319 = arith.shli %scan3A_313#1, %shift_left3A_318 : vector<16xi32>
    %or3A_320 = arith.ori %or3A_302, %shift_left3A_319 : vector<16xi32>
    %xor3A_321 = arith.constant -2147483648 : i32
    %xor3A_322 = vector.broadcast %xor3A_321 : i32 to vector<16xi32>
    %xor3A_323 = arith.xori %or3A_320, %xor3A_322 : vector<16xi32>
    %eq3A_324 = arith.constant 0 : i32
    %eq3A_325 = vector.broadcast %eq3A_324 : i32 to vector<16xi32>
    %eq3A_326 = arith.cmpi eq, %iota3A_268, %eq3A_325 : vector<16xi32>
    %sub3A_327 = arith.subi %sub3A_316, %sub3A_315 : vector<16xi32>
    %select_n3A_328 = arith.select %eq3A_326, %sub3A_327, %broadcast_in_dim3A_272 : vector<16xi1>, vector<16xi32>
    %reduce_sum3A_329 = arith.constant true
    %reduce_sum3A_330 = vector.broadcast %reduce_sum3A_329 : i1 to vector<16xi1>
    %reduce_sum3A_331 = tpu.scan <sum>, %select_n3A_328 masked %reduce_sum3A_330 : vector<16xi32>, vector<16xi1> -> vector<16xi32>
    %reduce_sum3A_332 = vector.extract %reduce_sum3A_331[15] : i32 from vector<16xi32>
    %eq3A_333 = arith.constant 0 : i32
    %eq3A_334 = arith.cmpi eq, %reduce_sum3A_332, %eq3A_333 : i32
    %convert_element_type3A_335 = arith.extui %eq3A_334 : i1 to i32
    %cond3A_336 = arith.constant 0 : i32
    %cond3A_337 = arith.cmpi ne, %convert_element_type3A_335, %cond3A_336 : i32
    scf.if %cond3A_337 {
      %parallel_loop3A_701 = arith.constant 0 : i32
      %parallel_loop3A_702 = arith.constant 32768 : i32
      %parallel_loop3A_703 = arith.constant 16 : i32
      scf.for %parallel_loop3A_704 = %parallel_loop3A_701 to %parallel_loop3A_702 step %parallel_loop3A_703  : i32 {
        %parallel_loop3A_705 = tpu.assume_multiple %parallel_loop3A_704, 16 : i32
        %parallel_loop3A_706 = arith.index_cast %parallel_loop3A_705 : i32 to index
        %parallel_loop3A_707 = tpu.vector_load %arg8[%parallel_loop3A_706] {strides = array<i32>} : memref<32768xi32, #tpu.memory_space<vmem>>, vector<16xi32>,
        %parallel_loop3A_708 = arith.index_cast %parallel_loop3A_705 : i32 to index
        %parallel_loop3A_709 = tpu.vector_load %arg7[%parallel_loop3A_708] {strides = array<i32>} : memref<32768xf32, #tpu.memory_space<vmem>>, vector<16xf32>,
        %parallel_loop3A_710 = arith.constant -2147483648 : i32
        %parallel_loop3A_711 = vector.broadcast %parallel_loop3A_710 : i32 to vector<16xi32>
        %parallel_loop3A_712 = arith.xori %parallel_loop3A_707, %parallel_loop3A_711 : vector<16xi32>
        %parallel_loop3A_713 = arith.cmpi sle, %parallel_loop3A_712, %xor3A_323 : vector<16xi32>
        %parallel_loop3A_714 = arith.mulf %parallel_loop3A_709, %broadcast_in_dim3A_267 : vector<16xf32>
        %parallel_loop3A_715 = arith.constant 0.000000e+00 : f32
        %parallel_loop3A_716 = vector.broadcast %parallel_loop3A_715 : f32 to vector<16xf32>
        %parallel_loop3A_717 = arith.select %parallel_loop3A_713, %parallel_loop3A_714, %parallel_loop3A_716 : vector<16xi1>, vector<16xf32>
        %parallel_loop3A_718 = arith.index_cast %parallel_loop3A_705 : i32 to index
        %parallel_loop3A_719 = tpu.vector_load %arg7[%parallel_loop3A_718] {strides = array<i32>} : memref<32768xf32, #tpu.memory_space<vmem>>, vector<16xf32>,
        tpu.vector_store %arg7[%parallel_loop3A_718], %parallel_loop3A_717 {strides = array<i32>} : memref<32768xf32, #tpu.memory_space<vmem>>, vector<16xf32>,
      } {sc.loop_unroll_factor = 8 : i64, sc.parallel_access}
    } else {
    }
    %not3A_338 = arith.constant true
    %not3A_339 = arith.xori %eq3A_334, %not3A_338 : i1
    %convert_element_type3A_340 = arith.extui %not3A_339 : i1 to i32
    %cond3A_341 = arith.constant 0 : i32
    %cond3A_342 = arith.cmpi ne, %convert_element_type3A_340, %cond3A_341 : i32
    scf.if %cond3A_342 {
      %broadcast_in_dim3A_701 = arith.constant 0 : i32
      %broadcast_in_dim3A_702 = vector.broadcast %broadcast_in_dim3A_701 : i32 to vector<16xi32>
      %parallel_loop3A_703 = arith.constant 0 : i32
      %parallel_loop3A_704 = arith.constant 32768 : i32
      %parallel_loop3A_705 = arith.constant 16 : i32
      %parallel_loop3A_706 = scf.for %parallel_loop3A_707 = %parallel_loop3A_703 to %parallel_loop3A_704 step %parallel_loop3A_705 iter_args(%parallel_loop3A_708 = %broadcast_in_dim3A_702) -> (vector<16xi32>)  : i32 {
        %parallel_loop3A_709 = tpu.assume_multiple %parallel_loop3A_707, 16 : i32
        %parallel_loop3A_710 = arith.index_cast %parallel_loop3A_709 : i32 to index
        %parallel_loop3A_711 = tpu.vector_load %arg8[%parallel_loop3A_710] {strides = array<i32>} : memref<32768xi32, #tpu.memory_space<vmem>>, vector<16xi32>,
        %parallel_loop3A_712 = arith.index_cast %parallel_loop3A_709 : i32 to index
        %parallel_loop3A_713 = tpu.vector_load %arg7[%parallel_loop3A_712] {strides = array<i32>} : memref<32768xf32, #tpu.memory_space<vmem>>, vector<16xf32>,
        %parallel_loop3A_714 = arith.constant -2147483648 : i32
        %parallel_loop3A_715 = vector.broadcast %parallel_loop3A_714 : i32 to vector<16xi32>
        %parallel_loop3A_716 = arith.xori %parallel_loop3A_711, %parallel_loop3A_715 : vector<16xi32>
        %parallel_loop3A_717 = arith.cmpi slt, %parallel_loop3A_716, %xor3A_323 : vector<16xi32>
        %parallel_loop3A_718 = arith.cmpi eq, %parallel_loop3A_711, %or3A_320 : vector<16xi32>
        %parallel_loop3A_719 = arith.extui %parallel_loop3A_718 : vector<16xi1> to vector<16xi32>
        %parallel_loop3A_720 = arith.constant true
        %parallel_loop3A_721 = vector.broadcast %parallel_loop3A_720 : i1 to vector<16xi1>
        %parallel_loop3A_722 = tpu.scan <sum>, %parallel_loop3A_719 masked %parallel_loop3A_721 : vector<16xi32>, vector<16xi1> -> vector<16xi32>
        %parallel_loop3A_723 = arith.addi %parallel_loop3A_708, %parallel_loop3A_722 : vector<16xi32>
        %parallel_loop3A_724 = arith.cmpi sle, %parallel_loop3A_723, %sub3A_316 : vector<16xi32>
        %parallel_loop3A_725 = arith.andi %parallel_loop3A_718, %parallel_loop3A_724 : vector<16xi1>
        %parallel_loop3A_726 = arith.ori %parallel_loop3A_717, %parallel_loop3A_725 : vector<16xi1>
        %parallel_loop3A_727 = arith.mulf %parallel_loop3A_713, %broadcast_in_dim3A_267 : vector<16xf32>
        %parallel_loop3A_728 = arith.constant 0.000000e+00 : f32
        %parallel_loop3A_729 = vector.broadcast %parallel_loop3A_728 : f32 to vector<16xf32>
        %parallel_loop3A_730 = arith.select %parallel_loop3A_726, %parallel_loop3A_727, %parallel_loop3A_729 : vector<16xi1>, vector<16xf32>
        %parallel_loop3A_731 = arith.index_cast %parallel_loop3A_709 : i32 to index
        %parallel_loop3A_732 = tpu.vector_load %arg7[%parallel_loop3A_731] {strides = array<i32>} : memref<32768xf32, #tpu.memory_space<vmem>>, vector<16xf32>,
        tpu.vector_store %arg7[%parallel_loop3A_731], %parallel_loop3A_730 {strides = array<i32>} : memref<32768xf32, #tpu.memory_space<vmem>>, vector<16xf32>,
        %parallel_loop3A_733 = tpu.all_reduce %parallel_loop3A_718 {dim = 0 : i64, kind = #tpu.reduction_kind<sum>} : vector<16xi1> -> vector<16xi32>
        %parallel_loop3A_734 = arith.addi %parallel_loop3A_708, %parallel_loop3A_733 : vector<16xi32>
        scf.yield %parallel_loop3A_734 : vector<16xi32>
      } {sc.loop_unroll_factor = 8 : i64, sc.parallel_access}
    } else {
    }
    %dma_start3A_343 = arith.constant 0 : i32
    %dma_start3A_344 = tpu.memref_slice %arg5[%add3A_11, %dma_start3A_343] : memref<128x32768xf32, #tpu.memory_space<hbm>> -> memref<1x32768xf32, #tpu.memory_space<hbm>>
    %dma_start3A_345 = tpu.memref_squeeze %dma_start3A_344 : memref<1x32768xf32, #tpu.memory_space<hbm>> -> memref<32768xf32, #tpu.memory_space<hbm>>
    %dma_start3A_346 = arith.constant 0 : i32
    %dma_start3A_347 = tpu.memref_slice %arg5[%add3A_11, %dma_start3A_346] : memref<128x32768xf32, #tpu.memory_space<hbm>> -> memref<1x32768xf32, #tpu.memory_space<hbm>>
    %dma_start3A_348 = tpu.memref_squeeze %dma_start3A_347 : memref<1x32768xf32, #tpu.memory_space<hbm>> -> memref<32768xf32, #tpu.memory_space<hbm>>
    tpu.enqueue_dma source(%arg7 : memref<32768xf32, #tpu.memory_space<vmem>>) target(%dma_start3A_348 : memref<32768xf32, #tpu.memory_space<hbm>>) target_semaphore(%arg15 : memref<!tpu.dma_semaphore, #tpu.memory_space<semaphore_mem>>)
    %dma_wait3A_349 = arith.constant 0 : i32
    %dma_wait3A_350 = tpu.memref_slice %arg5[%add3A_11, %dma_wait3A_349] : memref<128x32768xf32, #tpu.memory_space<hbm>> -> memref<1x32768xf32, #tpu.memory_space<hbm>>
    %dma_wait3A_351 = tpu.memref_squeeze %dma_wait3A_350 : memref<1x32768xf32, #tpu.memory_space<hbm>> -> memref<32768xf32, #tpu.memory_space<hbm>>
    %dma_wait3A_352 = arith.constant 0 : i32
    %dma_wait3A_353 = tpu.memref_slice %arg5[%add3A_11, %dma_wait3A_352] : memref<128x32768xf32, #tpu.memory_space<hbm>> -> memref<1x32768xf32, #tpu.memory_space<hbm>>
    %dma_wait3A_354 = tpu.memref_squeeze %dma_wait3A_353 : memref<1x32768xf32, #tpu.memory_space<hbm>> -> memref<32768xf32, #tpu.memory_space<hbm>>
    tpu.wait_dma2 semaphore(%arg15 : memref<!tpu.dma_semaphore, #tpu.memory_space<semaphore_mem>>) src(%arg7 : memref<32768xf32, #tpu.memory_space<vmem>>) dst(%dma_wait3A_354 : memref<32768xf32, #tpu.memory_space<hbm>>)
    %dma_start3A_355 = arith.constant 0 : i32
    %dma_start3A_356 = tpu.memref_slice %arg2[%add3A_19, %dma_start3A_355] : memref<128x32768xf32, #tpu.memory_space<hbm>> -> memref<1x32768xf32, #tpu.memory_space<hbm>>
    %dma_start3A_357 = tpu.memref_squeeze %dma_start3A_356 : memref<1x32768xf32, #tpu.memory_space<hbm>> -> memref<32768xf32, #tpu.memory_space<hbm>>
    %dma_start3A_358 = arith.constant 0 : i32
    %dma_start3A_359 = tpu.memref_slice %arg2[%add3A_19, %dma_start3A_358] : memref<128x32768xf32, #tpu.memory_space<hbm>> -> memref<1x32768xf32, #tpu.memory_space<hbm>>
    %dma_start3A_360 = tpu.memref_squeeze %dma_start3A_359 : memref<1x32768xf32, #tpu.memory_space<hbm>> -> memref<32768xf32, #tpu.memory_space<hbm>>
    tpu.enqueue_dma source(%dma_start3A_360 : memref<32768xf32, #tpu.memory_space<hbm>>) target(%arg7 : memref<32768xf32, #tpu.memory_space<vmem>>) target_semaphore(%arg13 : memref<!tpu.dma_semaphore, #tpu.memory_space<semaphore_mem>>)
    %dma_wait3A_361 = arith.constant 0 : i32
    %dma_wait3A_362 = tpu.memref_slice %arg2[%add3A_15, %dma_wait3A_361] : memref<128x32768xf32, #tpu.memory_space<hbm>> -> memref<1x32768xf32, #tpu.memory_space<hbm>>
    %dma_wait3A_363 = tpu.memref_squeeze %dma_wait3A_362 : memref<1x32768xf32, #tpu.memory_space<hbm>> -> memref<32768xf32, #tpu.memory_space<hbm>>
    %dma_wait3A_364 = arith.constant 0 : i32
    %dma_wait3A_365 = tpu.memref_slice %arg2[%add3A_15, %dma_wait3A_364] : memref<128x32768xf32, #tpu.memory_space<hbm>> -> memref<1x32768xf32, #tpu.memory_space<hbm>>
    %dma_wait3A_366 = tpu.memref_squeeze %dma_wait3A_365 : memref<1x32768xf32, #tpu.memory_space<hbm>> -> memref<32768xf32, #tpu.memory_space<hbm>>
    tpu.wait_dma2 semaphore(%arg12 : memref<!tpu.dma_semaphore, #tpu.memory_space<semaphore_mem>>) src(%dma_wait3A_366 : memref<32768xf32, #tpu.memory_space<hbm>>) dst(%arg6 : memref<32768xf32, #tpu.memory_space<vmem>>)
    %jit3A_367 = arith.constant 16 : i32
    %div3A_368 = arith.divsi %add3A_15, %jit3A_367 : i32
    %sign3A_369 = arith.constant 0 : i32
    %sign3A_370 = arith.cmpi sgt, %add3A_15, %sign3A_369 : i32
    %sign3A_371 = arith.extui %sign3A_370 : i1 to i32
    %sign3A_372 = arith.constant 0 : i32
    %sign3A_373 = arith.cmpi slt, %add3A_15, %sign3A_372 : i32
    %sign3A_374 = arith.extui %sign3A_373 : i1 to i32
    %sign3A_375 = arith.subi %sign3A_371, %sign3A_374 : i32
    %sign3A_376 = arith.constant 0 : i32
    %sign3A_377 = arith.cmpi sgt, %jit3A_367, %sign3A_376 : i32
    %sign3A_378 = arith.extui %sign3A_377 : i1 to i32
    %sign3A_379 = arith.constant 0 : i32
    %sign3A_380 = arith.cmpi slt, %jit3A_367, %sign3A_379 : i32
    %sign3A_381 = arith.extui %sign3A_380 : i1 to i32
    %sign3A_382 = arith.subi %sign3A_378, %sign3A_381 : i32
    %ne3A_383 = arith.cmpi ne, %sign3A_375, %sign3A_382 : i32
    %rem3A_384 = arith.remsi %add3A_15, %jit3A_367 : i32
    %ne3A_385 = arith.constant 0 : i32
    %ne3A_386 = arith.cmpi ne, %rem3A_384, %ne3A_385 : i32
    %and3A_387 = arith.andi %ne3A_383, %ne3A_386 : i1
    %sub3A_388 = arith.constant 1 : i32
    %sub3A_389 = arith.subi %div3A_368, %sub3A_388 : i32
    %select_n3A_390 = arith.select %and3A_387, %sub3A_389, %div3A_368 : i32
    %mul3A_391 = arith.constant 16 : i32
    %mul3A_392 = arith.muli %select_n3A_390, %mul3A_391 : i32
    %multiple_of3A_393 = tpu.assume_multiple %mul3A_392, 16 : i32
    %iota3A_394 = tpu.iota {dimensions = array<i32: 0>} : vector<16xi32>
    %jit3A_395 = arith.constant 16 : i32
    %div3A_396 = arith.divsi %add3A_15, %jit3A_395 : i32
    %sign3A_397 = arith.constant 0 : i32
    %sign3A_398 = arith.cmpi sgt, %add3A_15, %sign3A_397 : i32
    %sign3A_399 = arith.extui %sign3A_398 : i1 to i32
    %sign3A_400 = arith.constant 0 : i32
    %sign3A_401 = arith.cmpi slt, %add3A_15, %sign3A_400 : i32
    %sign3A_402 = arith.extui %sign3A_401 : i1 to i32
    %sign3A_403 = arith.subi %sign3A_399, %sign3A_402 : i32
    %sign3A_404 = arith.constant 0 : i32
    %sign3A_405 = arith.cmpi sgt, %jit3A_395, %sign3A_404 : i32
    %sign3A_406 = arith.extui %sign3A_405 : i1 to i32
    %sign3A_407 = arith.constant 0 : i32
    %sign3A_408 = arith.cmpi slt, %jit3A_395, %sign3A_407 : i32
    %sign3A_409 = arith.extui %sign3A_408 : i1 to i32
    %sign3A_410 = arith.subi %sign3A_406, %sign3A_409 : i32
    %ne3A_411 = arith.cmpi ne, %sign3A_403, %sign3A_410 : i32
    %rem3A_412 = arith.remsi %add3A_15, %jit3A_395 : i32
    %ne3A_413 = arith.constant 0 : i32
    %ne3A_414 = arith.cmpi ne, %rem3A_412, %ne3A_413 : i32
    %and3A_415 = arith.andi %ne3A_411, %ne3A_414 : i1
    %sub3A_416 = arith.constant 1 : i32
    %sub3A_417 = arith.subi %div3A_396, %sub3A_416 : i32
    %select_n3A_418 = arith.select %and3A_415, %sub3A_417, %div3A_396 : i32
    %mul3A_419 = arith.constant 16 : i32
    %mul3A_420 = arith.muli %select_n3A_418, %mul3A_419 : i32
    %sub3A_421 = arith.subi %add3A_15, %mul3A_420 : i32
    %eq3A_422 = vector.broadcast %sub3A_421 : i32 to vector<16xi32>
    %eq3A_423 = arith.cmpi eq, %iota3A_394, %eq3A_422 : vector<16xi32>
    %get3A_424 = arith.index_cast %multiple_of3A_393 : i32 to index
    %get3A_425 = tpu.vector_load %arg10[%get3A_424] {strides = array<i32>} : memref<128xi32, #tpu.memory_space<vmem>>, vector<16xi32>,
    %jit3A_426 = arith.constant 0 : i32
    %broadcast_in_dim3A_427 = vector.broadcast %jit3A_426 : i32 to vector<16xi32>
    %select_n3A_428 = arith.select %eq3A_423, %get3A_425, %broadcast_in_dim3A_427 : vector<16xi1>, vector<16xi32>
    %reduce_sum3A_429 = arith.constant true
    %reduce_sum3A_430 = vector.broadcast %reduce_sum3A_429 : i1 to vector<16xi1>
    %reduce_sum3A_431 = tpu.scan <sum>, %select_n3A_428 masked %reduce_sum3A_430 : vector<16xi32>, vector<16xi1> -> vector<16xi32>
    %reduce_sum3A_432 = vector.extract %reduce_sum3A_431[15] : i32 from vector<16xi32>
    %broadcast_in_dim3A_433 = vector.broadcast %reduce_sum3A_432 : i32 to vector<16xi32>
    %get3A_434 = arith.index_cast %multiple_of3A_393 : i32 to index
    %get3A_435 = tpu.vector_load %arg11[%get3A_434] {strides = array<i32>} : memref<128xf32, #tpu.memory_space<vmem>>, vector<16xf32>,
    %jit3A_436 = arith.constant 0.000000e+00 : f32
    %broadcast_in_dim3A_437 = vector.broadcast %jit3A_436 : f32 to vector<16xf32>
    %select_n3A_438 = arith.select %eq3A_423, %get3A_435, %broadcast_in_dim3A_437 : vector<16xi1>, vector<16xf32>
    %reduce_sum3A_439 = arith.constant true
    %reduce_sum3A_440 = vector.broadcast %reduce_sum3A_439 : i1 to vector<16xi1>
    %reduce_sum3A_441 = tpu.scan <sum>, %select_n3A_438 masked %reduce_sum3A_440 : vector<16xf32>, vector<16xi1> -> vector<16xf32>
    %reduce_sum3A_442 = vector.extract %reduce_sum3A_441[15] : f32 from vector<16xf32>
    %broadcast_in_dim3A_443 = vector.broadcast %reduce_sum3A_442 : f32 to vector<16xf32>
    %iota3A_444 = tpu.iota {dimensions = array<i32: 0>} : vector<16xi32>
    %broadcast_in_dim3A_445 = arith.constant 1 : i32
    %broadcast_in_dim3A_446 = vector.broadcast %broadcast_in_dim3A_445 : i32 to vector<16xi32>
    %broadcast_in_dim3A_447 = arith.constant 0 : i32
    %broadcast_in_dim3A_448 = vector.broadcast %broadcast_in_dim3A_447 : i32 to vector<16xi32>
    %parallel_loop3A_449 = arith.constant 0 : i32
    %parallel_loop3A_450 = arith.constant 32768 : i32
    %parallel_loop3A_451 = arith.constant 16 : i32
    scf.for %parallel_loop3A_701 = %parallel_loop3A_449 to %parallel_loop3A_450 step %parallel_loop3A_451  : i32 {
      %parallel_loop3A_702 = tpu.assume_multiple %parallel_loop3A_701, 16 : i32
      %parallel_loop3A_703 = arith.index_cast %parallel_loop3A_702 : i32 to index
      %parallel_loop3A_704 = tpu.vector_load %arg6[%parallel_loop3A_703] {strides = array<i32>} : memref<32768xf32, #tpu.memory_space<vmem>>, vector<16xf32>,
      %parallel_loop3A_705 = tpu.bitcast %parallel_loop3A_704 : vector<16xf32> -> vector<16xi32>
      %parallel_loop3A_706 = arith.constant 31 : i32
      %parallel_loop3A_707 = vector.broadcast %parallel_loop3A_706 : i32 to vector<16xi32>
      %parallel_loop3A_708 = arith.shrsi %parallel_loop3A_705, %parallel_loop3A_707 : vector<16xi32>
      %parallel_loop3A_709 = arith.constant -2147483648 : i32
      %parallel_loop3A_710 = vector.broadcast %parallel_loop3A_709 : i32 to vector<16xi32>
      %parallel_loop3A_711 = arith.ori %parallel_loop3A_708, %parallel_loop3A_710 : vector<16xi32>
      %parallel_loop3A_712 = arith.xori %parallel_loop3A_705, %parallel_loop3A_711 : vector<16xi32>
      %parallel_loop3A_713 = arith.index_cast %parallel_loop3A_702 : i32 to index
      %parallel_loop3A_714 = tpu.vector_load %arg8[%parallel_loop3A_713] {strides = array<i32>} : memref<32768xi32, #tpu.memory_space<vmem>>, vector<16xi32>,
      tpu.vector_store %arg8[%parallel_loop3A_713], %parallel_loop3A_712 {strides = array<i32>} : memref<32768xi32, #tpu.memory_space<vmem>>, vector<16xi32>,
      %parallel_loop3A_715 = arith.constant 21 : i32
      %parallel_loop3A_716 = vector.broadcast %parallel_loop3A_715 : i32 to vector<16xi32>
      %parallel_loop3A_717 = arith.shrui %parallel_loop3A_712, %parallel_loop3A_716 : vector<16xi32>
      tpu.vector_store_idx %arg9[%parallel_loop3A_717], %broadcast_in_dim3A_446 {add = true} : memref<2048xi32, #tpu.memory_space<vmem>>[vector<16xi32>], vector<16xi32>,
    } {sc.loop_unroll_factor = 8 : i64, sc.parallel_access}
    %scan3A_452 = arith.constant 0 : i32
    %scan3A_453 = arith.constant 128 : i32
    %scan3A_454 = arith.addi %scan3A_452, %scan3A_453 : i32
    %scan3A_455 = arith.constant 1 : i32
    %scan3A_456:3 = scf.for %scan3A_701 = %scan3A_452 to %scan3A_454 step %scan3A_455 iter_args(%scan3A_702 = %broadcast_in_dim3A_448, %scan3A_703 = %broadcast_in_dim3A_448, %scan3A_704 = %broadcast_in_dim3A_448) -> (vector<16xi32>, vector<16xi32>, vector<16xi32>)  : i32 {
      %mul3A_705 = arith.constant 16 : i32
      %mul3A_706 = arith.muli %scan3A_701, %mul3A_705 : i32
      %multiple_of3A_707 = tpu.assume_multiple %mul3A_706, 16 : i32
      %get3A_708 = arith.index_cast %multiple_of3A_707 : i32 to index
      %get3A_709 = tpu.vector_load %arg9[%get3A_708] {strides = array<i32>} : memref<2048xi32, #tpu.memory_space<vmem>>, vector<16xi32>,
      %swap3A = arith.index_cast %multiple_of3A_707 : i32 to index
      %swap3A_710 = tpu.vector_load %arg9[%swap3A] {strides = array<i32>} : memref<2048xi32, #tpu.memory_space<vmem>>, vector<16xi32>,
      tpu.vector_store %arg9[%swap3A], %broadcast_in_dim3A_448 {strides = array<i32>} : memref<2048xi32, #tpu.memory_space<vmem>>, vector<16xi32>,
      %broadcast_in_dim3A_711 = arith.constant true
      %broadcast_in_dim3A_712 = vector.broadcast %broadcast_in_dim3A_711 : i1 to vector<16xi1>
      %masked_cumsum3A = tpu.scan <sum>, %get3A_709 masked %broadcast_in_dim3A_712 : vector<16xi32>, vector<16xi1> -> vector<16xi32>
      %add3A_713 = arith.addi %scan3A_702, %masked_cumsum3A : vector<16xi32>
      %lt3A = arith.cmpi slt, %add3A_713, %broadcast_in_dim3A_433 : vector<16xi32>
      %all_reduce_population_count3A = tpu.all_reduce %lt3A {dim = 0 : i64, kind = #tpu.reduction_kind<sum>} : vector<16xi1> -> vector<16xi32>
      %add3A_714 = arith.addi %scan3A_703, %all_reduce_population_count3A : vector<16xi32>
      %jit3A_715 = arith.constant 0 : i32
      %broadcast_in_dim3A_716 = vector.broadcast %jit3A_715 : i32 to vector<16xi32>
      %select_n3A_717 = arith.select %lt3A, %get3A_709, %broadcast_in_dim3A_716 : vector<16xi1>, vector<16xi32>
      %broadcast_in_dim3A_718 = arith.constant true
      %broadcast_in_dim3A_719 = vector.broadcast %broadcast_in_dim3A_718 : i1 to vector<16xi1>
      %masked_cumsum3A_720 = tpu.scan <sum>, %select_n3A_717 masked %broadcast_in_dim3A_719 : vector<16xi32>, vector<16xi1> -> vector<16xi32>
      %rev3A = arith.constant 15 : i32
      %rev3A_721 = vector.broadcast %rev3A : i32 to vector<16xi32>
      %rev3A_722 = tpu.iota {dimensions = array<i32: 0>} : vector<16xi32>
      %rev3A_723 = arith.subi %rev3A_721, %rev3A_722 : vector<16xi32>
      %rev3A_724 = tpu.dynamic_gather %select_n3A_717[%rev3A_723] in [0] : vector<16xi32>, vector<16xi32> -> vector<16xi32>
      %broadcast_in_dim3A_725 = arith.constant true
      %broadcast_in_dim3A_726 = vector.broadcast %broadcast_in_dim3A_725 : i1 to vector<16xi1>
      %masked_cumsum3A_727 = tpu.scan <sum>, %rev3A_724 masked %broadcast_in_dim3A_726 : vector<16xi32>, vector<16xi1> -> vector<16xi32>
      %rev3A_728 = arith.constant 15 : i32
      %rev3A_729 = vector.broadcast %rev3A_728 : i32 to vector<16xi32>
      %rev3A_730 = tpu.iota {dimensions = array<i32: 0>} : vector<16xi32>
      %rev3A_731 = arith.subi %rev3A_729, %rev3A_730 : vector<16xi32>
      %rev3A_732 = tpu.dynamic_gather %masked_cumsum3A_727[%rev3A_731] in [0] : vector<16xi32>, vector<16xi32> -> vector<16xi32>
      %add3A_733 = arith.addi %masked_cumsum3A_720, %rev3A_732 : vector<16xi32>
      %sub3A_734 = arith.subi %add3A_733, %select_n3A_717 : vector<16xi32>
      %add3A_735 = arith.addi %scan3A_704, %sub3A_734 : vector<16xi32>
      %broadcast_in_dim3A_736 = arith.constant true
      %broadcast_in_dim3A_737 = vector.broadcast %broadcast_in_dim3A_736 : i1 to vector<16xi1>
      %masked_cumsum3A_738 = tpu.scan <sum>, %get3A_709 masked %broadcast_in_dim3A_737 : vector<16xi32>, vector<16xi1> -> vector<16xi32>
      %rev3A_739 = arith.constant 15 : i32
      %rev3A_740 = vector.broadcast %rev3A_739 : i32 to vector<16xi32>
      %rev3A_741 = tpu.iota {dimensions = array<i32: 0>} : vector<16xi32>
      %rev3A_742 = arith.subi %rev3A_740, %rev3A_741 : vector<16xi32>
      %rev3A_743 = tpu.dynamic_gather %get3A_709[%rev3A_742] in [0] : vector<16xi32>, vector<16xi32> -> vector<16xi32>
      %broadcast_in_dim3A_744 = arith.constant true
      %broadcast_in_dim3A_745 = vector.broadcast %broadcast_in_dim3A_744 : i1 to vector<16xi1>
      %masked_cumsum3A_746 = tpu.scan <sum>, %rev3A_743 masked %broadcast_in_dim3A_745 : vector<16xi32>, vector<16xi1> -> vector<16xi32>
      %rev3A_747 = arith.constant 15 : i32
      %rev3A_748 = vector.broadcast %rev3A_747 : i32 to vector<16xi32>
      %rev3A_749 = tpu.iota {dimensions = array<i32: 0>} : vector<16xi32>
      %rev3A_750 = arith.subi %rev3A_748, %rev3A_749 : vector<16xi32>
      %rev3A_751 = tpu.dynamic_gather %masked_cumsum3A_746[%rev3A_750] in [0] : vector<16xi32>, vector<16xi32> -> vector<16xi32>
      %add3A_752 = arith.addi %masked_cumsum3A_738, %rev3A_751 : vector<16xi32>
      %sub3A_753 = arith.subi %add3A_752, %get3A_709 : vector<16xi32>
      %add3A_754 = arith.addi %scan3A_702, %sub3A_753 : vector<16xi32>
      scf.yield %add3A_754, %add3A_714, %add3A_735 : vector<16xi32>, vector<16xi32>, vector<16xi32>
    }
    %scan3A_457 = arith.constant 128 : i32
    %sub3A_458 = arith.subi %broadcast_in_dim3A_433, %scan3A_456#2 : vector<16xi32>
    %shift_left3A_459 = arith.constant 21 : i32
    %shift_left3A_460 = vector.broadcast %shift_left3A_459 : i32 to vector<16xi32>
    %shift_left3A_461 = arith.shli %scan3A_456#1, %shift_left3A_460 : vector<16xi32>
    %shift_right_logical3A_462 = arith.constant 21 : i32
    %shift_right_logical3A_463 = vector.broadcast %shift_right_logical3A_462 : i32 to vector<16xi32>
    %shift_right_logical3A_464 = arith.shrui %shift_left3A_461, %shift_right_logical3A_463 : vector<16xi32>
    %parallel_loop3A_465 = arith.constant 0 : i32
    %parallel_loop3A_466 = arith.constant 32768 : i32
    %parallel_loop3A_467 = arith.constant 16 : i32
    scf.for %parallel_loop3A_701 = %parallel_loop3A_465 to %parallel_loop3A_466 step %parallel_loop3A_467  : i32 {
      %parallel_loop3A_702 = tpu.assume_multiple %parallel_loop3A_701, 16 : i32
      %parallel_loop3A_703 = arith.index_cast %parallel_loop3A_702 : i32 to index
      %parallel_loop3A_704 = tpu.vector_load %arg8[%parallel_loop3A_703] {strides = array<i32>} : memref<32768xi32, #tpu.memory_space<vmem>>, vector<16xi32>,
      %parallel_loop3A_705 = arith.constant 21 : i32
      %parallel_loop3A_706 = vector.broadcast %parallel_loop3A_705 : i32 to vector<16xi32>
      %parallel_loop3A_707 = arith.shrui %parallel_loop3A_704, %parallel_loop3A_706 : vector<16xi32>
      %parallel_loop3A_708 = arith.cmpi eq, %parallel_loop3A_707, %shift_right_logical3A_464 : vector<16xi32>
      %parallel_loop3A_709 = arith.constant 10 : i32
      %parallel_loop3A_710 = vector.broadcast %parallel_loop3A_709 : i32 to vector<16xi32>
      %parallel_loop3A_711 = arith.shrui %parallel_loop3A_704, %parallel_loop3A_710 : vector<16xi32>
      %parallel_loop3A_712 = arith.constant 2047 : i32
      %parallel_loop3A_713 = vector.broadcast %parallel_loop3A_712 : i32 to vector<16xi32>
      %parallel_loop3A_714 = arith.andi %parallel_loop3A_711, %parallel_loop3A_713 : vector<16xi32>
      tpu.vector_store_idx %arg9[%parallel_loop3A_714], %broadcast_in_dim3A_446 masked %parallel_loop3A_708 {add = true} : memref<2048xi32, #tpu.memory_space<vmem>>[vector<16xi32>], vector<16xi32>, vector<16xi1>
    } {sc.loop_unroll_factor = 8 : i64, sc.parallel_access}
    %scan3A_468 = arith.constant 0 : i32
    %scan3A_469 = arith.constant 128 : i32
    %scan3A_470 = arith.addi %scan3A_468, %scan3A_469 : i32
    %scan3A_471 = arith.constant 1 : i32
    %scan3A_472:3 = scf.for %scan3A_701 = %scan3A_468 to %scan3A_470 step %scan3A_471 iter_args(%scan3A_702 = %broadcast_in_dim3A_448, %scan3A_703 = %broadcast_in_dim3A_448, %scan3A_704 = %broadcast_in_dim3A_448) -> (vector<16xi32>, vector<16xi32>, vector<16xi32>)  : i32 {
      %mul3A_705 = arith.constant 16 : i32
      %mul3A_706 = arith.muli %scan3A_701, %mul3A_705 : i32
      %multiple_of3A_707 = tpu.assume_multiple %mul3A_706, 16 : i32
      %get3A_708 = arith.index_cast %multiple_of3A_707 : i32 to index
      %get3A_709 = tpu.vector_load %arg9[%get3A_708] {strides = array<i32>} : memref<2048xi32, #tpu.memory_space<vmem>>, vector<16xi32>,
      %swap3A = arith.index_cast %multiple_of3A_707 : i32 to index
      %swap3A_710 = tpu.vector_load %arg9[%swap3A] {strides = array<i32>} : memref<2048xi32, #tpu.memory_space<vmem>>, vector<16xi32>,
      tpu.vector_store %arg9[%swap3A], %broadcast_in_dim3A_448 {strides = array<i32>} : memref<2048xi32, #tpu.memory_space<vmem>>, vector<16xi32>,
      %broadcast_in_dim3A_711 = arith.constant true
      %broadcast_in_dim3A_712 = vector.broadcast %broadcast_in_dim3A_711 : i1 to vector<16xi1>
      %masked_cumsum3A = tpu.scan <sum>, %get3A_709 masked %broadcast_in_dim3A_712 : vector<16xi32>, vector<16xi1> -> vector<16xi32>
      %add3A_713 = arith.addi %scan3A_702, %masked_cumsum3A : vector<16xi32>
      %lt3A = arith.cmpi slt, %add3A_713, %sub3A_458 : vector<16xi32>
      %all_reduce_population_count3A = tpu.all_reduce %lt3A {dim = 0 : i64, kind = #tpu.reduction_kind<sum>} : vector<16xi1> -> vector<16xi32>
      %add3A_714 = arith.addi %scan3A_703, %all_reduce_population_count3A : vector<16xi32>
      %jit3A_715 = arith.constant 0 : i32
      %broadcast_in_dim3A_716 = vector.broadcast %jit3A_715 : i32 to vector<16xi32>
      %select_n3A_717 = arith.select %lt3A, %get3A_709, %broadcast_in_dim3A_716 : vector<16xi1>, vector<16xi32>
      %broadcast_in_dim3A_718 = arith.constant true
      %broadcast_in_dim3A_719 = vector.broadcast %broadcast_in_dim3A_718 : i1 to vector<16xi1>
      %masked_cumsum3A_720 = tpu.scan <sum>, %select_n3A_717 masked %broadcast_in_dim3A_719 : vector<16xi32>, vector<16xi1> -> vector<16xi32>
      %rev3A = arith.constant 15 : i32
      %rev3A_721 = vector.broadcast %rev3A : i32 to vector<16xi32>
      %rev3A_722 = tpu.iota {dimensions = array<i32: 0>} : vector<16xi32>
      %rev3A_723 = arith.subi %rev3A_721, %rev3A_722 : vector<16xi32>
      %rev3A_724 = tpu.dynamic_gather %select_n3A_717[%rev3A_723] in [0] : vector<16xi32>, vector<16xi32> -> vector<16xi32>
      %broadcast_in_dim3A_725 = arith.constant true
      %broadcast_in_dim3A_726 = vector.broadcast %broadcast_in_dim3A_725 : i1 to vector<16xi1>
      %masked_cumsum3A_727 = tpu.scan <sum>, %rev3A_724 masked %broadcast_in_dim3A_726 : vector<16xi32>, vector<16xi1> -> vector<16xi32>
      %rev3A_728 = arith.constant 15 : i32
      %rev3A_729 = vector.broadcast %rev3A_728 : i32 to vector<16xi32>
      %rev3A_730 = tpu.iota {dimensions = array<i32: 0>} : vector<16xi32>
      %rev3A_731 = arith.subi %rev3A_729, %rev3A_730 : vector<16xi32>
      %rev3A_732 = tpu.dynamic_gather %masked_cumsum3A_727[%rev3A_731] in [0] : vector<16xi32>, vector<16xi32> -> vector<16xi32>
      %add3A_733 = arith.addi %masked_cumsum3A_720, %rev3A_732 : vector<16xi32>
      %sub3A_734 = arith.subi %add3A_733, %select_n3A_717 : vector<16xi32>
      %add3A_735 = arith.addi %scan3A_704, %sub3A_734 : vector<16xi32>
      %broadcast_in_dim3A_736 = arith.constant true
      %broadcast_in_dim3A_737 = vector.broadcast %broadcast_in_dim3A_736 : i1 to vector<16xi1>
      %masked_cumsum3A_738 = tpu.scan <sum>, %get3A_709 masked %broadcast_in_dim3A_737 : vector<16xi32>, vector<16xi1> -> vector<16xi32>
      %rev3A_739 = arith.constant 15 : i32
      %rev3A_740 = vector.broadcast %rev3A_739 : i32 to vector<16xi32>
      %rev3A_741 = tpu.iota {dimensions = array<i32: 0>} : vector<16xi32>
      %rev3A_742 = arith.subi %rev3A_740, %rev3A_741 : vector<16xi32>
      %rev3A_743 = tpu.dynamic_gather %get3A_709[%rev3A_742] in [0] : vector<16xi32>, vector<16xi32> -> vector<16xi32>
      %broadcast_in_dim3A_744 = arith.constant true
      %broadcast_in_dim3A_745 = vector.broadcast %broadcast_in_dim3A_744 : i1 to vector<16xi1>
      %masked_cumsum3A_746 = tpu.scan <sum>, %rev3A_743 masked %broadcast_in_dim3A_745 : vector<16xi32>, vector<16xi1> -> vector<16xi32>
      %rev3A_747 = arith.constant 15 : i32
      %rev3A_748 = vector.broadcast %rev3A_747 : i32 to vector<16xi32>
      %rev3A_749 = tpu.iota {dimensions = array<i32: 0>} : vector<16xi32>
      %rev3A_750 = arith.subi %rev3A_748, %rev3A_749 : vector<16xi32>
      %rev3A_751 = tpu.dynamic_gather %masked_cumsum3A_746[%rev3A_750] in [0] : vector<16xi32>, vector<16xi32> -> vector<16xi32>
      %add3A_752 = arith.addi %masked_cumsum3A_738, %rev3A_751 : vector<16xi32>
      %sub3A_753 = arith.subi %add3A_752, %get3A_709 : vector<16xi32>
      %add3A_754 = arith.addi %scan3A_702, %sub3A_753 : vector<16xi32>
      scf.yield %add3A_754, %add3A_714, %add3A_735 : vector<16xi32>, vector<16xi32>, vector<16xi32>
    }
    %scan3A_473 = arith.constant 128 : i32
    %sub3A_474 = arith.subi %sub3A_458, %scan3A_472#2 : vector<16xi32>
    %shift_left3A_475 = arith.constant 10 : i32
    %shift_left3A_476 = vector.broadcast %shift_left3A_475 : i32 to vector<16xi32>
    %shift_left3A_477 = arith.shli %scan3A_472#1, %shift_left3A_476 : vector<16xi32>
    %or3A_478 = arith.ori %shift_left3A_461, %shift_left3A_477 : vector<16xi32>
    %shift_right_logical3A_479 = arith.constant 10 : i32
    %shift_right_logical3A_480 = vector.broadcast %shift_right_logical3A_479 : i32 to vector<16xi32>
    %shift_right_logical3A_481 = arith.shrui %or3A_478, %shift_right_logical3A_480 : vector<16xi32>
    %parallel_loop3A_482 = arith.constant 0 : i32
    %parallel_loop3A_483 = arith.constant 32768 : i32
    %parallel_loop3A_484 = arith.constant 16 : i32
    scf.for %parallel_loop3A_701 = %parallel_loop3A_482 to %parallel_loop3A_483 step %parallel_loop3A_484  : i32 {
      %parallel_loop3A_702 = tpu.assume_multiple %parallel_loop3A_701, 16 : i32
      %parallel_loop3A_703 = arith.index_cast %parallel_loop3A_702 : i32 to index
      %parallel_loop3A_704 = tpu.vector_load %arg8[%parallel_loop3A_703] {strides = array<i32>} : memref<32768xi32, #tpu.memory_space<vmem>>, vector<16xi32>,
      %parallel_loop3A_705 = arith.constant 10 : i32
      %parallel_loop3A_706 = vector.broadcast %parallel_loop3A_705 : i32 to vector<16xi32>
      %parallel_loop3A_707 = arith.shrui %parallel_loop3A_704, %parallel_loop3A_706 : vector<16xi32>
      %parallel_loop3A_708 = arith.cmpi eq, %parallel_loop3A_707, %shift_right_logical3A_481 : vector<16xi32>
      %parallel_loop3A_709 = arith.constant 0 : i32
      %parallel_loop3A_710 = vector.broadcast %parallel_loop3A_709 : i32 to vector<16xi32>
      %parallel_loop3A_711 = arith.shrui %parallel_loop3A_704, %parallel_loop3A_710 : vector<16xi32>
      %parallel_loop3A_712 = arith.constant 1023 : i32
      %parallel_loop3A_713 = vector.broadcast %parallel_loop3A_712 : i32 to vector<16xi32>
      %parallel_loop3A_714 = arith.andi %parallel_loop3A_711, %parallel_loop3A_713 : vector<16xi32>
      tpu.vector_store_idx %arg9[%parallel_loop3A_714], %broadcast_in_dim3A_446 masked %parallel_loop3A_708 {add = true} : memref<2048xi32, #tpu.memory_space<vmem>>[vector<16xi32>], vector<16xi32>, vector<16xi1>
    } {sc.loop_unroll_factor = 8 : i64, sc.parallel_access}
    %scan3A_485 = arith.constant 0 : i32
    %scan3A_486 = arith.constant 64 : i32
    %scan3A_487 = arith.addi %scan3A_485, %scan3A_486 : i32
    %scan3A_488 = arith.constant 1 : i32
    %scan3A_489:4 = scf.for %scan3A_701 = %scan3A_485 to %scan3A_487 step %scan3A_488 iter_args(%scan3A_702 = %broadcast_in_dim3A_448, %scan3A_703 = %broadcast_in_dim3A_448, %scan3A_704 = %broadcast_in_dim3A_448, %scan3A_705 = %broadcast_in_dim3A_448) -> (vector<16xi32>, vector<16xi32>, vector<16xi32>, vector<16xi32>)  : i32 {
      %mul3A_706 = arith.constant 16 : i32
      %mul3A_707 = arith.muli %scan3A_701, %mul3A_706 : i32
      %multiple_of3A_708 = tpu.assume_multiple %mul3A_707, 16 : i32
      %get3A_709 = arith.index_cast %multiple_of3A_708 : i32 to index
      %get3A_710 = tpu.vector_load %arg9[%get3A_709] {strides = array<i32>} : memref<2048xi32, #tpu.memory_space<vmem>>, vector<16xi32>,
      %swap3A = arith.index_cast %multiple_of3A_708 : i32 to index
      %swap3A_711 = tpu.vector_load %arg9[%swap3A] {strides = array<i32>} : memref<2048xi32, #tpu.memory_space<vmem>>, vector<16xi32>,
      tpu.vector_store %arg9[%swap3A], %broadcast_in_dim3A_448 {strides = array<i32>} : memref<2048xi32, #tpu.memory_space<vmem>>, vector<16xi32>,
      %broadcast_in_dim3A_712 = arith.constant true
      %broadcast_in_dim3A_713 = vector.broadcast %broadcast_in_dim3A_712 : i1 to vector<16xi1>
      %masked_cumsum3A = tpu.scan <sum>, %get3A_710 masked %broadcast_in_dim3A_713 : vector<16xi32>, vector<16xi1> -> vector<16xi32>
      %add3A_714 = arith.addi %scan3A_702, %masked_cumsum3A : vector<16xi32>
      %lt3A = arith.cmpi slt, %add3A_714, %sub3A_474 : vector<16xi32>
      %all_reduce_population_count3A = tpu.all_reduce %lt3A {dim = 0 : i64, kind = #tpu.reduction_kind<sum>} : vector<16xi1> -> vector<16xi32>
      %add3A_715 = arith.addi %scan3A_703, %all_reduce_population_count3A : vector<16xi32>
      %jit3A_716 = arith.constant 0 : i32
      %broadcast_in_dim3A_717 = vector.broadcast %jit3A_716 : i32 to vector<16xi32>
      %select_n3A_718 = arith.select %lt3A, %get3A_710, %broadcast_in_dim3A_717 : vector<16xi1>, vector<16xi32>
      %broadcast_in_dim3A_719 = arith.constant true
      %broadcast_in_dim3A_720 = vector.broadcast %broadcast_in_dim3A_719 : i1 to vector<16xi1>
      %masked_cumsum3A_721 = tpu.scan <sum>, %select_n3A_718 masked %broadcast_in_dim3A_720 : vector<16xi32>, vector<16xi1> -> vector<16xi32>
      %rev3A = arith.constant 15 : i32
      %rev3A_722 = vector.broadcast %rev3A : i32 to vector<16xi32>
      %rev3A_723 = tpu.iota {dimensions = array<i32: 0>} : vector<16xi32>
      %rev3A_724 = arith.subi %rev3A_722, %rev3A_723 : vector<16xi32>
      %rev3A_725 = tpu.dynamic_gather %select_n3A_718[%rev3A_724] in [0] : vector<16xi32>, vector<16xi32> -> vector<16xi32>
      %broadcast_in_dim3A_726 = arith.constant true
      %broadcast_in_dim3A_727 = vector.broadcast %broadcast_in_dim3A_726 : i1 to vector<16xi1>
      %masked_cumsum3A_728 = tpu.scan <sum>, %rev3A_725 masked %broadcast_in_dim3A_727 : vector<16xi32>, vector<16xi1> -> vector<16xi32>
      %rev3A_729 = arith.constant 15 : i32
      %rev3A_730 = vector.broadcast %rev3A_729 : i32 to vector<16xi32>
      %rev3A_731 = tpu.iota {dimensions = array<i32: 0>} : vector<16xi32>
      %rev3A_732 = arith.subi %rev3A_730, %rev3A_731 : vector<16xi32>
      %rev3A_733 = tpu.dynamic_gather %masked_cumsum3A_728[%rev3A_732] in [0] : vector<16xi32>, vector<16xi32> -> vector<16xi32>
      %add3A_734 = arith.addi %masked_cumsum3A_721, %rev3A_733 : vector<16xi32>
      %sub3A_735 = arith.subi %add3A_734, %select_n3A_718 : vector<16xi32>
      %add3A_736 = arith.addi %scan3A_704, %sub3A_735 : vector<16xi32>
      %add3A_737 = arith.addi %scan3A_702, %masked_cumsum3A : vector<16xi32>
      %sub3A_738 = arith.subi %add3A_737, %get3A_710 : vector<16xi32>
      %lt3A_739 = arith.cmpi slt, %sub3A_738, %sub3A_474 : vector<16xi32>
      %jit3A_740 = arith.constant 0 : i32
      %broadcast_in_dim3A_741 = vector.broadcast %jit3A_740 : i32 to vector<16xi32>
      %select_n3A_742 = arith.select %lt3A_739, %get3A_710, %broadcast_in_dim3A_741 : vector<16xi1>, vector<16xi32>
      %broadcast_in_dim3A_743 = arith.constant true
      %broadcast_in_dim3A_744 = vector.broadcast %broadcast_in_dim3A_743 : i1 to vector<16xi1>
      %masked_cumsum3A_745 = tpu.scan <sum>, %select_n3A_742 masked %broadcast_in_dim3A_744 : vector<16xi32>, vector<16xi1> -> vector<16xi32>
      %rev3A_746 = arith.constant 15 : i32
      %rev3A_747 = vector.broadcast %rev3A_746 : i32 to vector<16xi32>
      %rev3A_748 = tpu.iota {dimensions = array<i32: 0>} : vector<16xi32>
      %rev3A_749 = arith.subi %rev3A_747, %rev3A_748 : vector<16xi32>
      %rev3A_750 = tpu.dynamic_gather %select_n3A_742[%rev3A_749] in [0] : vector<16xi32>, vector<16xi32> -> vector<16xi32>
      %broadcast_in_dim3A_751 = arith.constant true
      %broadcast_in_dim3A_752 = vector.broadcast %broadcast_in_dim3A_751 : i1 to vector<16xi1>
      %masked_cumsum3A_753 = tpu.scan <sum>, %rev3A_750 masked %broadcast_in_dim3A_752 : vector<16xi32>, vector<16xi1> -> vector<16xi32>
      %rev3A_754 = arith.constant 15 : i32
      %rev3A_755 = vector.broadcast %rev3A_754 : i32 to vector<16xi32>
      %rev3A_756 = tpu.iota {dimensions = array<i32: 0>} : vector<16xi32>
      %rev3A_757 = arith.subi %rev3A_755, %rev3A_756 : vector<16xi32>
      %rev3A_758 = tpu.dynamic_gather %masked_cumsum3A_753[%rev3A_757] in [0] : vector<16xi32>, vector<16xi32> -> vector<16xi32>
      %add3A_759 = arith.addi %masked_cumsum3A_745, %rev3A_758 : vector<16xi32>
      %sub3A_760 = arith.subi %add3A_759, %select_n3A_742 : vector<16xi32>
      %add3A_761 = arith.addi %scan3A_705, %sub3A_760 : vector<16xi32>
      %broadcast_in_dim3A_762 = arith.constant true
      %broadcast_in_dim3A_763 = vector.broadcast %broadcast_in_dim3A_762 : i1 to vector<16xi1>
      %masked_cumsum3A_764 = tpu.scan <sum>, %get3A_710 masked %broadcast_in_dim3A_763 : vector<16xi32>, vector<16xi1> -> vector<16xi32>
      %rev3A_765 = arith.constant 15 : i32
      %rev3A_766 = vector.broadcast %rev3A_765 : i32 to vector<16xi32>
      %rev3A_767 = tpu.iota {dimensions = array<i32: 0>} : vector<16xi32>
      %rev3A_768 = arith.subi %rev3A_766, %rev3A_767 : vector<16xi32>
      %rev3A_769 = tpu.dynamic_gather %get3A_710[%rev3A_768] in [0] : vector<16xi32>, vector<16xi32> -> vector<16xi32>
      %broadcast_in_dim3A_770 = arith.constant true
      %broadcast_in_dim3A_771 = vector.broadcast %broadcast_in_dim3A_770 : i1 to vector<16xi1>
      %masked_cumsum3A_772 = tpu.scan <sum>, %rev3A_769 masked %broadcast_in_dim3A_771 : vector<16xi32>, vector<16xi1> -> vector<16xi32>
      %rev3A_773 = arith.constant 15 : i32
      %rev3A_774 = vector.broadcast %rev3A_773 : i32 to vector<16xi32>
      %rev3A_775 = tpu.iota {dimensions = array<i32: 0>} : vector<16xi32>
      %rev3A_776 = arith.subi %rev3A_774, %rev3A_775 : vector<16xi32>
      %rev3A_777 = tpu.dynamic_gather %masked_cumsum3A_772[%rev3A_776] in [0] : vector<16xi32>, vector<16xi32> -> vector<16xi32>
      %add3A_778 = arith.addi %masked_cumsum3A_764, %rev3A_777 : vector<16xi32>
      %sub3A_779 = arith.subi %add3A_778, %get3A_710 : vector<16xi32>
      %add3A_780 = arith.addi %scan3A_702, %sub3A_779 : vector<16xi32>
      scf.yield %add3A_780, %add3A_715, %add3A_736, %add3A_761 : vector<16xi32>, vector<16xi32>, vector<16xi32>, vector<16xi32>
    }
    %scan3A_490 = arith.constant 64 : i32
    %sub3A_491 = arith.subi %scan3A_489#3, %scan3A_489#2 : vector<16xi32>
    %sub3A_492 = arith.subi %sub3A_474, %scan3A_489#2 : vector<16xi32>
    %shift_left3A_493 = arith.constant 0 : i32
    %shift_left3A_494 = vector.broadcast %shift_left3A_493 : i32 to vector<16xi32>
    %shift_left3A_495 = arith.shli %scan3A_489#1, %shift_left3A_494 : vector<16xi32>
    %or3A_496 = arith.ori %or3A_478, %shift_left3A_495 : vector<16xi32>
    %xor3A_497 = arith.constant -2147483648 : i32
    %xor3A_498 = vector.broadcast %xor3A_497 : i32 to vector<16xi32>
    %xor3A_499 = arith.xori %or3A_496, %xor3A_498 : vector<16xi32>
    %eq3A_500 = arith.constant 0 : i32
    %eq3A_501 = vector.broadcast %eq3A_500 : i32 to vector<16xi32>
    %eq3A_502 = arith.cmpi eq, %iota3A_444, %eq3A_501 : vector<16xi32>
    %sub3A_503 = arith.subi %sub3A_492, %sub3A_491 : vector<16xi32>
    %select_n3A_504 = arith.select %eq3A_502, %sub3A_503, %broadcast_in_dim3A_448 : vector<16xi1>, vector<16xi32>
    %reduce_sum3A_505 = arith.constant true
    %reduce_sum3A_506 = vector.broadcast %reduce_sum3A_505 : i1 to vector<16xi1>
    %reduce_sum3A_507 = tpu.scan <sum>, %select_n3A_504 masked %reduce_sum3A_506 : vector<16xi32>, vector<16xi1> -> vector<16xi32>
    %reduce_sum3A_508 = vector.extract %reduce_sum3A_507[15] : i32 from vector<16xi32>
    %eq3A_509 = arith.constant 0 : i32
    %eq3A_510 = arith.cmpi eq, %reduce_sum3A_508, %eq3A_509 : i32
    %convert_element_type3A_511 = arith.extui %eq3A_510 : i1 to i32
    %cond3A_512 = arith.constant 0 : i32
    %cond3A_513 = arith.cmpi ne, %convert_element_type3A_511, %cond3A_512 : i32
    scf.if %cond3A_513 {
      %parallel_loop3A_701 = arith.constant 0 : i32
      %parallel_loop3A_702 = arith.constant 32768 : i32
      %parallel_loop3A_703 = arith.constant 16 : i32
      scf.for %parallel_loop3A_704 = %parallel_loop3A_701 to %parallel_loop3A_702 step %parallel_loop3A_703  : i32 {
        %parallel_loop3A_705 = tpu.assume_multiple %parallel_loop3A_704, 16 : i32
        %parallel_loop3A_706 = arith.index_cast %parallel_loop3A_705 : i32 to index
        %parallel_loop3A_707 = tpu.vector_load %arg8[%parallel_loop3A_706] {strides = array<i32>} : memref<32768xi32, #tpu.memory_space<vmem>>, vector<16xi32>,
        %parallel_loop3A_708 = arith.index_cast %parallel_loop3A_705 : i32 to index
        %parallel_loop3A_709 = tpu.vector_load %arg6[%parallel_loop3A_708] {strides = array<i32>} : memref<32768xf32, #tpu.memory_space<vmem>>, vector<16xf32>,
        %parallel_loop3A_710 = arith.constant -2147483648 : i32
        %parallel_loop3A_711 = vector.broadcast %parallel_loop3A_710 : i32 to vector<16xi32>
        %parallel_loop3A_712 = arith.xori %parallel_loop3A_707, %parallel_loop3A_711 : vector<16xi32>
        %parallel_loop3A_713 = arith.cmpi sle, %parallel_loop3A_712, %xor3A_499 : vector<16xi32>
        %parallel_loop3A_714 = arith.mulf %parallel_loop3A_709, %broadcast_in_dim3A_443 : vector<16xf32>
        %parallel_loop3A_715 = arith.constant 0.000000e+00 : f32
        %parallel_loop3A_716 = vector.broadcast %parallel_loop3A_715 : f32 to vector<16xf32>
        %parallel_loop3A_717 = arith.select %parallel_loop3A_713, %parallel_loop3A_714, %parallel_loop3A_716 : vector<16xi1>, vector<16xf32>
        %parallel_loop3A_718 = arith.index_cast %parallel_loop3A_705 : i32 to index
        %parallel_loop3A_719 = tpu.vector_load %arg6[%parallel_loop3A_718] {strides = array<i32>} : memref<32768xf32, #tpu.memory_space<vmem>>, vector<16xf32>,
        tpu.vector_store %arg6[%parallel_loop3A_718], %parallel_loop3A_717 {strides = array<i32>} : memref<32768xf32, #tpu.memory_space<vmem>>, vector<16xf32>,
      } {sc.loop_unroll_factor = 8 : i64, sc.parallel_access}
    } else {
    }
    %not3A_514 = arith.constant true
    %not3A_515 = arith.xori %eq3A_510, %not3A_514 : i1
    %convert_element_type3A_516 = arith.extui %not3A_515 : i1 to i32
    %cond3A_517 = arith.constant 0 : i32
    %cond3A_518 = arith.cmpi ne, %convert_element_type3A_516, %cond3A_517 : i32
    scf.if %cond3A_518 {
      %broadcast_in_dim3A_701 = arith.constant 0 : i32
      %broadcast_in_dim3A_702 = vector.broadcast %broadcast_in_dim3A_701 : i32 to vector<16xi32>
      %parallel_loop3A_703 = arith.constant 0 : i32
      %parallel_loop3A_704 = arith.constant 32768 : i32
      %parallel_loop3A_705 = arith.constant 16 : i32
      %parallel_loop3A_706 = scf.for %parallel_loop3A_707 = %parallel_loop3A_703 to %parallel_loop3A_704 step %parallel_loop3A_705 iter_args(%parallel_loop3A_708 = %broadcast_in_dim3A_702) -> (vector<16xi32>)  : i32 {
        %parallel_loop3A_709 = tpu.assume_multiple %parallel_loop3A_707, 16 : i32
        %parallel_loop3A_710 = arith.index_cast %parallel_loop3A_709 : i32 to index
        %parallel_loop3A_711 = tpu.vector_load %arg8[%parallel_loop3A_710] {strides = array<i32>} : memref<32768xi32, #tpu.memory_space<vmem>>, vector<16xi32>,
        %parallel_loop3A_712 = arith.index_cast %parallel_loop3A_709 : i32 to index
        %parallel_loop3A_713 = tpu.vector_load %arg6[%parallel_loop3A_712] {strides = array<i32>} : memref<32768xf32, #tpu.memory_space<vmem>>, vector<16xf32>,
        %parallel_loop3A_714 = arith.constant -2147483648 : i32
        %parallel_loop3A_715 = vector.broadcast %parallel_loop3A_714 : i32 to vector<16xi32>
        %parallel_loop3A_716 = arith.xori %parallel_loop3A_711, %parallel_loop3A_715 : vector<16xi32>
        %parallel_loop3A_717 = arith.cmpi slt, %parallel_loop3A_716, %xor3A_499 : vector<16xi32>
        %parallel_loop3A_718 = arith.cmpi eq, %parallel_loop3A_711, %or3A_496 : vector<16xi32>
        %parallel_loop3A_719 = arith.extui %parallel_loop3A_718 : vector<16xi1> to vector<16xi32>
        %parallel_loop3A_720 = arith.constant true
        %parallel_loop3A_721 = vector.broadcast %parallel_loop3A_720 : i1 to vector<16xi1>
        %parallel_loop3A_722 = tpu.scan <sum>, %parallel_loop3A_719 masked %parallel_loop3A_721 : vector<16xi32>, vector<16xi1> -> vector<16xi32>
        %parallel_loop3A_723 = arith.addi %parallel_loop3A_708, %parallel_loop3A_722 : vector<16xi32>
        %parallel_loop3A_724 = arith.cmpi sle, %parallel_loop3A_723, %sub3A_492 : vector<16xi32>
        %parallel_loop3A_725 = arith.andi %parallel_loop3A_718, %parallel_loop3A_724 : vector<16xi1>
        %parallel_loop3A_726 = arith.ori %parallel_loop3A_717, %parallel_loop3A_725 : vector<16xi1>
        %parallel_loop3A_727 = arith.mulf %parallel_loop3A_713, %broadcast_in_dim3A_443 : vector<16xf32>
        %parallel_loop3A_728 = arith.constant 0.000000e+00 : f32
        %parallel_loop3A_729 = vector.broadcast %parallel_loop3A_728 : f32 to vector<16xf32>
        %parallel_loop3A_730 = arith.select %parallel_loop3A_726, %parallel_loop3A_727, %parallel_loop3A_729 : vector<16xi1>, vector<16xf32>
        %parallel_loop3A_731 = arith.index_cast %parallel_loop3A_709 : i32 to index
        %parallel_loop3A_732 = tpu.vector_load %arg6[%parallel_loop3A_731] {strides = array<i32>} : memref<32768xf32, #tpu.memory_space<vmem>>, vector<16xf32>,
        tpu.vector_store %arg6[%parallel_loop3A_731], %parallel_loop3A_730 {strides = array<i32>} : memref<32768xf32, #tpu.memory_space<vmem>>, vector<16xf32>,
        %parallel_loop3A_733 = tpu.all_reduce %parallel_loop3A_718 {dim = 0 : i64, kind = #tpu.reduction_kind<sum>} : vector<16xi1> -> vector<16xi32>
        %parallel_loop3A_734 = arith.addi %parallel_loop3A_708, %parallel_loop3A_733 : vector<16xi32>
        scf.yield %parallel_loop3A_734 : vector<16xi32>
      } {sc.loop_unroll_factor = 8 : i64, sc.parallel_access}
    } else {
    }
    %dma_start3A_519 = arith.constant 0 : i32
    %dma_start3A_520 = tpu.memref_slice %arg5[%add3A_15, %dma_start3A_519] : memref<128x32768xf32, #tpu.memory_space<hbm>> -> memref<1x32768xf32, #tpu.memory_space<hbm>>
    %dma_start3A_521 = tpu.memref_squeeze %dma_start3A_520 : memref<1x32768xf32, #tpu.memory_space<hbm>> -> memref<32768xf32, #tpu.memory_space<hbm>>
    %dma_start3A_522 = arith.constant 0 : i32
    %dma_start3A_523 = tpu.memref_slice %arg5[%add3A_15, %dma_start3A_522] : memref<128x32768xf32, #tpu.memory_space<hbm>> -> memref<1x32768xf32, #tpu.memory_space<hbm>>
    %dma_start3A_524 = tpu.memref_squeeze %dma_start3A_523 : memref<1x32768xf32, #tpu.memory_space<hbm>> -> memref<32768xf32, #tpu.memory_space<hbm>>
    tpu.enqueue_dma source(%arg6 : memref<32768xf32, #tpu.memory_space<vmem>>) target(%dma_start3A_524 : memref<32768xf32, #tpu.memory_space<hbm>>) target_semaphore(%arg14 : memref<!tpu.dma_semaphore, #tpu.memory_space<semaphore_mem>>)
    %dma_wait3A_525 = arith.constant 0 : i32
    %dma_wait3A_526 = tpu.memref_slice %arg2[%add3A_19, %dma_wait3A_525] : memref<128x32768xf32, #tpu.memory_space<hbm>> -> memref<1x32768xf32, #tpu.memory_space<hbm>>
    %dma_wait3A_527 = tpu.memref_squeeze %dma_wait3A_526 : memref<1x32768xf32, #tpu.memory_space<hbm>> -> memref<32768xf32, #tpu.memory_space<hbm>>
    %dma_wait3A_528 = arith.constant 0 : i32
    %dma_wait3A_529 = tpu.memref_slice %arg2[%add3A_19, %dma_wait3A_528] : memref<128x32768xf32, #tpu.memory_space<hbm>> -> memref<1x32768xf32, #tpu.memory_space<hbm>>
    %dma_wait3A_530 = tpu.memref_squeeze %dma_wait3A_529 : memref<1x32768xf32, #tpu.memory_space<hbm>> -> memref<32768xf32, #tpu.memory_space<hbm>>
    tpu.wait_dma2 semaphore(%arg13 : memref<!tpu.dma_semaphore, #tpu.memory_space<semaphore_mem>>) src(%dma_wait3A_530 : memref<32768xf32, #tpu.memory_space<hbm>>) dst(%arg7 : memref<32768xf32, #tpu.memory_space<vmem>>)
    %jit3A_531 = arith.constant 16 : i32
    %div3A_532 = arith.divsi %add3A_19, %jit3A_531 : i32
    %sign3A_533 = arith.constant 0 : i32
    %sign3A_534 = arith.cmpi sgt, %add3A_19, %sign3A_533 : i32
    %sign3A_535 = arith.extui %sign3A_534 : i1 to i32
    %sign3A_536 = arith.constant 0 : i32
    %sign3A_537 = arith.cmpi slt, %add3A_19, %sign3A_536 : i32
    %sign3A_538 = arith.extui %sign3A_537 : i1 to i32
    %sign3A_539 = arith.subi %sign3A_535, %sign3A_538 : i32
    %sign3A_540 = arith.constant 0 : i32
    %sign3A_541 = arith.cmpi sgt, %jit3A_531, %sign3A_540 : i32
    %sign3A_542 = arith.extui %sign3A_541 : i1 to i32
    %sign3A_543 = arith.constant 0 : i32
    %sign3A_544 = arith.cmpi slt, %jit3A_531, %sign3A_543 : i32
    %sign3A_545 = arith.extui %sign3A_544 : i1 to i32
    %sign3A_546 = arith.subi %sign3A_542, %sign3A_545 : i32
    %ne3A_547 = arith.cmpi ne, %sign3A_539, %sign3A_546 : i32
    %rem3A_548 = arith.remsi %add3A_19, %jit3A_531 : i32
    %ne3A_549 = arith.constant 0 : i32
    %ne3A_550 = arith.cmpi ne, %rem3A_548, %ne3A_549 : i32
    %and3A_551 = arith.andi %ne3A_547, %ne3A_550 : i1
    %sub3A_552 = arith.constant 1 : i32
    %sub3A_553 = arith.subi %div3A_532, %sub3A_552 : i32
    %select_n3A_554 = arith.select %and3A_551, %sub3A_553, %div3A_532 : i32
    %mul3A_555 = arith.constant 16 : i32
    %mul3A_556 = arith.muli %select_n3A_554, %mul3A_555 : i32
    %multiple_of3A_557 = tpu.assume_multiple %mul3A_556, 16 : i32
    %iota3A_558 = tpu.iota {dimensions = array<i32: 0>} : vector<16xi32>
    %jit3A_559 = arith.constant 16 : i32
    %div3A_560 = arith.divsi %add3A_19, %jit3A_559 : i32
    %sign3A_561 = arith.constant 0 : i32
    %sign3A_562 = arith.cmpi sgt, %add3A_19, %sign3A_561 : i32
    %sign3A_563 = arith.extui %sign3A_562 : i1 to i32
    %sign3A_564 = arith.constant 0 : i32
    %sign3A_565 = arith.cmpi slt, %add3A_19, %sign3A_564 : i32
    %sign3A_566 = arith.extui %sign3A_565 : i1 to i32
    %sign3A_567 = arith.subi %sign3A_563, %sign3A_566 : i32
    %sign3A_568 = arith.constant 0 : i32
    %sign3A_569 = arith.cmpi sgt, %jit3A_559, %sign3A_568 : i32
    %sign3A_570 = arith.extui %sign3A_569 : i1 to i32
    %sign3A_571 = arith.constant 0 : i32
    %sign3A_572 = arith.cmpi slt, %jit3A_559, %sign3A_571 : i32
    %sign3A_573 = arith.extui %sign3A_572 : i1 to i32
    %sign3A_574 = arith.subi %sign3A_570, %sign3A_573 : i32
    %ne3A_575 = arith.cmpi ne, %sign3A_567, %sign3A_574 : i32
    %rem3A_576 = arith.remsi %add3A_19, %jit3A_559 : i32
    %ne3A_577 = arith.constant 0 : i32
    %ne3A_578 = arith.cmpi ne, %rem3A_576, %ne3A_577 : i32
    %and3A_579 = arith.andi %ne3A_575, %ne3A_578 : i1
    %sub3A_580 = arith.constant 1 : i32
    %sub3A_581 = arith.subi %div3A_560, %sub3A_580 : i32
    %select_n3A_582 = arith.select %and3A_579, %sub3A_581, %div3A_560 : i32
    %mul3A_583 = arith.constant 16 : i32
    %mul3A_584 = arith.muli %select_n3A_582, %mul3A_583 : i32
    %sub3A_585 = arith.subi %add3A_19, %mul3A_584 : i32
    %eq3A_586 = vector.broadcast %sub3A_585 : i32 to vector<16xi32>
    %eq3A_587 = arith.cmpi eq, %iota3A_558, %eq3A_586 : vector<16xi32>
    %get3A_588 = arith.index_cast %multiple_of3A_557 : i32 to index
    %get3A_589 = tpu.vector_load %arg10[%get3A_588] {strides = array<i32>} : memref<128xi32, #tpu.memory_space<vmem>>, vector<16xi32>,
    %jit3A_590 = arith.constant 0 : i32
    %broadcast_in_dim3A_591 = vector.broadcast %jit3A_590 : i32 to vector<16xi32>
    %select_n3A_592 = arith.select %eq3A_587, %get3A_589, %broadcast_in_dim3A_591 : vector<16xi1>, vector<16xi32>
    %reduce_sum3A_593 = arith.constant true
    %reduce_sum3A_594 = vector.broadcast %reduce_sum3A_593 : i1 to vector<16xi1>
    %reduce_sum3A_595 = tpu.scan <sum>, %select_n3A_592 masked %reduce_sum3A_594 : vector<16xi32>, vector<16xi1> -> vector<16xi32>
    %reduce_sum3A_596 = vector.extract %reduce_sum3A_595[15] : i32 from vector<16xi32>
    %broadcast_in_dim3A_597 = vector.broadcast %reduce_sum3A_596 : i32 to vector<16xi32>
    %get3A_598 = arith.index_cast %multiple_of3A_557 : i32 to index
    %get3A_599 = tpu.vector_load %arg11[%get3A_598] {strides = array<i32>} : memref<128xf32, #tpu.memory_space<vmem>>, vector<16xf32>,
    %jit3A_600 = arith.constant 0.000000e+00 : f32
    %broadcast_in_dim3A_601 = vector.broadcast %jit3A_600 : f32 to vector<16xf32>
    %select_n3A_602 = arith.select %eq3A_587, %get3A_599, %broadcast_in_dim3A_601 : vector<16xi1>, vector<16xf32>
    %reduce_sum3A_603 = arith.constant true
    %reduce_sum3A_604 = vector.broadcast %reduce_sum3A_603 : i1 to vector<16xi1>
    %reduce_sum3A_605 = tpu.scan <sum>, %select_n3A_602 masked %reduce_sum3A_604 : vector<16xf32>, vector<16xi1> -> vector<16xf32>
    %reduce_sum3A_606 = vector.extract %reduce_sum3A_605[15] : f32 from vector<16xf32>
    %broadcast_in_dim3A_607 = vector.broadcast %reduce_sum3A_606 : f32 to vector<16xf32>
    %iota3A_608 = tpu.iota {dimensions = array<i32: 0>} : vector<16xi32>
    %broadcast_in_dim3A_609 = arith.constant 1 : i32
    %broadcast_in_dim3A_610 = vector.broadcast %broadcast_in_dim3A_609 : i32 to vector<16xi32>
    %broadcast_in_dim3A_611 = arith.constant 0 : i32
    %broadcast_in_dim3A_612 = vector.broadcast %broadcast_in_dim3A_611 : i32 to vector<16xi32>
    %parallel_loop3A_613 = arith.constant 0 : i32
    %parallel_loop3A_614 = arith.constant 32768 : i32
    %parallel_loop3A_615 = arith.constant 16 : i32
    scf.for %parallel_loop3A_701 = %parallel_loop3A_613 to %parallel_loop3A_614 step %parallel_loop3A_615  : i32 {
      %parallel_loop3A_702 = tpu.assume_multiple %parallel_loop3A_701, 16 : i32
      %parallel_loop3A_703 = arith.index_cast %parallel_loop3A_702 : i32 to index
      %parallel_loop3A_704 = tpu.vector_load %arg7[%parallel_loop3A_703] {strides = array<i32>} : memref<32768xf32, #tpu.memory_space<vmem>>, vector<16xf32>,
      %parallel_loop3A_705 = tpu.bitcast %parallel_loop3A_704 : vector<16xf32> -> vector<16xi32>
      %parallel_loop3A_706 = arith.constant 31 : i32
      %parallel_loop3A_707 = vector.broadcast %parallel_loop3A_706 : i32 to vector<16xi32>
      %parallel_loop3A_708 = arith.shrsi %parallel_loop3A_705, %parallel_loop3A_707 : vector<16xi32>
      %parallel_loop3A_709 = arith.constant -2147483648 : i32
      %parallel_loop3A_710 = vector.broadcast %parallel_loop3A_709 : i32 to vector<16xi32>
      %parallel_loop3A_711 = arith.ori %parallel_loop3A_708, %parallel_loop3A_710 : vector<16xi32>
      %parallel_loop3A_712 = arith.xori %parallel_loop3A_705, %parallel_loop3A_711 : vector<16xi32>
      %parallel_loop3A_713 = arith.index_cast %parallel_loop3A_702 : i32 to index
      %parallel_loop3A_714 = tpu.vector_load %arg8[%parallel_loop3A_713] {strides = array<i32>} : memref<32768xi32, #tpu.memory_space<vmem>>, vector<16xi32>,
      tpu.vector_store %arg8[%parallel_loop3A_713], %parallel_loop3A_712 {strides = array<i32>} : memref<32768xi32, #tpu.memory_space<vmem>>, vector<16xi32>,
      %parallel_loop3A_715 = arith.constant 21 : i32
      %parallel_loop3A_716 = vector.broadcast %parallel_loop3A_715 : i32 to vector<16xi32>
      %parallel_loop3A_717 = arith.shrui %parallel_loop3A_712, %parallel_loop3A_716 : vector<16xi32>
      tpu.vector_store_idx %arg9[%parallel_loop3A_717], %broadcast_in_dim3A_610 {add = true} : memref<2048xi32, #tpu.memory_space<vmem>>[vector<16xi32>], vector<16xi32>,
    } {sc.loop_unroll_factor = 8 : i64, sc.parallel_access}
    %scan3A_616 = arith.constant 0 : i32
    %scan3A_617 = arith.constant 128 : i32
    %scan3A_618 = arith.addi %scan3A_616, %scan3A_617 : i32
    %scan3A_619 = arith.constant 1 : i32
    %scan3A_620:3 = scf.for %scan3A_701 = %scan3A_616 to %scan3A_618 step %scan3A_619 iter_args(%scan3A_702 = %broadcast_in_dim3A_612, %scan3A_703 = %broadcast_in_dim3A_612, %scan3A_704 = %broadcast_in_dim3A_612) -> (vector<16xi32>, vector<16xi32>, vector<16xi32>)  : i32 {
      %mul3A_705 = arith.constant 16 : i32
      %mul3A_706 = arith.muli %scan3A_701, %mul3A_705 : i32
      %multiple_of3A_707 = tpu.assume_multiple %mul3A_706, 16 : i32
      %get3A_708 = arith.index_cast %multiple_of3A_707 : i32 to index
      %get3A_709 = tpu.vector_load %arg9[%get3A_708] {strides = array<i32>} : memref<2048xi32, #tpu.memory_space<vmem>>, vector<16xi32>,
      %swap3A = arith.index_cast %multiple_of3A_707 : i32 to index
      %swap3A_710 = tpu.vector_load %arg9[%swap3A] {strides = array<i32>} : memref<2048xi32, #tpu.memory_space<vmem>>, vector<16xi32>,
      tpu.vector_store %arg9[%swap3A], %broadcast_in_dim3A_612 {strides = array<i32>} : memref<2048xi32, #tpu.memory_space<vmem>>, vector<16xi32>,
      %broadcast_in_dim3A_711 = arith.constant true
      %broadcast_in_dim3A_712 = vector.broadcast %broadcast_in_dim3A_711 : i1 to vector<16xi1>
      %masked_cumsum3A = tpu.scan <sum>, %get3A_709 masked %broadcast_in_dim3A_712 : vector<16xi32>, vector<16xi1> -> vector<16xi32>
      %add3A_713 = arith.addi %scan3A_702, %masked_cumsum3A : vector<16xi32>
      %lt3A = arith.cmpi slt, %add3A_713, %broadcast_in_dim3A_597 : vector<16xi32>
      %all_reduce_population_count3A = tpu.all_reduce %lt3A {dim = 0 : i64, kind = #tpu.reduction_kind<sum>} : vector<16xi1> -> vector<16xi32>
      %add3A_714 = arith.addi %scan3A_703, %all_reduce_population_count3A : vector<16xi32>
      %jit3A_715 = arith.constant 0 : i32
      %broadcast_in_dim3A_716 = vector.broadcast %jit3A_715 : i32 to vector<16xi32>
      %select_n3A_717 = arith.select %lt3A, %get3A_709, %broadcast_in_dim3A_716 : vector<16xi1>, vector<16xi32>
      %broadcast_in_dim3A_718 = arith.constant true
      %broadcast_in_dim3A_719 = vector.broadcast %broadcast_in_dim3A_718 : i1 to vector<16xi1>
      %masked_cumsum3A_720 = tpu.scan <sum>, %select_n3A_717 masked %broadcast_in_dim3A_719 : vector<16xi32>, vector<16xi1> -> vector<16xi32>
      %rev3A = arith.constant 15 : i32
      %rev3A_721 = vector.broadcast %rev3A : i32 to vector<16xi32>
      %rev3A_722 = tpu.iota {dimensions = array<i32: 0>} : vector<16xi32>
      %rev3A_723 = arith.subi %rev3A_721, %rev3A_722 : vector<16xi32>
      %rev3A_724 = tpu.dynamic_gather %select_n3A_717[%rev3A_723] in [0] : vector<16xi32>, vector<16xi32> -> vector<16xi32>
      %broadcast_in_dim3A_725 = arith.constant true
      %broadcast_in_dim3A_726 = vector.broadcast %broadcast_in_dim3A_725 : i1 to vector<16xi1>
      %masked_cumsum3A_727 = tpu.scan <sum>, %rev3A_724 masked %broadcast_in_dim3A_726 : vector<16xi32>, vector<16xi1> -> vector<16xi32>
      %rev3A_728 = arith.constant 15 : i32
      %rev3A_729 = vector.broadcast %rev3A_728 : i32 to vector<16xi32>
      %rev3A_730 = tpu.iota {dimensions = array<i32: 0>} : vector<16xi32>
      %rev3A_731 = arith.subi %rev3A_729, %rev3A_730 : vector<16xi32>
      %rev3A_732 = tpu.dynamic_gather %masked_cumsum3A_727[%rev3A_731] in [0] : vector<16xi32>, vector<16xi32> -> vector<16xi32>
      %add3A_733 = arith.addi %masked_cumsum3A_720, %rev3A_732 : vector<16xi32>
      %sub3A_734 = arith.subi %add3A_733, %select_n3A_717 : vector<16xi32>
      %add3A_735 = arith.addi %scan3A_704, %sub3A_734 : vector<16xi32>
      %broadcast_in_dim3A_736 = arith.constant true
      %broadcast_in_dim3A_737 = vector.broadcast %broadcast_in_dim3A_736 : i1 to vector<16xi1>
      %masked_cumsum3A_738 = tpu.scan <sum>, %get3A_709 masked %broadcast_in_dim3A_737 : vector<16xi32>, vector<16xi1> -> vector<16xi32>
      %rev3A_739 = arith.constant 15 : i32
      %rev3A_740 = vector.broadcast %rev3A_739 : i32 to vector<16xi32>
      %rev3A_741 = tpu.iota {dimensions = array<i32: 0>} : vector<16xi32>
      %rev3A_742 = arith.subi %rev3A_740, %rev3A_741 : vector<16xi32>
      %rev3A_743 = tpu.dynamic_gather %get3A_709[%rev3A_742] in [0] : vector<16xi32>, vector<16xi32> -> vector<16xi32>
      %broadcast_in_dim3A_744 = arith.constant true
      %broadcast_in_dim3A_745 = vector.broadcast %broadcast_in_dim3A_744 : i1 to vector<16xi1>
      %masked_cumsum3A_746 = tpu.scan <sum>, %rev3A_743 masked %broadcast_in_dim3A_745 : vector<16xi32>, vector<16xi1> -> vector<16xi32>
      %rev3A_747 = arith.constant 15 : i32
      %rev3A_748 = vector.broadcast %rev3A_747 : i32 to vector<16xi32>
      %rev3A_749 = tpu.iota {dimensions = array<i32: 0>} : vector<16xi32>
      %rev3A_750 = arith.subi %rev3A_748, %rev3A_749 : vector<16xi32>
      %rev3A_751 = tpu.dynamic_gather %masked_cumsum3A_746[%rev3A_750] in [0] : vector<16xi32>, vector<16xi32> -> vector<16xi32>
      %add3A_752 = arith.addi %masked_cumsum3A_738, %rev3A_751 : vector<16xi32>
      %sub3A_753 = arith.subi %add3A_752, %get3A_709 : vector<16xi32>
      %add3A_754 = arith.addi %scan3A_702, %sub3A_753 : vector<16xi32>
      scf.yield %add3A_754, %add3A_714, %add3A_735 : vector<16xi32>, vector<16xi32>, vector<16xi32>
    }
    %scan3A_621 = arith.constant 128 : i32
    %sub3A_622 = arith.subi %broadcast_in_dim3A_597, %scan3A_620#2 : vector<16xi32>
    %shift_left3A_623 = arith.constant 21 : i32
    %shift_left3A_624 = vector.broadcast %shift_left3A_623 : i32 to vector<16xi32>
    %shift_left3A_625 = arith.shli %scan3A_620#1, %shift_left3A_624 : vector<16xi32>
    %shift_right_logical3A_626 = arith.constant 21 : i32
    %shift_right_logical3A_627 = vector.broadcast %shift_right_logical3A_626 : i32 to vector<16xi32>
    %shift_right_logical3A_628 = arith.shrui %shift_left3A_625, %shift_right_logical3A_627 : vector<16xi32>
    %parallel_loop3A_629 = arith.constant 0 : i32
    %parallel_loop3A_630 = arith.constant 32768 : i32
    %parallel_loop3A_631 = arith.constant 16 : i32
    scf.for %parallel_loop3A_701 = %parallel_loop3A_629 to %parallel_loop3A_630 step %parallel_loop3A_631  : i32 {
      %parallel_loop3A_702 = tpu.assume_multiple %parallel_loop3A_701, 16 : i32
      %parallel_loop3A_703 = arith.index_cast %parallel_loop3A_702 : i32 to index
      %parallel_loop3A_704 = tpu.vector_load %arg8[%parallel_loop3A_703] {strides = array<i32>} : memref<32768xi32, #tpu.memory_space<vmem>>, vector<16xi32>,
      %parallel_loop3A_705 = arith.constant 21 : i32
      %parallel_loop3A_706 = vector.broadcast %parallel_loop3A_705 : i32 to vector<16xi32>
      %parallel_loop3A_707 = arith.shrui %parallel_loop3A_704, %parallel_loop3A_706 : vector<16xi32>
      %parallel_loop3A_708 = arith.cmpi eq, %parallel_loop3A_707, %shift_right_logical3A_628 : vector<16xi32>
      %parallel_loop3A_709 = arith.constant 10 : i32
      %parallel_loop3A_710 = vector.broadcast %parallel_loop3A_709 : i32 to vector<16xi32>
      %parallel_loop3A_711 = arith.shrui %parallel_loop3A_704, %parallel_loop3A_710 : vector<16xi32>
      %parallel_loop3A_712 = arith.constant 2047 : i32
      %parallel_loop3A_713 = vector.broadcast %parallel_loop3A_712 : i32 to vector<16xi32>
      %parallel_loop3A_714 = arith.andi %parallel_loop3A_711, %parallel_loop3A_713 : vector<16xi32>
      tpu.vector_store_idx %arg9[%parallel_loop3A_714], %broadcast_in_dim3A_610 masked %parallel_loop3A_708 {add = true} : memref<2048xi32, #tpu.memory_space<vmem>>[vector<16xi32>], vector<16xi32>, vector<16xi1>
    } {sc.loop_unroll_factor = 8 : i64, sc.parallel_access}
    %scan3A_632 = arith.constant 0 : i32
    %scan3A_633 = arith.constant 128 : i32
    %scan3A_634 = arith.addi %scan3A_632, %scan3A_633 : i32
    %scan3A_635 = arith.constant 1 : i32
    %scan3A_636:3 = scf.for %scan3A_701 = %scan3A_632 to %scan3A_634 step %scan3A_635 iter_args(%scan3A_702 = %broadcast_in_dim3A_612, %scan3A_703 = %broadcast_in_dim3A_612, %scan3A_704 = %broadcast_in_dim3A_612) -> (vector<16xi32>, vector<16xi32>, vector<16xi32>)  : i32 {
      %mul3A_705 = arith.constant 16 : i32
      %mul3A_706 = arith.muli %scan3A_701, %mul3A_705 : i32
      %multiple_of3A_707 = tpu.assume_multiple %mul3A_706, 16 : i32
      %get3A_708 = arith.index_cast %multiple_of3A_707 : i32 to index
      %get3A_709 = tpu.vector_load %arg9[%get3A_708] {strides = array<i32>} : memref<2048xi32, #tpu.memory_space<vmem>>, vector<16xi32>,
      %swap3A = arith.index_cast %multiple_of3A_707 : i32 to index
      %swap3A_710 = tpu.vector_load %arg9[%swap3A] {strides = array<i32>} : memref<2048xi32, #tpu.memory_space<vmem>>, vector<16xi32>,
      tpu.vector_store %arg9[%swap3A], %broadcast_in_dim3A_612 {strides = array<i32>} : memref<2048xi32, #tpu.memory_space<vmem>>, vector<16xi32>,
      %broadcast_in_dim3A_711 = arith.constant true
      %broadcast_in_dim3A_712 = vector.broadcast %broadcast_in_dim3A_711 : i1 to vector<16xi1>
      %masked_cumsum3A = tpu.scan <sum>, %get3A_709 masked %broadcast_in_dim3A_712 : vector<16xi32>, vector<16xi1> -> vector<16xi32>
      %add3A_713 = arith.addi %scan3A_702, %masked_cumsum3A : vector<16xi32>
      %lt3A = arith.cmpi slt, %add3A_713, %sub3A_622 : vector<16xi32>
      %all_reduce_population_count3A = tpu.all_reduce %lt3A {dim = 0 : i64, kind = #tpu.reduction_kind<sum>} : vector<16xi1> -> vector<16xi32>
      %add3A_714 = arith.addi %scan3A_703, %all_reduce_population_count3A : vector<16xi32>
      %jit3A_715 = arith.constant 0 : i32
      %broadcast_in_dim3A_716 = vector.broadcast %jit3A_715 : i32 to vector<16xi32>
      %select_n3A_717 = arith.select %lt3A, %get3A_709, %broadcast_in_dim3A_716 : vector<16xi1>, vector<16xi32>
      %broadcast_in_dim3A_718 = arith.constant true
      %broadcast_in_dim3A_719 = vector.broadcast %broadcast_in_dim3A_718 : i1 to vector<16xi1>
      %masked_cumsum3A_720 = tpu.scan <sum>, %select_n3A_717 masked %broadcast_in_dim3A_719 : vector<16xi32>, vector<16xi1> -> vector<16xi32>
      %rev3A = arith.constant 15 : i32
      %rev3A_721 = vector.broadcast %rev3A : i32 to vector<16xi32>
      %rev3A_722 = tpu.iota {dimensions = array<i32: 0>} : vector<16xi32>
      %rev3A_723 = arith.subi %rev3A_721, %rev3A_722 : vector<16xi32>
      %rev3A_724 = tpu.dynamic_gather %select_n3A_717[%rev3A_723] in [0] : vector<16xi32>, vector<16xi32> -> vector<16xi32>
      %broadcast_in_dim3A_725 = arith.constant true
      %broadcast_in_dim3A_726 = vector.broadcast %broadcast_in_dim3A_725 : i1 to vector<16xi1>
      %masked_cumsum3A_727 = tpu.scan <sum>, %rev3A_724 masked %broadcast_in_dim3A_726 : vector<16xi32>, vector<16xi1> -> vector<16xi32>
      %rev3A_728 = arith.constant 15 : i32
      %rev3A_729 = vector.broadcast %rev3A_728 : i32 to vector<16xi32>
      %rev3A_730 = tpu.iota {dimensions = array<i32: 0>} : vector<16xi32>
      %rev3A_731 = arith.subi %rev3A_729, %rev3A_730 : vector<16xi32>
      %rev3A_732 = tpu.dynamic_gather %masked_cumsum3A_727[%rev3A_731] in [0] : vector<16xi32>, vector<16xi32> -> vector<16xi32>
      %add3A_733 = arith.addi %masked_cumsum3A_720, %rev3A_732 : vector<16xi32>
      %sub3A_734 = arith.subi %add3A_733, %select_n3A_717 : vector<16xi32>
      %add3A_735 = arith.addi %scan3A_704, %sub3A_734 : vector<16xi32>
      %broadcast_in_dim3A_736 = arith.constant true
      %broadcast_in_dim3A_737 = vector.broadcast %broadcast_in_dim3A_736 : i1 to vector<16xi1>
      %masked_cumsum3A_738 = tpu.scan <sum>, %get3A_709 masked %broadcast_in_dim3A_737 : vector<16xi32>, vector<16xi1> -> vector<16xi32>
      %rev3A_739 = arith.constant 15 : i32
      %rev3A_740 = vector.broadcast %rev3A_739 : i32 to vector<16xi32>
      %rev3A_741 = tpu.iota {dimensions = array<i32: 0>} : vector<16xi32>
      %rev3A_742 = arith.subi %rev3A_740, %rev3A_741 : vector<16xi32>
      %rev3A_743 = tpu.dynamic_gather %get3A_709[%rev3A_742] in [0] : vector<16xi32>, vector<16xi32> -> vector<16xi32>
      %broadcast_in_dim3A_744 = arith.constant true
      %broadcast_in_dim3A_745 = vector.broadcast %broadcast_in_dim3A_744 : i1 to vector<16xi1>
      %masked_cumsum3A_746 = tpu.scan <sum>, %rev3A_743 masked %broadcast_in_dim3A_745 : vector<16xi32>, vector<16xi1> -> vector<16xi32>
      %rev3A_747 = arith.constant 15 : i32
      %rev3A_748 = vector.broadcast %rev3A_747 : i32 to vector<16xi32>
      %rev3A_749 = tpu.iota {dimensions = array<i32: 0>} : vector<16xi32>
      %rev3A_750 = arith.subi %rev3A_748, %rev3A_749 : vector<16xi32>
      %rev3A_751 = tpu.dynamic_gather %masked_cumsum3A_746[%rev3A_750] in [0] : vector<16xi32>, vector<16xi32> -> vector<16xi32>
      %add3A_752 = arith.addi %masked_cumsum3A_738, %rev3A_751 : vector<16xi32>
      %sub3A_753 = arith.subi %add3A_752, %get3A_709 : vector<16xi32>
      %add3A_754 = arith.addi %scan3A_702, %sub3A_753 : vector<16xi32>
      scf.yield %add3A_754, %add3A_714, %add3A_735 : vector<16xi32>, vector<16xi32>, vector<16xi32>
    }
    %scan3A_637 = arith.constant 128 : i32
    %sub3A_638 = arith.subi %sub3A_622, %scan3A_636#2 : vector<16xi32>
    %shift_left3A_639 = arith.constant 10 : i32
    %shift_left3A_640 = vector.broadcast %shift_left3A_639 : i32 to vector<16xi32>
    %shift_left3A_641 = arith.shli %scan3A_636#1, %shift_left3A_640 : vector<16xi32>
    %or3A_642 = arith.ori %shift_left3A_625, %shift_left3A_641 : vector<16xi32>
    %shift_right_logical3A_643 = arith.constant 10 : i32
    %shift_right_logical3A_644 = vector.broadcast %shift_right_logical3A_643 : i32 to vector<16xi32>
    %shift_right_logical3A_645 = arith.shrui %or3A_642, %shift_right_logical3A_644 : vector<16xi32>
    %parallel_loop3A_646 = arith.constant 0 : i32
    %parallel_loop3A_647 = arith.constant 32768 : i32
    %parallel_loop3A_648 = arith.constant 16 : i32
    scf.for %parallel_loop3A_701 = %parallel_loop3A_646 to %parallel_loop3A_647 step %parallel_loop3A_648  : i32 {
      %parallel_loop3A_702 = tpu.assume_multiple %parallel_loop3A_701, 16 : i32
      %parallel_loop3A_703 = arith.index_cast %parallel_loop3A_702 : i32 to index
      %parallel_loop3A_704 = tpu.vector_load %arg8[%parallel_loop3A_703] {strides = array<i32>} : memref<32768xi32, #tpu.memory_space<vmem>>, vector<16xi32>,
      %parallel_loop3A_705 = arith.constant 10 : i32
      %parallel_loop3A_706 = vector.broadcast %parallel_loop3A_705 : i32 to vector<16xi32>
      %parallel_loop3A_707 = arith.shrui %parallel_loop3A_704, %parallel_loop3A_706 : vector<16xi32>
      %parallel_loop3A_708 = arith.cmpi eq, %parallel_loop3A_707, %shift_right_logical3A_645 : vector<16xi32>
      %parallel_loop3A_709 = arith.constant 0 : i32
      %parallel_loop3A_710 = vector.broadcast %parallel_loop3A_709 : i32 to vector<16xi32>
      %parallel_loop3A_711 = arith.shrui %parallel_loop3A_704, %parallel_loop3A_710 : vector<16xi32>
      %parallel_loop3A_712 = arith.constant 1023 : i32
      %parallel_loop3A_713 = vector.broadcast %parallel_loop3A_712 : i32 to vector<16xi32>
      %parallel_loop3A_714 = arith.andi %parallel_loop3A_711, %parallel_loop3A_713 : vector<16xi32>
      tpu.vector_store_idx %arg9[%parallel_loop3A_714], %broadcast_in_dim3A_610 masked %parallel_loop3A_708 {add = true} : memref<2048xi32, #tpu.memory_space<vmem>>[vector<16xi32>], vector<16xi32>, vector<16xi1>
    } {sc.loop_unroll_factor = 8 : i64, sc.parallel_access}
    %scan3A_649 = arith.constant 0 : i32
    %scan3A_650 = arith.constant 64 : i32
    %scan3A_651 = arith.addi %scan3A_649, %scan3A_650 : i32
    %scan3A_652 = arith.constant 1 : i32
    %scan3A_653:4 = scf.for %scan3A_701 = %scan3A_649 to %scan3A_651 step %scan3A_652 iter_args(%scan3A_702 = %broadcast_in_dim3A_612, %scan3A_703 = %broadcast_in_dim3A_612, %scan3A_704 = %broadcast_in_dim3A_612, %scan3A_705 = %broadcast_in_dim3A_612) -> (vector<16xi32>, vector<16xi32>, vector<16xi32>, vector<16xi32>)  : i32 {
      %mul3A_706 = arith.constant 16 : i32
      %mul3A_707 = arith.muli %scan3A_701, %mul3A_706 : i32
      %multiple_of3A_708 = tpu.assume_multiple %mul3A_707, 16 : i32
      %get3A_709 = arith.index_cast %multiple_of3A_708 : i32 to index
      %get3A_710 = tpu.vector_load %arg9[%get3A_709] {strides = array<i32>} : memref<2048xi32, #tpu.memory_space<vmem>>, vector<16xi32>,
      %swap3A = arith.index_cast %multiple_of3A_708 : i32 to index
      %swap3A_711 = tpu.vector_load %arg9[%swap3A] {strides = array<i32>} : memref<2048xi32, #tpu.memory_space<vmem>>, vector<16xi32>,
      tpu.vector_store %arg9[%swap3A], %broadcast_in_dim3A_612 {strides = array<i32>} : memref<2048xi32, #tpu.memory_space<vmem>>, vector<16xi32>,
      %broadcast_in_dim3A_712 = arith.constant true
      %broadcast_in_dim3A_713 = vector.broadcast %broadcast_in_dim3A_712 : i1 to vector<16xi1>
      %masked_cumsum3A = tpu.scan <sum>, %get3A_710 masked %broadcast_in_dim3A_713 : vector<16xi32>, vector<16xi1> -> vector<16xi32>
      %add3A_714 = arith.addi %scan3A_702, %masked_cumsum3A : vector<16xi32>
      %lt3A = arith.cmpi slt, %add3A_714, %sub3A_638 : vector<16xi32>
      %all_reduce_population_count3A = tpu.all_reduce %lt3A {dim = 0 : i64, kind = #tpu.reduction_kind<sum>} : vector<16xi1> -> vector<16xi32>
      %add3A_715 = arith.addi %scan3A_703, %all_reduce_population_count3A : vector<16xi32>
      %jit3A_716 = arith.constant 0 : i32
      %broadcast_in_dim3A_717 = vector.broadcast %jit3A_716 : i32 to vector<16xi32>
      %select_n3A_718 = arith.select %lt3A, %get3A_710, %broadcast_in_dim3A_717 : vector<16xi1>, vector<16xi32>
      %broadcast_in_dim3A_719 = arith.constant true
      %broadcast_in_dim3A_720 = vector.broadcast %broadcast_in_dim3A_719 : i1 to vector<16xi1>
      %masked_cumsum3A_721 = tpu.scan <sum>, %select_n3A_718 masked %broadcast_in_dim3A_720 : vector<16xi32>, vector<16xi1> -> vector<16xi32>
      %rev3A = arith.constant 15 : i32
      %rev3A_722 = vector.broadcast %rev3A : i32 to vector<16xi32>
      %rev3A_723 = tpu.iota {dimensions = array<i32: 0>} : vector<16xi32>
      %rev3A_724 = arith.subi %rev3A_722, %rev3A_723 : vector<16xi32>
      %rev3A_725 = tpu.dynamic_gather %select_n3A_718[%rev3A_724] in [0] : vector<16xi32>, vector<16xi32> -> vector<16xi32>
      %broadcast_in_dim3A_726 = arith.constant true
      %broadcast_in_dim3A_727 = vector.broadcast %broadcast_in_dim3A_726 : i1 to vector<16xi1>
      %masked_cumsum3A_728 = tpu.scan <sum>, %rev3A_725 masked %broadcast_in_dim3A_727 : vector<16xi32>, vector<16xi1> -> vector<16xi32>
      %rev3A_729 = arith.constant 15 : i32
      %rev3A_730 = vector.broadcast %rev3A_729 : i32 to vector<16xi32>
      %rev3A_731 = tpu.iota {dimensions = array<i32: 0>} : vector<16xi32>
      %rev3A_732 = arith.subi %rev3A_730, %rev3A_731 : vector<16xi32>
      %rev3A_733 = tpu.dynamic_gather %masked_cumsum3A_728[%rev3A_732] in [0] : vector<16xi32>, vector<16xi32> -> vector<16xi32>
      %add3A_734 = arith.addi %masked_cumsum3A_721, %rev3A_733 : vector<16xi32>
      %sub3A_735 = arith.subi %add3A_734, %select_n3A_718 : vector<16xi32>
      %add3A_736 = arith.addi %scan3A_704, %sub3A_735 : vector<16xi32>
      %add3A_737 = arith.addi %scan3A_702, %masked_cumsum3A : vector<16xi32>
      %sub3A_738 = arith.subi %add3A_737, %get3A_710 : vector<16xi32>
      %lt3A_739 = arith.cmpi slt, %sub3A_738, %sub3A_638 : vector<16xi32>
      %jit3A_740 = arith.constant 0 : i32
      %broadcast_in_dim3A_741 = vector.broadcast %jit3A_740 : i32 to vector<16xi32>
      %select_n3A_742 = arith.select %lt3A_739, %get3A_710, %broadcast_in_dim3A_741 : vector<16xi1>, vector<16xi32>
      %broadcast_in_dim3A_743 = arith.constant true
      %broadcast_in_dim3A_744 = vector.broadcast %broadcast_in_dim3A_743 : i1 to vector<16xi1>
      %masked_cumsum3A_745 = tpu.scan <sum>, %select_n3A_742 masked %broadcast_in_dim3A_744 : vector<16xi32>, vector<16xi1> -> vector<16xi32>
      %rev3A_746 = arith.constant 15 : i32
      %rev3A_747 = vector.broadcast %rev3A_746 : i32 to vector<16xi32>
      %rev3A_748 = tpu.iota {dimensions = array<i32: 0>} : vector<16xi32>
      %rev3A_749 = arith.subi %rev3A_747, %rev3A_748 : vector<16xi32>
      %rev3A_750 = tpu.dynamic_gather %select_n3A_742[%rev3A_749] in [0] : vector<16xi32>, vector<16xi32> -> vector<16xi32>
      %broadcast_in_dim3A_751 = arith.constant true
      %broadcast_in_dim3A_752 = vector.broadcast %broadcast_in_dim3A_751 : i1 to vector<16xi1>
      %masked_cumsum3A_753 = tpu.scan <sum>, %rev3A_750 masked %broadcast_in_dim3A_752 : vector<16xi32>, vector<16xi1> -> vector<16xi32>
      %rev3A_754 = arith.constant 15 : i32
      %rev3A_755 = vector.broadcast %rev3A_754 : i32 to vector<16xi32>
      %rev3A_756 = tpu.iota {dimensions = array<i32: 0>} : vector<16xi32>
      %rev3A_757 = arith.subi %rev3A_755, %rev3A_756 : vector<16xi32>
      %rev3A_758 = tpu.dynamic_gather %masked_cumsum3A_753[%rev3A_757] in [0] : vector<16xi32>, vector<16xi32> -> vector<16xi32>
      %add3A_759 = arith.addi %masked_cumsum3A_745, %rev3A_758 : vector<16xi32>
      %sub3A_760 = arith.subi %add3A_759, %select_n3A_742 : vector<16xi32>
      %add3A_761 = arith.addi %scan3A_705, %sub3A_760 : vector<16xi32>
      %broadcast_in_dim3A_762 = arith.constant true
      %broadcast_in_dim3A_763 = vector.broadcast %broadcast_in_dim3A_762 : i1 to vector<16xi1>
      %masked_cumsum3A_764 = tpu.scan <sum>, %get3A_710 masked %broadcast_in_dim3A_763 : vector<16xi32>, vector<16xi1> -> vector<16xi32>
      %rev3A_765 = arith.constant 15 : i32
      %rev3A_766 = vector.broadcast %rev3A_765 : i32 to vector<16xi32>
      %rev3A_767 = tpu.iota {dimensions = array<i32: 0>} : vector<16xi32>
      %rev3A_768 = arith.subi %rev3A_766, %rev3A_767 : vector<16xi32>
      %rev3A_769 = tpu.dynamic_gather %get3A_710[%rev3A_768] in [0] : vector<16xi32>, vector<16xi32> -> vector<16xi32>
      %broadcast_in_dim3A_770 = arith.constant true
      %broadcast_in_dim3A_771 = vector.broadcast %broadcast_in_dim3A_770 : i1 to vector<16xi1>
      %masked_cumsum3A_772 = tpu.scan <sum>, %rev3A_769 masked %broadcast_in_dim3A_771 : vector<16xi32>, vector<16xi1> -> vector<16xi32>
      %rev3A_773 = arith.constant 15 : i32
      %rev3A_774 = vector.broadcast %rev3A_773 : i32 to vector<16xi32>
      %rev3A_775 = tpu.iota {dimensions = array<i32: 0>} : vector<16xi32>
      %rev3A_776 = arith.subi %rev3A_774, %rev3A_775 : vector<16xi32>
      %rev3A_777 = tpu.dynamic_gather %masked_cumsum3A_772[%rev3A_776] in [0] : vector<16xi32>, vector<16xi32> -> vector<16xi32>
      %add3A_778 = arith.addi %masked_cumsum3A_764, %rev3A_777 : vector<16xi32>
      %sub3A_779 = arith.subi %add3A_778, %get3A_710 : vector<16xi32>
      %add3A_780 = arith.addi %scan3A_702, %sub3A_779 : vector<16xi32>
      scf.yield %add3A_780, %add3A_715, %add3A_736, %add3A_761 : vector<16xi32>, vector<16xi32>, vector<16xi32>, vector<16xi32>
    }
    %scan3A_654 = arith.constant 64 : i32
    %sub3A_655 = arith.subi %scan3A_653#3, %scan3A_653#2 : vector<16xi32>
    %sub3A_656 = arith.subi %sub3A_638, %scan3A_653#2 : vector<16xi32>
    %shift_left3A_657 = arith.constant 0 : i32
    %shift_left3A_658 = vector.broadcast %shift_left3A_657 : i32 to vector<16xi32>
    %shift_left3A_659 = arith.shli %scan3A_653#1, %shift_left3A_658 : vector<16xi32>
    %or3A_660 = arith.ori %or3A_642, %shift_left3A_659 : vector<16xi32>
    %xor3A_661 = arith.constant -2147483648 : i32
    %xor3A_662 = vector.broadcast %xor3A_661 : i32 to vector<16xi32>
    %xor3A_663 = arith.xori %or3A_660, %xor3A_662 : vector<16xi32>
    %eq3A_664 = arith.constant 0 : i32
    %eq3A_665 = vector.broadcast %eq3A_664 : i32 to vector<16xi32>
    %eq3A_666 = arith.cmpi eq, %iota3A_608, %eq3A_665 : vector<16xi32>
    %sub3A_667 = arith.subi %sub3A_656, %sub3A_655 : vector<16xi32>
    %select_n3A_668 = arith.select %eq3A_666, %sub3A_667, %broadcast_in_dim3A_612 : vector<16xi1>, vector<16xi32>
    %reduce_sum3A_669 = arith.constant true
    %reduce_sum3A_670 = vector.broadcast %reduce_sum3A_669 : i1 to vector<16xi1>
    %reduce_sum3A_671 = tpu.scan <sum>, %select_n3A_668 masked %reduce_sum3A_670 : vector<16xi32>, vector<16xi1> -> vector<16xi32>
    %reduce_sum3A_672 = vector.extract %reduce_sum3A_671[15] : i32 from vector<16xi32>
    %eq3A_673 = arith.constant 0 : i32
    %eq3A_674 = arith.cmpi eq, %reduce_sum3A_672, %eq3A_673 : i32
    %convert_element_type3A_675 = arith.extui %eq3A_674 : i1 to i32
    %cond3A_676 = arith.constant 0 : i32
    %cond3A_677 = arith.cmpi ne, %convert_element_type3A_675, %cond3A_676 : i32
    scf.if %cond3A_677 {
      %parallel_loop3A_701 = arith.constant 0 : i32
      %parallel_loop3A_702 = arith.constant 32768 : i32
      %parallel_loop3A_703 = arith.constant 16 : i32
      scf.for %parallel_loop3A_704 = %parallel_loop3A_701 to %parallel_loop3A_702 step %parallel_loop3A_703  : i32 {
        %parallel_loop3A_705 = tpu.assume_multiple %parallel_loop3A_704, 16 : i32
        %parallel_loop3A_706 = arith.index_cast %parallel_loop3A_705 : i32 to index
        %parallel_loop3A_707 = tpu.vector_load %arg8[%parallel_loop3A_706] {strides = array<i32>} : memref<32768xi32, #tpu.memory_space<vmem>>, vector<16xi32>,
        %parallel_loop3A_708 = arith.index_cast %parallel_loop3A_705 : i32 to index
        %parallel_loop3A_709 = tpu.vector_load %arg7[%parallel_loop3A_708] {strides = array<i32>} : memref<32768xf32, #tpu.memory_space<vmem>>, vector<16xf32>,
        %parallel_loop3A_710 = arith.constant -2147483648 : i32
        %parallel_loop3A_711 = vector.broadcast %parallel_loop3A_710 : i32 to vector<16xi32>
        %parallel_loop3A_712 = arith.xori %parallel_loop3A_707, %parallel_loop3A_711 : vector<16xi32>
        %parallel_loop3A_713 = arith.cmpi sle, %parallel_loop3A_712, %xor3A_663 : vector<16xi32>
        %parallel_loop3A_714 = arith.mulf %parallel_loop3A_709, %broadcast_in_dim3A_607 : vector<16xf32>
        %parallel_loop3A_715 = arith.constant 0.000000e+00 : f32
        %parallel_loop3A_716 = vector.broadcast %parallel_loop3A_715 : f32 to vector<16xf32>
        %parallel_loop3A_717 = arith.select %parallel_loop3A_713, %parallel_loop3A_714, %parallel_loop3A_716 : vector<16xi1>, vector<16xf32>
        %parallel_loop3A_718 = arith.index_cast %parallel_loop3A_705 : i32 to index
        %parallel_loop3A_719 = tpu.vector_load %arg7[%parallel_loop3A_718] {strides = array<i32>} : memref<32768xf32, #tpu.memory_space<vmem>>, vector<16xf32>,
        tpu.vector_store %arg7[%parallel_loop3A_718], %parallel_loop3A_717 {strides = array<i32>} : memref<32768xf32, #tpu.memory_space<vmem>>, vector<16xf32>,
      } {sc.loop_unroll_factor = 8 : i64, sc.parallel_access}
    } else {
    }
    %not3A_678 = arith.constant true
    %not3A_679 = arith.xori %eq3A_674, %not3A_678 : i1
    %convert_element_type3A_680 = arith.extui %not3A_679 : i1 to i32
    %cond3A_681 = arith.constant 0 : i32
    %cond3A_682 = arith.cmpi ne, %convert_element_type3A_680, %cond3A_681 : i32
    scf.if %cond3A_682 {
      %broadcast_in_dim3A_701 = arith.constant 0 : i32
      %broadcast_in_dim3A_702 = vector.broadcast %broadcast_in_dim3A_701 : i32 to vector<16xi32>
      %parallel_loop3A_703 = arith.constant 0 : i32
      %parallel_loop3A_704 = arith.constant 32768 : i32
      %parallel_loop3A_705 = arith.constant 16 : i32
      %parallel_loop3A_706 = scf.for %parallel_loop3A_707 = %parallel_loop3A_703 to %parallel_loop3A_704 step %parallel_loop3A_705 iter_args(%parallel_loop3A_708 = %broadcast_in_dim3A_702) -> (vector<16xi32>)  : i32 {
        %parallel_loop3A_709 = tpu.assume_multiple %parallel_loop3A_707, 16 : i32
        %parallel_loop3A_710 = arith.index_cast %parallel_loop3A_709 : i32 to index
        %parallel_loop3A_711 = tpu.vector_load %arg8[%parallel_loop3A_710] {strides = array<i32>} : memref<32768xi32, #tpu.memory_space<vmem>>, vector<16xi32>,
        %parallel_loop3A_712 = arith.index_cast %parallel_loop3A_709 : i32 to index
        %parallel_loop3A_713 = tpu.vector_load %arg7[%parallel_loop3A_712] {strides = array<i32>} : memref<32768xf32, #tpu.memory_space<vmem>>, vector<16xf32>,
        %parallel_loop3A_714 = arith.constant -2147483648 : i32
        %parallel_loop3A_715 = vector.broadcast %parallel_loop3A_714 : i32 to vector<16xi32>
        %parallel_loop3A_716 = arith.xori %parallel_loop3A_711, %parallel_loop3A_715 : vector<16xi32>
        %parallel_loop3A_717 = arith.cmpi slt, %parallel_loop3A_716, %xor3A_663 : vector<16xi32>
        %parallel_loop3A_718 = arith.cmpi eq, %parallel_loop3A_711, %or3A_660 : vector<16xi32>
        %parallel_loop3A_719 = arith.extui %parallel_loop3A_718 : vector<16xi1> to vector<16xi32>
        %parallel_loop3A_720 = arith.constant true
        %parallel_loop3A_721 = vector.broadcast %parallel_loop3A_720 : i1 to vector<16xi1>
        %parallel_loop3A_722 = tpu.scan <sum>, %parallel_loop3A_719 masked %parallel_loop3A_721 : vector<16xi32>, vector<16xi1> -> vector<16xi32>
        %parallel_loop3A_723 = arith.addi %parallel_loop3A_708, %parallel_loop3A_722 : vector<16xi32>
        %parallel_loop3A_724 = arith.cmpi sle, %parallel_loop3A_723, %sub3A_656 : vector<16xi32>
        %parallel_loop3A_725 = arith.andi %parallel_loop3A_718, %parallel_loop3A_724 : vector<16xi1>
        %parallel_loop3A_726 = arith.ori %parallel_loop3A_717, %parallel_loop3A_725 : vector<16xi1>
        %parallel_loop3A_727 = arith.mulf %parallel_loop3A_713, %broadcast_in_dim3A_607 : vector<16xf32>
        %parallel_loop3A_728 = arith.constant 0.000000e+00 : f32
        %parallel_loop3A_729 = vector.broadcast %parallel_loop3A_728 : f32 to vector<16xf32>
        %parallel_loop3A_730 = arith.select %parallel_loop3A_726, %parallel_loop3A_727, %parallel_loop3A_729 : vector<16xi1>, vector<16xf32>
        %parallel_loop3A_731 = arith.index_cast %parallel_loop3A_709 : i32 to index
        %parallel_loop3A_732 = tpu.vector_load %arg7[%parallel_loop3A_731] {strides = array<i32>} : memref<32768xf32, #tpu.memory_space<vmem>>, vector<16xf32>,
        tpu.vector_store %arg7[%parallel_loop3A_731], %parallel_loop3A_730 {strides = array<i32>} : memref<32768xf32, #tpu.memory_space<vmem>>, vector<16xf32>,
        %parallel_loop3A_733 = tpu.all_reduce %parallel_loop3A_718 {dim = 0 : i64, kind = #tpu.reduction_kind<sum>} : vector<16xi1> -> vector<16xi32>
        %parallel_loop3A_734 = arith.addi %parallel_loop3A_708, %parallel_loop3A_733 : vector<16xi32>
        scf.yield %parallel_loop3A_734 : vector<16xi32>
      } {sc.loop_unroll_factor = 8 : i64, sc.parallel_access}
    } else {
    }
    %dma_start3A_683 = arith.constant 0 : i32
    %dma_start3A_684 = tpu.memref_slice %arg5[%add3A_19, %dma_start3A_683] : memref<128x32768xf32, #tpu.memory_space<hbm>> -> memref<1x32768xf32, #tpu.memory_space<hbm>>
    %dma_start3A_685 = tpu.memref_squeeze %dma_start3A_684 : memref<1x32768xf32, #tpu.memory_space<hbm>> -> memref<32768xf32, #tpu.memory_space<hbm>>
    %dma_start3A_686 = arith.constant 0 : i32
    %dma_start3A_687 = tpu.memref_slice %arg5[%add3A_19, %dma_start3A_686] : memref<128x32768xf32, #tpu.memory_space<hbm>> -> memref<1x32768xf32, #tpu.memory_space<hbm>>
    %dma_start3A_688 = tpu.memref_squeeze %dma_start3A_687 : memref<1x32768xf32, #tpu.memory_space<hbm>> -> memref<32768xf32, #tpu.memory_space<hbm>>
    tpu.enqueue_dma source(%arg7 : memref<32768xf32, #tpu.memory_space<vmem>>) target(%dma_start3A_688 : memref<32768xf32, #tpu.memory_space<hbm>>) target_semaphore(%arg15 : memref<!tpu.dma_semaphore, #tpu.memory_space<semaphore_mem>>)
    %dma_wait3A_689 = arith.constant 0 : i32
    %dma_wait3A_690 = tpu.memref_slice %arg5[%add3A_15, %dma_wait3A_689] : memref<128x32768xf32, #tpu.memory_space<hbm>> -> memref<1x32768xf32, #tpu.memory_space<hbm>>
    %dma_wait3A_691 = tpu.memref_squeeze %dma_wait3A_690 : memref<1x32768xf32, #tpu.memory_space<hbm>> -> memref<32768xf32, #tpu.memory_space<hbm>>
    %dma_wait3A_692 = arith.constant 0 : i32
    %dma_wait3A_693 = tpu.memref_slice %arg5[%add3A_15, %dma_wait3A_692] : memref<128x32768xf32, #tpu.memory_space<hbm>> -> memref<1x32768xf32, #tpu.memory_space<hbm>>
    %dma_wait3A_694 = tpu.memref_squeeze %dma_wait3A_693 : memref<1x32768xf32, #tpu.memory_space<hbm>> -> memref<32768xf32, #tpu.memory_space<hbm>>
    tpu.wait_dma2 semaphore(%arg14 : memref<!tpu.dma_semaphore, #tpu.memory_space<semaphore_mem>>) src(%arg6 : memref<32768xf32, #tpu.memory_space<vmem>>) dst(%dma_wait3A_694 : memref<32768xf32, #tpu.memory_space<hbm>>)
    %dma_wait3A_695 = arith.constant 0 : i32
    %dma_wait3A_696 = tpu.memref_slice %arg5[%add3A_19, %dma_wait3A_695] : memref<128x32768xf32, #tpu.memory_space<hbm>> -> memref<1x32768xf32, #tpu.memory_space<hbm>>
    %dma_wait3A_697 = tpu.memref_squeeze %dma_wait3A_696 : memref<1x32768xf32, #tpu.memory_space<hbm>> -> memref<32768xf32, #tpu.memory_space<hbm>>
    %dma_wait3A_698 = arith.constant 0 : i32
    %dma_wait3A_699 = tpu.memref_slice %arg5[%add3A_19, %dma_wait3A_698] : memref<128x32768xf32, #tpu.memory_space<hbm>> -> memref<1x32768xf32, #tpu.memory_space<hbm>>
    %dma_wait3A_700 = tpu.memref_squeeze %dma_wait3A_699 : memref<1x32768xf32, #tpu.memory_space<hbm>> -> memref<32768xf32, #tpu.memory_space<hbm>>
    tpu.wait_dma2 semaphore(%arg15 : memref<!tpu.dma_semaphore, #tpu.memory_space<semaphore_mem>>) src(%arg7 : memref<32768xf32, #tpu.memory_space<vmem>>) dst(%dma_wait3A_700 : memref<32768xf32, #tpu.memory_space<hbm>>)
    return
  }
}

</mosaic_0001>

<sc_bundles>
// kernel: kernel.3.cloned.1.call-start
scs
__scs_entry_jumppad:
0x0: {  	(pc) =	sbr.rel $0x88, $3  }
0x1: {  	(tag) =	ssettag $0x0;
	lr =	simm.s32 $0x1  }
0x2: {  	[smem:$0x3F9E] =	sst lr;
	_ =	strace $0xD0000000  }
0x3: {  	_ = 	snop  }
0x4: {  	_ = 	snop  }
0x5: {  	_ = 	snop  }
0x6: {  	_ = 	snop  }
0x7: {  	_ = 	snop  }
__scs_overlays_trampoline_lowered:
0x8: {  	[smem:$0x3FAD] =	sst s0  }
0x9: {  	[smem:$0x3FAE] =	sst s1  }
0xa: {  	[smem:$0x3FAF] =	sst s2  }
0xb: {  	[smem:$0x3FB0] =	sst s3  }
0xc: {  	[smem:$0x3FB1] =	sst s4  }
0xd: {  	[smem:$0x3FB2] =	sst s5  }
0xe: {  	[smem:$0x3FB3] =	sst s6  }
0xf: {  	[smem:$0x3FB4] =	sst s7  }
0x10: {  	[smem:$0x3FB5] =	sst s8  }
0x11: {  	[smem:$0x3FB6] =	sst s9;
	s0 =	simm.s32 @!p0 $0x0  }
0x12: {  	s1 =	sld [smem:$0x3F9C];
	s0 =	simm.s32 @p0 $0x1  }
0x13: {  	[smem:$0x3FB7] =	sst s0;
	s0 =	simm.s32 @!p1 $0x0  }
0x14: {  	s2 =	sld [smem:$0x3F9B];
	s0 =	simm.s32 @p1 $0x1  }
0x15: {  	[smem:$0x3FB8] =	sst s0;
	s0 =	simm.s32 @!p2 $0x0  }
0x16: {  	s3 =	sld [smem:$0x3FDB];
	s0 =	simm.s32 @p2 $0x1  }
0x17: {  	s4 =	simm.s32 $0x1BF5;
	[smem:$0x3FBA] =	sst s0  }
0x18: {  	s0 =	sld [smem:$0x3F9D];
	_ =	swait.ge [sflag:s4], $0x0  }
0x19: {  	s7 =	sld [smem:$0x3F9E]  }
0x1a: {  	s8 =	sadd.s32 $0xFFFFE003, lr  }
0x1b: {  	s9 =	sadd.s32 $0xFFFFFEF7, lr;
	s5 =	simm.s32 $0xFFFFFFFF;
	p2 =	slt.u32 s8, $0xFFFFF086  }
0x1c: {  	p1 =	slt.u32 s9, $0xF7A;
	s5 =	simm.s32 @!p2 $0x0  }
0x1d: {  	s5 =	simm.s32 @p1 $0x1;
	p0 =	seq.s32 s7, s2  }
0x1e: {  	s7 =	smul.u32 @!p0 $0xF7A, s2;
	p2 =	seq.s32 @!p0 s5, $0x0  }
0x1f: {  	s9 =	smul.u32 $0xF7A, s1;
	s8 =	simm.s32 @!p0 $0x1BF5;
	p2 =	por !p2, p0  }
0x20: {  	[sflag:s8] =	ssyncset.s32 @!p0 $0xFFFFF086;
	s6 =	sadd.s32 @!p0 s3, s7;
	s7 =	simm.s32 @!p0 $0x108  }
0x21: {  	s3 =	sadd.s32 s3, s9;
	s6 =	sadd.s32 @!p0 $0x88, s6;
	s7 =	simm.s32 @p2 $0x1082  }
0x22: {  	[simem:s7], [sflag:s8] =	dma.local @!p0 [hbm:s6], $0xF7A  }
0x23: {  	s9 =	sor.u32 $0xD0000000, s2;
	s6 =	simm.s32 $0x108;
	_ =	swait.ge @!p0 [sflag:s8], $0x0  }
0x24: {  	s3 =	sadd.s32 $0x88, s3;
	s6 =	simm.s32 @!p1 $0x1082;
	[sflag:s4] =	ssyncset.s32 $0xFFFFF086  }
0x25: {  	[simem:s6], [sflag:s4] =	dma.local [hbm:s3], $0xF7A  }
0x26: {  	[smem:$0x3F9E] =	sst s1;
	(tag) =	ssettag s2;
	_ =	strace s9  }
0x27: {  	s1 =	sld [smem:$0x3FAE]  }
0x28: {  	s2 =	sld [smem:$0x3FAF]  }
0x29: {  	s4 =	sld [smem:$0x3FB1]  }
0x2a: {  	p0 =	seq.s32 s5, $0x0;
	s5 =	sld [smem:$0x3FB2]  }
0x2b: {  	s6 =	sld [smem:$0x3FB3]  }
0x2c: {  	s7 =	sld [smem:$0x3FB4]  }
0x2d: {  	s3 =	simm.s32 $0x108;
	s8 =	sld [smem:$0x3FB5]  }
0x2e: {  	s3 =	simm.s32 @!p0 $0x1082;
	s9 =	sld [smem:$0x3FB6]  }
0x2f: {  	lr =	sadd.s32 s0, s3;
	s0 =	sld [smem:$0x3FAD]  }
0x30: {  	s3 =	sld [smem:$0x3FB0]  }
0x31: {  	[smem:$0x3FB9] =	sst s10  }
0x32: {  	s10 =	sld [smem:$0x3FB7];
	_ =	sdelay $0x3  }
0x33: {  	p0 =	seq.s32 s10, $0x1;
	s10 =	sld [smem:$0x3FB9];
	_ =	sdelay $0x3  }
0x34: {  	[smem:$0x3FB9] =	sst s10  }
0x35: {  	s10 =	sld [smem:$0x3FB8];
	_ =	sdelay $0x3  }
0x36: {  	p1 =	seq.s32 s10, $0x1;
	s10 =	sld [smem:$0x3FB9];
	_ =	sdelay $0x3  }
0x37: {  	[smem:$0x3FB9] =	sst s10  }
0x38: {  	s10 =	sld [smem:$0x3FBA]  }
0x39: {  	_ = 	snop;
	(pc) =	sbr.ind lr, $3  }
0x3a: {  	_ = 	snop  }
0x3b: {  	_ = 	snop  }
0x3c: {  	p2 =	seq.s32 s10, $0x1;
	s10 =	sld [smem:$0x3FB9]  }
0x3d: {  	_ =	shalt  }
0x3e: {  	_ =	shalt  }
0x3f: {  	_ =	shalt  }
0x40: {  	_ =	shalt  }
0x41: {  	_ =	shalt  }
0x42: {  	_ =	shalt  }
0x43: {  	_ =	shalt  }
0x44: {  	_ =	shalt  }
0x45: {  	_ =	shalt  }
0x46: {  	_ =	shalt  }
0x47: {  	_ =	shalt  }
0x48: {  	_ =	shalt  }
0x49: {  	_ =	shalt  }
0x4a: {  	_ =	shalt  }
0x4b: {  	_ =	shalt  }
0x4c: {  	_ =	shalt  }
0x4d: {  	_ =	shalt  }
0x4e: {  	_ =	shalt  }
0x4f: {  	_ =	shalt  }
0x50: {  	_ =	shalt  }
0x51: {  	_ =	shalt  }
0x52: {  	_ =	shalt  }
0x53: {  	_ =	shalt  }
0x54: {  	_ =	shalt  }
0x55: {  	_ =	shalt  }
0x56: {  	_ =	shalt  }
0x57: {  	_ =	shalt  }
0x58: {  	_ =	shalt  }
0x59: {  	_ =	shalt  }
0x5a: {  	_ =	shalt  }
0x5b: {  	_ =	shalt  }
0x5c: {  	_ =	shalt  }
0x5d: {  	_ =	shalt  }
0x5e: {  	_ =	shalt  }
0x5f: {  	_ =	shalt  }
0x60: {  	_ =	shalt  }
0x61: {  	_ =	shalt  }
0x62: {  	_ =	shalt  }
0x63: {  	_ =	shalt  }
0x64: {  	_ =	shalt  }
0x65: {  	_ =	shalt  }
0x66: {  	_ =	shalt  }
0x67: {  	_ =	shalt  }
0x68: {  	_ =	shalt  }
0x69: {  	_ =	shalt  }
0x6a: {  	_ =	shalt  }
0x6b: {  	_ =	shalt  }
0x6c: {  	_ =	shalt  }
0x6d: {  	_ =	shalt  }
0x6e: {  	_ =	shalt  }
0x6f: {  	_ =	shalt  }
0x70: {  	_ =	shalt  }
0x71: {  	_ =	shalt  }
0x72: {  	_ =	shalt  }
0x73: {  	_ =	shalt  }
0x74: {  	_ =	shalt  }
0x75: {  	_ =	shalt  }
0x76: {  	_ =	shalt  }
0x77: {  	_ =	shalt  }
0x78: {  	_ =	shalt  }
0x79: {  	_ =	shalt  }
0x7a: {  	_ =	shalt  }
0x7b: {  	_ =	shalt  }
0x7c: {  	_ =	shalt  }
0x7d: {  	_ =	shalt  }
0x7e: {  	_ =	shalt  }
0x7f: {  	_ =	shalt  }
0x80: {  	_ =	shalt  }
0x81: {  	_ =	shalt  }
0x82: {  	_ =	shalt  }
0x83: {  	_ =	shalt  }
0x84: {  	_ =	shalt  }
0x85: {  	_ =	shalt  }
0x86: {  	_ =	shalt  }
0x87: {  	_ =	shalt  }
.Lfunc_end0:
.L_simem_size_0:
called_computation_lowered:
.L_overlay_start_0:
0x88: {  	s2 =	sld [smem:$0x3FD9]  }
0x89: {  	s3 =	sld [smem:$0x3FFE];
	_ =	sdelay $0x1  }
0x8a: {  	s1 =	srdreg.scid  }
0x8b: {  	s0 =	sand.u32 $0x1, s1  }
0x8c: {  	s17 =	sshll.u32 s0, $0xA;
	s2 =	sadd.s32 s3, s2  }
0x8d: {  	s2 =	sadd.s32 s2, s17  }
0x8e: {  	[smem:$0x3FC5] =	sst s2  }
0x8f: {  	_ = 	snop  }
0x90: {  	s2 =	sld [smem:$0x3FC9]  }
0x91: {  	s18 =	sld [smem:$0x3FD0];
	(tm) =	ssettm $0x1  }
0x92: {  	s4 =	sld [smem:$0x3FFB];
	_ =	sdelay $0x3  }
0x93: {  	_ =	strace s4  }
0x94: {  	s4 =	sld [smem:$0x3FFC];
	_ =	sdelay $0x3  }
0x95: {  	_ =	strace s4  }
0x96: {  	s4 =	sld [smem:$0x3FFD];
	_ =	sdelay $0x3  }
0x97: {  	_ =	strace s4  }
0x98: {  	_ =	strace $0x8FFFFFFF  }
0x99: {  	s19 =	sld [smem:$0x3FDB];
	_ =	sdelay $0x1  }
0x9a: {  	s5 =	simm.s32 $_scs_section_size  }
0x9b: {  	s6 =	simm.s32 $_size__tile_overlayer_lowered;
	s7 =	simm.s32 $_tile_overlayer_lowered  }
0x9c: {  	s22 =	simm.s32 $0x1BFF;
	s21 =	sshll.u32 s7, $0x1;
	s4 =	sadd.s32 s5, s19  }
0x9d: {  	s8 =	simm.s32 $0x0;
	s20 =	sshll.u32 s6, $0x1;
	s6 =	sadd.s32 s21, s4  }
0x9e: {  	[timem:s8], [sflag:s22] =	dma.local [hbm:s6], s20  }
0x9f: {  	_ =	swait.ge [sflag:s22], s20  }
0xa0: {  	s5 =	ssub.s32 $0x0, s20;
	[sflag:s22] =	ssyncset.done $0x0  }
0xa1: {  	[sflag:s22] =	ssyncadd.s32 s5;
	_ =	sdelay $0x1  }
0xa2: {  	s23 =	simm.s32 $0x1B8B  }
0xa3: {  	_ =	swait.ge [sflag:s23], $0x1  }
0xa4: {  	[sflag:s23] =	ssyncset.done $0x0  }
0xa5: {  	s25 =	simm.s32 $0x1B8E;
	s24 =	sld [smem:$0x3FFE];
	[sflag:s23] =	ssyncadd.s32 $0xFFFFFFFF  }
0xa6: {  	s26 =	simm.s32 $execute0_lowered;
	[smem:$0x3FD2] =	sst s25  }
0xa7: {  	s6 =	sshll.u32 s26, $0x1;
	_ =	strace $0x80000046;
	[dreg:$0x1] =	wrdreg $0xFFFFFFFF  }
0xa8: {  	s28 =	simm.s32 $_size_execute0_lowered;
	s4 =	sadd.s32 s4, s6;
	[dreg:$0x0] =	wrdreg $0x0  }
0xa9: {  	s6 =	sshll.u32 s28, $0x1;
	[dreg:$0x2] =	wrdreg s4  }
0xaa: {  	[dreg:$0x3] =	wrdreg s6  }
0xab: {  	[dreg:$0x4] =	wrdreg $0xC0  }
0xac: {  	_ =	task [dreg:s8], $0x5FFFF  }
0xad: {  	[dreg:$0x1] =	wrdreg $0xFFFFFFFF  }
0xae: {  	[dreg:$0x0] =	wrdreg $0x60  }
0xaf: {  	[dreg:$0x2] =	wrdreg s2  }
0xb0: {  	[dreg:$0x3] =	wrdreg s24  }
0xb1: {  	[dreg:$0x4] =	wrdreg s18  }
0xb2: {  	[dreg:$0x5] =	wrdreg $0x9  }
0xb3: {  	_ =	task.clear_ibuf [dreg:s8], $0x6FFFF;
	_ =	strace $0x90000046  }
0xb4: {  	s29 =	simm.s32 $0x9;
	_ =	strace $0x80000048  }
0xb5: {  	_ =	swait.ge [sflag:s29], $0x1  }
0xb6: {  	[sflag:s29] =	ssyncadd.s32 $0xFFFFFFFF  }
0xb7: {  	_ =	strace $0x90000048  }
0xb8: {  	_ =	sfence  }
0xb9: {  	s30 =	sld [smem:$0x0];
	_ =	sdelay $0x2  }
0xba: {  	s31 =	sshll.u32 s1, $0xD;
	s1 =	sshrl.u32 s1, $0x2  }
0xbb: {  	s3 =	sand.u32 $0x4000, s31;
	s1 =	sadd.s32 s1, s30  }
0xbc: {  	s0 =	sor.u32 s3, s0;
	s1 =	sshll.u32 s1, $0x11  }
0xbd: {  	s0 =	sor.u32 s1, s0  }
0xbe: {  	s0 =	sadd.s32 $0x8F2B, s0  }
0xbf: {  	[sflag:s0] =	ssyncadd.remote.s32 $0x1  }
0xc0: {  	_ =	sfence.sel $0xFFFF  }
0xc1: {  	[dreg:$0x0] =	wrdreg $0xFFFFFFFF;
	(pc) =	sbr.abs _section_cstart, $3  }
0xc2: {  	[dreg:$0x1] =	wrdreg $0xFFFFFFFF  }
0xc3: {  	_ =	task.clear_ibuf [dreg:s8], $0x2FFFF;
	_ =	strace $0x9FFFFFFF  }
0xc4: {  	(tm) =	ssettm $0x7FFFFFFF  }
0xc5: {  	_ =	shalt  }
tec
execute0_lowered:
.L_overlay_start_1:
0x0: {  	(tag) =	ssettag $0x1  }
0x1: {  	s11 =	rddreg [dreg:$0x0]  }
0x2: {  	s4 =	rddreg [dreg:$0x1]  }
0x3: {  	s13 =	rddreg [dreg:$0x2]  }
0x4: {  	s0 =	rddreg [dreg:$0x3]  }
0x5: {  	s2 =	simm.s32 $0x0;
	s3 =	srdreg.scid;
	s1 =	stileid.u32  }
0x6: {  	s23 =	simm.s32 $0x3;
	s24 =	simm.s32 $0x2;
	s25 =	simm.s32 $0x4  }
0x7: {  	s26 =	simm.s32 $0x0;
	[smem:$0x7FF] =	sst s2;
	s5 =	sand.u32 $0x1, s3  }
0x8: {  	s7 =	sshll.u32 s1, $0x3;
	s3 =	sadd.s32 $0x800, s4;
	s4 =	sadd.s32 $0x600, s4  }
0x9: {  	s15 =	sshll.u32 s1, $0x12;
	_ =	strace $0x80000047;
	s6 =	sshll.u32 s5, $0x2  }
0xa: {  	s8 =	ssub.s32 $0x2, s5;
	s5 =	sshll.u32 s5, $0x9;
	s9 =	sor.u32 s6, s7  }
0xb: {  	s28 =	sshrl.u32 s8, $0x1;
	s5 =	sor.u32 s5, s15;
	s7 =	sand.u32 $0x70, s7  }
0xc: {  	s10 =	sor.u32 $0x1, s9;
	s14 =	ssub.s32 s8, s28;
	s12 =	sor.u32 $0x2, s9  }
0xd: {  	s16 =	sor.u32 $0x3, s9;
	s30 =	sshrl.u32 s5, $0x3;
	s20 =	sand.u32 $0xC, s9  }
0xe: {  	s29 =	sshll.u32 s10, $0x7;
	s18 =	sshll.u32 s12, $0x7;
	s5 =	sadd.s32 s11, s30  }
0xf: {  	s19 =	sshll.u32 s16, $0x7;
	s8 =	sadd.s32 s13, s30;
	s31 =	ssub.s32 s10, s7  }
0x10: {  	s21 =	ssub.s32 s12, s7;
	s22 =	ssub.s32 s16, s7;
	s14 =	smax.u32 s14, $0x1  }
0x11: {  	s16 =	simm.s32 $0x5;
	v5 =	vmov s20;
	s20 =	simm.s32 $0x8000;
	s6 =	sand.u32 $0x280, s29  }
0x12: {  	s18 =	sand.u32 $0x300, s18;
	s19 =	sand.u32 $0x380, s19;
	v2 =	vmov s21;
	s21 =	simm.s32 $0x1  }
0x13: {  	v3 =	vmov s22;
	s22 =	simm.s32 $0x18000;
	s6 =	sor.u32 s15, s6;
	s18 =	sor.u32 s15, s18  }
.Ltmp0:
0x14: {  	s15 =	sor.u32 s15, s19;
	s19 =	simm.s32 $0x400;
	(pc) =	sbr.rel .LBB2_1-.Ltmp0, $4  }
0x15: {  	v0 =	vlaneseq.u32;
	s17 =	sshrl.u32 s6, $0x3;
	s18 =	sshrl.u32 s18, $0x3;
	s15 =	sshrl.u32 s15, $0x3  }
0x16: {  	v6 =	vmul.u32 $0xFFFFFFFF, v0;
	vm0 =	veq.s32 v5, v0;
	v5 =	vimm.s32 $0x0;
	s6 =	sadd.s32 s11, s17;
	s9 =	sadd.s32 s11, s18;
	s10 =	sadd.s32 s13, s17  }
0x17: {  	v4 =	vimm.s32 $0x0;
	v5 =	vsel vm0, $0xFFFFFFFF, v5;
	s11 =	sadd.s32 s11, s15;
	s12 =	sadd.s32 s13, s18;
	s13 =	sadd.s32 s13, s15  }
0x18: {  	v6 =	vadd.s32 $0xF, v6;
	v1 =	vmov s31;
	[tilespmem:$0x1FFF0] =	vst v5;
	v5 =	vimm.s32 $0x1;
	s15 =	simm.s32 $0x18800;
	s17 =	simm.s32 $0x18880;
	s18 =	simm.s32 $0x80  }
.LBB2_75:
0x19: {  	vm11 =	vmor vm11, vm15  }
0x1a: {  	vm8 =	vmor vm8, vm14;
	v18 =	vadd.s32 v18, v24;
	vm6 =	vmor vm6, vm12  }
0x1b: {  	v19, _, _ =	vpop (xrf0);
	v62 =	vmul.f32 v22, v7;
	vm15 =	vlt.u32 v13, v8;
	vm0 =	vmand vm10, vm0  }
0x1c: {  	v7 =	vmul.f32 v21, v7;
	v11 =	vadd.s32 v11, v19;
	v17 =	vnsel vm11, $0x0, v17  }
0x1d: {  	vm11 =	vle.s32 v18, v9;
	v61 =	vnsel vm6, $0x0, v15;
	vm0 =	vmor vm4, vm0;
	[tilespmem:s28+$0x0] =	vst v17  }
0x1e: {  	vm12 =	vle.s32 v11, v9;
	vm14 =	vmand vm7, vm11;
	[tilespmem:s28+$0xFFFFFFE0] =	vst v61;
	v63 =	vnsel vm8, $0x0, v62  }
0x1f: {  	vm11 =	vmor vm15, vm13;
	v7 =	vnsel vm0, $0x0, v7;
	vm5 =	vmor vm5, vm14;
	[tilespmem:s28+$0x10] =	vst v63  }
0x20: {  	vm13 =	vle.s32 v20, v9;
	vm2 =	vmand vm2, vm12;
	[tilespmem:s28+$0x30] =	vst v7;
	v8 =	vnsel vm5, $0x0, v14  }
0x21: {  	vm14 =	vmand vm3, vm13;
	vm1 =	vmor vm1, vm2;
	[tilespmem:s28+$0xFFFFFFF0] =	vst v8;
	v8 =	vnsel vm11, $0x0, v12  }
0x22: {  	vm15 =	vmor vm9, vm14;
	[tilespmem:s28+$0x20] =	vst v8;
	v8 =	vnsel vm1, $0x0, v16  }
0x23: {  	[tilespmem:s28+$0xFFFFFFC0] =	vst v8;
	v8 =	vnsel vm15, $0x0, v10  }
0x24: {  	[tilespmem:s28+$0xFFFFFFD0] =	vst v8  }
.LBB2_79:
0x25: {  	[hbm4b:s13+s18] =	stream.strided.scatter [tilespmem:s20], [sflag:$0x4], $0x8000, s19, s18, $0x38;
	[tilespmem:$0x18900] =	vst v63  }
0x26: {  	s26 =	sadd.s32 $0x1, s26  }
0x27: {  	_ =	swait.ge [sflag:s23], $0x8000;
	p0 =	sne.s32 s26, s14  }
.Ltmp1:
0x28: {  	[sflag:s23] =	ssyncset.done $0x0;
	(pc) =	sbr.rel @!p0 .LBB2_80-.Ltmp1, $4  }
0x29: {  	[sflag:s23] =	ssyncadd.s32 $0xFFFF8000  }
0x2a: {  	_ =	swait.ge [sflag:s25], $0x8000  }
0x2b: {  	[sflag:s25] =	ssyncset.done $0x0  }
0x2c: {  	[sflag:s25] =	ssyncadd.s32 $0xFFFF8000  }
.LBB2_1:
0x2d: {  	[tilespmem:s15], [sflag:$0x5] =	stream.linear.gather [hbm4b:s3+s2], $0x80, $0x38;
	[tilespmem:$0x18900] =	vst v63  }
0x2e: {  	_ =	swait.ge [sflag:s16], $0x80  }
0x2f: {  	[sflag:s16] =	ssyncset.done $0x0  }
0x30: {  	[sflag:s16] =	ssyncadd.s32 $0xFFFFFF80  }
0x31: {  	[tilespmem:s17], [sflag:$0x5] =	stream.linear.gather [hbm4b:s4+s2], $0x80, $0x38;
	[tilespmem:$0x18900] =	vst v63  }
0x32: {  	_ =	swait.ge [sflag:s16], $0x80  }
0x33: {  	[sflag:s16] =	ssyncset.done $0x0  }
0x34: {  	s28 =	simm.s32 $0x18040;
	[sflag:s16] =	ssyncadd.s32 $0xFFFFFF80  }
0x35: {  	[tilespmem:s28+$0xFFFFFFC0] =	vst v4  }
0x36: {  	[tilespmem:s28+$0x30] =	vst v4  }
0x37: {  	[tilespmem:s28+$0x20] =	vst v4  }
0x38: {  	[tilespmem:s28+$0x10] =	vst v4  }
0x39: {  	[tilespmem:s28+$0x0] =	vst v4  }
0x3a: {  	[tilespmem:s28+$0xFFFFFFF0] =	vst v4  }
0x3b: {  	s29 =	simm.s32 $0x0;
	[tilespmem:s28+$0xFFFFFFE0] =	vst v4  }
.LBB2_2:
0x3c: {  	s29 =	sadd.s32 $0x80, s29;
	[tilespmem:s28+$0xFFFFFFD0] =	vst v4;
	s28 =	sadd.s32 $0x80, s28  }
0x3d: {  	[tilespmem:s28+$0xFFFFFFC0] =	vst v4;
	p0 =	slt.u32 s29, $0x780  }
0x3e: {  	[tilespmem:s28+$0x30] =	vst v4  }
.Ltmp2:
0x3f: {  	[tilespmem:s28+$0x20] =	vst v4;
	(pc) =	sbr.rel @p0 .LBB2_2-.Ltmp2, $4  }
0x40: {  	[tilespmem:s28+$0x10] =	vst v4  }
0x41: {  	[tilespmem:s28+$0x0] =	vst v4  }
0x42: {  	[tilespmem:s28+$0xFFFFFFF0] =	vst v4  }
0x43: {  	[tilespmem:s28+$0xFFFFFFE0] =	vst v4  }
0x44: {  	[tilespmem:s28+$0xFFFFFFD0] =	vst v4  }
0x45: {  	[tilespmem:s2], [sflag:$0x1] =	stream.strided.gather [hbm4b:s5+s18], $0x8000, s19, s18, $0x38;
	[tilespmem:$0x18900] =	vst v63  }
0x46: {  	_ = 	snop  }
0x47: {  	[tilespmem:s20], [sflag:$0x2] =	stream.strided.gather [hbm4b:s6+s18], $0x8000, s19, s18, $0x38;
	[tilespmem:$0x18900] =	vst v63  }
0x48: {  	_ =	swait.ge [sflag:s21], $0x8000  }
0x49: {  	[sflag:s21] =	ssyncset.done $0x0  }
0x4a: {  	s30 =	simm.s32 $0x40;
	[sflag:s21] =	ssyncadd.s32 $0xFFFF8000  }
0x4b: {  	v7 =	vld [tilespmem:s30+$0xFFFFFFE0]  }
0x4c: {  	v12 =	vld [tilespmem:s30+$0x20]  }
0x4d: {  	v15 =	vld [tilespmem:s30+$0xFFFFFFC0]  }
0x4e: {  	v13 =	vld [tilespmem:s30+$0x10]  }
0x4f: {  	v17 =	vld [tilespmem:s30+$0x30]  }
0x50: {  	v10 =	vld [tilespmem:s30+$0xFFFFFFD0]  }
0x51: {  	v11 =	vld [tilespmem:s30+$0xFFFFFFF0]  }
0x52: {  	v8 =	vshra.s32 v12, $0x1F  }
0x53: {  	v9 =	vshra.s32 v7, $0x1F;
	v14 =	vshra.s32 v15, $0x1F;
	v22 =	vshra.s32 v13, $0x1F  }
0x54: {  	v16 =	vor.u32 $0x80000000, v8;
	v19 =	vor.u32 $0x80000000, v14;
	v8 =	vor.u32 $0x80000000, v9  }
0x55: {  	v9 =	vshra.s32 v17, $0x1F;
	v14 =	vshra.s32 v10, $0x1F;
	v20 =	vxor.u32 v7, v8  }
0x56: {  	v7 =	vshra.s32 v11, $0x1F;
	v21 =	vor.u32 $0x80000000, v9;
	v8 =	vld [tilespmem:s7+$0x18800];
	v19 =	vxor.u32 v15, v19  }
0x57: {  	s28 =	simm.s32 $0x10040;
	v16 =	vxor.u32 v12, v16;
	v15 =	vld [tilespmem:s30+$0x0];
	v9 =	vshrl.u32 v20, $0x15;
	v18 =	vor.u32 $0x80000000, v7  }
0x58: {  	s29 =	simm.s32 $0x0;
	s31 =	simm.s32 $0x10040;
	s30 =	simm.s32 $0xC0;
	v7 =	vld [tilespmem:s7+$0x18880];
	v12 =	vshrl.u32 v19, $0x15;
	[tilespmem:s28+$0xFFFFFFE0] =	vst v20;
	v20 =	vor.u32 $0x80000000, v22;
	v17 =	vxor.u32 v17, v21  }
.LBB2_4:
0x59: {  	v21 =	vld [tilespmem:s30+$0xFFFFFFE0];
	s29 =	sadd.s32 $0x80, s29;
	[tilespmem:s28+$0xFFFFFFC0] =	vst v19;
	v11 =	vxor.u32 v11, v18;
	v13 =	vxor.u32 v13, v20;
	v18 =	vshrl.u32 v17, $0x15;
	s31 =	sadd.s32 $0x80, s31  }
0x5a: {  	v23 =	vshrl.u32 v16, $0x15;
	v19 =	vld [tilespmem:s30+$0xFFFFFFC0];
	p0 =	slt.u32 s29, $0x7F80;
	[tilespmem:s28+$0xFFFFFFF0] =	vst v11;
	v20 =	vshrl.u32 v11, $0x15;
	v22 =	vshrl.u32 v13, $0x15  }
0x5b: {  	v14 =	vor.u32 $0x80000000, v14;
	v11 =	vld [tilespmem:s30+$0xFFFFFFF0];
	[tilespmem:s28+$0x20] =	vst v16  }
0x5c: {  	v14 =	vxor.u32 v10, v14;
	v16 =	vld [tilespmem:s30+$0x20];
	[tilespmem:s28+$0x30] =	vst v17  }
0x5d: {  	v17 =	vld [tilespmem:s30+$0x30];
	v10 =	vshra.s32 v15, $0x1F;
	[tilespmem:s28+$0x10] =	vst v13  }
0x5e: {  	v24 =	vshrl.u32 v14, $0x15;
	v10 =	vor.u32 $0x80000000, v10;
	[tilespmem:v18+s22+$0x0] =	vst.idx.add.s32.msk $0xffff, v5  }
0x5f: {  	v13 =	vxor.u32 v15, v10;
	[tilespmem:v22+s22+$0x0] =	vst.idx.add.s32.msk $0xffff, v5  }
0x60: {  	v10 =	vld [tilespmem:s30+$0xFFFFFFD0];
	[tilespmem:s28+$0x0] =	vst v13;
	v15 =	vshrl.u32 v13, $0x15  }
0x61: {  	[tilespmem:v23+s22+$0x0] =	vst.idx.add.s32.msk $0xffff, v5  }
0x62: {  	v18 =	vshra.s32 v21, $0x1F;
	v22 =	vshra.s32 v16, $0x1F;
	v13 =	vld [tilespmem:s30+$0x10];
	[tilespmem:s28+$0xFFFFFFD0] =	vst v14;
	s28 =	smov.u32 s31  }
0x63: {  	v14 =	vshra.s32 v19, $0x1F;
	v22 =	vor.u32 $0x80000000, v22;
	[tilespmem:v24+s22+$0x0] =	vst.idx.add.s32.msk $0xffff, v5  }
.Ltmp3:
0x64: {  	v23 =	vor.u32 $0x80000000, v14;
	v14 =	vor.u32 $0x80000000, v18;
	v18 =	vshra.s32 v17, $0x1F;
	[tilespmem:v12+s22+$0x0] =	vst.idx.add.s32.msk $0xffff, v5;
	(pc) =	sbr.rel @p0 .LBB2_4-.Ltmp3, $4  }
0x65: {  	v21 =	vxor.u32 v21, v14;
	v12 =	vshra.s32 v11, $0x1F;
	v24 =	vor.u32 $0x80000000, v18;
	[tilespmem:v20+s22+$0x0] =	vst.idx.add.s32.msk $0xffff, v5  }
0x66: {  	v14 =	vshra.s32 v10, $0x1F;
	v25 =	vshrl.u32 v21, $0x15;
	v18 =	vor.u32 $0x80000000, v12;
	[tilespmem:v15+s22+$0x0] =	vst.idx.add.s32.msk $0xffff, v5  }
0x67: {  	v16 =	vxor.u32 v16, v22;
	v19 =	vxor.u32 v19, v23;
	v20 =	vshra.s32 v13, $0x1F;
	[tilespmem:v9+s22+$0x0] =	vst.idx.add.s32.msk $0xffff, v5  }
0x68: {  	v12 =	vshrl.u32 v19, $0x15;
	v17 =	vxor.u32 v17, v24;
	v9 =	vmovc v25;
	[tilespmem:s31+$0xFFFFFFE0] =	vst v21;
	v15 =	vld [tilespmem:s30+$0x0];
	v20 =	vor.u32 $0x80000000, v20;
	s30 =	sadd.s32 $0x80, s30  }
0x69: {  	_ = 	snop  }
0x6a: {  	[tilespmem:s28+$0xFFFFFFC0] =	vst v19  }
0x6b: {  	[tilespmem:s28+$0x20] =	vst v16  }
0x6c: {  	[tilespmem:s28+$0x30] =	vst v17  }
0x6d: {  	v11 =	vxor.u32 v11, v18;
	v18 =	vshrl.u32 v17, $0x15;
	[tilespmem:v9+s22+$0x0] =	vst.idx.add.s32.msk $0xffff, v5  }
0x6e: {  	v13 =	vxor.u32 v13, v20;
	[tilespmem:s28+$0xFFFFFFF0] =	vst v11  }
0x6f: {  	v16 =	vshrl.u32 v16, $0x15;
	v14 =	vor.u32 $0x80000000, v14;
	[tilespmem:s28+$0x10] =	vst v13  }
0x70: {  	v19 =	vshrl.u32 v13, $0x15;
	v10 =	vxor.u32 v10, v14;
	[tilespmem:v12+s22+$0x0] =	vst.idx.add.s32.msk $0xffff, v5;
	v14 =	vshra.s32 v15, $0x1F  }
0x71: {  	v11 =	vshrl.u32 v11, $0x15;
	[tilespmem:s28+$0xFFFFFFD0] =	vst v10;
	v14 =	vor.u32 $0x80000000, v14  }
0x72: {  	v13 =	vshrl.u32 v10, $0x15;
	[tilespmem:v18+s22+$0x0] =	vst.idx.add.s32.msk $0xffff, v5;
	v14 =	vxor.u32 v15, v14  }
0x73: {  	[tilespmem:s28+$0x0] =	vst v14;
	v14 =	vshrl.u32 v14, $0x15  }
0x74: {  	[tilespmem:v16+s22+$0x0] =	vst.idx.add.s32.msk $0xffff, v5  }
0x75: {  	[tilespmem:v19+s22+$0x0] =	vst.idx.add.s32.msk $0xffff, v5  }
0x76: {  	[tilespmem:v11+s22+$0x0] =	vst.idx.add.s32.msk $0xffff, v5  }
0x77: {  	[tilespmem:v13+s22+$0x0] =	vst.idx.add.s32.msk $0xffff, v5  }
0x78: {  	[tilespmem:v14+s22+$0x0] =	vst.idx.add.s32.msk $0xffff, v5  }
0x79: {  	v10 =	vld [tilespmem:$0x1FFF0];
	_ =	sdelay $0x1  }
0x7a: {  	s28 =	simm.s32 $0x0  }
0x7b: {  	v9 =	vld [tilespmem:s28+$0x18000];
	_ =	sdelay $0x1  }
0x7c: {  	vm0 =	vnez.u8 v10  }
0x7d: {  	v8 =	vnsel vm0, $0x0, v8  }
0x7e: {  	(xrf0) =	vadd.scan.msk.s32 $0xffff, v8  }
0x7f: {  	(xrf0) =	vadd.scan.msk.s32 $0xffff, v9  }
0x80: {  	[tilespmem:s28+$0x18000] =	vst v4;
	s28 =	simm.s32 $0x10  }
0x81: {  	v12 =	vld [tilespmem:s28+$0x18000];
	v10 =	vperm.xlane v9, v6;
	_ =	sdelay $0x2  }
0x82: {  	(xrf0) =	vadd.scan.msk.s32 $0xffff, v10;
	v8, _, _ =	vpop (xrf0)  }
0x83: {  	v16 =	vimm.s32 $0x0;
	v8 =	vbroadcast v8, $0xF;
	v10, _, _ =	vpop (xrf0)  }
0x84: {  	v13 =	vperm.xlane v12, v6;
	v11 =	vadd.s32 v16, v10  }
0x85: {  	(xrf0) =	vadd.scan.msk.s32 $0xffff, v12;
	vm0 =	vlt.s32 v11, v8  }
0x86: {  	[tilespmem:s28+$0x18000] =	vst v4;
	s28 =	simm.s32 $0x20;
	v18 =	vnsel vm0, $0x0, v9  }
0x87: {  	v11 =	vld [tilespmem:s28+$0x18000];
	v14 =	vperm.xlane v18, v6;
	(xrf0) =	vadd.scan.msk.s32 $0xffff, v18  }
0x88: {  	(xrf0) =	vadd.scan.msk.s32 $0xffff, v13;
	v13, _, _ =	vpop (xrf0)  }
0x89: {  	v9 =	vsub.s32 v16, v9;
	v13 =	vperm.xlane v13, v6  }
0x8a: {  	v9 =	vadd.s32 v10, v9;
	(xrf0) =	vadd.scan.msk.s32 $0xffff, v14  }
0x8b: {  	v14, _, _ =	vpop (xrf0);
	v15 =	vadd.s32 v13, v9  }
0x8c: {  	(xrf0) =	vadd.scan.msk.s32 $0xffff, v11;
	v10 =	vadd.s32 v15, v14  }
0x8d: {  	[tilespmem:s28+$0x18000] =	vst v4;
	s28 =	simm.s32 $0x30;
	vm1 =	vlt.s32 v10, v8  }
0x8e: {  	v17 =	vperm.xlane v11, v6;
	v13 =	vld [tilespmem:s28+$0x18000];
	v9, _, _ =	vpop (xrf0);
	v10 =	vnsel vm1, $0x0, v12  }
0x8f: {  	v19, _, _ =	vpop (xrf0);
	v62 =	vperm.xlane v10, v6;
	(xrf0) =	vadd.scan.msk.s32 $0xffff, v10  }
0x90: {  	v12 =	vsub.s32 v15, v12;
	v19 =	vperm.xlane v19, v6;
	v15, _, _ =	vpop (xrf0);
	(xrf0) =	vadd.scan.msk.s32 $0xffff, v17  }
0x91: {  	vm0 =	vmmov vm0;
	v12 =	vadd.s32 v14, v12;
	v21 =	vperm.xlane v15, v6;
	(xrf0) =	vadd.scan.msk.s32 $0xffff, v62  }
0x92: {  	vm1 =	vmmov vm1;
	v14, _, _ =	vpop (xrf0);
	v15 =	vadd.s32 v19, v12;
	v12 =	vmpcnt.ones.xlane vm0  }
0x93: {  	v17 =	vperm.xlane v13, v6;
	v19 =	vadd.s32 v15, v14;
	v63 =	vadd.s32 v16, v21;
	(xrf0) =	vadd.scan.msk.s32 $0xffff, v13  }
0x94: {  	s29 =	simm.s32 $0x140;
	[tilespmem:s28+$0x18000] =	vst v4;
	s28 =	simm.s32 $0x40;
	vm2 =	vlt.s32 v19, v8;
	v12 =	vadd.s32 v16, v12;
	v16 =	vsub.s32 v63, v18  }
.LBB2_6:
0x95: {  	p0 =	sne.s32 s29, $0x1FC0;
	v18 =	vld [tilespmem:s28+$0x18000];
	v16 =	vadd.s32 v9, v16;
	v9, _, _ =	vpop (xrf0);
	v19 =	vmov v10;
	v10 =	vnsel vm2, $0x0, v11;
	s30 =	smov.u32 s29;
	s29 =	sadd.s32 $0x40, s29  }
0x96: {  	[tilespmem:s28+$0x18000] =	vst v4;
	v20 =	vperm.xlane v10, v6;
	(xrf0) =	vadd.scan.msk.s32 $0xffff, v10;
	v21, _, _ =	vpop (xrf0)  }
.Ltmp4:
0x97: {  	v15 =	vsub.s32 v15, v11;
	v11 =	vmov v13;
	(xrf0) =	vadd.scan.msk.s32 $0xffff, v17;
	v17 =	vperm.xlane v21, v6;
	v21, _, _ =	vpop (xrf0);
	(pc) =	sbr.rel @p0 .LBB2_6-.Ltmp4, $4  }
0x98: {  	v13 =	vadd.s32 v14, v15;
	(xrf0) =	vadd.scan.msk.s32 $0xffff, v20;
	v20 =	vperm.xlane v21, v6  }
0x99: {  	v22 =	vmpcnt.ones.xlane vm1;
	vm1 =	vmmov vm2;
	v14, _, _ =	vpop (xrf0);
	v15 =	vadd.s32 v17, v13  }
0x9a: {  	v17 =	vperm.xlane v18, v6;
	(xrf0) =	vadd.scan.msk.s32 $0xffff, v18;
	v21 =	vadd.s32 v15, v14;
	v16 =	vadd.s32 v16, v20  }
0x9b: {  	s28 =	sshra.s32 s30, $0x2;
	v12 =	vadd.s32 v12, v22;
	v13 =	vmovc v18;
	vm2 =	vlt.s32 v21, v8;
	v16 =	vsub.s32 v16, v19  }
0x9c: {  	v18 =	vld [tilespmem:s28+$0x18000];
	v19 =	vnsel vm2, $0x0, v11  }
0x9d: {  	(xrf0) =	vadd.scan.msk.s32 $0xffff, v19;
	v20 =	vperm.xlane v19, v6  }
0x9e: {  	(xrf0) =	vadd.scan.msk.s32 $0xffff, v17  }
0x9f: {  	v17, _, _ =	vpop (xrf0)  }
0xa0: {  	v21, _, _ =	vpop (xrf0);
	(xrf0) =	vadd.scan.msk.s32 $0xffff, v20  }
0xa1: {  	v20, _, _ =	vpop (xrf0);
	(xrf0) =	vadd.scan.msk.s32 $0xffff, v18  }
0xa2: {  	v11 =	vsub.s32 v15, v11;
	v21 =	vperm.xlane v21, v6;
	v15, _, _ =	vpop (xrf0)  }
0xa3: {  	v11 =	vadd.s32 v14, v11;
	v14, _, _ =	vpop (xrf0)  }
0xa4: {  	v11 =	vadd.s32 v21, v11;
	v58, _, _ =	vpop (xrf0)  }
0xa5: {  	v22 =	vadd.s32 v11, v15;
	v11 =	vsub.s32 v11, v13;
	v21 =	vperm.xlane v58, v6  }
0xa6: {  	v11 =	vadd.s32 v15, v11;
	v59, _, _ =	vpop (xrf0)  }
0xa7: {  	vm0 =	vlt.s32 v22, v8;
	v11 =	vadd.s32 v21, v11;
	v60, _, _ =	vpop (xrf0)  }
0xa8: {  	v15 =	vperm.xlane v18, v6;
	v13 =	vnsel vm0, $0x0, v13;
	v11 =	vadd.s32 v11, v60  }
0xa9: {  	v61 =	vperm.xlane v13, v6;
	(xrf0) =	vadd.scan.msk.s32 $0xffff, v13;
	vm3 =	vlt.s32 v11, v8;
	v11 =	vperm.xlane v20, v6  }
0xaa: {  	v9 =	vadd.s32 v9, v16;
	(xrf0) =	vadd.scan.msk.s32 $0xffff, v15;
	v15 =	vnsel vm3, $0x0, v18  }
0xab: {  	(xrf0) =	vadd.scan.msk.s32 $0xffff, v61;
	v16 =	vperm.xlane v15, v6;
	v9 =	vadd.s32 v9, v11  }
0xac: {  	v9 =	vsub.s32 v9, v10;
	v10 =	vperm.xlane v59, v6;
	_ =	sdelay $0x1  }
0xad: {  	(xrf0) =	vadd.scan.msk.s32 $0xffff, v15  }
0xae: {  	v11 =	vmpcnt.ones.xlane vm1;
	(xrf0) =	vadd.scan.msk.s32 $0xffff, v16;
	v9 =	vadd.s32 v17, v9;
	v16, _, _ =	vpop (xrf0)  }
0xaf: {  	v9 =	vadd.s32 v9, v10;
	v10, _, _ =	vpop (xrf0)  }
0xb0: {  	v11 =	vadd.s32 v12, v11;
	v12, _, _ =	vpop (xrf0)  }
0xb1: {  	vm1 =	vmmov vm2;
	v12 =	vperm.xlane v12, v6  }
0xb2: {  	[tilespmem:s28+$0x18000] =	vst v4;
	s28 =	simm.s32 $0x10040;
	vm0 =	vmmov vm0;
	v10 =	vmpcnt.ones.xlane vm1  }
0xb3: {  	v18 =	vmpcnt.ones.xlane vm0;
	v17 =	vld [tilespmem:s28+$0xFFFFFFC0];
	v9 =	vsub.s32 v9, v19  }
0xb4: {  	vm0 =	vmmov vm3;
	v9 =	vadd.s32 v14, v9;
	v14, _, _ =	vpop (xrf0);
	v10 =	vadd.s32 v11, v10  }
0xb5: {  	v11 =	vmpcnt.ones.xlane vm0;
	v9 =	vadd.s32 v9, v12;
	v10 =	vadd.s32 v10, v18;
	v18 =	vld [tilespmem:s28+$0xFFFFFFE0];
	v12, _, _ =	vpop (xrf0)  }
0xb6: {  	v13 =	vsub.s32 v9, v13;
	v12 =	vperm.xlane v12, v6  }
0xb7: {  	v9 =	vadd.s32 v10, v11;
	v10 =	vadd.s32 v16, v13  }
0xb8: {  	v20 =	vld [tilespmem:s28+$0x20];
	v11 =	vand.u32 $0x7FF, v9;
	v13 =	vshrl.u32 v17, $0x15;
	v10 =	vadd.s32 v10, v12  }
0xb9: {  	v19 =	vld [tilespmem:s28+$0xFFFFFFF0];
	vm0 =	veq.s32 v13, v11;
	v10 =	vsub.s32 v10, v15  }
0xba: {  	v12 =	vshrl.u32 v17, $0xA;
	v10 =	vadd.s32 v14, v10;
	v14 =	vshrl.u32 v18, $0x15  }
0xbb: {  	v62 =	vld [tilespmem:s28+$0x30];
	v63 =	vand.u32 $0x7FF, v12;
	v15 =	vshrl.u32 v18, $0xA;
	vm3 =	veq.s32 v14, v11  }
0xbc: {  	v12 =	vld [tilespmem:s28+$0xFFFFFFD0];
	v15 =	vand.u32 $0x7FF, v15;
	_ =	sdelay $0x1  }
0xbd: {  	v16 =	vld [tilespmem:s28+$0x10];
	v13 =	vshrl.u32 v19, $0xA;
	v18 =	vshrl.u32 v20, $0x15;
	v14 =	vshrl.u32 v19, $0x15  }
0xbe: {  	v17 =	vld [tilespmem:s28+$0x0];
	vm2 =	veq.s32 v18, v11;
	vm1 =	veq.s32 v14, v11;
	v14 =	vshrl.u32 v20, $0xA  }
0xbf: {  	s29 =	simm.s32 $0x100C0;
	s28 =	simm.s32 $0x0;
	v19 =	vshrl.u32 v62, $0x15;
	v18 =	vshrl.u32 v62, $0xA;
	v14 =	vand.u32 $0x7FF, v14;
	[tilespmem:v63+s22+$0x0] =	vst.idx.add.s32.msk vm0, v5  }
.LBB2_8:
0xc0: {  	s28 =	sadd.s32 $0x80, s28;
	v20 =	vshrl.u32 v12, $0x15;
	[tilespmem:v15+s22+$0x0] =	vst.idx.add.s32.msk vm3, v5;
	vm0 =	veq.s32 v19, v11  }
0xc1: {  	v12 =	vshrl.u32 v12, $0xA;
	v15 =	vand.u32 $0x7FF, v13;
	v19 =	vld [tilespmem:s29+$0xFFFFFFF0];
	p0 =	slt.u32 s28, $0x7F80;
	vm4 =	veq.s32 v20, v11  }
0xc2: {  	v18 =	vand.u32 $0x7FF, v18;
	v21 =	vand.u32 $0x7FF, v12;
	v20 =	vld [tilespmem:s29+$0xFFFFFFE0];
	v12 =	vshrl.u32 v16, $0x15  }
0xc3: {  	v22 =	vld [tilespmem:s29+$0xFFFFFFC0];
	v13 =	vshrl.u32 v17, $0x15;
	vm5 =	veq.s32 v12, v11;
	v12 =	vshrl.u32 v16, $0xA  }
0xc4: {  	v23 =	vld [tilespmem:s29+$0x30];
	vm6 =	veq.s32 v13, v11;
	v13 =	vshrl.u32 v17, $0xA;
	v16 =	vand.u32 $0x7FF, v12  }
0xc5: {  	v24 =	vld [tilespmem:s29+$0x20];
	v17 =	vand.u32 $0x7FF, v13  }
0xc6: {  	v12 =	vld [tilespmem:s29+$0xFFFFFFD0];
	v13 =	vshrl.u32 v19, $0xA  }
0xc7: {  	[tilespmem:v15+s22+$0x0] =	vst.idx.add.s32.msk vm1, v5  }
0xc8: {  	v25 =	vshrl.u32 v20, $0x15;
	v20 =	vshrl.u32 v20, $0xA;
	v15 =	vshrl.u32 v22, $0x15;
	[tilespmem:v14+s22+$0x0] =	vst.idx.add.s32.msk vm2, v5  }
0xc9: {  	v14 =	vshrl.u32 v22, $0xA;
	vm3 =	veq.s32 v25, v11;
	vm7 =	veq.s32 v15, v11;
	[tilespmem:v16+s22+$0x0] =	vst.idx.add.s32.msk vm5, v5  }
0xca: {  	v14 =	vand.u32 $0x7FF, v14;
	v15 =	vand.u32 $0x7FF, v20;
	[tilespmem:v17+s22+$0x0] =	vst.idx.add.s32.msk vm6, v5  }
.Ltmp5:
0xcb: {  	v16 =	vshrl.u32 v19, $0x15;
	[tilespmem:v18+s22+$0x0] =	vst.idx.add.s32.msk vm0, v5;
	(pc) =	sbr.rel @p0 .LBB2_8-.Ltmp5, $4  }
0xcc: {  	vm1 =	veq.s32 v16, v11;
	[tilespmem:v21+s22+$0x0] =	vst.idx.add.s32.msk vm4, v5  }
0xcd: {  	v18 =	vshrl.u32 v24, $0x15;
	v16 =	vld [tilespmem:s29+$0x10]  }
0xce: {  	vm2 =	veq.s32 v18, v11;
	v18 =	vshrl.u32 v24, $0xA;
	v17 =	vld [tilespmem:s29+$0x0]  }
0xcf: {  	v19 =	vshrl.u32 v23, $0x15;
	s29 =	sadd.s32 $0x80, s29;
	[tilespmem:v14+s22+$0x0] =	vst.idx.add.s32.msk vm7, v5;
	v14 =	vand.u32 $0x7FF, v18;
	v18 =	vshrl.u32 v23, $0xA  }
0xd0: {  	_ = 	snop  }
0xd1: {  	v13 =	vand.u32 $0x7FF, v13  }
0xd2: {  	vm5 =	veq.s32 v19, v11;
	v20 =	vshrl.u32 v16, $0x15;
	v16 =	vshrl.u32 v16, $0xA  }
0xd3: {  	v21 =	vshrl.u32 v17, $0x15;
	vm0 =	veq.s32 v20, v11;
	v17 =	vshrl.u32 v17, $0xA  }
0xd4: {  	v16 =	vand.u32 $0x7FF, v16;
	v20 =	vshrl.u32 v12, $0x15;
	vm4 =	veq.s32 v21, v11  }
0xd5: {  	[tilespmem:v15+s22+$0x0] =	vst.idx.add.s32.msk vm3, v5;
	vm3 =	veq.s32 v20, v11;
	v11 =	vshrl.u32 v12, $0xA;
	v12 =	vand.u32 $0x7FF, v18  }
0xd6: {  	v17 =	vand.u32 $0x7FF, v17  }
0xd7: {  	[tilespmem:v14+s22+$0x0] =	vst.idx.add.s32.msk vm2, v5;
	v11 =	vand.u32 $0x7FF, v11  }
0xd8: {  	[tilespmem:v13+s22+$0x0] =	vst.idx.add.s32.msk vm1, v5  }
0xd9: {  	[tilespmem:v16+s22+$0x0] =	vst.idx.add.s32.msk vm0, v5  }
0xda: {  	[tilespmem:v12+s22+$0x0] =	vst.idx.add.s32.msk vm5, v5  }
0xdb: {  	[tilespmem:v17+s22+$0x0] =	vst.idx.add.s32.msk vm4, v5  }
0xdc: {  	s28 =	simm.s32 $0x0;
	[tilespmem:v11+s22+$0x0] =	vst.idx.add.s32.msk vm3, v5  }
0xdd: {  	v11 =	vld [tilespmem:s28+$0x18000];
	_ =	sdelay $0x4  }
0xde: {  	(xrf0) =	vadd.scan.msk.s32 $0xffff, v11;
	_ =	sdelay $0x1  }
0xdf: {  	[tilespmem:s28+$0x18000] =	vst v4;
	s28 =	simm.s32 $0x10  }
0xe0: {  	v13 =	vld [tilespmem:s28+$0x18000]  }
0xe1: {  	v12 =	vperm.xlane v11, v6;
	_ =	sdelay $0x1  }
0xe2: {  	v17 =	vimm.s32 $0x0;
	(xrf0) =	vadd.scan.msk.s32 $0xffff, v12;
	v14, _, _ =	vpop (xrf0)  }
0xe3: {  	v10 =	vsub.s32 v8, v10;
	v8 =	vadd.s32 v17, v14  }
0xe4: {  	vm0 =	vlt.s32 v8, v10;
	v8 =	vperm.xlane v13, v6  }
0xe5: {  	(xrf0) =	vadd.scan.msk.s32 $0xffff, v13  }
0xe6: {  	[tilespmem:s28+$0x18000] =	vst v4;
	s28 =	simm.s32 $0x20;
	v19 =	vnsel vm0, $0x0, v11  }
0xe7: {  	v12 =	vld [tilespmem:s28+$0x18000];
	v15 =	vperm.xlane v19, v6;
	(xrf0) =	vadd.scan.msk.s32 $0xffff, v19  }
0xe8: {  	(xrf0) =	vadd.scan.msk.s32 $0xffff, v8;
	v8, _, _ =	vpop (xrf0)  }
0xe9: {  	v11 =	vsub.s32 v17, v11;
	v8 =	vperm.xlane v8, v6  }
0xea: {  	v11 =	vadd.s32 v14, v11;
	(xrf0) =	vadd.scan.msk.s32 $0xffff, v15  }
0xeb: {  	v15, _, _ =	vpop (xrf0);
	v16 =	vadd.s32 v8, v11  }
0xec: {  	(xrf0) =	vadd.scan.msk.s32 $0xffff, v12;
	v8 =	vadd.s32 v16, v15  }
0xed: {  	[tilespmem:s28+$0x18000] =	vst v4;
	s28 =	simm.s32 $0x30;
	vm1 =	vlt.s32 v8, v10  }
0xee: {  	v18 =	vperm.xlane v12, v6;
	v14 =	vld [tilespmem:s28+$0x18000];
	v11, _, _ =	vpop (xrf0);
	v8 =	vnsel vm1, $0x0, v13  }
0xef: {  	v20, _, _ =	vpop (xrf0);
	v62 =	vperm.xlane v8, v6;
	(xrf0) =	vadd.scan.msk.s32 $0xffff, v8  }
0xf0: {  	v20 =	vperm.xlane v20, v6;
	v13 =	vsub.s32 v16, v13;
	v16, _, _ =	vpop (xrf0);
	(xrf0) =	vadd.scan.msk.s32 $0xffff, v18  }
0xf1: {  	vm0 =	vmmov vm0;
	v13 =	vadd.s32 v15, v13;
	v22 =	vperm.xlane v16, v6;
	(xrf0) =	vadd.scan.msk.s32 $0xffff, v62  }
0xf2: {  	vm1 =	vmmov vm1;
	v15, _, _ =	vpop (xrf0);
	v16 =	vadd.s32 v20, v13;
	v13 =	vmpcnt.ones.xlane vm0  }
0xf3: {  	v18 =	vperm.xlane v14, v6;
	v20 =	vadd.s32 v16, v15;
	v63 =	vadd.s32 v17, v22;
	(xrf0) =	vadd.scan.msk.s32 $0xffff, v14  }
0xf4: {  	s29 =	simm.s32 $0x140;
	[tilespmem:s28+$0x18000] =	vst v4;
	s28 =	simm.s32 $0x40;
	vm2 =	vlt.s32 v20, v10;
	v13 =	vadd.s32 v17, v13;
	v17 =	vsub.s32 v63, v19  }
.LBB2_10:
0xf5: {  	p0 =	sne.s32 s29, $0x1FC0;
	v19 =	vld [tilespmem:s28+$0x18000];
	v17 =	vadd.s32 v11, v17;
	v11, _, _ =	vpop (xrf0);
	v20 =	vmov v8;
	v8 =	vnsel vm2, $0x0, v12;
	s30 =	smov.u32 s29;
	s29 =	sadd.s32 $0x40, s29  }
0xf6: {  	[tilespmem:s28+$0x18000] =	vst v4;
	v21 =	vperm.xlane v8, v6;
	(xrf0) =	vadd.scan.msk.s32 $0xffff, v8;
	v22, _, _ =	vpop (xrf0)  }
.Ltmp6:
0xf7: {  	v16 =	vsub.s32 v16, v12;
	v12 =	vmov v14;
	(xrf0) =	vadd.scan.msk.s32 $0xffff, v18;
	v18 =	vperm.xlane v22, v6;
	v22, _, _ =	vpop (xrf0);
	(pc) =	sbr.rel @p0 .LBB2_10-.Ltmp6, $4  }
0xf8: {  	v14 =	vadd.s32 v15, v16;
	(xrf0) =	vadd.scan.msk.s32 $0xffff, v21;
	v21 =	vperm.xlane v22, v6  }
0xf9: {  	v23 =	vmpcnt.ones.xlane vm1;
	vm1 =	vmmov vm2;
	v15, _, _ =	vpop (xrf0);
	v16 =	vadd.s32 v18, v14  }
0xfa: {  	v18 =	vperm.xlane v19, v6;
	(xrf0) =	vadd.scan.msk.s32 $0xffff, v19;
	v22 =	vadd.s32 v16, v15;
	v17 =	vadd.s32 v17, v21  }
0xfb: {  	s28 =	sshra.s32 s30, $0x2;
	v13 =	vadd.s32 v13, v23;
	v14 =	vmovc v19;
	vm2 =	vlt.s32 v22, v10;
	v17 =	vsub.s32 v17, v20  }
0xfc: {  	v19 =	vld [tilespmem:s28+$0x18000];
	v20 =	vnsel vm2, $0x0, v12  }
0xfd: {  	(xrf0) =	vadd.scan.msk.s32 $0xffff, v20  }
0xfe: {  	v45, _, _ =	vpop (xrf0);
	v21 =	vperm.xlane v20, v6;
	(xrf0) =	vadd.scan.msk.s32 $0xffff, v18  }
0xff: {  	v22, _, _ =	vpop (xrf0)  }
0x100: {  	v12 =	vsub.s32 v16, v12;
	v46 =	vperm.xlane v22, v6;
	(xrf0) =	vadd.scan.msk.s32 $0xffff, v21  }
0x101: {  	v12 =	vadd.s32 v15, v12;
	v16, _, _ =	vpop (xrf0);
	(xrf0) =	vadd.scan.msk.s32 $0xffff, v19  }
0x102: {  	v47, _, _ =	vpop (xrf0);
	v12 =	vadd.s32 v46, v12  }
0x103: {  	v21 =	vadd.s32 v12, v47;
	v15, _, _ =	vpop (xrf0)  }
0x104: {  	v12 =	vsub.s32 v12, v14;
	vm0 =	vlt.s32 v21, v10;
	v23, _, _ =	vpop (xrf0)  }
0x105: {  	v49 =	vperm.xlane v19, v6;
	v14 =	vnsel vm0, $0x0, v14;
	v48 =	vperm.xlane v23, v6  }
0x106: {  	v52 =	vmpcnt.ones.xlane vm1;
	v12 =	vadd.s32 v47, v12;
	v24, _, _ =	vpop (xrf0);
	(xrf0) =	vadd.scan.msk.s32 $0xffff, v14  }
0x107: {  	v16 =	vperm.xlane v16, v6;
	v50 =	vperm.xlane v14, v6;
	(xrf0) =	vadd.scan.msk.s32 $0xffff, v49;
	v12 =	vadd.s32 v48, v12;
	v51, _, _ =	vpop (xrf0)  }
0x108: {  	v11 =	vadd.s32 v11, v17;
	vm2 =	vmmov vm2;
	v12 =	vadd.s32 v12, v51  }
0x109: {  	v13 =	vadd.s32 v13, v52;
	v11 =	vadd.s32 v11, v16;
	(xrf0) =	vadd.scan.msk.s32 $0xffff, v50;
	vm1 =	vlt.s32 v12, v10  }
0x10a: {  	v8 =	vsub.s32 v11, v8;
	v11 =	vmpcnt.ones.xlane vm2;
	v12 =	vnsel vm1, $0x0, v19  }
0x10b: {  	[tilespmem:s28+$0x18000] =	vst v4;
	v17 =	vperm.xlane v24, v6;
	v16 =	vperm.xlane v12, v6  }
0x10c: {  	vm0 =	vmmov vm0;
	v8 =	vadd.s32 v45, v8;
	v11 =	vadd.s32 v13, v11;
	(xrf0) =	vadd.scan.msk.s32 $0xffff, v12;
	v53, _, _ =	vpop (xrf0)  }
0x10d: {  	s28 =	simm.s32 $0x10040;
	v8 =	vadd.s32 v8, v17;
	v13, _, _ =	vpop (xrf0);
	(xrf0) =	vadd.scan.msk.s32 $0xffff, v16;
	v16 =	vmpcnt.ones.xlane vm0;
	vm0 =	vmmov vm1  }
0x10e: {  	v54 =	vld [tilespmem:s28+$0x30];
	v8 =	vsub.s32 v8, v20;
	v13 =	vmpcnt.ones.xlane vm0  }
0x10f: {  	v8 =	vadd.s32 v15, v8;
	v15 =	vld [tilespmem:s28+$0xFFFFFFF0];
	v17, _, _ =	vpop (xrf0);
	v11 =	vadd.s32 v11, v16  }
0x110: {  	v17 =	vperm.xlane v17, v6;
	v16 =	vld [tilespmem:s28+$0xFFFFFFD0];
	v11 =	vadd.s32 v11, v13  }
0x111: {  	v9 =	vshll.u32 v9, $0x15;
	v13 =	vld [tilespmem:s28+$0xFFFFFFE0];
	v11 =	vshll.u32 v11, $0xA  }
0x112: {  	v17 =	vadd.s32 v8, v17;
	v8 =	vor.u32 v9, v11  }
0x113: {  	v56 =	vld [tilespmem:s28+$0x0];
	v11 =	vsub.s32 v17, v14;
	v17 =	vshrl.u32 v54, $0xA;
	v9 =	vshrl.u32 v8, $0xA  }
0x114: {  	v61 =	vld [tilespmem:s28+$0xFFFFFFC0];
	v18 =	vand.u32 $0x3FF, v54;
	v60 =	vshrl.u32 v15, $0xA;
	v55, _, _ =	vpop (xrf0);
	vm0 =	veq.s32 v17, v9  }
0x115: {  	v59 =	vld [tilespmem:s28+$0x20];
	v63 =	vand.u32 $0x3FF, v15;
	v14, _, _ =	vpop (xrf0);
	v57 =	vshrl.u32 v16, $0xA;
	vm5 =	veq.s32 v60, v9  }
0x116: {  	v14 =	vperm.xlane v14, v6;
	v17 =	vld [tilespmem:s28+$0x10];
	vm3 =	veq.s32 v57, v9;
	v58 =	vshrl.u32 v13, $0xA  }
0x117: {  	v11 =	vadd.s32 v53, v11;
	v16 =	vand.u32 $0x3FF, v16;
	vm4 =	veq.s32 v58, v9  }
0x118: {  	v62 =	vand.u32 $0x3FF, v13;
	v11 =	vadd.s32 v11, v14  }
0x119: {  	v15 =	vand.u32 $0x3FF, v61;
	v11 =	vsub.s32 v11, v12  }
0x11a: {  	v14 =	vshrl.u32 v59, $0xA;
	v12 =	vshrl.u32 v56, $0xA;
	v11 =	vadd.s32 v55, v11;
	[tilespmem:v18+s22+$0x0] =	vst.idx.add.s32.msk vm0, v5  }
0x11b: {  	vm1 =	veq.s32 v12, v9;
	v12 =	vand.u32 $0x3FF, v56;
	v13 =	vshrl.u32 v17, $0xA;
	[tilespmem:v63+s22+$0x0] =	vst.idx.add.s32.msk vm5, v5  }
0x11c: {  	vm2 =	veq.s32 v13, v9;
	v13 =	vand.u32 $0x3FF, v17;
	[tilespmem:v16+s22+$0x0] =	vst.idx.add.s32.msk vm3, v5;
	v16 =	vshrl.u32 v61, $0xA  }
0x11d: {  	s29 =	simm.s32 $0x100C0;
	s28 =	simm.s32 $0x0;
	vm3 =	veq.s32 v14, v9;
	v14 =	vand.u32 $0x3FF, v59;
	[tilespmem:v62+s22+$0x0] =	vst.idx.add.s32.msk vm4, v5;
	vm0 =	veq.s32 v16, v9  }
.LBB2_12:
0x11e: {  	v16 =	vld [tilespmem:s29+$0x30];
	s28 =	sadd.s32 $0x80, s28  }
0x11f: {  	v17 =	vld [tilespmem:s29+$0xFFFFFFD0];
	p0 =	slt.u32 s28, $0x7F80  }
0x120: {  	v18 =	vld [tilespmem:s29+$0xFFFFFFE0]  }
0x121: {  	v19 =	vld [tilespmem:s29+$0xFFFFFFF0]  }
0x122: {  	v20 =	vld [tilespmem:s29+$0x0]  }
0x123: {  	v21 =	vld [tilespmem:s29+$0x10];
	v22 =	vshrl.u32 v16, $0xA  }
0x124: {  	v23 =	vshrl.u32 v17, $0xA;
	v17 =	vand.u32 $0x3FF, v17;
	v24 =	vld [tilespmem:s29+$0x20];
	vm4 =	veq.s32 v22, v9  }
0x125: {  	v16 =	vand.u32 $0x3FF, v16;
	v22 =	vld [tilespmem:s29+$0xFFFFFFC0];
	vm5 =	veq.s32 v23, v9;
	v23 =	vshrl.u32 v18, $0xA  }
0x126: {  	v18 =	vand.u32 $0x3FF, v18;
	vm6 =	veq.s32 v23, v9;
	v23 =	vshrl.u32 v19, $0xA;
	[tilespmem:v15+s22+$0x0] =	vst.idx.add.s32.msk vm0, v5  }
0x127: {  	v19 =	vand.u32 $0x3FF, v19;
	vm7 =	veq.s32 v23, v9;
	v15 =	vshrl.u32 v20, $0xA;
	[tilespmem:v12+s22+$0x0] =	vst.idx.add.s32.msk vm1, v5  }
0x128: {  	v12 =	vand.u32 $0x3FF, v20;
	vm1 =	veq.s32 v15, v9;
	v15 =	vshrl.u32 v21, $0xA;
	[tilespmem:v13+s22+$0x0] =	vst.idx.add.s32.msk vm2, v5  }
.Ltmp7:
0x129: {  	v13 =	vand.u32 $0x3FF, v21;
	vm2 =	veq.s32 v15, v9;
	v20 =	vshrl.u32 v24, $0xA;
	[tilespmem:v14+s22+$0x0] =	vst.idx.add.s32.msk vm3, v5;
	(pc) =	sbr.rel @p0 .LBB2_12-.Ltmp7, $4  }
0x12a: {  	v14 =	vshrl.u32 v22, $0xA;
	v15 =	vand.u32 $0x3FF, v22;
	vm3 =	veq.s32 v20, v9;
	[tilespmem:v16+s22+$0x0] =	vst.idx.add.s32.msk vm4, v5  }
0x12b: {  	vm0 =	veq.s32 v14, v9;
	[tilespmem:v17+s22+$0x0] =	vst.idx.add.s32.msk vm5, v5;
	v14 =	vand.u32 $0x3FF, v24  }
0x12c: {  	[tilespmem:v18+s22+$0x0] =	vst.idx.add.s32.msk vm6, v5  }
0x12d: {  	s29 =	sadd.s32 $0x80, s29;
	[tilespmem:v19+s22+$0x0] =	vst.idx.add.s32.msk vm7, v5  }
0x12e: {  	_ =	sdelay $0x4  }
0x12f: {  	[tilespmem:v15+s22+$0x0] =	vst.idx.add.s32.msk vm0, v5  }
0x130: {  	[tilespmem:v12+s22+$0x0] =	vst.idx.add.s32.msk vm1, v5  }
0x131: {  	[tilespmem:v13+s22+$0x0] =	vst.idx.add.s32.msk vm2, v5  }
0x132: {  	[tilespmem:v14+s22+$0x0] =	vst.idx.add.s32.msk vm3, v5;
	s28 =	simm.s32 $0x0  }
0x133: {  	v12 =	vld [tilespmem:s28+$0x18000];
	_ =	sdelay $0x4  }
0x134: {  	(xrf0) =	vadd.scan.msk.s32 $0xffff, v12;
	_ =	sdelay $0x1  }
0x135: {  	[tilespmem:s28+$0x18000] =	vst v4;
	s28 =	simm.s32 $0x10  }
0x136: {  	v15 =	vld [tilespmem:s28+$0x18000];
	v9 =	vperm.xlane v12, v6;
	_ =	sdelay $0x1  }
0x137: {  	(xrf0) =	vadd.scan.msk.s32 $0xffff, v9  }
0x138: {  	v16 =	vimm.s32 $0x0;
	v13, _, _ =	vpop (xrf0)  }
0x139: {  	v9 =	vsub.s32 v10, v11;
	v10 =	vadd.s32 v16, v13  }
0x13a: {  	(xrf0) =	vadd.scan.msk.s32 $0xffff, v15;
	vm0 =	vlt.s32 v10, v9;
	v10 =	vsub.s32 v10, v12  }
0x13b: {  	v11 =	vperm.xlane v15, v6;
	v17 =	vnsel vm0, $0x0, v12;
	vm1 =	vlt.s32 v10, v9  }
0x13c: {  	v10 =	vperm.xlane v17, v6;
	v18 =	vnsel vm1, $0x0, v12  }
0x13d: {  	(xrf0) =	vadd.scan.msk.s32 $0xffff, v11;
	v14, _, _ =	vpop (xrf0);
	v11 =	vperm.xlane v18, v6  }
0x13e: {  	v12 =	vsub.s32 v16, v12;
	(xrf0) =	vadd.scan.msk.s32 $0xffff, v10;
	v10 =	vperm.xlane v14, v6  }
0x13f: {  	[tilespmem:s28+$0x18000] =	vst v4;
	s28 =	simm.s32 $0x20;
	(xrf0) =	vadd.scan.msk.s32 $0xffff, v11;
	v11 =	vadd.s32 v13, v12  }
0x140: {  	v19, _, _ =	vpop (xrf0);
	v14 =	vld [tilespmem:s28+$0x18000];
	v12 =	vadd.s32 v10, v11  }
0x141: {  	v10 =	vadd.s32 v12, v19  }
0x142: {  	vm2 =	vlt.s32 v10, v9;
	v10 =	vsub.s32 v10, v15;
	_ =	sdelay $0x1  }
0x143: {  	v20 =	vmpcnt.ones.xlane vm0;
	v21, _, _ =	vpop (xrf0);
	(xrf0) =	vadd.scan.msk.s32 $0xffff, v17;
	vm0 =	vlt.s32 v10, v9  }
0x144: {  	(xrf0) =	vadd.scan.msk.s32 $0xffff, v18;
	v22 =	vperm.xlane v14, v6;
	v11 =	vnsel vm2, $0x0, v15;
	v13 =	vnsel vm0, $0x0, v15;
	v10, _, _ =	vpop (xrf0)  }
0x145: {  	(xrf0) =	vadd.scan.msk.s32 $0xffff, v14;
	v24 =	vperm.xlane v10, v6;
	v10 =	vadd.s32 v16, v20;
	v20 =	vperm.xlane v13, v6  }
0x146: {  	v23 =	vperm.xlane v11, v6;
	v25, _, _ =	vpop (xrf0)  }
0x147: {  	v21 =	vperm.xlane v21, v6;
	(xrf0) =	vadd.scan.msk.s32 $0xffff, v22;
	v62 =	vperm.xlane v25, v6  }
0x148: {  	s29 =	simm.s32 $0x30;
	[tilespmem:s28+$0x18000] =	vst v4;
	v12 =	vsub.s32 v12, v15;
	(xrf0) =	vadd.scan.msk.s32 $0xffff, v23;
	v63 =	vadd.s32 v16, v24  }
0x149: {  	v12 =	vadd.s32 v19, v12;
	v15 =	vld [tilespmem:s29+$0x18000];
	(xrf0) =	vadd.scan.msk.s32 $0xffff, v20;
	v17 =	vsub.s32 v63, v17;
	v19 =	vadd.s32 v16, v62;
	v20, _, _ =	vpop (xrf0)  }
0x14a: {  	s28 =	simm.s32 $0x100;
	[tilespmem:s29+$0x18000] =	vst v4;
	v16 =	vadd.s32 v21, v12;
	v12 =	vadd.s32 v20, v17;
	v17 =	vsub.s32 v19, v18;
	v18, _, _ =	vpop (xrf0)  }
.LBB2_14:
0x14b: {  	p0 =	sne.s32 s28, $0xFC0;
	v19, _, _ =	vpop (xrf0);
	v24 =	vmpcnt.ones.xlane vm2;
	v17 =	vadd.s32 v18, v17;
	v18 =	vmov v11;
	s29 =	smov.u32 s28;
	s28 =	sadd.s32 $0x40, s28  }
0x14c: {  	v21 =	vmovc v13;
	v22 =	vmov v14;
	v11 =	vadd.s32 v16, v19;
	(xrf0) =	vadd.scan.msk.s32 $0xffff, v18  }
0x14d: {  	vm2 =	vlt.s32 v11, v9;
	v13 =	vsub.s32 v11, v22;
	v23, _, _ =	vpop (xrf0);
	v10 =	vadd.s32 v10, v24;
	(xrf0) =	vadd.scan.msk.s32 $0xffff, v21  }
0x14e: {  	v27 =	vperm.xlane v15, v6;
	(xrf0) =	vadd.scan.msk.s32 $0xffff, v15;
	v11 =	vnsel vm2, $0x0, v22;
	vm0 =	vlt.s32 v13, v9;
	v20, _, _ =	vpop (xrf0)  }
.Ltmp8:
0x14f: {  	v24 =	vperm.xlane v11, v6;
	v13 =	vnsel vm0, $0x0, v22;
	v20 =	vperm.xlane v20, v6;
	v25, _, _ =	vpop (xrf0);
	(pc) =	sbr.rel @p0 .LBB2_14-.Ltmp8, $4  }
0x150: {  	v14 =	vmovc v15;
	(xrf0) =	vadd.scan.msk.s32 $0xffff, v27;
	v26 =	vperm.xlane v13, v6;
	v25 =	vperm.xlane v25, v6  }
0x151: {  	s29 =	sshra.s32 s29, $0x2;
	v16 =	vsub.s32 v16, v22;
	v23 =	vperm.xlane v23, v6;
	(xrf0) =	vadd.scan.msk.s32 $0xffff, v24;
	v12 =	vadd.s32 v12, v20  }
0x152: {  	v16 =	vadd.s32 v19, v16;
	v15 =	vld [tilespmem:s29+$0x18000];
	(xrf0) =	vadd.scan.msk.s32 $0xffff, v26;
	v12 =	vsub.s32 v12, v18;
	v17 =	vadd.s32 v17, v25;
	v18, _, _ =	vpop (xrf0)  }
0x153: {  	v16 =	vadd.s32 v23, v16;
	[tilespmem:s29+$0x18000] =	vst v4;
	v12 =	vadd.s32 v18, v12;
	v17 =	vsub.s32 v17, v21;
	v18, _, _ =	vpop (xrf0)  }
0x154: {  	_ = 	snop  }
0x155: {  	(xrf0) =	vadd.scan.msk.s32 $0xffff, v11  }
0x156: {  	(xrf0) =	vadd.scan.msk.s32 $0xffff, v13  }
0x157: {  	v19, _, _ =	vpop (xrf0);
	(xrf0) =	vadd.scan.msk.s32 $0xffff, v15  }
0x158: {  	v20, _, _ =	vpop (xrf0)  }
0x159: {  	v37 =	vsub.s32 v16, v14;
	v22, _, _ =	vpop (xrf0)  }
0x15a: {  	v21 =	vadd.s32 v16, v19;
	v16 =	vadd.s32 v19, v37;
	v23, _, _ =	vpop (xrf0)  }
0x15b: {  	vm3 =	vlt.s32 v21, v9;
	v21 =	vsub.s32 v21, v14;
	v20 =	vperm.xlane v20, v6;
	v25, _, _ =	vpop (xrf0)  }
0x15c: {  	v24 =	vperm.xlane v15, v6;
	v26 =	vnsel vm3, $0x0, v14;
	vm0 =	vlt.s32 v21, v9;
	v38, _, _ =	vpop (xrf0)  }
0x15d: {  	v39 =	vnsel vm0, $0x0, v14;
	v40 =	vperm.xlane v26, v6;
	v16 =	vadd.s32 v20, v16;
	v41, _, _ =	vpop (xrf0)  }
0x15e: {  	v42 =	vperm.xlane v39, v6;
	(xrf0) =	vadd.scan.msk.s32 $0xffff, v24;
	v16 =	vadd.s32 v16, v41  }
0x15f: {  	(xrf0) =	vadd.scan.msk.s32 $0xffff, v40;
	vm4 =	vlt.s32 v16, v9;
	v16 =	vsub.s32 v16, v15  }
0x160: {  	(xrf0) =	vadd.scan.msk.s32 $0xffff, v42;
	v43 =	vnsel vm4, $0x0, v15;
	vm14 =	vlt.s32 v16, v9  }
0x161: {  	(xrf0) =	vadd.scan.msk.s32 $0xffff, v26;
	v44 =	vperm.xlane v43, v6;
	v45 =	vnsel vm14, $0x0, v15  }
0x162: {  	(xrf0) =	vadd.scan.msk.s32 $0xffff, v39;
	v46 =	vperm.xlane v45, v6  }
0x163: {  	(xrf0) =	vadd.scan.msk.s32 $0xffff, v44  }
0x164: {  	v47, _, _ =	vpop (xrf0);
	(xrf0) =	vadd.scan.msk.s32 $0xffff, v46  }
0x165: {  	v16 =	vperm.xlane v23, v6;
	v48, _, _ =	vpop (xrf0)  }
0x166: {  	v17 =	vadd.s32 v18, v17;
	v49, _, _ =	vpop (xrf0)  }
0x167: {  	v16 =	vadd.s32 v17, v16;
	(xrf0) =	vadd.scan.msk.s32 $0xffff, v43;
	v50, _, _ =	vpop (xrf0)  }
0x168: {  	v51 =	vsub.s32 v16, v13;
	v52 =	vperm.xlane v49, v6;
	(xrf0) =	vadd.scan.msk.s32 $0xffff, v45;
	v53, _, _ =	vpop (xrf0)  }
0x169: {  	v13 =	vadd.s32 v38, v51;
	v54, _, _ =	vpop (xrf0)  }
0x16a: {  	v13 =	vadd.s32 v13, v52;
	v55, _, _ =	vpop (xrf0)  }
0x16b: {  	v13 =	vsub.s32 v13, v39;
	v56 =	vperm.xlane v55, v6  }
0x16c: {  	v13 =	vadd.s32 v53, v13  }
0x16d: {  	v57, _, _ =	vpop (xrf0);
	v13 =	vadd.s32 v13, v56  }
0x16e: {  	v58, _, _ =	vpop (xrf0);
	v13 =	vsub.s32 v13, v45  }
0x16f: {  	v13 =	vadd.s32 v58, v13  }
0x170: {  	vm9 =	vmmov $0x1;
	v13 =	vsub.s32 v9, v13  }
0x171: {  	v13 =	vnsel vm9, $0x0, v13  }
0x172: {  	(xrf0) =	vadd.scan.msk.s32 $0xffff, v13;
	_ =	sdelay $0x5  }
0x173: {  	v13, _, _ =	vpop (xrf0)  }
0x174: {  	(v2sf) =	vpush v13, $0xF;
	_ =	sdelay $0x2  }
0x175: {  	v59 =	vld [tilespmem:$0x1FFF0];
	_ =	sdelay $0x4  }
0x176: {  	vm15 =	vnez.u8 v59  }
0x177: {  	v7 =	vnsel vm15, $0x0, v7  }
0x178: {  	(xrf2) =	vadd.scan.msk.f32 $0xffff, v7;
	v7 =	vperm.xlane v22, v6;
	_ =	sdelay $0x1  }
0x179: {  	v7 =	vadd.s32 v12, v7  }
0x17a: {  	v7 =	vsub.s32 v7, v11;
	v11 =	vperm.xlane v48, v6  }
0x17b: {  	v60 =	vmpcnt.ones.xlane vm2;
	v7 =	vadd.s32 v25, v7  }
0x17c: {  	v7 =	vadd.s32 v7, v11;
	v11 =	vmpcnt.ones.xlane vm3;
	s28 =	spop (v2sf)  }
0x17d: {  	v10 =	vadd.s32 v10, v60;
	v62 =	vmpcnt.ones.xlane vm4;
	p0 =	sne.s32 s28, $0x0  }
.Ltmp9:
0x17e: {  	v7 =	vsub.s32 v7, v26;
	v10 =	vadd.s32 v10, v11;
	v61 =	vperm.xlane v54, v6;
	(pc) =	sbr.rel @!p0 .LBB2_19-.Ltmp9, $4  }
0x17f: {  	v7 =	vadd.s32 v50, v7;
	v11 =	vadd.s32 v10, v62  }
0x180: {  	v8 =	vor.u32 v8, v11;
	v11 =	vimm.s32 $0x0;
	v7 =	vadd.s32 v7, v61  }
0x181: {  	v63, _, _ =	vpop (xrf2);
	v11 =	vsel vm9, $0xFFFFFFFF, v11;
	v7 =	vsub.s32 v7, v43  }
0x182: {  	s29 =	simm.s32 $0x10040;
	[tilespmem:$0x1FFE0] =	vst v11;
	v10 =	vadd.s32 v57, v7;
	v7 =	vbroadcast v63, $0xF;
	s28 =	simm.s32 $0x40  }
0x183: {  	v16 =	vld [tilespmem:s29+$0xFFFFFFE0]  }
0x184: {  	v9 =	vsub.s32 v9, v10;
	v10 =	vld [tilespmem:s28+$0xFFFFFFE0]  }
0x185: {  	v18 =	vld [tilespmem:s28+$0xFFFFFFD0]  }
0x186: {  	v14 =	vld [tilespmem:s28+$0x0]  }
0x187: {  	v19 =	vld [tilespmem:s29+$0x0]  }
0x188: {  	v21 =	vld [tilespmem:s29+$0xFFFFFFC0]  }
0x189: {  	v22 =	vld [tilespmem:s29+$0x10]  }
0x18a: {  	v13 =	vld [tilespmem:s29+$0x20]  }
0x18b: {  	v23 =	vld [tilespmem:s29+$0xFFFFFFF0]  }
0x18c: {  	v11 =	vimm.s32 $0x0;
	v26 =	vld [tilespmem:s29+$0xFFFFFFD0]  }
0x18d: {  	vm13 =	veq.s32 v16, v8;
	v15 =	vmul.f32 v10, v7;
	v17 =	vmul.f32 v14, v7  }
0x18e: {  	vm3 =	veq.s32 v21, v8;
	vm2 =	vlt.u32 v21, v8;
	v10 =	vmul.f32 v18, v7  }
0x18f: {  	vm7 =	vlt.u32 v16, v8;
	vm9 =	vlt.u32 v22, v8;
	vm14 =	veq.s32 v13, v8;
	v18 =	vld [tilespmem:s29+$0x30]  }
0x190: {  	vm6 =	vlt.u32 v23, v8;
	vm12 =	vlt.u32 v19, v8;
	vm1 =	veq.s32 v19, v8  }
0x191: {  	v20 =	vld [tilespmem:s28+$0xFFFFFFF0];
	vm4 =	veq.s32 v26, v8;
	vm8 =	veq.s32 v23, v8;
	v24 =	vsel vm13, $0x1, v4  }
0x192: {  	vm0 =	veq.s32 v22, v8;
	v21 =	vmpcnt.ones.xlane vm3;
	v16 =	vsel vm1, $0x1, v4;
	(xrf0) =	vadd.scan.msk.s32 $0xffff, v24  }
0x193: {  	v25 =	vmpcnt.ones.xlane vm13;
	v23 =	vmpcnt.ones.xlane vm4;
	v19 =	vsel vm0, $0x1, v4;
	(xrf0) =	vadd.scan.msk.s32 $0xffff, v16  }
0x194: {  	v22 =	vsel vm14, $0x1, v4;
	v21 =	vadd.s32 v11, v21;
	(xrf0) =	vadd.scan.msk.s32 $0xffff, v19;
	vm11 =	veq.s32 v18, v8  }
0x195: {  	v23 =	vadd.s32 v21, v23;
	vm5 =	vlt.u32 v18, v8;
	(xrf0) =	vadd.scan.msk.s32 $0xffff, v22;
	v18 =	vsel vm11, $0x1, v4  }
0x196: {  	v14 =	vmul.f32 v20, v7;
	v20 =	vld [tilespmem:s28+$0xFFFFFFC0];
	(xrf0) =	vadd.scan.msk.s32 $0xffff, v18;
	v18 =	vadd.s32 v23, v25;
	v25 =	vsel vm8, $0x1, v4  }
0x197: {  	v27 =	vmpcnt.ones.xlane vm8;
	v22 =	vsel vm4, $0x1, v4  }
0x198: {  	v28, _, _ =	vpop (xrf0);
	(xrf0) =	vadd.scan.msk.s32 $0xffff, v22  }
0x199: {  	v22 =	vadd.s32 v23, v28;
	v23 =	vadd.s32 v18, v27;
	(xrf0) =	vadd.scan.msk.s32 $0xffff, v25;
	v25, _, _ =	vpop (xrf0)  }
0x19a: {  	vm15 =	vle.s32 v22, v9;
	v22 =	vadd.s32 v23, v25  }
0x19b: {  	v16 =	vmul.f32 v20, v7;
	v20 =	vmpcnt.ones.xlane vm1  }
0x19c: {  	v24 =	vmpcnt.ones.xlane vm0  }
0x19d: {  	v20 =	vadd.s32 v23, v20;
	vm13 =	vmand vm13, vm15;
	vm15 =	vle.s32 v22, v9;
	v22, _, _ =	vpop (xrf0)  }
0x19e: {  	v22 =	vadd.s32 v20, v22;
	v20 =	vadd.s32 v20, v24  }
0x19f: {  	v27 =	vmpcnt.ones.xlane vm14  }
0x1a0: {  	v29 =	vsel vm3, $0x1, v4;
	vm1 =	vmand vm1, vm15;
	v23, _, _ =	vpop (xrf0)  }
0x1a1: {  	v12 =	vld [tilespmem:s28+$0x20];
	vm15 =	vle.s32 v22, v9;
	v24 =	vadd.s32 v20, v23;
	v23 =	vadd.s32 v20, v27;
	v20, _, _ =	vpop (xrf0)  }
0x1a2: {  	vm15 =	vmand vm0, vm15;
	vm0 =	vle.s32 v24, v9;
	v24 =	vadd.s32 v23, v20;
	v20, _, _ =	vpop (xrf0);
	(xrf0) =	vadd.scan.msk.s32 $0xffff, v29;
	_ =	sdelay $0x3  }
0x1a3: {  	v12 =	vmul.f32 v12, v7;
	vm10 =	vlt.u32 v26, v8;
	v19 =	vmpcnt.ones.xlane vm11;
	v22 =	vld [tilespmem:s28+$0x10]  }
0x1a4: {  	s30 =	simm.s32 $0x100C0;
	s31 =	simm.s32 $0xC0;
	s29 =	simm.s32 $0x0;
	vm14 =	vmand vm14, vm0;
	v20 =	vadd.s32 v21, v20;
	v21 =	vld [tilespmem:s28+$0x30];
	vm0 =	vle.s32 v24, v9;
	v24, _, _ =	vpop (xrf0)  }
.LBB2_17:
0x1a5: {  	v25 =	vld [tilespmem:s30+$0xFFFFFFE0];
	s29 =	sadd.s32 $0x80, s29;
	vm12 =	vmor vm12, vm1;
	vm1 =	vmor vm9, vm15;
	v19 =	vadd.s32 v23, v19;
	v23, _, _ =	vpop (xrf0)  }
0x1a6: {  	vm7 =	vmor vm7, vm13;
	v26 =	vld [tilespmem:s31+$0xFFFFFFE0];
	p0 =	slt.u32 s29, $0x7F80;
	v23 =	vadd.s32 v11, v23;
	v17 =	vnsel vm12, $0x0, v17;
	v11 =	vmovc v19  }
0x1a7: {  	v18 =	vadd.s32 v18, v24;
	v15 =	vnsel vm7, $0x0, v15;
	v27 =	vld [tilespmem:s31+$0x20];
	vm9 =	vle.s32 v23, v9;
	[tilespmem:s28+$0x0] =	vst v17  }
0x1a8: {  	vm0 =	vmand vm11, vm0;
	vm7 =	vle.s32 v18, v9;
	v23 =	vld [tilespmem:s31+$0xFFFFFFD0];
	[tilespmem:s28+$0xFFFFFFE0] =	vst v15;
	v15 =	vmul.f32 v22, v7  }
0x1a9: {  	vm7 =	vmand vm8, vm7;
	vm8 =	vlt.u32 v13, v8;
	v17 =	vld [tilespmem:s31+$0x0];
	v18 =	vmul.f32 v21, v7  }
0x1aa: {  	vm6 =	vmor vm6, vm7;
	vm7 =	vmor vm8, vm14;
	vm13 =	veq.s32 v25, v8;
	v21 =	vld [tilespmem:s30+$0x0]  }
0x1ab: {  	v14 =	vnsel vm6, $0x0, v14;
	v24 =	vnsel vm1, $0x0, v15;
	v13 =	vsel vm13, $0x1, v4;
	v22 =	vld [tilespmem:s31+$0xFFFFFFF0]  }
0x1ac: {  	v12 =	vnsel vm7, $0x0, v12;
	vm1 =	vmand vm3, vm9;
	v28 =	vld [tilespmem:s30+$0xFFFFFFC0];
	(xrf0) =	vadd.scan.msk.s32 $0xffff, v13;
	[tilespmem:s28+$0xFFFFFFF0] =	vst v14  }
0x1ad: {  	v15 =	vmul.f32 v26, v7;
	v26 =	vmpcnt.ones.xlane vm13;
	vm1 =	vmor vm2, vm1;
	v29 =	vld [tilespmem:s30+$0x10];
	[tilespmem:s28+$0x20] =	vst v12  }
0x1ae: {  	vm0 =	vmor vm5, vm0;
	v14 =	vnsel vm1, $0x0, v16;
	vm1 =	vle.s32 v20, v9;
	v13 =	vld [tilespmem:s30+$0x20];
	[tilespmem:s28+$0x10] =	vst v24  }
0x1af: {  	v12 =	vmul.f32 v27, v7;
	vm1 =	vmand vm4, vm1;
	v17 =	vmul.f32 v17, v7;
	v16 =	vld [tilespmem:s30+$0xFFFFFFF0];
	[tilespmem:s28+$0xFFFFFFC0] =	vst v14  }
0x1b0: {  	vm1 =	vmor vm10, vm1;
	v20 =	vld [tilespmem:s30+$0xFFFFFFD0];
	v14 =	vmul.f32 v22, v7  }
0x1b1: {  	v22 =	vnsel vm1, $0x0, v10;
	vm2 =	vlt.u32 v28, v8;
	vm3 =	veq.s32 v28, v8  }
0x1b2: {  	vm7 =	vlt.u32 v25, v8;
	v10 =	vmul.f32 v23, v7;
	v24 =	vld [tilespmem:s31+$0xFFFFFFC0];
	v27 =	vmpcnt.ones.xlane vm3;
	v23, _, _ =	vpop (xrf0);
	[tilespmem:s28+$0xFFFFFFD0] =	vst v22  }
0x1b3: {  	v18 =	vnsel vm0, $0x0, v18;
	vm9 =	vlt.u32 v29, v8;
	vm14 =	veq.s32 v13, v8;
	v22 =	vld [tilespmem:s30+$0x30]  }
0x1b4: {  	vm12 =	vlt.u32 v21, v8;
	vm0 =	veq.s32 v21, v8;
	vm6 =	vlt.u32 v16, v8;
	[tilespmem:s28+$0x30] =	vst v18;
	s28 =	smov.u32 s31  }
0x1b5: {  	vm8 =	veq.s32 v16, v8;
	v16 =	vsel vm0, $0x1, v4;
	vm4 =	veq.s32 v20, v8  }
0x1b6: {  	vm15 =	veq.s32 v29, v8;
	v21 =	vadd.s32 v19, v27;
	v18 =	vmpcnt.ones.xlane vm4;
	(xrf0) =	vadd.scan.msk.s32 $0xffff, v16  }
0x1b7: {  	v19 =	vsel vm15, $0x1, v4;
	v16 =	vmul.f32 v24, v7;
	v24 =	vmpcnt.ones.xlane vm0  }
0x1b8: {  	v25 =	vsel vm14, $0x1, v4;
	vm5 =	vlt.u32 v22, v8;
	vm11 =	veq.s32 v22, v8;
	(xrf0) =	vadd.scan.msk.s32 $0xffff, v19  }
0x1b9: {  	v22 =	vmpcnt.ones.xlane vm15;
	v27 =	vsel vm11, $0x1, v4;
	v19 =	vmpcnt.ones.xlane vm11;
	(xrf0) =	vadd.scan.msk.s32 $0xffff, v25  }
0x1ba: {  	v29 =	vmpcnt.ones.xlane vm8;
	v28 =	vadd.s32 v21, v18;
	v25 =	vsel vm4, $0x1, v4;
	(xrf0) =	vadd.scan.msk.s32 $0xffff, v27  }
0x1bb: {  	v30 =	vsel vm8, $0x1, v4;
	v18 =	vadd.s32 v28, v26;
	v27 =	vsel vm3, $0x1, v4;
	(xrf0) =	vadd.scan.msk.s32 $0xffff, v25  }
0x1bc: {  	v23 =	vadd.s32 v28, v23;
	v28 =	vmpcnt.ones.xlane vm14;
	v25 =	vadd.s32 v18, v29;
	(xrf0) =	vadd.scan.msk.s32 $0xffff, v30;
	v26, _, _ =	vpop (xrf0)  }
0x1bd: {  	vm1 =	vle.s32 v23, v9;
	v24 =	vadd.s32 v25, v24;
	v26 =	vadd.s32 v25, v26;
	(xrf0) =	vadd.scan.msk.s32 $0xffff, v27  }
.Ltmp10:
0x1be: {  	vm10 =	vlt.u32 v20, v8;
	vm13 =	vmand vm13, vm1;
	vm1 =	vle.s32 v26, v9;
	v20, _, _ =	vpop (xrf0);
	(pc) =	sbr.rel @p0 .LBB2_17-.Ltmp10, $4  }
0x1bf: {  	v22 =	vadd.s32 v24, v22;
	vm1 =	vmand vm0, vm1;
	v26 =	vadd.s32 v24, v20;
	v23, _, _ =	vpop (xrf0)  }
0x1c0: {  	vm0 =	vle.s32 v26, v9;
	v25 =	vadd.s32 v22, v23;
	v23 =	vadd.s32 v22, v28;
	v24, _, _ =	vpop (xrf0)  }
0x1c1: {  	v22 =	vld [tilespmem:s31+$0x10];
	vm15 =	vmand vm15, vm0;
	vm0 =	vle.s32 v25, v9;
	v25 =	vadd.s32 v23, v24;
	v20, _, _ =	vpop (xrf0)  }
0x1c2: {  	s30 =	sadd.s32 $0x80, s30;
	s31 =	sadd.s32 $0x80, s31;
	v20 =	vadd.s32 v21, v20;
	vm14 =	vmand vm14, vm0;
	v21 =	vld [tilespmem:s28+$0x30];
	vm0 =	vle.s32 v25, v9;
	v24, _, _ =	vpop (xrf0)  }
0x1c3: {  	vm1 =	vmor vm12, vm1  }
0x1c4: {  	vm9 =	vmor vm9, vm15;
	v18 =	vadd.s32 v18, v24;
	vm7 =	vmor vm7, vm13  }
0x1c5: {  	v19, _, _ =	vpop (xrf0);
	vm13 =	vlt.u32 v13, v8;
	v17 =	vnsel vm1, $0x0, v17;
	vm1 =	vle.s32 v18, v9  }
0x1c6: {  	vm0 =	vmand vm11, vm0;
	v11 =	vadd.s32 v11, v19;
	vm1 =	vmand vm8, vm1  }
0x1c7: {  	v61 =	vnsel vm7, $0x0, v15;
	vm15 =	vmor vm13, vm14;
	[tilespmem:s28+$0x0] =	vst v17;
	vm1 =	vmor vm6, vm1  }
0x1c8: {  	vm12 =	vle.s32 v11, v9;
	[tilespmem:s28+$0xFFFFFFE0] =	vst v61;
	v62 =	vmul.f32 v22, v7;
	v8 =	vnsel vm1, $0x0, v14  }
0x1c9: {  	vm13 =	vle.s32 v20, v9;
	vm12 =	vmand vm3, vm12;
	[tilespmem:s28+$0xFFFFFFF0] =	vst v8;
	v8 =	vnsel vm15, $0x0, v12  }
0x1ca: {  	vm1 =	vmor vm2, vm12;
	v7 =	vmul.f32 v21, v7;
	v63 =	vnsel vm9, $0x0, v62;
	[tilespmem:s28+$0x20] =	vst v8  }
0x1cb: {  	vm0 =	vmor vm5, vm0;
	vm14 =	vmand vm4, vm13;
	v8 =	vnsel vm1, $0x0, v16;
	[tilespmem:s28+$0x10] =	vst v63  }
0x1cc: {  	vm15 =	vmor vm10, vm14;
	v7 =	vnsel vm0, $0x0, v7;
	[tilespmem:s28+$0xFFFFFFC0] =	vst v8  }
0x1cd: {  	v8 =	vnsel vm15, $0x0, v10;
	[tilespmem:s28+$0x30] =	vst v7  }
0x1ce: {  	[tilespmem:s28+$0xFFFFFFD0] =	vst v8  }
0x1cf: {  	v7 =	vld [tilespmem:$0x1FFE0]  }
.Ltmp11:
0x1d0: {  	_ = 	snop;
	(pc) =	sbr.rel .LBB2_22-.Ltmp11, $2  }
0x1d1: {  	_ =	sdelay $0x2  }
0x1d2: {  	vm9 =	vnez.u8 v7  }
.LBB2_19:
0x1d3: {  	v9 =	vld [tilespmem:s28+$0x30]  }
0x1d4: {  	v10 =	vld [tilespmem:s29+$0x30]  }
0x1d5: {  	v11 =	vld [tilespmem:s28+$0xFFFFFFC0]  }
0x1d6: {  	v12 =	vld [tilespmem:s28+$0xFFFFFFD0]  }
0x1d7: {  	v13 =	vld [tilespmem:s28+$0xFFFFFFE0]  }
0x1d8: {  	v14 =	vld [tilespmem:s28+$0xFFFFFFF0]  }
0x1d9: {  	v17 =	vld [tilespmem:s28+$0x0]  }
0x1da: {  	v20 =	vld [tilespmem:s28+$0x10]  }
0x1db: {  	v21 =	vld [tilespmem:s28+$0x20]  }
0x1dc: {  	v22 =	vld [tilespmem:s29+$0xFFFFFFD0]  }
0x1dd: {  	v23 =	vld [tilespmem:s29+$0xFFFFFFE0]  }
0x1de: {  	v18 =	vld [tilespmem:s29+$0xFFFFFFF0];
	v15 =	vmul.f32 v9, v7;
	v9 =	vmul.f32 v11, v7  }
0x1df: {  	v16 =	vld [tilespmem:s29+$0x0];
	v24 =	vmul.f32 v12, v7;
	v19 =	vmul.f32 v13, v7  }
0x1e0: {  	vm0 =	vgt.u32 v10, v8;
	v13 =	vld [tilespmem:s29+$0x10];
	v12 =	vmul.f32 v17, v7;
	v11 =	vmul.f32 v20, v7  }
0x1e1: {  	v10 =	vsel vm0, $0x0, v15;
	v15 =	vmul.f32 v14, v7;
	vm0 =	vgt.u32 v22, v8;
	v14 =	vld [tilespmem:s29+$0x20]  }
0x1e2: {  	s30 =	simm.s32 $0x0;
	s31 =	simm.s32 $0xC0;
	v17 =	vld [tilespmem:s29+$0xFFFFFFC0];
	[tilespmem:s28+$0x30] =	vst v10;
	v10 =	vmul.f32 v21, v7;
	v20 =	vsel vm0, $0x0, v24;
	vm0 =	vgt.u32 v23, v8  }
.LBB2_20:
0x1e3: {  	v21 =	vld [tilespmem:s31+$0x30];
	s30 =	sadd.s32 $0x80, s30;
	[tilespmem:s28+$0xFFFFFFD0] =	vst v20;
	v19 =	vsel vm0, $0x0, v19;
	vm0 =	vgt.u32 v18, v8;
	s29 =	sadd.s32 $0x80, s29  }
0x1e4: {  	v18 =	vld [tilespmem:s29+$0x30];
	p0 =	slt.u32 s30, $0x7F80;
	[tilespmem:s28+$0xFFFFFFE0] =	vst v19;
	v15 =	vsel vm0, $0x0, v15;
	vm0 =	vgt.u32 v16, v8  }
0x1e5: {  	v16 =	vld [tilespmem:s31+$0xFFFFFFC0];
	[tilespmem:s28+$0xFFFFFFF0] =	vst v15;
	v12 =	vsel vm0, $0x0, v12;
	vm0 =	vgt.u32 v13, v8  }
0x1e6: {  	v13 =	vld [tilespmem:s31+$0xFFFFFFD0];
	[tilespmem:s28+$0x0] =	vst v12;
	v11 =	vsel vm0, $0x0, v11;
	vm0 =	vgt.u32 v14, v8  }
0x1e7: {  	v12 =	vld [tilespmem:s31+$0xFFFFFFE0];
	vm1 =	vgt.u32 v17, v8;
	[tilespmem:s28+$0x10] =	vst v11;
	v10 =	vsel vm0, $0x0, v10  }
0x1e8: {  	v11 =	vld [tilespmem:s31+$0xFFFFFFF0];
	v14 =	vmul.f32 v21, v7;
	v9 =	vsel vm1, $0x0, v9;
	[tilespmem:s28+$0x20] =	vst v10  }
0x1e9: {  	v10 =	vld [tilespmem:s31+$0x0];
	vm0 =	vgt.u32 v18, v8;
	[tilespmem:s28+$0xFFFFFFC0] =	vst v9;
	s28 =	smov.u32 s31  }
0x1ea: {  	v9 =	vmul.f32 v16, v7;
	v17 =	vld [tilespmem:s31+$0x10];
	v14 =	vsel vm0, $0x0, v14  }
0x1eb: {  	v20 =	vmul.f32 v13, v7;
	v21 =	vld [tilespmem:s31+$0x20];
	[tilespmem:s31+$0x30] =	vst v14  }
0x1ec: {  	v14 =	vld [tilespmem:s29+$0xFFFFFFD0];
	v19 =	vmul.f32 v12, v7  }
0x1ed: {  	v22 =	vld [tilespmem:s29+$0xFFFFFFE0];
	v15 =	vmul.f32 v11, v7  }
.Ltmp12:
0x1ee: {  	v18 =	vld [tilespmem:s29+$0xFFFFFFF0];
	v12 =	vmul.f32 v10, v7;
	(pc) =	sbr.rel @p0 .LBB2_20-.Ltmp12, $4  }
0x1ef: {  	v16 =	vld [tilespmem:s29+$0x0];
	v11 =	vmul.f32 v17, v7  }
0x1f0: {  	v13 =	vld [tilespmem:s29+$0x10];
	v10 =	vmul.f32 v21, v7  }
0x1f1: {  	vm0 =	vgt.u32 v14, v8;
	v14 =	vld [tilespmem:s29+$0x20]  }
0x1f2: {  	s31 =	sadd.s32 $0x80, s31;
	v17 =	vld [tilespmem:s29+$0xFFFFFFC0];
	v20 =	vsel vm0, $0x0, v20;
	vm0 =	vgt.u32 v22, v8  }
0x1f3: {  	[tilespmem:s28+$0xFFFFFFD0] =	vst v20;
	v7 =	vsel vm0, $0x0, v19;
	vm12 =	vgt.u32 v18, v8  }
0x1f4: {  	[tilespmem:s28+$0xFFFFFFE0] =	vst v7;
	v7 =	vsel vm12, $0x0, v15;
	vm13 =	vgt.u32 v16, v8  }
0x1f5: {  	[tilespmem:s28+$0xFFFFFFF0] =	vst v7;
	v7 =	vsel vm13, $0x0, v12;
	vm14 =	vgt.u32 v13, v8  }
0x1f6: {  	[tilespmem:s28+$0x0] =	vst v7;
	v7 =	vsel vm14, $0x0, v11;
	vm15 =	vgt.u32 v14, v8  }
0x1f7: {  	vm1 =	vgt.u32 v17, v8;
	[tilespmem:s28+$0x10] =	vst v7;
	v7 =	vsel vm15, $0x0, v10  }
0x1f8: {  	v8 =	vsel vm1, $0x0, v9;
	[tilespmem:s28+$0x20] =	vst v7  }
0x1f9: {  	[tilespmem:s28+$0xFFFFFFC0] =	vst v8  }
.LBB2_22:
0x1fa: {  	[hbm4b:s8+s18] =	stream.strided.scatter [tilespmem:s2], [sflag:$0x3], $0x8000, s19, s18, $0x38;
	[tilespmem:$0x18900] =	vst v63  }
0x1fb: {  	_ =	swait.ge [sflag:s23], $0x8000  }
0x1fc: {  	[sflag:s23] =	ssyncset.done $0x0  }
0x1fd: {  	[sflag:s23] =	ssyncadd.s32 $0xFFFF8000  }
0x1fe: {  	[tilespmem:s2], [sflag:$0x1] =	stream.strided.gather [hbm4b:s9+s18], $0x8000, s19, s18, $0x38;
	[tilespmem:$0x18900] =	vst v63  }
0x1ff: {  	_ =	swait.ge [sflag:s24], $0x8000  }
0x200: {  	[sflag:s24] =	ssyncset.done $0x0  }
0x201: {  	s30 =	simm.s32 $0x8040;
	[sflag:s24] =	ssyncadd.s32 $0xFFFF8000  }
0x202: {  	v7 =	vld [tilespmem:s30+$0xFFFFFFE0]  }
0x203: {  	v12 =	vld [tilespmem:s30+$0x20]  }
0x204: {  	v15 =	vld [tilespmem:s30+$0xFFFFFFC0]  }
0x205: {  	v13 =	vld [tilespmem:s30+$0x10]  }
0x206: {  	v17 =	vld [tilespmem:s30+$0x30]  }
0x207: {  	v10 =	vld [tilespmem:s30+$0xFFFFFFD0]  }
0x208: {  	v11 =	vld [tilespmem:s30+$0xFFFFFFF0]  }
0x209: {  	v8 =	vshra.s32 v12, $0x1F  }
0x20a: {  	v9 =	vshra.s32 v7, $0x1F;
	v14 =	vshra.s32 v15, $0x1F;
	v22 =	vshra.s32 v13, $0x1F  }
0x20b: {  	v16 =	vor.u32 $0x80000000, v8;
	v19 =	vor.u32 $0x80000000, v14;
	v8 =	vor.u32 $0x80000000, v9  }
0x20c: {  	v9 =	vshra.s32 v17, $0x1F;
	v14 =	vshra.s32 v10, $0x1F;
	v20 =	vxor.u32 v7, v8  }
0x20d: {  	v7 =	vshra.s32 v11, $0x1F;
	v21 =	vor.u32 $0x80000000, v9;
	v8 =	vld [tilespmem:s7+$0x18800];
	v19 =	vxor.u32 v15, v19  }
0x20e: {  	s28 =	simm.s32 $0x10040;
	v16 =	vxor.u32 v12, v16;
	v15 =	vld [tilespmem:s30+$0x0];
	v9 =	vshrl.u32 v20, $0x15;
	v18 =	vor.u32 $0x80000000, v7  }
0x20f: {  	s29 =	simm.s32 $0x0;
	s31 =	simm.s32 $0x10040;
	s30 =	simm.s32 $0x80C0;
	v7 =	vld [tilespmem:s7+$0x18880];
	v12 =	vshrl.u32 v19, $0x15;
	[tilespmem:s28+$0xFFFFFFE0] =	vst v20;
	v20 =	vor.u32 $0x80000000, v22;
	v17 =	vxor.u32 v17, v21  }
.LBB2_23:
0x210: {  	v21 =	vld [tilespmem:s30+$0xFFFFFFE0];
	s29 =	sadd.s32 $0x80, s29;
	[tilespmem:s28+$0xFFFFFFC0] =	vst v19;
	v11 =	vxor.u32 v11, v18;
	v13 =	vxor.u32 v13, v20;
	v18 =	vshrl.u32 v17, $0x15;
	s31 =	sadd.s32 $0x80, s31  }
0x211: {  	v23 =	vshrl.u32 v16, $0x15;
	v19 =	vld [tilespmem:s30+$0xFFFFFFC0];
	p0 =	slt.u32 s29, $0x7F80;
	[tilespmem:s28+$0xFFFFFFF0] =	vst v11;
	v20 =	vshrl.u32 v11, $0x15;
	v22 =	vshrl.u32 v13, $0x15  }
0x212: {  	v14 =	vor.u32 $0x80000000, v14;
	v11 =	vld [tilespmem:s30+$0xFFFFFFF0];
	[tilespmem:s28+$0x20] =	vst v16  }
0x213: {  	v14 =	vxor.u32 v10, v14;
	v16 =	vld [tilespmem:s30+$0x20];
	[tilespmem:s28+$0x30] =	vst v17  }
0x214: {  	v17 =	vld [tilespmem:s30+$0x30];
	v10 =	vshra.s32 v15, $0x1F;
	[tilespmem:s28+$0x10] =	vst v13  }
0x215: {  	v24 =	vshrl.u32 v14, $0x15;
	v10 =	vor.u32 $0x80000000, v10;
	[tilespmem:v18+s22+$0x0] =	vst.idx.add.s32.msk $0xffff, v5  }
0x216: {  	v13 =	vxor.u32 v15, v10;
	[tilespmem:v22+s22+$0x0] =	vst.idx.add.s32.msk $0xffff, v5  }
0x217: {  	v10 =	vld [tilespmem:s30+$0xFFFFFFD0];
	[tilespmem:s28+$0x0] =	vst v13;
	v15 =	vshrl.u32 v13, $0x15  }
0x218: {  	[tilespmem:v23+s22+$0x0] =	vst.idx.add.s32.msk $0xffff, v5  }
0x219: {  	v18 =	vshra.s32 v21, $0x1F;
	v22 =	vshra.s32 v16, $0x1F;
	v13 =	vld [tilespmem:s30+$0x10];
	[tilespmem:s28+$0xFFFFFFD0] =	vst v14;
	s28 =	smov.u32 s31  }
0x21a: {  	v14 =	vshra.s32 v19, $0x1F;
	v22 =	vor.u32 $0x80000000, v22;
	[tilespmem:v24+s22+$0x0] =	vst.idx.add.s32.msk $0xffff, v5  }
.Ltmp13:
0x21b: {  	v23 =	vor.u32 $0x80000000, v14;
	v14 =	vor.u32 $0x80000000, v18;
	v18 =	vshra.s32 v17, $0x1F;
	[tilespmem:v12+s22+$0x0] =	vst.idx.add.s32.msk $0xffff, v5;
	(pc) =	sbr.rel @p0 .LBB2_23-.Ltmp13, $4  }
0x21c: {  	v21 =	vxor.u32 v21, v14;
	v12 =	vshra.s32 v11, $0x1F;
	v24 =	vor.u32 $0x80000000, v18;
	[tilespmem:v20+s22+$0x0] =	vst.idx.add.s32.msk $0xffff, v5  }
0x21d: {  	v14 =	vshra.s32 v10, $0x1F;
	v25 =	vshrl.u32 v21, $0x15;
	v18 =	vor.u32 $0x80000000, v12;
	[tilespmem:v15+s22+$0x0] =	vst.idx.add.s32.msk $0xffff, v5  }
0x21e: {  	v16 =	vxor.u32 v16, v22;
	v19 =	vxor.u32 v19, v23;
	v20 =	vshra.s32 v13, $0x1F;
	[tilespmem:v9+s22+$0x0] =	vst.idx.add.s32.msk $0xffff, v5  }
0x21f: {  	v12 =	vshrl.u32 v19, $0x15;
	v17 =	vxor.u32 v17, v24;
	v9 =	vmovc v25;
	[tilespmem:s31+$0xFFFFFFE0] =	vst v21;
	v15 =	vld [tilespmem:s30+$0x0];
	v20 =	vor.u32 $0x80000000, v20;
	s30 =	sadd.s32 $0x80, s30  }
0x220: {  	_ = 	snop  }
0x221: {  	[tilespmem:s28+$0xFFFFFFC0] =	vst v19  }
0x222: {  	[tilespmem:s28+$0x20] =	vst v16  }
0x223: {  	[tilespmem:s28+$0x30] =	vst v17  }
0x224: {  	v11 =	vxor.u32 v11, v18;
	v18 =	vshrl.u32 v17, $0x15;
	[tilespmem:v9+s22+$0x0] =	vst.idx.add.s32.msk $0xffff, v5  }
0x225: {  	v13 =	vxor.u32 v13, v20;
	[tilespmem:s28+$0xFFFFFFF0] =	vst v11  }
0x226: {  	v16 =	vshrl.u32 v16, $0x15;
	v14 =	vor.u32 $0x80000000, v14;
	[tilespmem:s28+$0x10] =	vst v13  }
0x227: {  	v19 =	vshrl.u32 v13, $0x15;
	v10 =	vxor.u32 v10, v14;
	[tilespmem:v12+s22+$0x0] =	vst.idx.add.s32.msk $0xffff, v5;
	v14 =	vshra.s32 v15, $0x1F  }
0x228: {  	v11 =	vshrl.u32 v11, $0x15;
	[tilespmem:s28+$0xFFFFFFD0] =	vst v10;
	v14 =	vor.u32 $0x80000000, v14  }
0x229: {  	v13 =	vshrl.u32 v10, $0x15;
	[tilespmem:v18+s22+$0x0] =	vst.idx.add.s32.msk $0xffff, v5;
	v14 =	vxor.u32 v15, v14  }
0x22a: {  	[tilespmem:s28+$0x0] =	vst v14;
	v14 =	vshrl.u32 v14, $0x15  }
0x22b: {  	[tilespmem:v16+s22+$0x0] =	vst.idx.add.s32.msk $0xffff, v5  }
0x22c: {  	[tilespmem:v19+s22+$0x0] =	vst.idx.add.s32.msk $0xffff, v5  }
0x22d: {  	[tilespmem:v11+s22+$0x0] =	vst.idx.add.s32.msk $0xffff, v5  }
0x22e: {  	[tilespmem:v13+s22+$0x0] =	vst.idx.add.s32.msk $0xffff, v5  }
0x22f: {  	s28 =	simm.s32 $0x0;
	[tilespmem:v14+s22+$0x0] =	vst.idx.add.s32.msk $0xffff, v5  }
0x230: {  	v9 =	vld [tilespmem:s28+$0x18000];
	_ =	sdelay $0x1  }
0x231: {  	vm2 =	veq.s32 v1, v0  }
0x232: {  	v8 =	vnsel vm2, $0x0, v8  }
0x233: {  	(xrf0) =	vadd.scan.msk.s32 $0xffff, v8  }
0x234: {  	(xrf0) =	vadd.scan.msk.s32 $0xffff, v9  }
0x235: {  	[tilespmem:s28+$0x18000] =	vst v4;
	s28 =	simm.s32 $0x10  }
0x236: {  	v12 =	vld [tilespmem:s28+$0x18000];
	v10 =	vperm.xlane v9, v6;
	_ =	sdelay $0x2  }
0x237: {  	v8, _, _ =	vpop (xrf0);
	(xrf0) =	vadd.scan.msk.s32 $0xffff, v10  }
0x238: {  	v16 =	vimm.s32 $0x0;
	v8 =	vbroadcast v8, $0xF;
	v10, _, _ =	vpop (xrf0)  }
0x239: {  	v13 =	vperm.xlane v12, v6;
	v11 =	vadd.s32 v16, v10  }
0x23a: {  	(xrf0) =	vadd.scan.msk.s32 $0xffff, v12;
	vm0 =	vlt.s32 v11, v8  }
0x23b: {  	[tilespmem:s28+$0x18000] =	vst v4;
	s28 =	simm.s32 $0x20;
	v18 =	vnsel vm0, $0x0, v9  }
0x23c: {  	v11 =	vld [tilespmem:s28+$0x18000];
	v14 =	vperm.xlane v18, v6;
	(xrf0) =	vadd.scan.msk.s32 $0xffff, v18  }
0x23d: {  	(xrf0) =	vadd.scan.msk.s32 $0xffff, v13;
	v13, _, _ =	vpop (xrf0)  }
0x23e: {  	v9 =	vsub.s32 v16, v9;
	v13 =	vperm.xlane v13, v6  }
0x23f: {  	v9 =	vadd.s32 v10, v9;
	(xrf0) =	vadd.scan.msk.s32 $0xffff, v14  }
0x240: {  	v14, _, _ =	vpop (xrf0);
	v15 =	vadd.s32 v13, v9  }
0x241: {  	(xrf0) =	vadd.scan.msk.s32 $0xffff, v11;
	v10 =	vadd.s32 v15, v14  }
0x242: {  	[tilespmem:s28+$0x18000] =	vst v4;
	s28 =	simm.s32 $0x30;
	vm1 =	vlt.s32 v10, v8  }
0x243: {  	v17 =	vperm.xlane v11, v6;
	v13 =	vld [tilespmem:s28+$0x18000];
	v9, _, _ =	vpop (xrf0);
	v10 =	vnsel vm1, $0x0, v12  }
0x244: {  	v19, _, _ =	vpop (xrf0);
	v62 =	vperm.xlane v10, v6;
	(xrf0) =	vadd.scan.msk.s32 $0xffff, v10  }
0x245: {  	v12 =	vsub.s32 v15, v12;
	v19 =	vperm.xlane v19, v6;
	v15, _, _ =	vpop (xrf0);
	(xrf0) =	vadd.scan.msk.s32 $0xffff, v17  }
0x246: {  	vm0 =	vmmov vm0;
	v12 =	vadd.s32 v14, v12;
	v21 =	vperm.xlane v15, v6;
	(xrf0) =	vadd.scan.msk.s32 $0xffff, v62  }
0x247: {  	vm3 =	vmmov vm1;
	v14, _, _ =	vpop (xrf0);
	v15 =	vadd.s32 v19, v12;
	v12 =	vmpcnt.ones.xlane vm0  }
0x248: {  	v17 =	vperm.xlane v13, v6;
	v19 =	vadd.s32 v15, v14;
	v63 =	vadd.s32 v16, v21;
	(xrf0) =	vadd.scan.msk.s32 $0xffff, v13  }
0x249: {  	s29 =	simm.s32 $0x140;
	[tilespmem:s28+$0x18000] =	vst v4;
	s28 =	simm.s32 $0x40;
	vm4 =	vlt.s32 v19, v8;
	v12 =	vadd.s32 v16, v12;
	v16 =	vsub.s32 v63, v18  }
.LBB2_25:
0x24a: {  	p0 =	sne.s32 s29, $0x1FC0;
	v18 =	vld [tilespmem:s28+$0x18000];
	v16 =	vadd.s32 v9, v16;
	v9, _, _ =	vpop (xrf0);
	v19 =	vmov v10;
	v10 =	vnsel vm4, $0x0, v11;
	s30 =	smov.u32 s29;
	s29 =	sadd.s32 $0x40, s29  }
0x24b: {  	[tilespmem:s28+$0x18000] =	vst v4;
	v20 =	vperm.xlane v10, v6;
	(xrf0) =	vadd.scan.msk.s32 $0xffff, v10;
	v21, _, _ =	vpop (xrf0)  }
.Ltmp14:
0x24c: {  	v15 =	vsub.s32 v15, v11;
	v11 =	vmov v13;
	(xrf0) =	vadd.scan.msk.s32 $0xffff, v17;
	v17 =	vperm.xlane v21, v6;
	v21, _, _ =	vpop (xrf0);
	(pc) =	sbr.rel @p0 .LBB2_25-.Ltmp14, $4  }
0x24d: {  	v13 =	vadd.s32 v14, v15;
	(xrf0) =	vadd.scan.msk.s32 $0xffff, v20;
	v20 =	vperm.xlane v21, v6  }
0x24e: {  	v22 =	vmpcnt.ones.xlane vm3;
	vm3 =	vmmov vm4;
	v14, _, _ =	vpop (xrf0);
	v15 =	vadd.s32 v17, v13  }
0x24f: {  	v17 =	vperm.xlane v18, v6;
	(xrf0) =	vadd.scan.msk.s32 $0xffff, v18;
	v21 =	vadd.s32 v15, v14;
	v16 =	vadd.s32 v16, v20  }
0x250: {  	s28 =	sshra.s32 s30, $0x2;
	v12 =	vadd.s32 v12, v22;
	v13 =	vmovc v18;
	vm4 =	vlt.s32 v21, v8;
	v16 =	vsub.s32 v16, v19  }
0x251: {  	v18 =	vld [tilespmem:s28+$0x18000];
	v19 =	vnsel vm4, $0x0, v11  }
0x252: {  	(xrf0) =	vadd.scan.msk.s32 $0xffff, v19;
	v20 =	vperm.xlane v19, v6  }
0x253: {  	(xrf0) =	vadd.scan.msk.s32 $0xffff, v17  }
0x254: {  	v17, _, _ =	vpop (xrf0)  }
0x255: {  	v21, _, _ =	vpop (xrf0);
	(xrf0) =	vadd.scan.msk.s32 $0xffff, v20  }
0x256: {  	v20, _, _ =	vpop (xrf0);
	(xrf0) =	vadd.scan.msk.s32 $0xffff, v18  }
0x257: {  	v11 =	vsub.s32 v15, v11;
	v21 =	vperm.xlane v21, v6;
	v15, _, _ =	vpop (xrf0)  }
0x258: {  	v11 =	vadd.s32 v14, v11;
	v14, _, _ =	vpop (xrf0)  }
0x259: {  	v11 =	vadd.s32 v21, v11;
	v58, _, _ =	vpop (xrf0)  }
0x25a: {  	v22 =	vadd.s32 v11, v15;
	v11 =	vsub.s32 v11, v13;
	v21 =	vperm.xlane v58, v6  }
0x25b: {  	v11 =	vadd.s32 v15, v11;
	v59, _, _ =	vpop (xrf0)  }
0x25c: {  	vm0 =	vlt.s32 v22, v8;
	v11 =	vadd.s32 v21, v11;
	v60, _, _ =	vpop (xrf0)  }
0x25d: {  	v15 =	vperm.xlane v18, v6;
	v13 =	vnsel vm0, $0x0, v13;
	v11 =	vadd.s32 v11, v60  }
0x25e: {  	v61 =	vperm.xlane v13, v6;
	(xrf0) =	vadd.scan.msk.s32 $0xffff, v13;
	vm1 =	vlt.s32 v11, v8;
	v11 =	vperm.xlane v20, v6  }
0x25f: {  	v9 =	vadd.s32 v9, v16;
	(xrf0) =	vadd.scan.msk.s32 $0xffff, v15;
	v15 =	vnsel vm1, $0x0, v18  }
0x260: {  	(xrf0) =	vadd.scan.msk.s32 $0xffff, v61;
	v16 =	vperm.xlane v15, v6;
	v9 =	vadd.s32 v9, v11  }
0x261: {  	v9 =	vsub.s32 v9, v10;
	v10 =	vperm.xlane v59, v6;
	_ =	sdelay $0x1  }
0x262: {  	(xrf0) =	vadd.scan.msk.s32 $0xffff, v15  }
0x263: {  	v11 =	vmpcnt.ones.xlane vm3;
	(xrf0) =	vadd.scan.msk.s32 $0xffff, v16;
	v9 =	vadd.s32 v17, v9;
	v16, _, _ =	vpop (xrf0)  }
0x264: {  	v9 =	vadd.s32 v9, v10;
	v10, _, _ =	vpop (xrf0)  }
0x265: {  	v11 =	vadd.s32 v12, v11;
	v12, _, _ =	vpop (xrf0)  }
0x266: {  	vm3 =	vmmov vm4;
	v12 =	vperm.xlane v12, v6  }
0x267: {  	[tilespmem:s28+$0x18000] =	vst v4;
	s28 =	simm.s32 $0x10040;
	vm0 =	vmmov vm0;
	v10 =	vmpcnt.ones.xlane vm3  }
0x268: {  	v18 =	vmpcnt.ones.xlane vm0;
	v17 =	vld [tilespmem:s28+$0xFFFFFFC0];
	v9 =	vsub.s32 v9, v19  }
0x269: {  	vm0 =	vmmov vm1;
	v9 =	vadd.s32 v14, v9;
	v14, _, _ =	vpop (xrf0);
	v10 =	vadd.s32 v11, v10  }
0x26a: {  	v11 =	vmpcnt.ones.xlane vm0;
	v9 =	vadd.s32 v9, v12;
	v10 =	vadd.s32 v10, v18;
	v18 =	vld [tilespmem:s28+$0xFFFFFFE0];
	v12, _, _ =	vpop (xrf0)  }
0x26b: {  	v13 =	vsub.s32 v9, v13;
	v12 =	vperm.xlane v12, v6  }
0x26c: {  	v9 =	vadd.s32 v10, v11;
	v10 =	vadd.s32 v16, v13  }
0x26d: {  	v20 =	vld [tilespmem:s28+$0x20];
	v11 =	vand.u32 $0x7FF, v9;
	v13 =	vshrl.u32 v17, $0x15;
	v10 =	vadd.s32 v10, v12  }
0x26e: {  	v19 =	vld [tilespmem:s28+$0xFFFFFFF0];
	vm0 =	veq.s32 v13, v11;
	v10 =	vsub.s32 v10, v15  }
0x26f: {  	v12 =	vshrl.u32 v17, $0xA;
	v10 =	vadd.s32 v14, v10;
	v14 =	vshrl.u32 v18, $0x15  }
0x270: {  	v62 =	vld [tilespmem:s28+$0x30];
	v63 =	vand.u32 $0x7FF, v12;
	v15 =	vshrl.u32 v18, $0xA;
	vm5 =	veq.s32 v14, v11  }
0x271: {  	v12 =	vld [tilespmem:s28+$0xFFFFFFD0];
	v15 =	vand.u32 $0x7FF, v15;
	_ =	sdelay $0x1  }
0x272: {  	v16 =	vld [tilespmem:s28+$0x10];
	v13 =	vshrl.u32 v19, $0xA;
	v18 =	vshrl.u32 v20, $0x15;
	v14 =	vshrl.u32 v19, $0x15  }
0x273: {  	v17 =	vld [tilespmem:s28+$0x0];
	vm4 =	veq.s32 v18, v11;
	vm3 =	veq.s32 v14, v11;
	v14 =	vshrl.u32 v20, $0xA  }
0x274: {  	s29 =	simm.s32 $0x100C0;
	s28 =	simm.s32 $0x0;
	v19 =	vshrl.u32 v62, $0x15;
	v18 =	vshrl.u32 v62, $0xA;
	v14 =	vand.u32 $0x7FF, v14;
	[tilespmem:v63+s22+$0x0] =	vst.idx.add.s32.msk vm0, v5  }
.LBB2_27:
0x275: {  	s28 =	sadd.s32 $0x80, s28;
	v20 =	vshrl.u32 v12, $0x15;
	[tilespmem:v15+s22+$0x0] =	vst.idx.add.s32.msk vm5, v5;
	vm0 =	veq.s32 v19, v11  }
0x276: {  	v12 =	vshrl.u32 v12, $0xA;
	v15 =	vand.u32 $0x7FF, v13;
	v19 =	vld [tilespmem:s29+$0xFFFFFFF0];
	p0 =	slt.u32 s28, $0x7F80;
	vm1 =	veq.s32 v20, v11  }
0x277: {  	v18 =	vand.u32 $0x7FF, v18;
	v21 =	vand.u32 $0x7FF, v12;
	v20 =	vld [tilespmem:s29+$0xFFFFFFE0];
	v12 =	vshrl.u32 v16, $0x15  }
0x278: {  	v22 =	vld [tilespmem:s29+$0xFFFFFFC0];
	v13 =	vshrl.u32 v17, $0x15;
	vm6 =	veq.s32 v12, v11;
	v12 =	vshrl.u32 v16, $0xA  }
0x279: {  	v23 =	vld [tilespmem:s29+$0x30];
	vm7 =	veq.s32 v13, v11;
	v13 =	vshrl.u32 v17, $0xA;
	v16 =	vand.u32 $0x7FF, v12  }
0x27a: {  	v24 =	vld [tilespmem:s29+$0x20];
	v17 =	vand.u32 $0x7FF, v13  }
0x27b: {  	v12 =	vld [tilespmem:s29+$0xFFFFFFD0];
	v13 =	vshrl.u32 v19, $0xA  }
0x27c: {  	[tilespmem:v15+s22+$0x0] =	vst.idx.add.s32.msk vm3, v5  }
0x27d: {  	v25 =	vshrl.u32 v20, $0x15;
	v20 =	vshrl.u32 v20, $0xA;
	v15 =	vshrl.u32 v22, $0x15;
	[tilespmem:v14+s22+$0x0] =	vst.idx.add.s32.msk vm4, v5  }
0x27e: {  	v14 =	vshrl.u32 v22, $0xA;
	vm5 =	veq.s32 v25, v11;
	vm8 =	veq.s32 v15, v11;
	[tilespmem:v16+s22+$0x0] =	vst.idx.add.s32.msk vm6, v5  }
0x27f: {  	v14 =	vand.u32 $0x7FF, v14;
	v15 =	vand.u32 $0x7FF, v20;
	[tilespmem:v17+s22+$0x0] =	vst.idx.add.s32.msk vm7, v5  }
.Ltmp15:
0x280: {  	v16 =	vshrl.u32 v19, $0x15;
	[tilespmem:v18+s22+$0x0] =	vst.idx.add.s32.msk vm0, v5;
	(pc) =	sbr.rel @p0 .LBB2_27-.Ltmp15, $4  }
0x281: {  	vm3 =	veq.s32 v16, v11;
	[tilespmem:v21+s22+$0x0] =	vst.idx.add.s32.msk vm1, v5  }
0x282: {  	v18 =	vshrl.u32 v24, $0x15;
	v16 =	vld [tilespmem:s29+$0x10]  }
0x283: {  	vm4 =	veq.s32 v18, v11;
	v18 =	vshrl.u32 v24, $0xA;
	v17 =	vld [tilespmem:s29+$0x0]  }
0x284: {  	v19 =	vshrl.u32 v23, $0x15;
	s29 =	sadd.s32 $0x80, s29;
	[tilespmem:v14+s22+$0x0] =	vst.idx.add.s32.msk vm8, v5;
	v14 =	vand.u32 $0x7FF, v18;
	v18 =	vshrl.u32 v23, $0xA  }
0x285: {  	_ = 	snop  }
0x286: {  	v13 =	vand.u32 $0x7FF, v13  }
0x287: {  	vm6 =	veq.s32 v19, v11;
	v20 =	vshrl.u32 v16, $0x15;
	v16 =	vshrl.u32 v16, $0xA  }
0x288: {  	v21 =	vshrl.u32 v17, $0x15;
	vm0 =	veq.s32 v20, v11;
	v17 =	vshrl.u32 v17, $0xA  }
0x289: {  	v16 =	vand.u32 $0x7FF, v16;
	v20 =	vshrl.u32 v12, $0x15;
	vm1 =	veq.s32 v21, v11  }
0x28a: {  	[tilespmem:v15+s22+$0x0] =	vst.idx.add.s32.msk vm5, v5;
	vm5 =	veq.s32 v20, v11;
	v11 =	vshrl.u32 v12, $0xA;
	v12 =	vand.u32 $0x7FF, v18  }
0x28b: {  	v17 =	vand.u32 $0x7FF, v17  }
0x28c: {  	[tilespmem:v14+s22+$0x0] =	vst.idx.add.s32.msk vm4, v5;
	v11 =	vand.u32 $0x7FF, v11  }
0x28d: {  	[tilespmem:v13+s22+$0x0] =	vst.idx.add.s32.msk vm3, v5  }
0x28e: {  	[tilespmem:v16+s22+$0x0] =	vst.idx.add.s32.msk vm0, v5  }
0x28f: {  	[tilespmem:v12+s22+$0x0] =	vst.idx.add.s32.msk vm6, v5  }
0x290: {  	[tilespmem:v17+s22+$0x0] =	vst.idx.add.s32.msk vm1, v5  }
0x291: {  	s28 =	simm.s32 $0x0;
	[tilespmem:v11+s22+$0x0] =	vst.idx.add.s32.msk vm5, v5  }
0x292: {  	v11 =	vld [tilespmem:s28+$0x18000];
	_ =	sdelay $0x4  }
0x293: {  	(xrf0) =	vadd.scan.msk.s32 $0xffff, v11;
	_ =	sdelay $0x1  }
0x294: {  	[tilespmem:s28+$0x18000] =	vst v4;
	s28 =	simm.s32 $0x10  }
0x295: {  	v13 =	vld [tilespmem:s28+$0x18000]  }
0x296: {  	v12 =	vperm.xlane v11, v6;
	_ =	sdelay $0x1  }
0x297: {  	v17 =	vimm.s32 $0x0;
	(xrf0) =	vadd.scan.msk.s32 $0xffff, v12;
	v14, _, _ =	vpop (xrf0)  }
0x298: {  	v10 =	vsub.s32 v8, v10;
	v8 =	vadd.s32 v17, v14  }
0x299: {  	vm0 =	vlt.s32 v8, v10;
	v8 =	vperm.xlane v13, v6  }
0x29a: {  	(xrf0) =	vadd.scan.msk.s32 $0xffff, v13  }
0x29b: {  	[tilespmem:s28+$0x18000] =	vst v4;
	s28 =	simm.s32 $0x20;
	v19 =	vnsel vm0, $0x0, v11  }
0x29c: {  	v12 =	vld [tilespmem:s28+$0x18000];
	v15 =	vperm.xlane v19, v6;
	(xrf0) =	vadd.scan.msk.s32 $0xffff, v19  }
0x29d: {  	(xrf0) =	vadd.scan.msk.s32 $0xffff, v8;
	v8, _, _ =	vpop (xrf0)  }
0x29e: {  	v11 =	vsub.s32 v17, v11;
	v8 =	vperm.xlane v8, v6  }
0x29f: {  	v11 =	vadd.s32 v14, v11;
	(xrf0) =	vadd.scan.msk.s32 $0xffff, v15  }
0x2a0: {  	v15, _, _ =	vpop (xrf0);
	v16 =	vadd.s32 v8, v11  }
0x2a1: {  	(xrf0) =	vadd.scan.msk.s32 $0xffff, v12;
	v8 =	vadd.s32 v16, v15  }
0x2a2: {  	[tilespmem:s28+$0x18000] =	vst v4;
	s28 =	simm.s32 $0x30;
	vm1 =	vlt.s32 v8, v10  }
0x2a3: {  	v18 =	vperm.xlane v12, v6;
	v14 =	vld [tilespmem:s28+$0x18000];
	v11, _, _ =	vpop (xrf0);
	v8 =	vnsel vm1, $0x0, v13  }
0x2a4: {  	v20, _, _ =	vpop (xrf0);
	v62 =	vperm.xlane v8, v6;
	(xrf0) =	vadd.scan.msk.s32 $0xffff, v8  }
0x2a5: {  	v20 =	vperm.xlane v20, v6;
	v13 =	vsub.s32 v16, v13;
	v16, _, _ =	vpop (xrf0);
	(xrf0) =	vadd.scan.msk.s32 $0xffff, v18  }
0x2a6: {  	vm0 =	vmmov vm0;
	v13 =	vadd.s32 v15, v13;
	v22 =	vperm.xlane v16, v6;
	(xrf0) =	vadd.scan.msk.s32 $0xffff, v62  }
0x2a7: {  	vm3 =	vmmov vm1;
	v15, _, _ =	vpop (xrf0);
	v16 =	vadd.s32 v20, v13;
	v13 =	vmpcnt.ones.xlane vm0  }
0x2a8: {  	v18 =	vperm.xlane v14, v6;
	v20 =	vadd.s32 v16, v15;
	v63 =	vadd.s32 v17, v22;
	(xrf0) =	vadd.scan.msk.s32 $0xffff, v14  }
0x2a9: {  	s29 =	simm.s32 $0x140;
	[tilespmem:s28+$0x18000] =	vst v4;
	s28 =	simm.s32 $0x40;
	vm4 =	vlt.s32 v20, v10;
	v13 =	vadd.s32 v17, v13;
	v17 =	vsub.s32 v63, v19  }
.LBB2_29:
0x2aa: {  	p0 =	sne.s32 s29, $0x1FC0;
	v19 =	vld [tilespmem:s28+$0x18000];
	v17 =	vadd.s32 v11, v17;
	v11, _, _ =	vpop (xrf0);
	v20 =	vmov v8;
	v8 =	vnsel vm4, $0x0, v12;
	s30 =	smov.u32 s29;
	s29 =	sadd.s32 $0x40, s29  }
0x2ab: {  	[tilespmem:s28+$0x18000] =	vst v4;
	v21 =	vperm.xlane v8, v6;
	(xrf0) =	vadd.scan.msk.s32 $0xffff, v8;
	v22, _, _ =	vpop (xrf0)  }
.Ltmp16:
0x2ac: {  	v16 =	vsub.s32 v16, v12;
	v12 =	vmov v14;
	(xrf0) =	vadd.scan.msk.s32 $0xffff, v18;
	v18 =	vperm.xlane v22, v6;
	v22, _, _ =	vpop (xrf0);
	(pc) =	sbr.rel @p0 .LBB2_29-.Ltmp16, $4  }
0x2ad: {  	v14 =	vadd.s32 v15, v16;
	(xrf0) =	vadd.scan.msk.s32 $0xffff, v21;
	v21 =	vperm.xlane v22, v6  }
0x2ae: {  	v23 =	vmpcnt.ones.xlane vm3;
	vm3 =	vmmov vm4;
	v15, _, _ =	vpop (xrf0);
	v16 =	vadd.s32 v18, v14  }
0x2af: {  	v18 =	vperm.xlane v19, v6;
	(xrf0) =	vadd.scan.msk.s32 $0xffff, v19;
	v22 =	vadd.s32 v16, v15;
	v17 =	vadd.s32 v17, v21  }
0x2b0: {  	s28 =	sshra.s32 s30, $0x2;
	v13 =	vadd.s32 v13, v23;
	v14 =	vmovc v19;
	vm4 =	vlt.s32 v22, v10;
	v17 =	vsub.s32 v17, v20  }
0x2b1: {  	v19 =	vld [tilespmem:s28+$0x18000];
	v20 =	vnsel vm4, $0x0, v12  }
0x2b2: {  	(xrf0) =	vadd.scan.msk.s32 $0xffff, v20  }
0x2b3: {  	v45, _, _ =	vpop (xrf0);
	v21 =	vperm.xlane v20, v6;
	(xrf0) =	vadd.scan.msk.s32 $0xffff, v18  }
0x2b4: {  	v22, _, _ =	vpop (xrf0)  }
0x2b5: {  	v12 =	vsub.s32 v16, v12;
	v46 =	vperm.xlane v22, v6;
	(xrf0) =	vadd.scan.msk.s32 $0xffff, v21  }
0x2b6: {  	v12 =	vadd.s32 v15, v12;
	v16, _, _ =	vpop (xrf0);
	(xrf0) =	vadd.scan.msk.s32 $0xffff, v19  }
0x2b7: {  	v47, _, _ =	vpop (xrf0);
	v12 =	vadd.s32 v46, v12  }
0x2b8: {  	v21 =	vadd.s32 v12, v47;
	v15, _, _ =	vpop (xrf0)  }
0x2b9: {  	v12 =	vsub.s32 v12, v14;
	vm0 =	vlt.s32 v21, v10;
	v23, _, _ =	vpop (xrf0)  }
0x2ba: {  	v49 =	vperm.xlane v19, v6;
	v14 =	vnsel vm0, $0x0, v14;
	v48 =	vperm.xlane v23, v6  }
0x2bb: {  	v52 =	vmpcnt.ones.xlane vm3;
	v12 =	vadd.s32 v47, v12;
	v24, _, _ =	vpop (xrf0);
	(xrf0) =	vadd.scan.msk.s32 $0xffff, v14  }
0x2bc: {  	v16 =	vperm.xlane v16, v6;
	v50 =	vperm.xlane v14, v6;
	(xrf0) =	vadd.scan.msk.s32 $0xffff, v49;
	v12 =	vadd.s32 v48, v12;
	v51, _, _ =	vpop (xrf0)  }
0x2bd: {  	v11 =	vadd.s32 v11, v17;
	vm3 =	vmmov vm4;
	v12 =	vadd.s32 v12, v51  }
0x2be: {  	v13 =	vadd.s32 v13, v52;
	v11 =	vadd.s32 v11, v16;
	(xrf0) =	vadd.scan.msk.s32 $0xffff, v50;
	vm1 =	vlt.s32 v12, v10  }
0x2bf: {  	v8 =	vsub.s32 v11, v8;
	v11 =	vmpcnt.ones.xlane vm3;
	v12 =	vnsel vm1, $0x0, v19  }
0x2c0: {  	[tilespmem:s28+$0x18000] =	vst v4;
	v17 =	vperm.xlane v24, v6;
	v16 =	vperm.xlane v12, v6  }
0x2c1: {  	vm0 =	vmmov vm0;
	v8 =	vadd.s32 v45, v8;
	v11 =	vadd.s32 v13, v11;
	(xrf0) =	vadd.scan.msk.s32 $0xffff, v12;
	v53, _, _ =	vpop (xrf0)  }
0x2c2: {  	s28 =	simm.s32 $0x10040;
	v8 =	vadd.s32 v8, v17;
	v13, _, _ =	vpop (xrf0);
	(xrf0) =	vadd.scan.msk.s32 $0xffff, v16;
	v16 =	vmpcnt.ones.xlane vm0;
	vm0 =	vmmov vm1  }
0x2c3: {  	v54 =	vld [tilespmem:s28+$0x30];
	v8 =	vsub.s32 v8, v20;
	v13 =	vmpcnt.ones.xlane vm0  }
0x2c4: {  	v8 =	vadd.s32 v15, v8;
	v15 =	vld [tilespmem:s28+$0xFFFFFFF0];
	v17, _, _ =	vpop (xrf0);
	v11 =	vadd.s32 v11, v16  }
0x2c5: {  	v17 =	vperm.xlane v17, v6;
	v16 =	vld [tilespmem:s28+$0xFFFFFFD0];
	v11 =	vadd.s32 v11, v13  }
0x2c6: {  	v9 =	vshll.u32 v9, $0x15;
	v13 =	vld [tilespmem:s28+$0xFFFFFFE0];
	v11 =	vshll.u32 v11, $0xA  }
0x2c7: {  	v17 =	vadd.s32 v8, v17;
	v8 =	vor.u32 v9, v11  }
0x2c8: {  	v56 =	vld [tilespmem:s28+$0x0];
	v11 =	vsub.s32 v17, v14;
	v17 =	vshrl.u32 v54, $0xA;
	v9 =	vshrl.u32 v8, $0xA  }
0x2c9: {  	v61 =	vld [tilespmem:s28+$0xFFFFFFC0];
	v18 =	vand.u32 $0x3FF, v54;
	v60 =	vshrl.u32 v15, $0xA;
	v55, _, _ =	vpop (xrf0);
	vm0 =	veq.s32 v17, v9  }
0x2ca: {  	v59 =	vld [tilespmem:s28+$0x20];
	v63 =	vand.u32 $0x3FF, v15;
	v14, _, _ =	vpop (xrf0);
	v57 =	vshrl.u32 v16, $0xA;
	vm6 =	veq.s32 v60, v9  }
0x2cb: {  	v14 =	vperm.xlane v14, v6;
	v17 =	vld [tilespmem:s28+$0x10];
	vm1 =	veq.s32 v57, v9;
	v58 =	vshrl.u32 v13, $0xA  }
0x2cc: {  	v11 =	vadd.s32 v53, v11;
	v16 =	vand.u32 $0x3FF, v16;
	vm5 =	veq.s32 v58, v9  }
0x2cd: {  	v62 =	vand.u32 $0x3FF, v13;
	v11 =	vadd.s32 v11, v14  }
0x2ce: {  	v15 =	vand.u32 $0x3FF, v61;
	v11 =	vsub.s32 v11, v12  }
0x2cf: {  	v14 =	vshrl.u32 v59, $0xA;
	v12 =	vshrl.u32 v56, $0xA;
	v11 =	vadd.s32 v55, v11;
	[tilespmem:v18+s22+$0x0] =	vst.idx.add.s32.msk vm0, v5  }
0x2d0: {  	vm3 =	veq.s32 v12, v9;
	v12 =	vand.u32 $0x3FF, v56;
	v13 =	vshrl.u32 v17, $0xA;
	[tilespmem:v63+s22+$0x0] =	vst.idx.add.s32.msk vm6, v5  }
0x2d1: {  	vm4 =	veq.s32 v13, v9;
	v13 =	vand.u32 $0x3FF, v17;
	[tilespmem:v16+s22+$0x0] =	vst.idx.add.s32.msk vm1, v5;
	v16 =	vshrl.u32 v61, $0xA  }
0x2d2: {  	s29 =	simm.s32 $0x100C0;
	s28 =	simm.s32 $0x0;
	[tilespmem:v62+s22+$0x0] =	vst.idx.add.s32.msk vm5, v5;
	vm5 =	veq.s32 v14, v9;
	vm0 =	veq.s32 v16, v9;
	v14 =	vand.u32 $0x3FF, v59  }
.LBB2_31:
0x2d3: {  	v16 =	vld [tilespmem:s29+$0x30];
	s28 =	sadd.s32 $0x80, s28  }
0x2d4: {  	v17 =	vld [tilespmem:s29+$0xFFFFFFD0];
	p0 =	slt.u32 s28, $0x7F80  }
0x2d5: {  	v18 =	vld [tilespmem:s29+$0xFFFFFFE0]  }
0x2d6: {  	v19 =	vld [tilespmem:s29+$0xFFFFFFF0]  }
0x2d7: {  	v20 =	vld [tilespmem:s29+$0x0]  }
0x2d8: {  	v21 =	vld [tilespmem:s29+$0x10];
	v22 =	vshrl.u32 v16, $0xA  }
0x2d9: {  	v23 =	vshrl.u32 v17, $0xA;
	v17 =	vand.u32 $0x3FF, v17;
	v24 =	vld [tilespmem:s29+$0x20];
	vm1 =	veq.s32 v22, v9  }
0x2da: {  	v16 =	vand.u32 $0x3FF, v16;
	v22 =	vld [tilespmem:s29+$0xFFFFFFC0];
	vm6 =	veq.s32 v23, v9;
	v23 =	vshrl.u32 v18, $0xA  }
0x2db: {  	v18 =	vand.u32 $0x3FF, v18;
	vm7 =	veq.s32 v23, v9;
	v23 =	vshrl.u32 v19, $0xA;
	[tilespmem:v15+s22+$0x0] =	vst.idx.add.s32.msk vm0, v5  }
0x2dc: {  	v19 =	vand.u32 $0x3FF, v19;
	vm8 =	veq.s32 v23, v9;
	v15 =	vshrl.u32 v20, $0xA;
	[tilespmem:v12+s22+$0x0] =	vst.idx.add.s32.msk vm3, v5  }
0x2dd: {  	v12 =	vand.u32 $0x3FF, v20;
	vm3 =	veq.s32 v15, v9;
	v15 =	vshrl.u32 v21, $0xA;
	[tilespmem:v13+s22+$0x0] =	vst.idx.add.s32.msk vm4, v5  }
.Ltmp17:
0x2de: {  	v13 =	vand.u32 $0x3FF, v21;
	vm4 =	veq.s32 v15, v9;
	v20 =	vshrl.u32 v24, $0xA;
	[tilespmem:v14+s22+$0x0] =	vst.idx.add.s32.msk vm5, v5;
	(pc) =	sbr.rel @p0 .LBB2_31-.Ltmp17, $4  }
0x2df: {  	v14 =	vshrl.u32 v22, $0xA;
	v15 =	vand.u32 $0x3FF, v22;
	vm5 =	veq.s32 v20, v9;
	[tilespmem:v16+s22+$0x0] =	vst.idx.add.s32.msk vm1, v5  }
0x2e0: {  	vm0 =	veq.s32 v14, v9;
	[tilespmem:v17+s22+$0x0] =	vst.idx.add.s32.msk vm6, v5;
	v14 =	vand.u32 $0x3FF, v24  }
0x2e1: {  	[tilespmem:v18+s22+$0x0] =	vst.idx.add.s32.msk vm7, v5  }
0x2e2: {  	s29 =	sadd.s32 $0x80, s29;
	[tilespmem:v19+s22+$0x0] =	vst.idx.add.s32.msk vm8, v5  }
0x2e3: {  	_ =	sdelay $0x4  }
0x2e4: {  	[tilespmem:v15+s22+$0x0] =	vst.idx.add.s32.msk vm0, v5  }
0x2e5: {  	[tilespmem:v12+s22+$0x0] =	vst.idx.add.s32.msk vm3, v5  }
0x2e6: {  	[tilespmem:v13+s22+$0x0] =	vst.idx.add.s32.msk vm4, v5  }
0x2e7: {  	[tilespmem:v14+s22+$0x0] =	vst.idx.add.s32.msk vm5, v5;
	s28 =	simm.s32 $0x0  }
0x2e8: {  	v12 =	vld [tilespmem:s28+$0x18000];
	_ =	sdelay $0x4  }
0x2e9: {  	(xrf0) =	vadd.scan.msk.s32 $0xffff, v12;
	_ =	sdelay $0x1  }
0x2ea: {  	[tilespmem:s28+$0x18000] =	vst v4;
	s28 =	simm.s32 $0x10  }
0x2eb: {  	v15 =	vld [tilespmem:s28+$0x18000];
	v9 =	vperm.xlane v12, v6;
	_ =	sdelay $0x1  }
0x2ec: {  	(xrf0) =	vadd.scan.msk.s32 $0xffff, v9  }
0x2ed: {  	v16 =	vimm.s32 $0x0;
	v13, _, _ =	vpop (xrf0)  }
0x2ee: {  	v9 =	vsub.s32 v10, v11;
	v10 =	vadd.s32 v16, v13  }
0x2ef: {  	(xrf0) =	vadd.scan.msk.s32 $0xffff, v15;
	vm0 =	vlt.s32 v10, v9;
	v10 =	vsub.s32 v10, v12  }
0x2f0: {  	v11 =	vperm.xlane v15, v6;
	v17 =	vnsel vm0, $0x0, v12;
	vm1 =	vlt.s32 v10, v9  }
0x2f1: {  	v10 =	vperm.xlane v17, v6;
	v18 =	vnsel vm1, $0x0, v12  }
0x2f2: {  	(xrf0) =	vadd.scan.msk.s32 $0xffff, v11;
	v14, _, _ =	vpop (xrf0);
	v11 =	vperm.xlane v18, v6  }
0x2f3: {  	v12 =	vsub.s32 v16, v12;
	(xrf0) =	vadd.scan.msk.s32 $0xffff, v10;
	v10 =	vperm.xlane v14, v6  }
0x2f4: {  	[tilespmem:s28+$0x18000] =	vst v4;
	s28 =	simm.s32 $0x20;
	(xrf0) =	vadd.scan.msk.s32 $0xffff, v11;
	v11 =	vadd.s32 v13, v12  }
0x2f5: {  	v19, _, _ =	vpop (xrf0);
	v14 =	vld [tilespmem:s28+$0x18000];
	v12 =	vadd.s32 v10, v11  }
0x2f6: {  	v10 =	vadd.s32 v12, v19  }
0x2f7: {  	vm3 =	vlt.s32 v10, v9;
	v10 =	vsub.s32 v10, v15;
	_ =	sdelay $0x1  }
0x2f8: {  	v20 =	vmpcnt.ones.xlane vm0;
	v21, _, _ =	vpop (xrf0);
	(xrf0) =	vadd.scan.msk.s32 $0xffff, v17;
	vm0 =	vlt.s32 v10, v9  }
0x2f9: {  	(xrf0) =	vadd.scan.msk.s32 $0xffff, v18;
	v22 =	vperm.xlane v14, v6;
	v11 =	vnsel vm3, $0x0, v15;
	v13 =	vnsel vm0, $0x0, v15;
	v10, _, _ =	vpop (xrf0)  }
0x2fa: {  	(xrf0) =	vadd.scan.msk.s32 $0xffff, v14;
	v24 =	vperm.xlane v10, v6;
	v10 =	vadd.s32 v16, v20;
	v20 =	vperm.xlane v13, v6  }
0x2fb: {  	v23 =	vperm.xlane v11, v6;
	v25, _, _ =	vpop (xrf0)  }
0x2fc: {  	v21 =	vperm.xlane v21, v6;
	(xrf0) =	vadd.scan.msk.s32 $0xffff, v22;
	v62 =	vperm.xlane v25, v6  }
0x2fd: {  	s29 =	simm.s32 $0x30;
	[tilespmem:s28+$0x18000] =	vst v4;
	v12 =	vsub.s32 v12, v15;
	(xrf0) =	vadd.scan.msk.s32 $0xffff, v23;
	v63 =	vadd.s32 v16, v24  }
0x2fe: {  	v12 =	vadd.s32 v19, v12;
	v15 =	vld [tilespmem:s29+$0x18000];
	(xrf0) =	vadd.scan.msk.s32 $0xffff, v20;
	v17 =	vsub.s32 v63, v17;
	v19 =	vadd.s32 v16, v62;
	v20, _, _ =	vpop (xrf0)  }
0x2ff: {  	s28 =	simm.s32 $0x100;
	[tilespmem:s29+$0x18000] =	vst v4;
	v16 =	vadd.s32 v21, v12;
	v12 =	vadd.s32 v20, v17;
	v17 =	vsub.s32 v19, v18;
	v18, _, _ =	vpop (xrf0)  }
.LBB2_33:
0x300: {  	p0 =	sne.s32 s28, $0xFC0;
	v19, _, _ =	vpop (xrf0);
	v24 =	vmpcnt.ones.xlane vm3;
	v17 =	vadd.s32 v18, v17;
	v18 =	vmov v11;
	s29 =	smov.u32 s28;
	s28 =	sadd.s32 $0x40, s28  }
0x301: {  	v21 =	vmovc v13;
	v22 =	vmov v14;
	v11 =	vadd.s32 v16, v19;
	(xrf0) =	vadd.scan.msk.s32 $0xffff, v18  }
0x302: {  	vm3 =	vlt.s32 v11, v9;
	v13 =	vsub.s32 v11, v22;
	v23, _, _ =	vpop (xrf0);
	v10 =	vadd.s32 v10, v24;
	(xrf0) =	vadd.scan.msk.s32 $0xffff, v21  }
0x303: {  	v27 =	vperm.xlane v15, v6;
	(xrf0) =	vadd.scan.msk.s32 $0xffff, v15;
	v11 =	vnsel vm3, $0x0, v22;
	vm0 =	vlt.s32 v13, v9;
	v20, _, _ =	vpop (xrf0)  }
.Ltmp18:
0x304: {  	v24 =	vperm.xlane v11, v6;
	v13 =	vnsel vm0, $0x0, v22;
	v20 =	vperm.xlane v20, v6;
	v25, _, _ =	vpop (xrf0);
	(pc) =	sbr.rel @p0 .LBB2_33-.Ltmp18, $4  }
0x305: {  	v14 =	vmovc v15;
	(xrf0) =	vadd.scan.msk.s32 $0xffff, v27;
	v26 =	vperm.xlane v13, v6;
	v25 =	vperm.xlane v25, v6  }
0x306: {  	s29 =	sshra.s32 s29, $0x2;
	v16 =	vsub.s32 v16, v22;
	v23 =	vperm.xlane v23, v6;
	(xrf0) =	vadd.scan.msk.s32 $0xffff, v24;
	v12 =	vadd.s32 v12, v20  }
0x307: {  	v16 =	vadd.s32 v19, v16;
	v15 =	vld [tilespmem:s29+$0x18000];
	(xrf0) =	vadd.scan.msk.s32 $0xffff, v26;
	v12 =	vsub.s32 v12, v18;
	v17 =	vadd.s32 v17, v25;
	v18, _, _ =	vpop (xrf0)  }
0x308: {  	v16 =	vadd.s32 v23, v16;
	[tilespmem:s29+$0x18000] =	vst v4;
	v12 =	vadd.s32 v18, v12;
	v17 =	vsub.s32 v17, v21;
	v18, _, _ =	vpop (xrf0)  }
0x309: {  	_ = 	snop  }
0x30a: {  	(xrf0) =	vadd.scan.msk.s32 $0xffff, v11  }
0x30b: {  	(xrf0) =	vadd.scan.msk.s32 $0xffff, v13  }
0x30c: {  	v19, _, _ =	vpop (xrf0);
	(xrf0) =	vadd.scan.msk.s32 $0xffff, v15  }
0x30d: {  	v20, _, _ =	vpop (xrf0)  }
0x30e: {  	v38 =	vsub.s32 v16, v14;
	v22, _, _ =	vpop (xrf0)  }
0x30f: {  	v21 =	vadd.s32 v16, v19;
	v16 =	vadd.s32 v19, v38;
	v23, _, _ =	vpop (xrf0)  }
0x310: {  	vm4 =	vlt.s32 v21, v9;
	v21 =	vsub.s32 v21, v14;
	v20 =	vperm.xlane v20, v6;
	v25, _, _ =	vpop (xrf0)  }
0x311: {  	v24 =	vperm.xlane v15, v6;
	v26 =	vnsel vm4, $0x0, v14;
	vm0 =	vlt.s32 v21, v9;
	v39, _, _ =	vpop (xrf0)  }
0x312: {  	v40 =	vnsel vm0, $0x0, v14;
	v41 =	vperm.xlane v26, v6;
	v16 =	vadd.s32 v20, v16;
	v42, _, _ =	vpop (xrf0)  }
0x313: {  	v43 =	vperm.xlane v40, v6;
	(xrf0) =	vadd.scan.msk.s32 $0xffff, v24;
	v16 =	vadd.s32 v16, v42  }
0x314: {  	(xrf0) =	vadd.scan.msk.s32 $0xffff, v41;
	vm5 =	vlt.s32 v16, v9;
	v16 =	vsub.s32 v16, v15  }
0x315: {  	(xrf0) =	vadd.scan.msk.s32 $0xffff, v43;
	v44 =	vnsel vm5, $0x0, v15;
	vm15 =	vlt.s32 v16, v9  }
0x316: {  	(xrf0) =	vadd.scan.msk.s32 $0xffff, v26;
	v45 =	vnsel vm15, $0x0, v15;
	v46 =	vperm.xlane v44, v6  }
0x317: {  	(xrf0) =	vadd.scan.msk.s32 $0xffff, v40;
	v47 =	vperm.xlane v45, v6  }
0x318: {  	(xrf0) =	vadd.scan.msk.s32 $0xffff, v46  }
0x319: {  	v48, _, _ =	vpop (xrf0);
	(xrf0) =	vadd.scan.msk.s32 $0xffff, v47  }
0x31a: {  	v16 =	vperm.xlane v23, v6;
	v49, _, _ =	vpop (xrf0)  }
0x31b: {  	v17 =	vadd.s32 v18, v17;
	v50, _, _ =	vpop (xrf0)  }
0x31c: {  	v16 =	vadd.s32 v17, v16;
	(xrf0) =	vadd.scan.msk.s32 $0xffff, v44;
	v51, _, _ =	vpop (xrf0)  }
0x31d: {  	v52 =	vsub.s32 v16, v13;
	v53 =	vperm.xlane v50, v6;
	(xrf0) =	vadd.scan.msk.s32 $0xffff, v45;
	v54, _, _ =	vpop (xrf0)  }
0x31e: {  	v13 =	vadd.s32 v39, v52;
	v55, _, _ =	vpop (xrf0)  }
0x31f: {  	v13 =	vadd.s32 v13, v53;
	v56, _, _ =	vpop (xrf0)  }
0x320: {  	v13 =	vsub.s32 v13, v40;
	v57 =	vperm.xlane v56, v6  }
0x321: {  	v13 =	vadd.s32 v54, v13  }
0x322: {  	v58, _, _ =	vpop (xrf0);
	v13 =	vadd.s32 v13, v57  }
0x323: {  	v59, _, _ =	vpop (xrf0);
	v13 =	vsub.s32 v13, v45  }
0x324: {  	v13 =	vadd.s32 v59, v13  }
0x325: {  	v13 =	vsub.s32 v9, v13  }
0x326: {  	v13 =	vnsel vm9, $0x0, v13  }
0x327: {  	(xrf0) =	vadd.scan.msk.s32 $0xffff, v13;
	_ =	sdelay $0x5  }
0x328: {  	v13, _, _ =	vpop (xrf0)  }
0x329: {  	(v2sf) =	vpush v13, $0xF;
	_ =	sdelay $0x8  }
0x32a: {  	v7 =	vnsel vm2, $0x0, v7  }
0x32b: {  	(xrf2) =	vadd.scan.msk.f32 $0xffff, v7  }
0x32c: {  	v7 =	vperm.xlane v22, v6;
	_ =	sdelay $0x1  }
0x32d: {  	v7 =	vadd.s32 v12, v7  }
0x32e: {  	v7 =	vsub.s32 v7, v11;
	v11 =	vperm.xlane v49, v6  }
0x32f: {  	v7 =	vadd.s32 v25, v7;
	s28 =	spop (v2sf)  }
0x330: {  	v60 =	vmpcnt.ones.xlane vm3;
	v7 =	vadd.s32 v7, v11;
	p0 =	sne.s32 s28, $0x0  }
.Ltmp19:
0x331: {  	v11 =	vmpcnt.ones.xlane vm4;
	v7 =	vsub.s32 v7, v26;
	v61 =	vperm.xlane v55, v6;
	(pc) =	sbr.rel @!p0 .LBB2_38-.Ltmp19, $4  }
0x332: {  	v10 =	vadd.s32 v10, v60;
	v62 =	vmpcnt.ones.xlane vm5;
	v7 =	vadd.s32 v51, v7  }
0x333: {  	v10 =	vadd.s32 v10, v11;
	v7 =	vadd.s32 v7, v61  }
0x334: {  	v63, _, _ =	vpop (xrf2);
	v11 =	vadd.s32 v10, v62;
	v7 =	vsub.s32 v7, v44  }
0x335: {  	s29 =	simm.s32 $0x10040;
	v8 =	vor.u32 v8, v11;
	v10 =	vadd.s32 v58, v7;
	v7 =	vbroadcast v63, $0xF;
	s28 =	simm.s32 $0x8040  }
0x336: {  	v16 =	vld [tilespmem:s29+$0xFFFFFFE0]  }
0x337: {  	v9 =	vsub.s32 v9, v10;
	v10 =	vld [tilespmem:s28+$0xFFFFFFE0]  }
0x338: {  	v18 =	vld [tilespmem:s28+$0xFFFFFFD0]  }
0x339: {  	v14 =	vld [tilespmem:s28+$0x0]  }
0x33a: {  	v19 =	vld [tilespmem:s29+$0x0]  }
0x33b: {  	v21 =	vld [tilespmem:s29+$0xFFFFFFC0]  }
0x33c: {  	v22 =	vld [tilespmem:s29+$0x10]  }
0x33d: {  	v13 =	vld [tilespmem:s29+$0x20]  }
0x33e: {  	v23 =	vld [tilespmem:s29+$0xFFFFFFF0]  }
0x33f: {  	v11 =	vimm.s32 $0x0;
	v26 =	vld [tilespmem:s29+$0xFFFFFFD0]  }
0x340: {  	vm13 =	veq.s32 v16, v8;
	v15 =	vmul.f32 v10, v7;
	v17 =	vmul.f32 v14, v7  }
0x341: {  	vm3 =	veq.s32 v21, v8;
	vm2 =	vlt.u32 v21, v8;
	v10 =	vmul.f32 v18, v7  }
0x342: {  	vm7 =	vlt.u32 v16, v8;
	vm9 =	vlt.u32 v22, v8;
	vm14 =	veq.s32 v13, v8;
	v18 =	vld [tilespmem:s29+$0x30]  }
0x343: {  	vm6 =	vlt.u32 v23, v8;
	vm12 =	vlt.u32 v19, v8;
	vm1 =	veq.s32 v19, v8  }
0x344: {  	v20 =	vld [tilespmem:s28+$0xFFFFFFF0];
	vm4 =	veq.s32 v26, v8;
	vm8 =	veq.s32 v23, v8;
	v24 =	vsel vm13, $0x1, v4  }
0x345: {  	vm0 =	veq.s32 v22, v8;
	v21 =	vmpcnt.ones.xlane vm3;
	v16 =	vsel vm1, $0x1, v4;
	(xrf0) =	vadd.scan.msk.s32 $0xffff, v24  }
0x346: {  	v25 =	vmpcnt.ones.xlane vm13;
	v23 =	vmpcnt.ones.xlane vm4;
	v19 =	vsel vm0, $0x1, v4;
	(xrf0) =	vadd.scan.msk.s32 $0xffff, v16  }
0x347: {  	v22 =	vsel vm14, $0x1, v4;
	v21 =	vadd.s32 v11, v21;
	(xrf0) =	vadd.scan.msk.s32 $0xffff, v19;
	vm11 =	veq.s32 v18, v8  }
0x348: {  	v23 =	vadd.s32 v21, v23;
	vm5 =	vlt.u32 v18, v8;
	(xrf0) =	vadd.scan.msk.s32 $0xffff, v22;
	v18 =	vsel vm11, $0x1, v4  }
0x349: {  	v14 =	vmul.f32 v20, v7;
	v20 =	vld [tilespmem:s28+$0xFFFFFFC0];
	(xrf0) =	vadd.scan.msk.s32 $0xffff, v18;
	v18 =	vadd.s32 v23, v25;
	v25 =	vsel vm8, $0x1, v4  }
0x34a: {  	v27 =	vmpcnt.ones.xlane vm8;
	v22 =	vsel vm4, $0x1, v4  }
0x34b: {  	v28, _, _ =	vpop (xrf0);
	(xrf0) =	vadd.scan.msk.s32 $0xffff, v22  }
0x34c: {  	v22 =	vadd.s32 v23, v28;
	v23 =	vadd.s32 v18, v27;
	(xrf0) =	vadd.scan.msk.s32 $0xffff, v25;
	v25, _, _ =	vpop (xrf0)  }
0x34d: {  	vm15 =	vle.s32 v22, v9;
	v22 =	vadd.s32 v23, v25  }
0x34e: {  	v16 =	vmul.f32 v20, v7;
	v20 =	vmpcnt.ones.xlane vm1  }
0x34f: {  	v24 =	vmpcnt.ones.xlane vm0  }
0x350: {  	v20 =	vadd.s32 v23, v20;
	vm13 =	vmand vm13, vm15;
	vm15 =	vle.s32 v22, v9;
	v22, _, _ =	vpop (xrf0)  }
0x351: {  	v22 =	vadd.s32 v20, v22;
	v20 =	vadd.s32 v20, v24  }
0x352: {  	v27 =	vmpcnt.ones.xlane vm14  }
0x353: {  	v29 =	vsel vm3, $0x1, v4;
	vm1 =	vmand vm1, vm15;
	v23, _, _ =	vpop (xrf0)  }
0x354: {  	v12 =	vld [tilespmem:s28+$0x20];
	vm15 =	vle.s32 v22, v9;
	v24 =	vadd.s32 v20, v23;
	v23 =	vadd.s32 v20, v27;
	v20, _, _ =	vpop (xrf0)  }
0x355: {  	vm15 =	vmand vm0, vm15;
	vm0 =	vle.s32 v24, v9;
	v24 =	vadd.s32 v23, v20;
	v20, _, _ =	vpop (xrf0);
	(xrf0) =	vadd.scan.msk.s32 $0xffff, v29;
	_ =	sdelay $0x3  }
0x356: {  	v12 =	vmul.f32 v12, v7;
	vm10 =	vlt.u32 v26, v8;
	v19 =	vmpcnt.ones.xlane vm11;
	v22 =	vld [tilespmem:s28+$0x10]  }
0x357: {  	s30 =	simm.s32 $0x100C0;
	s31 =	simm.s32 $0x80C0;
	s29 =	simm.s32 $0x0;
	vm14 =	vmand vm14, vm0;
	v20 =	vadd.s32 v21, v20;
	v21 =	vld [tilespmem:s28+$0x30];
	vm0 =	vle.s32 v24, v9;
	v24, _, _ =	vpop (xrf0)  }
.LBB2_36:
0x358: {  	v25 =	vld [tilespmem:s30+$0xFFFFFFE0];
	s29 =	sadd.s32 $0x80, s29;
	vm12 =	vmor vm12, vm1;
	vm1 =	vmor vm9, vm15;
	v19 =	vadd.s32 v23, v19;
	v23, _, _ =	vpop (xrf0)  }
0x359: {  	vm7 =	vmor vm7, vm13;
	v26 =	vld [tilespmem:s31+$0xFFFFFFE0];
	p0 =	slt.u32 s29, $0x7F80;
	v23 =	vadd.s32 v11, v23;
	v17 =	vnsel vm12, $0x0, v17;
	v11 =	vmovc v19  }
0x35a: {  	v18 =	vadd.s32 v18, v24;
	v15 =	vnsel vm7, $0x0, v15;
	v27 =	vld [tilespmem:s31+$0x20];
	vm9 =	vle.s32 v23, v9;
	[tilespmem:s28+$0x0] =	vst v17  }
0x35b: {  	vm0 =	vmand vm11, vm0;
	vm7 =	vle.s32 v18, v9;
	v23 =	vld [tilespmem:s31+$0xFFFFFFD0];
	[tilespmem:s28+$0xFFFFFFE0] =	vst v15;
	v15 =	vmul.f32 v22, v7  }
0x35c: {  	vm7 =	vmand vm8, vm7;
	vm8 =	vlt.u32 v13, v8;
	v17 =	vld [tilespmem:s31+$0x0];
	v18 =	vmul.f32 v21, v7  }
0x35d: {  	vm6 =	vmor vm6, vm7;
	vm7 =	vmor vm8, vm14;
	vm13 =	veq.s32 v25, v8;
	v21 =	vld [tilespmem:s30+$0x0]  }
0x35e: {  	v14 =	vnsel vm6, $0x0, v14;
	v24 =	vnsel vm1, $0x0, v15;
	v13 =	vsel vm13, $0x1, v4;
	v22 =	vld [tilespmem:s31+$0xFFFFFFF0]  }
0x35f: {  	v12 =	vnsel vm7, $0x0, v12;
	vm1 =	vmand vm3, vm9;
	v28 =	vld [tilespmem:s30+$0xFFFFFFC0];
	(xrf0) =	vadd.scan.msk.s32 $0xffff, v13;
	[tilespmem:s28+$0xFFFFFFF0] =	vst v14  }
0x360: {  	v15 =	vmul.f32 v26, v7;
	v26 =	vmpcnt.ones.xlane vm13;
	vm1 =	vmor vm2, vm1;
	v29 =	vld [tilespmem:s30+$0x10];
	[tilespmem:s28+$0x20] =	vst v12  }
0x361: {  	vm0 =	vmor vm5, vm0;
	v14 =	vnsel vm1, $0x0, v16;
	vm1 =	vle.s32 v20, v9;
	v13 =	vld [tilespmem:s30+$0x20];
	[tilespmem:s28+$0x10] =	vst v24  }
0x362: {  	v12 =	vmul.f32 v27, v7;
	vm1 =	vmand vm4, vm1;
	v17 =	vmul.f32 v17, v7;
	v16 =	vld [tilespmem:s30+$0xFFFFFFF0];
	[tilespmem:s28+$0xFFFFFFC0] =	vst v14  }
0x363: {  	vm1 =	vmor vm10, vm1;
	v20 =	vld [tilespmem:s30+$0xFFFFFFD0];
	v14 =	vmul.f32 v22, v7  }
0x364: {  	v22 =	vnsel vm1, $0x0, v10;
	vm2 =	vlt.u32 v28, v8;
	vm3 =	veq.s32 v28, v8  }
0x365: {  	vm7 =	vlt.u32 v25, v8;
	v10 =	vmul.f32 v23, v7;
	v24 =	vld [tilespmem:s31+$0xFFFFFFC0];
	v27 =	vmpcnt.ones.xlane vm3;
	v23, _, _ =	vpop (xrf0);
	[tilespmem:s28+$0xFFFFFFD0] =	vst v22  }
0x366: {  	v18 =	vnsel vm0, $0x0, v18;
	vm9 =	vlt.u32 v29, v8;
	vm14 =	veq.s32 v13, v8;
	v22 =	vld [tilespmem:s30+$0x30]  }
0x367: {  	vm12 =	vlt.u32 v21, v8;
	vm0 =	veq.s32 v21, v8;
	vm6 =	vlt.u32 v16, v8;
	[tilespmem:s28+$0x30] =	vst v18;
	s28 =	smov.u32 s31  }
0x368: {  	vm8 =	veq.s32 v16, v8;
	v16 =	vsel vm0, $0x1, v4;
	vm4 =	veq.s32 v20, v8  }
0x369: {  	vm15 =	veq.s32 v29, v8;
	v21 =	vadd.s32 v19, v27;
	v18 =	vmpcnt.ones.xlane vm4;
	(xrf0) =	vadd.scan.msk.s32 $0xffff, v16  }
0x36a: {  	v19 =	vsel vm15, $0x1, v4;
	v16 =	vmul.f32 v24, v7;
	v24 =	vmpcnt.ones.xlane vm0  }
0x36b: {  	v25 =	vsel vm14, $0x1, v4;
	vm5 =	vlt.u32 v22, v8;
	vm11 =	veq.s32 v22, v8;
	(xrf0) =	vadd.scan.msk.s32 $0xffff, v19  }
0x36c: {  	v22 =	vmpcnt.ones.xlane vm15;
	v27 =	vsel vm11, $0x1, v4;
	v19 =	vmpcnt.ones.xlane vm11;
	(xrf0) =	vadd.scan.msk.s32 $0xffff, v25  }
0x36d: {  	v29 =	vmpcnt.ones.xlane vm8;
	v28 =	vadd.s32 v21, v18;
	v25 =	vsel vm4, $0x1, v4;
	(xrf0) =	vadd.scan.msk.s32 $0xffff, v27  }
0x36e: {  	v30 =	vsel vm8, $0x1, v4;
	v18 =	vadd.s32 v28, v26;
	v27 =	vsel vm3, $0x1, v4;
	(xrf0) =	vadd.scan.msk.s32 $0xffff, v25  }
0x36f: {  	v23 =	vadd.s32 v28, v23;
	v28 =	vmpcnt.ones.xlane vm14;
	v25 =	vadd.s32 v18, v29;
	(xrf0) =	vadd.scan.msk.s32 $0xffff, v30;
	v26, _, _ =	vpop (xrf0)  }
0x370: {  	vm1 =	vle.s32 v23, v9;
	v24 =	vadd.s32 v25, v24;
	v26 =	vadd.s32 v25, v26;
	(xrf0) =	vadd.scan.msk.s32 $0xffff, v27  }
.Ltmp20:
0x371: {  	vm10 =	vlt.u32 v20, v8;
	vm13 =	vmand vm13, vm1;
	vm1 =	vle.s32 v26, v9;
	v20, _, _ =	vpop (xrf0);
	(pc) =	sbr.rel @p0 .LBB2_36-.Ltmp20, $4  }
0x372: {  	v22 =	vadd.s32 v24, v22;
	vm1 =	vmand vm0, vm1;
	v26 =	vadd.s32 v24, v20;
	v23, _, _ =	vpop (xrf0)  }
0x373: {  	vm0 =	vle.s32 v26, v9;
	v25 =	vadd.s32 v22, v23;
	v23 =	vadd.s32 v22, v28;
	v24, _, _ =	vpop (xrf0)  }
0x374: {  	v22 =	vld [tilespmem:s31+$0x10];
	vm15 =	vmand vm15, vm0;
	vm0 =	vle.s32 v25, v9;
	v25 =	vadd.s32 v23, v24;
	v20, _, _ =	vpop (xrf0)  }
0x375: {  	s30 =	sadd.s32 $0x80, s30;
	s31 =	sadd.s32 $0x80, s31;
	v20 =	vadd.s32 v21, v20;
	vm14 =	vmand vm14, vm0;
	v21 =	vld [tilespmem:s28+$0x30];
	vm0 =	vle.s32 v25, v9;
	v24, _, _ =	vpop (xrf0)  }
0x376: {  	vm1 =	vmor vm12, vm1  }
0x377: {  	vm9 =	vmor vm9, vm15;
	v18 =	vadd.s32 v18, v24;
	vm7 =	vmor vm7, vm13  }
0x378: {  	v19, _, _ =	vpop (xrf0);
	vm13 =	vlt.u32 v13, v8;
	v17 =	vnsel vm1, $0x0, v17;
	vm1 =	vle.s32 v18, v9  }
0x379: {  	vm0 =	vmand vm11, vm0;
	v11 =	vadd.s32 v11, v19;
	vm1 =	vmand vm8, vm1  }
0x37a: {  	v61 =	vnsel vm7, $0x0, v15;
	vm15 =	vmor vm13, vm14;
	[tilespmem:s28+$0x0] =	vst v17;
	vm1 =	vmor vm6, vm1  }
0x37b: {  	vm12 =	vle.s32 v11, v9;
	[tilespmem:s28+$0xFFFFFFE0] =	vst v61;
	v62 =	vmul.f32 v22, v7;
	v8 =	vnsel vm1, $0x0, v14  }
0x37c: {  	vm13 =	vle.s32 v20, v9;
	vm12 =	vmand vm3, vm12;
	[tilespmem:s28+$0xFFFFFFF0] =	vst v8;
	v8 =	vnsel vm15, $0x0, v12  }
0x37d: {  	vm1 =	vmor vm2, vm12;
	v7 =	vmul.f32 v21, v7;
	v63 =	vnsel vm9, $0x0, v62;
	[tilespmem:s28+$0x20] =	vst v8  }
0x37e: {  	vm0 =	vmor vm5, vm0;
	vm14 =	vmand vm4, vm13;
	v8 =	vnsel vm1, $0x0, v16;
	[tilespmem:s28+$0x10] =	vst v63  }
0x37f: {  	vm15 =	vmor vm10, vm14;
	v7 =	vnsel vm0, $0x0, v7;
	[tilespmem:s28+$0xFFFFFFC0] =	vst v8  }
0x380: {  	v8 =	vnsel vm15, $0x0, v10;
	[tilespmem:s28+$0x30] =	vst v7  }
0x381: {  	[tilespmem:s28+$0xFFFFFFD0] =	vst v8  }
0x382: {  	v7 =	vld [tilespmem:$0x1FFE0]  }
.Ltmp21:
0x383: {  	_ = 	snop;
	(pc) =	sbr.rel .LBB2_41-.Ltmp21, $2  }
0x384: {  	_ =	sdelay $0x2  }
0x385: {  	vm9 =	vnez.u8 v7  }
.LBB2_38:
0x386: {  	v9 =	vld [tilespmem:s28+$0x30]  }
0x387: {  	v10 =	vld [tilespmem:s29+$0x30]  }
0x388: {  	v11 =	vld [tilespmem:s28+$0xFFFFFFC0]  }
0x389: {  	v12 =	vld [tilespmem:s28+$0xFFFFFFD0]  }
0x38a: {  	v13 =	vld [tilespmem:s28+$0xFFFFFFE0]  }
0x38b: {  	v14 =	vld [tilespmem:s28+$0xFFFFFFF0]  }
0x38c: {  	v17 =	vld [tilespmem:s28+$0x0]  }
0x38d: {  	v20 =	vld [tilespmem:s28+$0x10]  }
0x38e: {  	v21 =	vld [tilespmem:s28+$0x20]  }
0x38f: {  	v22 =	vld [tilespmem:s29+$0xFFFFFFD0]  }
0x390: {  	v23 =	vld [tilespmem:s29+$0xFFFFFFE0]  }
0x391: {  	v18 =	vld [tilespmem:s29+$0xFFFFFFF0];
	v15 =	vmul.f32 v9, v7;
	v9 =	vmul.f32 v11, v7  }
0x392: {  	v16 =	vld [tilespmem:s29+$0x0];
	v24 =	vmul.f32 v12, v7;
	v19 =	vmul.f32 v13, v7  }
0x393: {  	vm0 =	vgt.u32 v10, v8;
	v13 =	vld [tilespmem:s29+$0x10];
	v12 =	vmul.f32 v17, v7;
	v11 =	vmul.f32 v20, v7  }
0x394: {  	v10 =	vsel vm0, $0x0, v15;
	v15 =	vmul.f32 v14, v7;
	vm0 =	vgt.u32 v22, v8;
	v14 =	vld [tilespmem:s29+$0x20]  }
0x395: {  	s30 =	simm.s32 $0x0;
	s31 =	simm.s32 $0x80C0;
	v17 =	vld [tilespmem:s29+$0xFFFFFFC0];
	[tilespmem:s28+$0x30] =	vst v10;
	v10 =	vmul.f32 v21, v7;
	v20 =	vsel vm0, $0x0, v24;
	vm0 =	vgt.u32 v23, v8  }
.LBB2_39:
0x396: {  	v21 =	vld [tilespmem:s31+$0x30];
	s30 =	sadd.s32 $0x80, s30;
	[tilespmem:s28+$0xFFFFFFD0] =	vst v20;
	v19 =	vsel vm0, $0x0, v19;
	vm0 =	vgt.u32 v18, v8;
	s29 =	sadd.s32 $0x80, s29  }
0x397: {  	v18 =	vld [tilespmem:s29+$0x30];
	p0 =	slt.u32 s30, $0x7F80;
	[tilespmem:s28+$0xFFFFFFE0] =	vst v19;
	v15 =	vsel vm0, $0x0, v15;
	vm0 =	vgt.u32 v16, v8  }
0x398: {  	v16 =	vld [tilespmem:s31+$0xFFFFFFC0];
	[tilespmem:s28+$0xFFFFFFF0] =	vst v15;
	v12 =	vsel vm0, $0x0, v12;
	vm0 =	vgt.u32 v13, v8  }
0x399: {  	v13 =	vld [tilespmem:s31+$0xFFFFFFD0];
	[tilespmem:s28+$0x0] =	vst v12;
	v11 =	vsel vm0, $0x0, v11;
	vm0 =	vgt.u32 v14, v8  }
0x39a: {  	v12 =	vld [tilespmem:s31+$0xFFFFFFE0];
	vm1 =	vgt.u32 v17, v8;
	[tilespmem:s28+$0x10] =	vst v11;
	v10 =	vsel vm0, $0x0, v10  }
0x39b: {  	v11 =	vld [tilespmem:s31+$0xFFFFFFF0];
	v14 =	vmul.f32 v21, v7;
	v9 =	vsel vm1, $0x0, v9;
	[tilespmem:s28+$0x20] =	vst v10  }
0x39c: {  	v10 =	vld [tilespmem:s31+$0x0];
	vm0 =	vgt.u32 v18, v8;
	[tilespmem:s28+$0xFFFFFFC0] =	vst v9;
	s28 =	smov.u32 s31  }
0x39d: {  	v9 =	vmul.f32 v16, v7;
	v17 =	vld [tilespmem:s31+$0x10];
	v14 =	vsel vm0, $0x0, v14  }
0x39e: {  	v20 =	vmul.f32 v13, v7;
	v21 =	vld [tilespmem:s31+$0x20];
	[tilespmem:s31+$0x30] =	vst v14  }
0x39f: {  	v14 =	vld [tilespmem:s29+$0xFFFFFFD0];
	v19 =	vmul.f32 v12, v7  }
0x3a0: {  	v22 =	vld [tilespmem:s29+$0xFFFFFFE0];
	v15 =	vmul.f32 v11, v7  }
.Ltmp22:
0x3a1: {  	v18 =	vld [tilespmem:s29+$0xFFFFFFF0];
	v12 =	vmul.f32 v10, v7;
	(pc) =	sbr.rel @p0 .LBB2_39-.Ltmp22, $4  }
0x3a2: {  	v16 =	vld [tilespmem:s29+$0x0];
	v11 =	vmul.f32 v17, v7  }
0x3a3: {  	v13 =	vld [tilespmem:s29+$0x10];
	v10 =	vmul.f32 v21, v7  }
0x3a4: {  	vm0 =	vgt.u32 v14, v8;
	v14 =	vld [tilespmem:s29+$0x20]  }
0x3a5: {  	s31 =	sadd.s32 $0x80, s31;
	v17 =	vld [tilespmem:s29+$0xFFFFFFC0];
	v20 =	vsel vm0, $0x0, v20;
	vm0 =	vgt.u32 v22, v8  }
0x3a6: {  	[tilespmem:s28+$0xFFFFFFD0] =	vst v20;
	v7 =	vsel vm0, $0x0, v19;
	vm12 =	vgt.u32 v18, v8  }
0x3a7: {  	[tilespmem:s28+$0xFFFFFFE0] =	vst v7;
	v7 =	vsel vm12, $0x0, v15;
	vm13 =	vgt.u32 v16, v8  }
0x3a8: {  	[tilespmem:s28+$0xFFFFFFF0] =	vst v7;
	v7 =	vsel vm13, $0x0, v12;
	vm14 =	vgt.u32 v13, v8  }
0x3a9: {  	[tilespmem:s28+$0x0] =	vst v7;
	v7 =	vsel vm14, $0x0, v11;
	vm15 =	vgt.u32 v14, v8  }
0x3aa: {  	vm1 =	vgt.u32 v17, v8;
	[tilespmem:s28+$0x10] =	vst v7;
	v7 =	vsel vm15, $0x0, v10  }
0x3ab: {  	v8 =	vsel vm1, $0x0, v9;
	[tilespmem:s28+$0x20] =	vst v7  }
0x3ac: {  	[tilespmem:s28+$0xFFFFFFC0] =	vst v8  }
.LBB2_41:
0x3ad: {  	[hbm4b:s10+s18] =	stream.strided.scatter [tilespmem:s20], [sflag:$0x4], $0x8000, s19, s18, $0x38;
	[tilespmem:$0x18900] =	vst v63  }
0x3ae: {  	_ =	swait.ge [sflag:s25], $0x8000  }
0x3af: {  	[sflag:s25] =	ssyncset.done $0x0  }
0x3b0: {  	[sflag:s25] =	ssyncadd.s32 $0xFFFF8000  }
0x3b1: {  	[tilespmem:s20], [sflag:$0x2] =	stream.strided.gather [hbm4b:s11+s18], $0x8000, s19, s18, $0x38;
	[tilespmem:$0x18900] =	vst v63  }
0x3b2: {  	_ =	swait.ge [sflag:s21], $0x8000  }
0x3b3: {  	[sflag:s21] =	ssyncset.done $0x0  }
0x3b4: {  	s30 =	simm.s32 $0x40;
	[sflag:s21] =	ssyncadd.s32 $0xFFFF8000  }
0x3b5: {  	v7 =	vld [tilespmem:s30+$0xFFFFFFE0]  }
0x3b6: {  	v12 =	vld [tilespmem:s30+$0x20]  }
0x3b7: {  	v15 =	vld [tilespmem:s30+$0xFFFFFFC0]  }
0x3b8: {  	v13 =	vld [tilespmem:s30+$0x10]  }
0x3b9: {  	v17 =	vld [tilespmem:s30+$0x30]  }
0x3ba: {  	v10 =	vld [tilespmem:s30+$0xFFFFFFD0]  }
0x3bb: {  	v11 =	vld [tilespmem:s30+$0xFFFFFFF0]  }
0x3bc: {  	v8 =	vshra.s32 v12, $0x1F  }
0x3bd: {  	v9 =	vshra.s32 v7, $0x1F;
	v14 =	vshra.s32 v15, $0x1F;
	v22 =	vshra.s32 v13, $0x1F  }
0x3be: {  	v16 =	vor.u32 $0x80000000, v8;
	v19 =	vor.u32 $0x80000000, v14;
	v8 =	vor.u32 $0x80000000, v9  }
0x3bf: {  	v9 =	vshra.s32 v17, $0x1F;
	v14 =	vshra.s32 v10, $0x1F;
	v20 =	vxor.u32 v7, v8  }
0x3c0: {  	v7 =	vshra.s32 v11, $0x1F;
	v21 =	vor.u32 $0x80000000, v9;
	v8 =	vld [tilespmem:s7+$0x18800];
	v19 =	vxor.u32 v15, v19  }
0x3c1: {  	s28 =	simm.s32 $0x10040;
	v16 =	vxor.u32 v12, v16;
	v15 =	vld [tilespmem:s30+$0x0];
	v9 =	vshrl.u32 v20, $0x15;
	v18 =	vor.u32 $0x80000000, v7  }
0x3c2: {  	s29 =	simm.s32 $0x0;
	s31 =	simm.s32 $0x10040;
	s30 =	simm.s32 $0xC0;
	v7 =	vld [tilespmem:s7+$0x18880];
	v12 =	vshrl.u32 v19, $0x15;
	[tilespmem:s28+$0xFFFFFFE0] =	vst v20;
	v20 =	vor.u32 $0x80000000, v22;
	v17 =	vxor.u32 v17, v21  }
.LBB2_42:
0x3c3: {  	v21 =	vld [tilespmem:s30+$0xFFFFFFE0];
	s29 =	sadd.s32 $0x80, s29;
	[tilespmem:s28+$0xFFFFFFC0] =	vst v19;
	v11 =	vxor.u32 v11, v18;
	v13 =	vxor.u32 v13, v20;
	v18 =	vshrl.u32 v17, $0x15;
	s31 =	sadd.s32 $0x80, s31  }
0x3c4: {  	v23 =	vshrl.u32 v16, $0x15;
	v19 =	vld [tilespmem:s30+$0xFFFFFFC0];
	p0 =	slt.u32 s29, $0x7F80;
	[tilespmem:s28+$0xFFFFFFF0] =	vst v11;
	v20 =	vshrl.u32 v11, $0x15;
	v22 =	vshrl.u32 v13, $0x15  }
0x3c5: {  	v14 =	vor.u32 $0x80000000, v14;
	v11 =	vld [tilespmem:s30+$0xFFFFFFF0];
	[tilespmem:s28+$0x20] =	vst v16  }
0x3c6: {  	v14 =	vxor.u32 v10, v14;
	v16 =	vld [tilespmem:s30+$0x20];
	[tilespmem:s28+$0x30] =	vst v17  }
0x3c7: {  	v17 =	vld [tilespmem:s30+$0x30];
	v10 =	vshra.s32 v15, $0x1F;
	[tilespmem:s28+$0x10] =	vst v13  }
0x3c8: {  	v24 =	vshrl.u32 v14, $0x15;
	v10 =	vor.u32 $0x80000000, v10;
	[tilespmem:v18+s22+$0x0] =	vst.idx.add.s32.msk $0xffff, v5  }
0x3c9: {  	v13 =	vxor.u32 v15, v10;
	[tilespmem:v22+s22+$0x0] =	vst.idx.add.s32.msk $0xffff, v5  }
0x3ca: {  	v10 =	vld [tilespmem:s30+$0xFFFFFFD0];
	[tilespmem:s28+$0x0] =	vst v13;
	v15 =	vshrl.u32 v13, $0x15  }
0x3cb: {  	[tilespmem:v23+s22+$0x0] =	vst.idx.add.s32.msk $0xffff, v5  }
0x3cc: {  	v18 =	vshra.s32 v21, $0x1F;
	v22 =	vshra.s32 v16, $0x1F;
	v13 =	vld [tilespmem:s30+$0x10];
	[tilespmem:s28+$0xFFFFFFD0] =	vst v14;
	s28 =	smov.u32 s31  }
0x3cd: {  	v14 =	vshra.s32 v19, $0x1F;
	v22 =	vor.u32 $0x80000000, v22;
	[tilespmem:v24+s22+$0x0] =	vst.idx.add.s32.msk $0xffff, v5  }
.Ltmp23:
0x3ce: {  	v23 =	vor.u32 $0x80000000, v14;
	v14 =	vor.u32 $0x80000000, v18;
	v18 =	vshra.s32 v17, $0x1F;
	[tilespmem:v12+s22+$0x0] =	vst.idx.add.s32.msk $0xffff, v5;
	(pc) =	sbr.rel @p0 .LBB2_42-.Ltmp23, $4  }
0x3cf: {  	v21 =	vxor.u32 v21, v14;
	v12 =	vshra.s32 v11, $0x1F;
	v24 =	vor.u32 $0x80000000, v18;
	[tilespmem:v20+s22+$0x0] =	vst.idx.add.s32.msk $0xffff, v5  }
0x3d0: {  	v14 =	vshra.s32 v10, $0x1F;
	v25 =	vshrl.u32 v21, $0x15;
	v18 =	vor.u32 $0x80000000, v12;
	[tilespmem:v15+s22+$0x0] =	vst.idx.add.s32.msk $0xffff, v5  }
0x3d1: {  	v16 =	vxor.u32 v16, v22;
	v19 =	vxor.u32 v19, v23;
	v20 =	vshra.s32 v13, $0x1F;
	[tilespmem:v9+s22+$0x0] =	vst.idx.add.s32.msk $0xffff, v5  }
0x3d2: {  	v12 =	vshrl.u32 v19, $0x15;
	v17 =	vxor.u32 v17, v24;
	v9 =	vmovc v25;
	[tilespmem:s31+$0xFFFFFFE0] =	vst v21;
	v15 =	vld [tilespmem:s30+$0x0];
	v20 =	vor.u32 $0x80000000, v20;
	s30 =	sadd.s32 $0x80, s30  }
0x3d3: {  	_ = 	snop  }
0x3d4: {  	[tilespmem:s28+$0xFFFFFFC0] =	vst v19  }
0x3d5: {  	[tilespmem:s28+$0x20] =	vst v16  }
0x3d6: {  	[tilespmem:s28+$0x30] =	vst v17  }
0x3d7: {  	v11 =	vxor.u32 v11, v18;
	v18 =	vshrl.u32 v17, $0x15;
	[tilespmem:v9+s22+$0x0] =	vst.idx.add.s32.msk $0xffff, v5  }
0x3d8: {  	v13 =	vxor.u32 v13, v20;
	[tilespmem:s28+$0xFFFFFFF0] =	vst v11  }
0x3d9: {  	v16 =	vshrl.u32 v16, $0x15;
	v14 =	vor.u32 $0x80000000, v14;
	[tilespmem:s28+$0x10] =	vst v13  }
0x3da: {  	v19 =	vshrl.u32 v13, $0x15;
	v10 =	vxor.u32 v10, v14;
	[tilespmem:v12+s22+$0x0] =	vst.idx.add.s32.msk $0xffff, v5;
	v14 =	vshra.s32 v15, $0x1F  }
0x3db: {  	v11 =	vshrl.u32 v11, $0x15;
	[tilespmem:s28+$0xFFFFFFD0] =	vst v10;
	v14 =	vor.u32 $0x80000000, v14  }
0x3dc: {  	v13 =	vshrl.u32 v10, $0x15;
	[tilespmem:v18+s22+$0x0] =	vst.idx.add.s32.msk $0xffff, v5;
	v14 =	vxor.u32 v15, v14  }
0x3dd: {  	[tilespmem:s28+$0x0] =	vst v14;
	v14 =	vshrl.u32 v14, $0x15  }
0x3de: {  	[tilespmem:v16+s22+$0x0] =	vst.idx.add.s32.msk $0xffff, v5  }
0x3df: {  	[tilespmem:v19+s22+$0x0] =	vst.idx.add.s32.msk $0xffff, v5  }
0x3e0: {  	[tilespmem:v11+s22+$0x0] =	vst.idx.add.s32.msk $0xffff, v5  }
0x3e1: {  	[tilespmem:v13+s22+$0x0] =	vst.idx.add.s32.msk $0xffff, v5  }
0x3e2: {  	s28 =	simm.s32 $0x0;
	[tilespmem:v14+s22+$0x0] =	vst.idx.add.s32.msk $0xffff, v5  }
0x3e3: {  	v9 =	vld [tilespmem:s28+$0x18000];
	_ =	sdelay $0x1  }
0x3e4: {  	vm2 =	veq.s32 v2, v0  }
0x3e5: {  	v8 =	vnsel vm2, $0x0, v8  }
0x3e6: {  	(xrf0) =	vadd.scan.msk.s32 $0xffff, v8  }
0x3e7: {  	(xrf0) =	vadd.scan.msk.s32 $0xffff, v9  }
0x3e8: {  	[tilespmem:s28+$0x18000] =	vst v4;
	s28 =	simm.s32 $0x10  }
0x3e9: {  	v12 =	vld [tilespmem:s28+$0x18000];
	v10 =	vperm.xlane v9, v6;
	_ =	sdelay $0x2  }
0x3ea: {  	v8, _, _ =	vpop (xrf0);
	(xrf0) =	vadd.scan.msk.s32 $0xffff, v10  }
0x3eb: {  	v16 =	vimm.s32 $0x0;
	v8 =	vbroadcast v8, $0xF;
	v10, _, _ =	vpop (xrf0)  }
0x3ec: {  	v13 =	vperm.xlane v12, v6;
	v11 =	vadd.s32 v16, v10  }
0x3ed: {  	(xrf0) =	vadd.scan.msk.s32 $0xffff, v12;
	vm0 =	vlt.s32 v11, v8  }
0x3ee: {  	[tilespmem:s28+$0x18000] =	vst v4;
	s28 =	simm.s32 $0x20;
	v18 =	vnsel vm0, $0x0, v9  }
0x3ef: {  	v11 =	vld [tilespmem:s28+$0x18000];
	v14 =	vperm.xlane v18, v6;
	(xrf0) =	vadd.scan.msk.s32 $0xffff, v18  }
0x3f0: {  	(xrf0) =	vadd.scan.msk.s32 $0xffff, v13;
	v13, _, _ =	vpop (xrf0)  }
0x3f1: {  	v9 =	vsub.s32 v16, v9;
	v13 =	vperm.xlane v13, v6  }
0x3f2: {  	v9 =	vadd.s32 v10, v9;
	(xrf0) =	vadd.scan.msk.s32 $0xffff, v14  }
0x3f3: {  	v14, _, _ =	vpop (xrf0);
	v15 =	vadd.s32 v13, v9  }
0x3f4: {  	(xrf0) =	vadd.scan.msk.s32 $0xffff, v11;
	v10 =	vadd.s32 v15, v14  }
0x3f5: {  	[tilespmem:s28+$0x18000] =	vst v4;
	s28 =	simm.s32 $0x30;
	vm1 =	vlt.s32 v10, v8  }
0x3f6: {  	v17 =	vperm.xlane v11, v6;
	v13 =	vld [tilespmem:s28+$0x18000];
	v9, _, _ =	vpop (xrf0);
	v10 =	vnsel vm1, $0x0, v12  }
0x3f7: {  	v19, _, _ =	vpop (xrf0);
	v62 =	vperm.xlane v10, v6;
	(xrf0) =	vadd.scan.msk.s32 $0xffff, v10  }
0x3f8: {  	v12 =	vsub.s32 v15, v12;
	v19 =	vperm.xlane v19, v6;
	v15, _, _ =	vpop (xrf0);
	(xrf0) =	vadd.scan.msk.s32 $0xffff, v17  }
0x3f9: {  	vm0 =	vmmov vm0;
	v12 =	vadd.s32 v14, v12;
	v21 =	vperm.xlane v15, v6;
	(xrf0) =	vadd.scan.msk.s32 $0xffff, v62  }
0x3fa: {  	vm3 =	vmmov vm1;
	v14, _, _ =	vpop (xrf0);
	v15 =	vadd.s32 v19, v12;
	v12 =	vmpcnt.ones.xlane vm0  }
0x3fb: {  	v17 =	vperm.xlane v13, v6;
	v19 =	vadd.s32 v15, v14;
	v63 =	vadd.s32 v16, v21;
	(xrf0) =	vadd.scan.msk.s32 $0xffff, v13  }
0x3fc: {  	s29 =	simm.s32 $0x140;
	[tilespmem:s28+$0x18000] =	vst v4;
	s28 =	simm.s32 $0x40;
	vm4 =	vlt.s32 v19, v8;
	v12 =	vadd.s32 v16, v12;
	v16 =	vsub.s32 v63, v18  }
.LBB2_44:
0x3fd: {  	p0 =	sne.s32 s29, $0x1FC0;
	v18 =	vld [tilespmem:s28+$0x18000];
	v16 =	vadd.s32 v9, v16;
	v9, _, _ =	vpop (xrf0);
	v19 =	vmov v10;
	v10 =	vnsel vm4, $0x0, v11;
	s30 =	smov.u32 s29;
	s29 =	sadd.s32 $0x40, s29  }
0x3fe: {  	[tilespmem:s28+$0x18000] =	vst v4;
	v20 =	vperm.xlane v10, v6;
	(xrf0) =	vadd.scan.msk.s32 $0xffff, v10;
	v21, _, _ =	vpop (xrf0)  }
.Ltmp24:
0x3ff: {  	v15 =	vsub.s32 v15, v11;
	v11 =	vmov v13;
	(xrf0) =	vadd.scan.msk.s32 $0xffff, v17;
	v17 =	vperm.xlane v21, v6;
	v21, _, _ =	vpop (xrf0);
	(pc) =	sbr.rel @p0 .LBB2_44-.Ltmp24, $4  }
0x400: {  	v13 =	vadd.s32 v14, v15;
	(xrf0) =	vadd.scan.msk.s32 $0xffff, v20;
	v20 =	vperm.xlane v21, v6  }
0x401: {  	v22 =	vmpcnt.ones.xlane vm3;
	vm3 =	vmmov vm4;
	v14, _, _ =	vpop (xrf0);
	v15 =	vadd.s32 v17, v13  }
0x402: {  	v17 =	vperm.xlane v18, v6;
	(xrf0) =	vadd.scan.msk.s32 $0xffff, v18;
	v21 =	vadd.s32 v15, v14;
	v16 =	vadd.s32 v16, v20  }
0x403: {  	s28 =	sshra.s32 s30, $0x2;
	v12 =	vadd.s32 v12, v22;
	v13 =	vmovc v18;
	vm4 =	vlt.s32 v21, v8;
	v16 =	vsub.s32 v16, v19  }
0x404: {  	v18 =	vld [tilespmem:s28+$0x18000];
	v19 =	vnsel vm4, $0x0, v11  }
0x405: {  	(xrf0) =	vadd.scan.msk.s32 $0xffff, v19;
	v20 =	vperm.xlane v19, v6  }
0x406: {  	(xrf0) =	vadd.scan.msk.s32 $0xffff, v17  }
0x407: {  	v17, _, _ =	vpop (xrf0)  }
0x408: {  	v21, _, _ =	vpop (xrf0);
	(xrf0) =	vadd.scan.msk.s32 $0xffff, v20  }
0x409: {  	v20, _, _ =	vpop (xrf0);
	(xrf0) =	vadd.scan.msk.s32 $0xffff, v18  }
0x40a: {  	v11 =	vsub.s32 v15, v11;
	v21 =	vperm.xlane v21, v6;
	v15, _, _ =	vpop (xrf0)  }
0x40b: {  	v11 =	vadd.s32 v14, v11;
	v14, _, _ =	vpop (xrf0)  }
0x40c: {  	v11 =	vadd.s32 v21, v11;
	v58, _, _ =	vpop (xrf0)  }
0x40d: {  	v22 =	vadd.s32 v11, v15;
	v11 =	vsub.s32 v11, v13;
	v21 =	vperm.xlane v58, v6  }
0x40e: {  	v11 =	vadd.s32 v15, v11;
	v59, _, _ =	vpop (xrf0)  }
0x40f: {  	vm0 =	vlt.s32 v22, v8;
	v11 =	vadd.s32 v21, v11;
	v60, _, _ =	vpop (xrf0)  }
0x410: {  	v15 =	vperm.xlane v18, v6;
	v13 =	vnsel vm0, $0x0, v13;
	v11 =	vadd.s32 v11, v60  }
0x411: {  	v61 =	vperm.xlane v13, v6;
	(xrf0) =	vadd.scan.msk.s32 $0xffff, v13;
	vm1 =	vlt.s32 v11, v8;
	v11 =	vperm.xlane v20, v6  }
0x412: {  	v9 =	vadd.s32 v9, v16;
	(xrf0) =	vadd.scan.msk.s32 $0xffff, v15;
	v15 =	vnsel vm1, $0x0, v18  }
0x413: {  	(xrf0) =	vadd.scan.msk.s32 $0xffff, v61;
	v16 =	vperm.xlane v15, v6;
	v9 =	vadd.s32 v9, v11  }
0x414: {  	v9 =	vsub.s32 v9, v10;
	v10 =	vperm.xlane v59, v6;
	_ =	sdelay $0x1  }
0x415: {  	(xrf0) =	vadd.scan.msk.s32 $0xffff, v15  }
0x416: {  	v11 =	vmpcnt.ones.xlane vm3;
	(xrf0) =	vadd.scan.msk.s32 $0xffff, v16;
	v9 =	vadd.s32 v17, v9;
	v16, _, _ =	vpop (xrf0)  }
0x417: {  	v9 =	vadd.s32 v9, v10;
	v10, _, _ =	vpop (xrf0)  }
0x418: {  	v11 =	vadd.s32 v12, v11;
	v12, _, _ =	vpop (xrf0)  }
0x419: {  	vm3 =	vmmov vm4;
	v12 =	vperm.xlane v12, v6  }
0x41a: {  	[tilespmem:s28+$0x18000] =	vst v4;
	s28 =	simm.s32 $0x10040;
	vm0 =	vmmov vm0;
	v10 =	vmpcnt.ones.xlane vm3  }
0x41b: {  	v18 =	vmpcnt.ones.xlane vm0;
	v17 =	vld [tilespmem:s28+$0xFFFFFFC0];
	v9 =	vsub.s32 v9, v19  }
0x41c: {  	vm0 =	vmmov vm1;
	v9 =	vadd.s32 v14, v9;
	v14, _, _ =	vpop (xrf0);
	v10 =	vadd.s32 v11, v10  }
0x41d: {  	v11 =	vmpcnt.ones.xlane vm0;
	v9 =	vadd.s32 v9, v12;
	v10 =	vadd.s32 v10, v18;
	v18 =	vld [tilespmem:s28+$0xFFFFFFE0];
	v12, _, _ =	vpop (xrf0)  }
0x41e: {  	v13 =	vsub.s32 v9, v13;
	v12 =	vperm.xlane v12, v6  }
0x41f: {  	v9 =	vadd.s32 v10, v11;
	v10 =	vadd.s32 v16, v13  }
0x420: {  	v20 =	vld [tilespmem:s28+$0x20];
	v11 =	vand.u32 $0x7FF, v9;
	v13 =	vshrl.u32 v17, $0x15;
	v10 =	vadd.s32 v10, v12  }
0x421: {  	v19 =	vld [tilespmem:s28+$0xFFFFFFF0];
	vm0 =	veq.s32 v13, v11;
	v10 =	vsub.s32 v10, v15  }
0x422: {  	v12 =	vshrl.u32 v17, $0xA;
	v10 =	vadd.s32 v14, v10;
	v14 =	vshrl.u32 v18, $0x15  }
0x423: {  	v62 =	vld [tilespmem:s28+$0x30];
	v63 =	vand.u32 $0x7FF, v12;
	v15 =	vshrl.u32 v18, $0xA;
	vm5 =	veq.s32 v14, v11  }
0x424: {  	v12 =	vld [tilespmem:s28+$0xFFFFFFD0];
	v15 =	vand.u32 $0x7FF, v15;
	_ =	sdelay $0x1  }
0x425: {  	v16 =	vld [tilespmem:s28+$0x10];
	v13 =	vshrl.u32 v19, $0xA;
	v18 =	vshrl.u32 v20, $0x15;
	v14 =	vshrl.u32 v19, $0x15  }
0x426: {  	v17 =	vld [tilespmem:s28+$0x0];
	vm4 =	veq.s32 v18, v11;
	vm3 =	veq.s32 v14, v11;
	v14 =	vshrl.u32 v20, $0xA  }
0x427: {  	s29 =	simm.s32 $0x100C0;
	s28 =	simm.s32 $0x0;
	v19 =	vshrl.u32 v62, $0x15;
	v18 =	vshrl.u32 v62, $0xA;
	v14 =	vand.u32 $0x7FF, v14;
	[tilespmem:v63+s22+$0x0] =	vst.idx.add.s32.msk vm0, v5  }
.LBB2_46:
0x428: {  	s28 =	sadd.s32 $0x80, s28;
	v20 =	vshrl.u32 v12, $0x15;
	[tilespmem:v15+s22+$0x0] =	vst.idx.add.s32.msk vm5, v5;
	vm0 =	veq.s32 v19, v11  }
0x429: {  	v12 =	vshrl.u32 v12, $0xA;
	v15 =	vand.u32 $0x7FF, v13;
	v19 =	vld [tilespmem:s29+$0xFFFFFFF0];
	p0 =	slt.u32 s28, $0x7F80;
	vm1 =	veq.s32 v20, v11  }
0x42a: {  	v18 =	vand.u32 $0x7FF, v18;
	v21 =	vand.u32 $0x7FF, v12;
	v20 =	vld [tilespmem:s29+$0xFFFFFFE0];
	v12 =	vshrl.u32 v16, $0x15  }
0x42b: {  	v22 =	vld [tilespmem:s29+$0xFFFFFFC0];
	v13 =	vshrl.u32 v17, $0x15;
	vm6 =	veq.s32 v12, v11;
	v12 =	vshrl.u32 v16, $0xA  }
0x42c: {  	v23 =	vld [tilespmem:s29+$0x30];
	vm7 =	veq.s32 v13, v11;
	v13 =	vshrl.u32 v17, $0xA;
	v16 =	vand.u32 $0x7FF, v12  }
0x42d: {  	v24 =	vld [tilespmem:s29+$0x20];
	v17 =	vand.u32 $0x7FF, v13  }
0x42e: {  	v12 =	vld [tilespmem:s29+$0xFFFFFFD0];
	v13 =	vshrl.u32 v19, $0xA  }
0x42f: {  	[tilespmem:v15+s22+$0x0] =	vst.idx.add.s32.msk vm3, v5  }
0x430: {  	v25 =	vshrl.u32 v20, $0x15;
	v20 =	vshrl.u32 v20, $0xA;
	v15 =	vshrl.u32 v22, $0x15;
	[tilespmem:v14+s22+$0x0] =	vst.idx.add.s32.msk vm4, v5  }
0x431: {  	v14 =	vshrl.u32 v22, $0xA;
	vm5 =	veq.s32 v25, v11;
	vm8 =	veq.s32 v15, v11;
	[tilespmem:v16+s22+$0x0] =	vst.idx.add.s32.msk vm6, v5  }
0x432: {  	v14 =	vand.u32 $0x7FF, v14;
	v15 =	vand.u32 $0x7FF, v20;
	[tilespmem:v17+s22+$0x0] =	vst.idx.add.s32.msk vm7, v5  }
.Ltmp25:
0x433: {  	v16 =	vshrl.u32 v19, $0x15;
	[tilespmem:v18+s22+$0x0] =	vst.idx.add.s32.msk vm0, v5;
	(pc) =	sbr.rel @p0 .LBB2_46-.Ltmp25, $4  }
0x434: {  	vm3 =	veq.s32 v16, v11;
	[tilespmem:v21+s22+$0x0] =	vst.idx.add.s32.msk vm1, v5  }
0x435: {  	v18 =	vshrl.u32 v24, $0x15;
	v16 =	vld [tilespmem:s29+$0x10]  }
0x436: {  	vm4 =	veq.s32 v18, v11;
	v18 =	vshrl.u32 v24, $0xA;
	v17 =	vld [tilespmem:s29+$0x0]  }
0x437: {  	v19 =	vshrl.u32 v23, $0x15;
	s29 =	sadd.s32 $0x80, s29;
	[tilespmem:v14+s22+$0x0] =	vst.idx.add.s32.msk vm8, v5;
	v14 =	vand.u32 $0x7FF, v18;
	v18 =	vshrl.u32 v23, $0xA  }
0x438: {  	_ = 	snop  }
0x439: {  	v13 =	vand.u32 $0x7FF, v13  }
0x43a: {  	vm6 =	veq.s32 v19, v11;
	v20 =	vshrl.u32 v16, $0x15;
	v16 =	vshrl.u32 v16, $0xA  }
0x43b: {  	v21 =	vshrl.u32 v17, $0x15;
	vm0 =	veq.s32 v20, v11;
	v17 =	vshrl.u32 v17, $0xA  }
0x43c: {  	v16 =	vand.u32 $0x7FF, v16;
	v20 =	vshrl.u32 v12, $0x15;
	vm1 =	veq.s32 v21, v11  }
0x43d: {  	[tilespmem:v15+s22+$0x0] =	vst.idx.add.s32.msk vm5, v5;
	vm5 =	veq.s32 v20, v11;
	v11 =	vshrl.u32 v12, $0xA;
	v12 =	vand.u32 $0x7FF, v18  }
0x43e: {  	v17 =	vand.u32 $0x7FF, v17  }
0x43f: {  	[tilespmem:v14+s22+$0x0] =	vst.idx.add.s32.msk vm4, v5;
	v11 =	vand.u32 $0x7FF, v11  }
0x440: {  	[tilespmem:v13+s22+$0x0] =	vst.idx.add.s32.msk vm3, v5  }
0x441: {  	[tilespmem:v16+s22+$0x0] =	vst.idx.add.s32.msk vm0, v5  }
0x442: {  	[tilespmem:v12+s22+$0x0] =	vst.idx.add.s32.msk vm6, v5  }
0x443: {  	[tilespmem:v17+s22+$0x0] =	vst.idx.add.s32.msk vm1, v5  }
0x444: {  	s28 =	simm.s32 $0x0;
	[tilespmem:v11+s22+$0x0] =	vst.idx.add.s32.msk vm5, v5  }
0x445: {  	v11 =	vld [tilespmem:s28+$0x18000];
	_ =	sdelay $0x4  }
0x446: {  	(xrf0) =	vadd.scan.msk.s32 $0xffff, v11;
	_ =	sdelay $0x1  }
0x447: {  	[tilespmem:s28+$0x18000] =	vst v4;
	s28 =	simm.s32 $0x10  }
0x448: {  	v13 =	vld [tilespmem:s28+$0x18000]  }
0x449: {  	v12 =	vperm.xlane v11, v6;
	_ =	sdelay $0x1  }
0x44a: {  	v17 =	vimm.s32 $0x0;
	(xrf0) =	vadd.scan.msk.s32 $0xffff, v12;
	v14, _, _ =	vpop (xrf0)  }
0x44b: {  	v10 =	vsub.s32 v8, v10;
	v8 =	vadd.s32 v17, v14  }
0x44c: {  	vm0 =	vlt.s32 v8, v10;
	v8 =	vperm.xlane v13, v6  }
0x44d: {  	(xrf0) =	vadd.scan.msk.s32 $0xffff, v13  }
0x44e: {  	[tilespmem:s28+$0x18000] =	vst v4;
	s28 =	simm.s32 $0x20;
	v19 =	vnsel vm0, $0x0, v11  }
0x44f: {  	v12 =	vld [tilespmem:s28+$0x18000];
	v15 =	vperm.xlane v19, v6;
	(xrf0) =	vadd.scan.msk.s32 $0xffff, v19  }
0x450: {  	(xrf0) =	vadd.scan.msk.s32 $0xffff, v8;
	v8, _, _ =	vpop (xrf0)  }
0x451: {  	v11 =	vsub.s32 v17, v11;
	v8 =	vperm.xlane v8, v6  }
0x452: {  	v11 =	vadd.s32 v14, v11;
	(xrf0) =	vadd.scan.msk.s32 $0xffff, v15  }
0x453: {  	v15, _, _ =	vpop (xrf0);
	v16 =	vadd.s32 v8, v11  }
0x454: {  	(xrf0) =	vadd.scan.msk.s32 $0xffff, v12;
	v8 =	vadd.s32 v16, v15  }
0x455: {  	[tilespmem:s28+$0x18000] =	vst v4;
	s28 =	simm.s32 $0x30;
	vm1 =	vlt.s32 v8, v10  }
0x456: {  	v18 =	vperm.xlane v12, v6;
	v14 =	vld [tilespmem:s28+$0x18000];
	v11, _, _ =	vpop (xrf0);
	v8 =	vnsel vm1, $0x0, v13  }
0x457: {  	v20, _, _ =	vpop (xrf0);
	v62 =	vperm.xlane v8, v6;
	(xrf0) =	vadd.scan.msk.s32 $0xffff, v8  }
0x458: {  	v20 =	vperm.xlane v20, v6;
	v13 =	vsub.s32 v16, v13;
	v16, _, _ =	vpop (xrf0);
	(xrf0) =	vadd.scan.msk.s32 $0xffff, v18  }
0x459: {  	vm0 =	vmmov vm0;
	v13 =	vadd.s32 v15, v13;
	v22 =	vperm.xlane v16, v6;
	(xrf0) =	vadd.scan.msk.s32 $0xffff, v62  }
0x45a: {  	vm3 =	vmmov vm1;
	v15, _, _ =	vpop (xrf0);
	v16 =	vadd.s32 v20, v13;
	v13 =	vmpcnt.ones.xlane vm0  }
0x45b: {  	v18 =	vperm.xlane v14, v6;
	v20 =	vadd.s32 v16, v15;
	v63 =	vadd.s32 v17, v22;
	(xrf0) =	vadd.scan.msk.s32 $0xffff, v14  }
0x45c: {  	s29 =	simm.s32 $0x140;
	[tilespmem:s28+$0x18000] =	vst v4;
	s28 =	simm.s32 $0x40;
	vm4 =	vlt.s32 v20, v10;
	v13 =	vadd.s32 v17, v13;
	v17 =	vsub.s32 v63, v19  }
.LBB2_48:
0x45d: {  	p0 =	sne.s32 s29, $0x1FC0;
	v19 =	vld [tilespmem:s28+$0x18000];
	v17 =	vadd.s32 v11, v17;
	v11, _, _ =	vpop (xrf0);
	v20 =	vmov v8;
	v8 =	vnsel vm4, $0x0, v12;
	s30 =	smov.u32 s29;
	s29 =	sadd.s32 $0x40, s29  }
0x45e: {  	[tilespmem:s28+$0x18000] =	vst v4;
	v21 =	vperm.xlane v8, v6;
	(xrf0) =	vadd.scan.msk.s32 $0xffff, v8;
	v22, _, _ =	vpop (xrf0)  }
.Ltmp26:
0x45f: {  	v16 =	vsub.s32 v16, v12;
	v12 =	vmov v14;
	(xrf0) =	vadd.scan.msk.s32 $0xffff, v18;
	v18 =	vperm.xlane v22, v6;
	v22, _, _ =	vpop (xrf0);
	(pc) =	sbr.rel @p0 .LBB2_48-.Ltmp26, $4  }
0x460: {  	v14 =	vadd.s32 v15, v16;
	(xrf0) =	vadd.scan.msk.s32 $0xffff, v21;
	v21 =	vperm.xlane v22, v6  }
0x461: {  	v23 =	vmpcnt.ones.xlane vm3;
	vm3 =	vmmov vm4;
	v15, _, _ =	vpop (xrf0);
	v16 =	vadd.s32 v18, v14  }
0x462: {  	v18 =	vperm.xlane v19, v6;
	(xrf0) =	vadd.scan.msk.s32 $0xffff, v19;
	v22 =	vadd.s32 v16, v15;
	v17 =	vadd.s32 v17, v21  }
0x463: {  	s28 =	sshra.s32 s30, $0x2;
	v13 =	vadd.s32 v13, v23;
	v14 =	vmovc v19;
	vm4 =	vlt.s32 v22, v10;
	v17 =	vsub.s32 v17, v20  }
0x464: {  	v19 =	vld [tilespmem:s28+$0x18000];
	v20 =	vnsel vm4, $0x0, v12  }
0x465: {  	(xrf0) =	vadd.scan.msk.s32 $0xffff, v20  }
0x466: {  	v45, _, _ =	vpop (xrf0);
	v21 =	vperm.xlane v20, v6;
	(xrf0) =	vadd.scan.msk.s32 $0xffff, v18  }
0x467: {  	v22, _, _ =	vpop (xrf0)  }
0x468: {  	v12 =	vsub.s32 v16, v12;
	v46 =	vperm.xlane v22, v6;
	(xrf0) =	vadd.scan.msk.s32 $0xffff, v21  }
0x469: {  	v12 =	vadd.s32 v15, v12;
	v16, _, _ =	vpop (xrf0);
	(xrf0) =	vadd.scan.msk.s32 $0xffff, v19  }
0x46a: {  	v47, _, _ =	vpop (xrf0);
	v12 =	vadd.s32 v46, v12  }
0x46b: {  	v21 =	vadd.s32 v12, v47;
	v15, _, _ =	vpop (xrf0)  }
0x46c: {  	v12 =	vsub.s32 v12, v14;
	vm0 =	vlt.s32 v21, v10;
	v23, _, _ =	vpop (xrf0)  }
0x46d: {  	v49 =	vperm.xlane v19, v6;
	v14 =	vnsel vm0, $0x0, v14;
	v48 =	vperm.xlane v23, v6  }
0x46e: {  	v52 =	vmpcnt.ones.xlane vm3;
	v12 =	vadd.s32 v47, v12;
	v24, _, _ =	vpop (xrf0);
	(xrf0) =	vadd.scan.msk.s32 $0xffff, v14  }
0x46f: {  	v16 =	vperm.xlane v16, v6;
	v50 =	vperm.xlane v14, v6;
	(xrf0) =	vadd.scan.msk.s32 $0xffff, v49;
	v12 =	vadd.s32 v48, v12;
	v51, _, _ =	vpop (xrf0)  }
0x470: {  	v11 =	vadd.s32 v11, v17;
	vm3 =	vmmov vm4;
	v12 =	vadd.s32 v12, v51  }
0x471: {  	v13 =	vadd.s32 v13, v52;
	v11 =	vadd.s32 v11, v16;
	(xrf0) =	vadd.scan.msk.s32 $0xffff, v50;
	vm1 =	vlt.s32 v12, v10  }
0x472: {  	v8 =	vsub.s32 v11, v8;
	v11 =	vmpcnt.ones.xlane vm3;
	v12 =	vnsel vm1, $0x0, v19  }
0x473: {  	[tilespmem:s28+$0x18000] =	vst v4;
	v17 =	vperm.xlane v24, v6;
	v16 =	vperm.xlane v12, v6  }
0x474: {  	vm0 =	vmmov vm0;
	v8 =	vadd.s32 v45, v8;
	v11 =	vadd.s32 v13, v11;
	(xrf0) =	vadd.scan.msk.s32 $0xffff, v12;
	v53, _, _ =	vpop (xrf0)  }
0x475: {  	s28 =	simm.s32 $0x10040;
	v8 =	vadd.s32 v8, v17;
	v13, _, _ =	vpop (xrf0);
	(xrf0) =	vadd.scan.msk.s32 $0xffff, v16;
	v16 =	vmpcnt.ones.xlane vm0;
	vm0 =	vmmov vm1  }
0x476: {  	v54 =	vld [tilespmem:s28+$0x30];
	v8 =	vsub.s32 v8, v20;
	v13 =	vmpcnt.ones.xlane vm0  }
0x477: {  	v8 =	vadd.s32 v15, v8;
	v15 =	vld [tilespmem:s28+$0xFFFFFFF0];
	v17, _, _ =	vpop (xrf0);
	v11 =	vadd.s32 v11, v16  }
0x478: {  	v17 =	vperm.xlane v17, v6;
	v16 =	vld [tilespmem:s28+$0xFFFFFFD0];
	v11 =	vadd.s32 v11, v13  }
0x479: {  	v9 =	vshll.u32 v9, $0x15;
	v13 =	vld [tilespmem:s28+$0xFFFFFFE0];
	v11 =	vshll.u32 v11, $0xA  }
0x47a: {  	v17 =	vadd.s32 v8, v17;
	v8 =	vor.u32 v9, v11  }
0x47b: {  	v56 =	vld [tilespmem:s28+$0x0];
	v11 =	vsub.s32 v17, v14;
	v17 =	vshrl.u32 v54, $0xA;
	v9 =	vshrl.u32 v8, $0xA  }
0x47c: {  	v61 =	vld [tilespmem:s28+$0xFFFFFFC0];
	v18 =	vand.u32 $0x3FF, v54;
	v60 =	vshrl.u32 v15, $0xA;
	v55, _, _ =	vpop (xrf0);
	vm0 =	veq.s32 v17, v9  }
0x47d: {  	v59 =	vld [tilespmem:s28+$0x20];
	v63 =	vand.u32 $0x3FF, v15;
	v14, _, _ =	vpop (xrf0);
	v57 =	vshrl.u32 v16, $0xA;
	vm6 =	veq.s32 v60, v9  }
0x47e: {  	v14 =	vperm.xlane v14, v6;
	v17 =	vld [tilespmem:s28+$0x10];
	vm1 =	veq.s32 v57, v9;
	v58 =	vshrl.u32 v13, $0xA  }
0x47f: {  	v11 =	vadd.s32 v53, v11;
	v16 =	vand.u32 $0x3FF, v16;
	vm5 =	veq.s32 v58, v9  }
0x480: {  	v62 =	vand.u32 $0x3FF, v13;
	v11 =	vadd.s32 v11, v14  }
0x481: {  	v15 =	vand.u32 $0x3FF, v61;
	v11 =	vsub.s32 v11, v12  }
0x482: {  	v14 =	vshrl.u32 v59, $0xA;
	v12 =	vshrl.u32 v56, $0xA;
	v11 =	vadd.s32 v55, v11;
	[tilespmem:v18+s22+$0x0] =	vst.idx.add.s32.msk vm0, v5  }
0x483: {  	vm3 =	veq.s32 v12, v9;
	v12 =	vand.u32 $0x3FF, v56;
	v13 =	vshrl.u32 v17, $0xA;
	[tilespmem:v63+s22+$0x0] =	vst.idx.add.s32.msk vm6, v5  }
0x484: {  	vm4 =	veq.s32 v13, v9;
	v13 =	vand.u32 $0x3FF, v17;
	[tilespmem:v16+s22+$0x0] =	vst.idx.add.s32.msk vm1, v5;
	v16 =	vshrl.u32 v61, $0xA  }
0x485: {  	s29 =	simm.s32 $0x100C0;
	s28 =	simm.s32 $0x0;
	[tilespmem:v62+s22+$0x0] =	vst.idx.add.s32.msk vm5, v5;
	vm5 =	veq.s32 v14, v9;
	vm0 =	veq.s32 v16, v9;
	v14 =	vand.u32 $0x3FF, v59  }
.LBB2_50:
0x486: {  	v16 =	vld [tilespmem:s29+$0x30];
	s28 =	sadd.s32 $0x80, s28  }
0x487: {  	v17 =	vld [tilespmem:s29+$0xFFFFFFD0];
	p0 =	slt.u32 s28, $0x7F80  }
0x488: {  	v18 =	vld [tilespmem:s29+$0xFFFFFFE0]  }
0x489: {  	v19 =	vld [tilespmem:s29+$0xFFFFFFF0]  }
0x48a: {  	v20 =	vld [tilespmem:s29+$0x0]  }
0x48b: {  	v21 =	vld [tilespmem:s29+$0x10];
	v22 =	vshrl.u32 v16, $0xA  }
0x48c: {  	v23 =	vshrl.u32 v17, $0xA;
	v17 =	vand.u32 $0x3FF, v17;
	v24 =	vld [tilespmem:s29+$0x20];
	vm1 =	veq.s32 v22, v9  }
0x48d: {  	v16 =	vand.u32 $0x3FF, v16;
	v22 =	vld [tilespmem:s29+$0xFFFFFFC0];
	vm6 =	veq.s32 v23, v9;
	v23 =	vshrl.u32 v18, $0xA  }
0x48e: {  	v18 =	vand.u32 $0x3FF, v18;
	vm7 =	veq.s32 v23, v9;
	v23 =	vshrl.u32 v19, $0xA;
	[tilespmem:v15+s22+$0x0] =	vst.idx.add.s32.msk vm0, v5  }
0x48f: {  	v19 =	vand.u32 $0x3FF, v19;
	vm8 =	veq.s32 v23, v9;
	v15 =	vshrl.u32 v20, $0xA;
	[tilespmem:v12+s22+$0x0] =	vst.idx.add.s32.msk vm3, v5  }
0x490: {  	v12 =	vand.u32 $0x3FF, v20;
	vm3 =	veq.s32 v15, v9;
	v15 =	vshrl.u32 v21, $0xA;
	[tilespmem:v13+s22+$0x0] =	vst.idx.add.s32.msk vm4, v5  }
.Ltmp27:
0x491: {  	v13 =	vand.u32 $0x3FF, v21;
	vm4 =	veq.s32 v15, v9;
	v20 =	vshrl.u32 v24, $0xA;
	[tilespmem:v14+s22+$0x0] =	vst.idx.add.s32.msk vm5, v5;
	(pc) =	sbr.rel @p0 .LBB2_50-.Ltmp27, $4  }
0x492: {  	v14 =	vshrl.u32 v22, $0xA;
	v15 =	vand.u32 $0x3FF, v22;
	vm5 =	veq.s32 v20, v9;
	[tilespmem:v16+s22+$0x0] =	vst.idx.add.s32.msk vm1, v5  }
0x493: {  	vm0 =	veq.s32 v14, v9;
	[tilespmem:v17+s22+$0x0] =	vst.idx.add.s32.msk vm6, v5;
	v14 =	vand.u32 $0x3FF, v24  }
0x494: {  	[tilespmem:v18+s22+$0x0] =	vst.idx.add.s32.msk vm7, v5  }
0x495: {  	s29 =	sadd.s32 $0x80, s29;
	[tilespmem:v19+s22+$0x0] =	vst.idx.add.s32.msk vm8, v5  }
0x496: {  	_ =	sdelay $0x4  }
0x497: {  	[tilespmem:v15+s22+$0x0] =	vst.idx.add.s32.msk vm0, v5  }
0x498: {  	[tilespmem:v12+s22+$0x0] =	vst.idx.add.s32.msk vm3, v5  }
0x499: {  	[tilespmem:v13+s22+$0x0] =	vst.idx.add.s32.msk vm4, v5  }
0x49a: {  	[tilespmem:v14+s22+$0x0] =	vst.idx.add.s32.msk vm5, v5;
	s28 =	simm.s32 $0x0  }
0x49b: {  	v12 =	vld [tilespmem:s28+$0x18000];
	_ =	sdelay $0x4  }
0x49c: {  	(xrf0) =	vadd.scan.msk.s32 $0xffff, v12;
	_ =	sdelay $0x1  }
0x49d: {  	[tilespmem:s28+$0x18000] =	vst v4;
	s28 =	simm.s32 $0x10  }
0x49e: {  	v15 =	vld [tilespmem:s28+$0x18000];
	v9 =	vperm.xlane v12, v6;
	_ =	sdelay $0x1  }
0x49f: {  	(xrf0) =	vadd.scan.msk.s32 $0xffff, v9  }
0x4a0: {  	v16 =	vimm.s32 $0x0;
	v13, _, _ =	vpop (xrf0)  }
0x4a1: {  	v9 =	vsub.s32 v10, v11;
	v10 =	vadd.s32 v16, v13  }
0x4a2: {  	(xrf0) =	vadd.scan.msk.s32 $0xffff, v15;
	vm0 =	vlt.s32 v10, v9;
	v10 =	vsub.s32 v10, v12  }
0x4a3: {  	v11 =	vperm.xlane v15, v6;
	v17 =	vnsel vm0, $0x0, v12;
	vm1 =	vlt.s32 v10, v9  }
0x4a4: {  	v10 =	vperm.xlane v17, v6;
	v18 =	vnsel vm1, $0x0, v12  }
0x4a5: {  	(xrf0) =	vadd.scan.msk.s32 $0xffff, v11;
	v14, _, _ =	vpop (xrf0);
	v11 =	vperm.xlane v18, v6  }
0x4a6: {  	v12 =	vsub.s32 v16, v12;
	(xrf0) =	vadd.scan.msk.s32 $0xffff, v10;
	v10 =	vperm.xlane v14, v6  }
0x4a7: {  	[tilespmem:s28+$0x18000] =	vst v4;
	s28 =	simm.s32 $0x20;
	(xrf0) =	vadd.scan.msk.s32 $0xffff, v11;
	v11 =	vadd.s32 v13, v12  }
0x4a8: {  	v19, _, _ =	vpop (xrf0);
	v14 =	vld [tilespmem:s28+$0x18000];
	v12 =	vadd.s32 v10, v11  }
0x4a9: {  	v10 =	vadd.s32 v12, v19  }
0x4aa: {  	vm3 =	vlt.s32 v10, v9;
	v10 =	vsub.s32 v10, v15;
	_ =	sdelay $0x1  }
0x4ab: {  	v20 =	vmpcnt.ones.xlane vm0;
	v21, _, _ =	vpop (xrf0);
	(xrf0) =	vadd.scan.msk.s32 $0xffff, v17;
	vm0 =	vlt.s32 v10, v9  }
0x4ac: {  	(xrf0) =	vadd.scan.msk.s32 $0xffff, v18;
	v22 =	vperm.xlane v14, v6;
	v11 =	vnsel vm3, $0x0, v15;
	v13 =	vnsel vm0, $0x0, v15;
	v10, _, _ =	vpop (xrf0)  }
0x4ad: {  	(xrf0) =	vadd.scan.msk.s32 $0xffff, v14;
	v24 =	vperm.xlane v10, v6;
	v10 =	vadd.s32 v16, v20;
	v20 =	vperm.xlane v13, v6  }
0x4ae: {  	v23 =	vperm.xlane v11, v6;
	v25, _, _ =	vpop (xrf0)  }
0x4af: {  	v21 =	vperm.xlane v21, v6;
	(xrf0) =	vadd.scan.msk.s32 $0xffff, v22;
	v62 =	vperm.xlane v25, v6  }
0x4b0: {  	s29 =	simm.s32 $0x30;
	[tilespmem:s28+$0x18000] =	vst v4;
	v12 =	vsub.s32 v12, v15;
	(xrf0) =	vadd.scan.msk.s32 $0xffff, v23;
	v63 =	vadd.s32 v16, v24  }
0x4b1: {  	v12 =	vadd.s32 v19, v12;
	v15 =	vld [tilespmem:s29+$0x18000];
	(xrf0) =	vadd.scan.msk.s32 $0xffff, v20;
	v17 =	vsub.s32 v63, v17;
	v19 =	vadd.s32 v16, v62;
	v20, _, _ =	vpop (xrf0)  }
0x4b2: {  	s28 =	simm.s32 $0x100;
	[tilespmem:s29+$0x18000] =	vst v4;
	v16 =	vadd.s32 v21, v12;
	v12 =	vadd.s32 v20, v17;
	v17 =	vsub.s32 v19, v18;
	v18, _, _ =	vpop (xrf0)  }
.LBB2_52:
0x4b3: {  	p0 =	sne.s32 s28, $0xFC0;
	v19, _, _ =	vpop (xrf0);
	v24 =	vmpcnt.ones.xlane vm3;
	v17 =	vadd.s32 v18, v17;
	v18 =	vmov v11;
	s29 =	smov.u32 s28;
	s28 =	sadd.s32 $0x40, s28  }
0x4b4: {  	v21 =	vmovc v13;
	v22 =	vmov v14;
	v11 =	vadd.s32 v16, v19;
	(xrf0) =	vadd.scan.msk.s32 $0xffff, v18  }
0x4b5: {  	vm3 =	vlt.s32 v11, v9;
	v13 =	vsub.s32 v11, v22;
	v23, _, _ =	vpop (xrf0);
	v10 =	vadd.s32 v10, v24;
	(xrf0) =	vadd.scan.msk.s32 $0xffff, v21  }
0x4b6: {  	v27 =	vperm.xlane v15, v6;
	(xrf0) =	vadd.scan.msk.s32 $0xffff, v15;
	v11 =	vnsel vm3, $0x0, v22;
	vm0 =	vlt.s32 v13, v9;
	v20, _, _ =	vpop (xrf0)  }
.Ltmp28:
0x4b7: {  	v24 =	vperm.xlane v11, v6;
	v13 =	vnsel vm0, $0x0, v22;
	v20 =	vperm.xlane v20, v6;
	v25, _, _ =	vpop (xrf0);
	(pc) =	sbr.rel @p0 .LBB2_52-.Ltmp28, $4  }
0x4b8: {  	v14 =	vmovc v15;
	(xrf0) =	vadd.scan.msk.s32 $0xffff, v27;
	v26 =	vperm.xlane v13, v6;
	v25 =	vperm.xlane v25, v6  }
0x4b9: {  	s29 =	sshra.s32 s29, $0x2;
	v16 =	vsub.s32 v16, v22;
	v23 =	vperm.xlane v23, v6;
	(xrf0) =	vadd.scan.msk.s32 $0xffff, v24;
	v12 =	vadd.s32 v12, v20  }
0x4ba: {  	v16 =	vadd.s32 v19, v16;
	v15 =	vld [tilespmem:s29+$0x18000];
	(xrf0) =	vadd.scan.msk.s32 $0xffff, v26;
	v12 =	vsub.s32 v12, v18;
	v17 =	vadd.s32 v17, v25;
	v18, _, _ =	vpop (xrf0)  }
0x4bb: {  	v16 =	vadd.s32 v23, v16;
	[tilespmem:s29+$0x18000] =	vst v4;
	v12 =	vadd.s32 v18, v12;
	v17 =	vsub.s32 v17, v21;
	v18, _, _ =	vpop (xrf0)  }
0x4bc: {  	_ = 	snop  }
0x4bd: {  	(xrf0) =	vadd.scan.msk.s32 $0xffff, v11  }
0x4be: {  	(xrf0) =	vadd.scan.msk.s32 $0xffff, v13  }
0x4bf: {  	v19, _, _ =	vpop (xrf0);
	(xrf0) =	vadd.scan.msk.s32 $0xffff, v15  }
0x4c0: {  	v20, _, _ =	vpop (xrf0)  }
0x4c1: {  	v38 =	vsub.s32 v16, v14;
	v22, _, _ =	vpop (xrf0)  }
0x4c2: {  	v21 =	vadd.s32 v16, v19;
	v16 =	vadd.s32 v19, v38;
	v23, _, _ =	vpop (xrf0)  }
0x4c3: {  	vm4 =	vlt.s32 v21, v9;
	v21 =	vsub.s32 v21, v14;
	v20 =	vperm.xlane v20, v6;
	v25, _, _ =	vpop (xrf0)  }
0x4c4: {  	v24 =	vperm.xlane v15, v6;
	v26 =	vnsel vm4, $0x0, v14;
	vm0 =	vlt.s32 v21, v9;
	v39, _, _ =	vpop (xrf0)  }
0x4c5: {  	v40 =	vnsel vm0, $0x0, v14;
	v41 =	vperm.xlane v26, v6;
	v16 =	vadd.s32 v20, v16;
	v42, _, _ =	vpop (xrf0)  }
0x4c6: {  	v43 =	vperm.xlane v40, v6;
	(xrf0) =	vadd.scan.msk.s32 $0xffff, v24;
	v16 =	vadd.s32 v16, v42  }
0x4c7: {  	(xrf0) =	vadd.scan.msk.s32 $0xffff, v41;
	vm5 =	vlt.s32 v16, v9;
	v16 =	vsub.s32 v16, v15  }
0x4c8: {  	(xrf0) =	vadd.scan.msk.s32 $0xffff, v43;
	v44 =	vnsel vm5, $0x0, v15;
	vm15 =	vlt.s32 v16, v9  }
0x4c9: {  	(xrf0) =	vadd.scan.msk.s32 $0xffff, v26;
	v45 =	vnsel vm15, $0x0, v15;
	v46 =	vperm.xlane v44, v6  }
0x4ca: {  	(xrf0) =	vadd.scan.msk.s32 $0xffff, v40;
	v47 =	vperm.xlane v45, v6  }
0x4cb: {  	(xrf0) =	vadd.scan.msk.s32 $0xffff, v46  }
0x4cc: {  	v48, _, _ =	vpop (xrf0);
	(xrf0) =	vadd.scan.msk.s32 $0xffff, v47  }
0x4cd: {  	v16 =	vperm.xlane v23, v6;
	v49, _, _ =	vpop (xrf0)  }
0x4ce: {  	v17 =	vadd.s32 v18, v17;
	v50, _, _ =	vpop (xrf0)  }
0x4cf: {  	v16 =	vadd.s32 v17, v16;
	(xrf0) =	vadd.scan.msk.s32 $0xffff, v44;
	v51, _, _ =	vpop (xrf0)  }
0x4d0: {  	v52 =	vsub.s32 v16, v13;
	v53 =	vperm.xlane v50, v6;
	(xrf0) =	vadd.scan.msk.s32 $0xffff, v45;
	v54, _, _ =	vpop (xrf0)  }
0x4d1: {  	v13 =	vadd.s32 v39, v52;
	v55, _, _ =	vpop (xrf0)  }
0x4d2: {  	v13 =	vadd.s32 v13, v53;
	v56, _, _ =	vpop (xrf0)  }
0x4d3: {  	v13 =	vsub.s32 v13, v40;
	v57 =	vperm.xlane v56, v6  }
0x4d4: {  	v13 =	vadd.s32 v54, v13  }
0x4d5: {  	v58, _, _ =	vpop (xrf0);
	v13 =	vadd.s32 v13, v57  }
0x4d6: {  	v59, _, _ =	vpop (xrf0);
	v13 =	vsub.s32 v13, v45  }
0x4d7: {  	v13 =	vadd.s32 v59, v13  }
0x4d8: {  	v13 =	vsub.s32 v9, v13  }
0x4d9: {  	v13 =	vnsel vm9, $0x0, v13  }
0x4da: {  	(xrf0) =	vadd.scan.msk.s32 $0xffff, v13;
	_ =	sdelay $0x5  }
0x4db: {  	v13, _, _ =	vpop (xrf0)  }
0x4dc: {  	(v2sf) =	vpush v13, $0xF;
	_ =	sdelay $0x8  }
0x4dd: {  	v7 =	vnsel vm2, $0x0, v7  }
0x4de: {  	(xrf2) =	vadd.scan.msk.f32 $0xffff, v7  }
0x4df: {  	v7 =	vperm.xlane v22, v6;
	_ =	sdelay $0x1  }
0x4e0: {  	v7 =	vadd.s32 v12, v7  }
0x4e1: {  	v7 =	vsub.s32 v7, v11;
	v11 =	vperm.xlane v49, v6  }
0x4e2: {  	v7 =	vadd.s32 v25, v7;
	s28 =	spop (v2sf)  }
0x4e3: {  	v60 =	vmpcnt.ones.xlane vm3;
	v7 =	vadd.s32 v7, v11;
	p0 =	sne.s32 s28, $0x0  }
.Ltmp29:
0x4e4: {  	v11 =	vmpcnt.ones.xlane vm4;
	v7 =	vsub.s32 v7, v26;
	v61 =	vperm.xlane v55, v6;
	(pc) =	sbr.rel @!p0 .LBB2_57-.Ltmp29, $4  }
0x4e5: {  	v10 =	vadd.s32 v10, v60;
	v62 =	vmpcnt.ones.xlane vm5;
	v7 =	vadd.s32 v51, v7  }
0x4e6: {  	v10 =	vadd.s32 v10, v11;
	v7 =	vadd.s32 v7, v61  }
0x4e7: {  	v63, _, _ =	vpop (xrf2);
	v11 =	vadd.s32 v10, v62;
	v7 =	vsub.s32 v7, v44  }
0x4e8: {  	s29 =	simm.s32 $0x10040;
	v8 =	vor.u32 v8, v11;
	v10 =	vadd.s32 v58, v7;
	v7 =	vbroadcast v63, $0xF;
	s28 =	simm.s32 $0x40  }
0x4e9: {  	v16 =	vld [tilespmem:s29+$0xFFFFFFE0]  }
0x4ea: {  	v9 =	vsub.s32 v9, v10;
	v10 =	vld [tilespmem:s28+$0xFFFFFFE0]  }
0x4eb: {  	v18 =	vld [tilespmem:s28+$0xFFFFFFD0]  }
0x4ec: {  	v14 =	vld [tilespmem:s28+$0x0]  }
0x4ed: {  	v19 =	vld [tilespmem:s29+$0x0]  }
0x4ee: {  	v21 =	vld [tilespmem:s29+$0xFFFFFFC0]  }
0x4ef: {  	v22 =	vld [tilespmem:s29+$0x10]  }
0x4f0: {  	v13 =	vld [tilespmem:s29+$0x20]  }
0x4f1: {  	v23 =	vld [tilespmem:s29+$0xFFFFFFF0]  }
0x4f2: {  	v11 =	vimm.s32 $0x0;
	v26 =	vld [tilespmem:s29+$0xFFFFFFD0]  }
0x4f3: {  	vm13 =	veq.s32 v16, v8;
	v15 =	vmul.f32 v10, v7;
	v17 =	vmul.f32 v14, v7  }
0x4f4: {  	vm3 =	veq.s32 v21, v8;
	vm2 =	vlt.u32 v21, v8;
	v10 =	vmul.f32 v18, v7  }
0x4f5: {  	vm7 =	vlt.u32 v16, v8;
	vm9 =	vlt.u32 v22, v8;
	vm14 =	veq.s32 v13, v8;
	v18 =	vld [tilespmem:s29+$0x30]  }
0x4f6: {  	vm6 =	vlt.u32 v23, v8;
	vm12 =	vlt.u32 v19, v8;
	vm1 =	veq.s32 v19, v8  }
0x4f7: {  	v20 =	vld [tilespmem:s28+$0xFFFFFFF0];
	vm4 =	veq.s32 v26, v8;
	vm8 =	veq.s32 v23, v8;
	v24 =	vsel vm13, $0x1, v4  }
0x4f8: {  	vm0 =	veq.s32 v22, v8;
	v21 =	vmpcnt.ones.xlane vm3;
	v16 =	vsel vm1, $0x1, v4;
	(xrf0) =	vadd.scan.msk.s32 $0xffff, v24  }
0x4f9: {  	v25 =	vmpcnt.ones.xlane vm13;
	v23 =	vmpcnt.ones.xlane vm4;
	v19 =	vsel vm0, $0x1, v4;
	(xrf0) =	vadd.scan.msk.s32 $0xffff, v16  }
0x4fa: {  	v22 =	vsel vm14, $0x1, v4;
	v21 =	vadd.s32 v11, v21;
	(xrf0) =	vadd.scan.msk.s32 $0xffff, v19;
	vm11 =	veq.s32 v18, v8  }
0x4fb: {  	v23 =	vadd.s32 v21, v23;
	vm5 =	vlt.u32 v18, v8;
	(xrf0) =	vadd.scan.msk.s32 $0xffff, v22;
	v18 =	vsel vm11, $0x1, v4  }
0x4fc: {  	v14 =	vmul.f32 v20, v7;
	v20 =	vld [tilespmem:s28+$0xFFFFFFC0];
	(xrf0) =	vadd.scan.msk.s32 $0xffff, v18;
	v18 =	vadd.s32 v23, v25;
	v25 =	vsel vm8, $0x1, v4  }
0x4fd: {  	v27 =	vmpcnt.ones.xlane vm8;
	v22 =	vsel vm4, $0x1, v4  }
0x4fe: {  	v28, _, _ =	vpop (xrf0);
	(xrf0) =	vadd.scan.msk.s32 $0xffff, v22  }
0x4ff: {  	v22 =	vadd.s32 v23, v28;
	v23 =	vadd.s32 v18, v27;
	(xrf0) =	vadd.scan.msk.s32 $0xffff, v25;
	v25, _, _ =	vpop (xrf0)  }
0x500: {  	vm15 =	vle.s32 v22, v9;
	v22 =	vadd.s32 v23, v25  }
0x501: {  	v16 =	vmul.f32 v20, v7;
	v20 =	vmpcnt.ones.xlane vm1  }
0x502: {  	v24 =	vmpcnt.ones.xlane vm0  }
0x503: {  	v20 =	vadd.s32 v23, v20;
	vm13 =	vmand vm13, vm15;
	vm15 =	vle.s32 v22, v9;
	v22, _, _ =	vpop (xrf0)  }
0x504: {  	v22 =	vadd.s32 v20, v22;
	v20 =	vadd.s32 v20, v24  }
0x505: {  	v27 =	vmpcnt.ones.xlane vm14  }
0x506: {  	v29 =	vsel vm3, $0x1, v4;
	vm1 =	vmand vm1, vm15;
	v23, _, _ =	vpop (xrf0)  }
0x507: {  	v12 =	vld [tilespmem:s28+$0x20];
	vm15 =	vle.s32 v22, v9;
	v24 =	vadd.s32 v20, v23;
	v23 =	vadd.s32 v20, v27;
	v20, _, _ =	vpop (xrf0)  }
0x508: {  	vm15 =	vmand vm0, vm15;
	vm0 =	vle.s32 v24, v9;
	v24 =	vadd.s32 v23, v20;
	v20, _, _ =	vpop (xrf0);
	(xrf0) =	vadd.scan.msk.s32 $0xffff, v29;
	_ =	sdelay $0x3  }
0x509: {  	v12 =	vmul.f32 v12, v7;
	vm10 =	vlt.u32 v26, v8;
	v19 =	vmpcnt.ones.xlane vm11;
	v22 =	vld [tilespmem:s28+$0x10]  }
0x50a: {  	s30 =	simm.s32 $0x100C0;
	s31 =	simm.s32 $0xC0;
	s29 =	simm.s32 $0x0;
	vm14 =	vmand vm14, vm0;
	v20 =	vadd.s32 v21, v20;
	v21 =	vld [tilespmem:s28+$0x30];
	vm0 =	vle.s32 v24, v9;
	v24, _, _ =	vpop (xrf0)  }
.LBB2_55:
0x50b: {  	v25 =	vld [tilespmem:s30+$0xFFFFFFE0];
	s29 =	sadd.s32 $0x80, s29;
	vm12 =	vmor vm12, vm1;
	vm1 =	vmor vm9, vm15;
	v19 =	vadd.s32 v23, v19;
	v23, _, _ =	vpop (xrf0)  }
0x50c: {  	vm7 =	vmor vm7, vm13;
	v26 =	vld [tilespmem:s31+$0xFFFFFFE0];
	p0 =	slt.u32 s29, $0x7F80;
	v23 =	vadd.s32 v11, v23;
	v17 =	vnsel vm12, $0x0, v17;
	v11 =	vmovc v19  }
0x50d: {  	v18 =	vadd.s32 v18, v24;
	v15 =	vnsel vm7, $0x0, v15;
	v27 =	vld [tilespmem:s31+$0x20];
	vm9 =	vle.s32 v23, v9;
	[tilespmem:s28+$0x0] =	vst v17  }
0x50e: {  	vm0 =	vmand vm11, vm0;
	vm7 =	vle.s32 v18, v9;
	v23 =	vld [tilespmem:s31+$0xFFFFFFD0];
	[tilespmem:s28+$0xFFFFFFE0] =	vst v15;
	v15 =	vmul.f32 v22, v7  }
0x50f: {  	vm7 =	vmand vm8, vm7;
	vm8 =	vlt.u32 v13, v8;
	v17 =	vld [tilespmem:s31+$0x0];
	v18 =	vmul.f32 v21, v7  }
0x510: {  	vm6 =	vmor vm6, vm7;
	vm7 =	vmor vm8, vm14;
	vm13 =	veq.s32 v25, v8;
	v21 =	vld [tilespmem:s30+$0x0]  }
0x511: {  	v14 =	vnsel vm6, $0x0, v14;
	v24 =	vnsel vm1, $0x0, v15;
	v13 =	vsel vm13, $0x1, v4;
	v22 =	vld [tilespmem:s31+$0xFFFFFFF0]  }
0x512: {  	v12 =	vnsel vm7, $0x0, v12;
	vm1 =	vmand vm3, vm9;
	v28 =	vld [tilespmem:s30+$0xFFFFFFC0];
	(xrf0) =	vadd.scan.msk.s32 $0xffff, v13;
	[tilespmem:s28+$0xFFFFFFF0] =	vst v14  }
0x513: {  	v15 =	vmul.f32 v26, v7;
	v26 =	vmpcnt.ones.xlane vm13;
	vm1 =	vmor vm2, vm1;
	v29 =	vld [tilespmem:s30+$0x10];
	[tilespmem:s28+$0x20] =	vst v12  }
0x514: {  	vm0 =	vmor vm5, vm0;
	v14 =	vnsel vm1, $0x0, v16;
	vm1 =	vle.s32 v20, v9;
	v13 =	vld [tilespmem:s30+$0x20];
	[tilespmem:s28+$0x10] =	vst v24  }
0x515: {  	v12 =	vmul.f32 v27, v7;
	vm1 =	vmand vm4, vm1;
	v17 =	vmul.f32 v17, v7;
	v16 =	vld [tilespmem:s30+$0xFFFFFFF0];
	[tilespmem:s28+$0xFFFFFFC0] =	vst v14  }
0x516: {  	vm1 =	vmor vm10, vm1;
	v20 =	vld [tilespmem:s30+$0xFFFFFFD0];
	v14 =	vmul.f32 v22, v7  }
0x517: {  	v22 =	vnsel vm1, $0x0, v10;
	vm2 =	vlt.u32 v28, v8;
	vm3 =	veq.s32 v28, v8  }
0x518: {  	vm7 =	vlt.u32 v25, v8;
	v10 =	vmul.f32 v23, v7;
	v24 =	vld [tilespmem:s31+$0xFFFFFFC0];
	v27 =	vmpcnt.ones.xlane vm3;
	v23, _, _ =	vpop (xrf0);
	[tilespmem:s28+$0xFFFFFFD0] =	vst v22  }
0x519: {  	v18 =	vnsel vm0, $0x0, v18;
	vm9 =	vlt.u32 v29, v8;
	vm14 =	veq.s32 v13, v8;
	v22 =	vld [tilespmem:s30+$0x30]  }
0x51a: {  	vm12 =	vlt.u32 v21, v8;
	vm0 =	veq.s32 v21, v8;
	vm6 =	vlt.u32 v16, v8;
	[tilespmem:s28+$0x30] =	vst v18;
	s28 =	smov.u32 s31  }
0x51b: {  	vm8 =	veq.s32 v16, v8;
	v16 =	vsel vm0, $0x1, v4;
	vm4 =	veq.s32 v20, v8  }
0x51c: {  	vm15 =	veq.s32 v29, v8;
	v21 =	vadd.s32 v19, v27;
	v18 =	vmpcnt.ones.xlane vm4;
	(xrf0) =	vadd.scan.msk.s32 $0xffff, v16  }
0x51d: {  	v19 =	vsel vm15, $0x1, v4;
	v16 =	vmul.f32 v24, v7;
	v24 =	vmpcnt.ones.xlane vm0  }
0x51e: {  	v25 =	vsel vm14, $0x1, v4;
	vm5 =	vlt.u32 v22, v8;
	vm11 =	veq.s32 v22, v8;
	(xrf0) =	vadd.scan.msk.s32 $0xffff, v19  }
0x51f: {  	v22 =	vmpcnt.ones.xlane vm15;
	v27 =	vsel vm11, $0x1, v4;
	v19 =	vmpcnt.ones.xlane vm11;
	(xrf0) =	vadd.scan.msk.s32 $0xffff, v25  }
0x520: {  	v29 =	vmpcnt.ones.xlane vm8;
	v28 =	vadd.s32 v21, v18;
	v25 =	vsel vm4, $0x1, v4;
	(xrf0) =	vadd.scan.msk.s32 $0xffff, v27  }
0x521: {  	v30 =	vsel vm8, $0x1, v4;
	v18 =	vadd.s32 v28, v26;
	v27 =	vsel vm3, $0x1, v4;
	(xrf0) =	vadd.scan.msk.s32 $0xffff, v25  }
0x522: {  	v23 =	vadd.s32 v28, v23;
	v28 =	vmpcnt.ones.xlane vm14;
	v25 =	vadd.s32 v18, v29;
	(xrf0) =	vadd.scan.msk.s32 $0xffff, v30;
	v26, _, _ =	vpop (xrf0)  }
0x523: {  	vm1 =	vle.s32 v23, v9;
	v24 =	vadd.s32 v25, v24;
	v26 =	vadd.s32 v25, v26;
	(xrf0) =	vadd.scan.msk.s32 $0xffff, v27  }
.Ltmp30:
0x524: {  	vm10 =	vlt.u32 v20, v8;
	vm13 =	vmand vm13, vm1;
	vm1 =	vle.s32 v26, v9;
	v20, _, _ =	vpop (xrf0);
	(pc) =	sbr.rel @p0 .LBB2_55-.Ltmp30, $4  }
0x525: {  	v22 =	vadd.s32 v24, v22;
	vm1 =	vmand vm0, vm1;
	v26 =	vadd.s32 v24, v20;
	v23, _, _ =	vpop (xrf0)  }
0x526: {  	vm0 =	vle.s32 v26, v9;
	v25 =	vadd.s32 v22, v23;
	v23 =	vadd.s32 v22, v28;
	v24, _, _ =	vpop (xrf0)  }
0x527: {  	v22 =	vld [tilespmem:s31+$0x10];
	vm15 =	vmand vm15, vm0;
	vm0 =	vle.s32 v25, v9;
	v25 =	vadd.s32 v23, v24;
	v20, _, _ =	vpop (xrf0)  }
0x528: {  	s30 =	sadd.s32 $0x80, s30;
	s31 =	sadd.s32 $0x80, s31;
	v20 =	vadd.s32 v21, v20;
	vm14 =	vmand vm14, vm0;
	v21 =	vld [tilespmem:s28+$0x30];
	vm0 =	vle.s32 v25, v9;
	v24, _, _ =	vpop (xrf0)  }
0x529: {  	vm1 =	vmor vm12, vm1  }
0x52a: {  	vm9 =	vmor vm9, vm15;
	v18 =	vadd.s32 v18, v24;
	vm7 =	vmor vm7, vm13  }
0x52b: {  	v19, _, _ =	vpop (xrf0);
	vm13 =	vlt.u32 v13, v8;
	v17 =	vnsel vm1, $0x0, v17;
	vm1 =	vle.s32 v18, v9  }
0x52c: {  	vm0 =	vmand vm11, vm0;
	v11 =	vadd.s32 v11, v19;
	vm1 =	vmand vm8, vm1  }
0x52d: {  	v61 =	vnsel vm7, $0x0, v15;
	vm15 =	vmor vm13, vm14;
	[tilespmem:s28+$0x0] =	vst v17;
	vm1 =	vmor vm6, vm1  }
0x52e: {  	vm12 =	vle.s32 v11, v9;
	[tilespmem:s28+$0xFFFFFFE0] =	vst v61;
	v62 =	vmul.f32 v22, v7;
	v8 =	vnsel vm1, $0x0, v14  }
0x52f: {  	vm13 =	vle.s32 v20, v9;
	vm12 =	vmand vm3, vm12;
	[tilespmem:s28+$0xFFFFFFF0] =	vst v8;
	v8 =	vnsel vm15, $0x0, v12  }
0x530: {  	vm1 =	vmor vm2, vm12;
	v7 =	vmul.f32 v21, v7;
	v63 =	vnsel vm9, $0x0, v62;
	[tilespmem:s28+$0x20] =	vst v8  }
0x531: {  	vm0 =	vmor vm5, vm0;
	vm14 =	vmand vm4, vm13;
	v8 =	vnsel vm1, $0x0, v16;
	[tilespmem:s28+$0x10] =	vst v63  }
0x532: {  	vm15 =	vmor vm10, vm14;
	v7 =	vnsel vm0, $0x0, v7;
	[tilespmem:s28+$0xFFFFFFC0] =	vst v8  }
0x533: {  	v8 =	vnsel vm15, $0x0, v10;
	[tilespmem:s28+$0x30] =	vst v7  }
0x534: {  	[tilespmem:s28+$0xFFFFFFD0] =	vst v8  }
0x535: {  	v7 =	vld [tilespmem:$0x1FFE0]  }
.Ltmp31:
0x536: {  	_ = 	snop;
	(pc) =	sbr.rel .LBB2_60-.Ltmp31, $2  }
0x537: {  	_ =	sdelay $0x2  }
0x538: {  	vm9 =	vnez.u8 v7  }
.LBB2_57:
0x539: {  	v9 =	vld [tilespmem:s28+$0x30]  }
0x53a: {  	v10 =	vld [tilespmem:s29+$0x30]  }
0x53b: {  	v11 =	vld [tilespmem:s28+$0xFFFFFFC0]  }
0x53c: {  	v12 =	vld [tilespmem:s28+$0xFFFFFFD0]  }
0x53d: {  	v13 =	vld [tilespmem:s28+$0xFFFFFFE0]  }
0x53e: {  	v14 =	vld [tilespmem:s28+$0xFFFFFFF0]  }
0x53f: {  	v17 =	vld [tilespmem:s28+$0x0]  }
0x540: {  	v20 =	vld [tilespmem:s28+$0x10]  }
0x541: {  	v21 =	vld [tilespmem:s28+$0x20]  }
0x542: {  	v22 =	vld [tilespmem:s29+$0xFFFFFFD0]  }
0x543: {  	v23 =	vld [tilespmem:s29+$0xFFFFFFE0]  }
0x544: {  	v18 =	vld [tilespmem:s29+$0xFFFFFFF0];
	v15 =	vmul.f32 v9, v7;
	v9 =	vmul.f32 v11, v7  }
0x545: {  	v16 =	vld [tilespmem:s29+$0x0];
	v24 =	vmul.f32 v12, v7;
	v19 =	vmul.f32 v13, v7  }
0x546: {  	vm0 =	vgt.u32 v10, v8;
	v13 =	vld [tilespmem:s29+$0x10];
	v12 =	vmul.f32 v17, v7;
	v11 =	vmul.f32 v20, v7  }
0x547: {  	v10 =	vsel vm0, $0x0, v15;
	v15 =	vmul.f32 v14, v7;
	vm0 =	vgt.u32 v22, v8;
	v14 =	vld [tilespmem:s29+$0x20]  }
0x548: {  	s30 =	simm.s32 $0x0;
	s31 =	simm.s32 $0xC0;
	v17 =	vld [tilespmem:s29+$0xFFFFFFC0];
	[tilespmem:s28+$0x30] =	vst v10;
	v10 =	vmul.f32 v21, v7;
	v20 =	vsel vm0, $0x0, v24;
	vm0 =	vgt.u32 v23, v8  }
.LBB2_58:
0x549: {  	v21 =	vld [tilespmem:s31+$0x30];
	s30 =	sadd.s32 $0x80, s30;
	[tilespmem:s28+$0xFFFFFFD0] =	vst v20;
	v19 =	vsel vm0, $0x0, v19;
	vm0 =	vgt.u32 v18, v8;
	s29 =	sadd.s32 $0x80, s29  }
0x54a: {  	v18 =	vld [tilespmem:s29+$0x30];
	p0 =	slt.u32 s30, $0x7F80;
	[tilespmem:s28+$0xFFFFFFE0] =	vst v19;
	v15 =	vsel vm0, $0x0, v15;
	vm0 =	vgt.u32 v16, v8  }
0x54b: {  	v16 =	vld [tilespmem:s31+$0xFFFFFFC0];
	[tilespmem:s28+$0xFFFFFFF0] =	vst v15;
	v12 =	vsel vm0, $0x0, v12;
	vm0 =	vgt.u32 v13, v8  }
0x54c: {  	v13 =	vld [tilespmem:s31+$0xFFFFFFD0];
	[tilespmem:s28+$0x0] =	vst v12;
	v11 =	vsel vm0, $0x0, v11;
	vm0 =	vgt.u32 v14, v8  }
0x54d: {  	v12 =	vld [tilespmem:s31+$0xFFFFFFE0];
	vm1 =	vgt.u32 v17, v8;
	[tilespmem:s28+$0x10] =	vst v11;
	v10 =	vsel vm0, $0x0, v10  }
0x54e: {  	v11 =	vld [tilespmem:s31+$0xFFFFFFF0];
	v14 =	vmul.f32 v21, v7;
	v9 =	vsel vm1, $0x0, v9;
	[tilespmem:s28+$0x20] =	vst v10  }
0x54f: {  	v10 =	vld [tilespmem:s31+$0x0];
	vm0 =	vgt.u32 v18, v8;
	[tilespmem:s28+$0xFFFFFFC0] =	vst v9;
	s28 =	smov.u32 s31  }
0x550: {  	v9 =	vmul.f32 v16, v7;
	v17 =	vld [tilespmem:s31+$0x10];
	v14 =	vsel vm0, $0x0, v14  }
0x551: {  	v20 =	vmul.f32 v13, v7;
	v21 =	vld [tilespmem:s31+$0x20];
	[tilespmem:s31+$0x30] =	vst v14  }
0x552: {  	v14 =	vld [tilespmem:s29+$0xFFFFFFD0];
	v19 =	vmul.f32 v12, v7  }
0x553: {  	v22 =	vld [tilespmem:s29+$0xFFFFFFE0];
	v15 =	vmul.f32 v11, v7  }
.Ltmp32:
0x554: {  	v18 =	vld [tilespmem:s29+$0xFFFFFFF0];
	v12 =	vmul.f32 v10, v7;
	(pc) =	sbr.rel @p0 .LBB2_58-.Ltmp32, $4  }
0x555: {  	v16 =	vld [tilespmem:s29+$0x0];
	v11 =	vmul.f32 v17, v7  }
0x556: {  	v13 =	vld [tilespmem:s29+$0x10];
	v10 =	vmul.f32 v21, v7  }
0x557: {  	vm0 =	vgt.u32 v14, v8;
	v14 =	vld [tilespmem:s29+$0x20]  }
0x558: {  	s31 =	sadd.s32 $0x80, s31;
	v17 =	vld [tilespmem:s29+$0xFFFFFFC0];
	v20 =	vsel vm0, $0x0, v20;
	vm0 =	vgt.u32 v22, v8  }
0x559: {  	[tilespmem:s28+$0xFFFFFFD0] =	vst v20;
	v7 =	vsel vm0, $0x0, v19;
	vm12 =	vgt.u32 v18, v8  }
0x55a: {  	[tilespmem:s28+$0xFFFFFFE0] =	vst v7;
	v7 =	vsel vm12, $0x0, v15;
	vm13 =	vgt.u32 v16, v8  }
0x55b: {  	[tilespmem:s28+$0xFFFFFFF0] =	vst v7;
	v7 =	vsel vm13, $0x0, v12;
	vm14 =	vgt.u32 v13, v8  }
0x55c: {  	[tilespmem:s28+$0x0] =	vst v7;
	v7 =	vsel vm14, $0x0, v11;
	vm15 =	vgt.u32 v14, v8  }
0x55d: {  	vm1 =	vgt.u32 v17, v8;
	[tilespmem:s28+$0x10] =	vst v7;
	v7 =	vsel vm15, $0x0, v10  }
0x55e: {  	v8 =	vsel vm1, $0x0, v9;
	[tilespmem:s28+$0x20] =	vst v7  }
0x55f: {  	[tilespmem:s28+$0xFFFFFFC0] =	vst v8  }
.LBB2_60:
0x560: {  	[hbm4b:s12+s18] =	stream.strided.scatter [tilespmem:s2], [sflag:$0x3], $0x8000, s19, s18, $0x38;
	[tilespmem:$0x18900] =	vst v63  }
0x561: {  	_ =	swait.ge [sflag:s24], $0x8000  }
0x562: {  	[sflag:s24] =	ssyncset.done $0x0  }
0x563: {  	s30 =	simm.s32 $0x8040;
	[sflag:s24] =	ssyncadd.s32 $0xFFFF8000  }
0x564: {  	v7 =	vld [tilespmem:s30+$0xFFFFFFE0]  }
0x565: {  	v12 =	vld [tilespmem:s30+$0x20]  }
0x566: {  	v15 =	vld [tilespmem:s30+$0xFFFFFFC0]  }
0x567: {  	v13 =	vld [tilespmem:s30+$0x10]  }
0x568: {  	v17 =	vld [tilespmem:s30+$0x30]  }
0x569: {  	v10 =	vld [tilespmem:s30+$0xFFFFFFD0]  }
0x56a: {  	v11 =	vld [tilespmem:s30+$0xFFFFFFF0]  }
0x56b: {  	v8 =	vshra.s32 v12, $0x1F  }
0x56c: {  	v9 =	vshra.s32 v7, $0x1F;
	v14 =	vshra.s32 v15, $0x1F;
	v22 =	vshra.s32 v13, $0x1F  }
0x56d: {  	v16 =	vor.u32 $0x80000000, v8;
	v19 =	vor.u32 $0x80000000, v14;
	v8 =	vor.u32 $0x80000000, v9  }
0x56e: {  	v9 =	vshra.s32 v17, $0x1F;
	v14 =	vshra.s32 v10, $0x1F;
	v20 =	vxor.u32 v7, v8  }
0x56f: {  	v7 =	vshra.s32 v11, $0x1F;
	v21 =	vor.u32 $0x80000000, v9;
	v8 =	vld [tilespmem:s7+$0x18800];
	v19 =	vxor.u32 v15, v19  }
0x570: {  	s28 =	simm.s32 $0x10040;
	v16 =	vxor.u32 v12, v16;
	v15 =	vld [tilespmem:s30+$0x0];
	v9 =	vshrl.u32 v20, $0x15;
	v18 =	vor.u32 $0x80000000, v7  }
0x571: {  	s29 =	simm.s32 $0x0;
	s31 =	simm.s32 $0x10040;
	s30 =	simm.s32 $0x80C0;
	v7 =	vld [tilespmem:s7+$0x18880];
	v12 =	vshrl.u32 v19, $0x15;
	[tilespmem:s28+$0xFFFFFFE0] =	vst v20;
	v20 =	vor.u32 $0x80000000, v22;
	v17 =	vxor.u32 v17, v21  }
.LBB2_61:
0x572: {  	v21 =	vld [tilespmem:s30+$0xFFFFFFE0];
	s29 =	sadd.s32 $0x80, s29;
	[tilespmem:s28+$0xFFFFFFC0] =	vst v19;
	v11 =	vxor.u32 v11, v18;
	v13 =	vxor.u32 v13, v20;
	v18 =	vshrl.u32 v17, $0x15;
	s31 =	sadd.s32 $0x80, s31  }
0x573: {  	v23 =	vshrl.u32 v16, $0x15;
	v19 =	vld [tilespmem:s30+$0xFFFFFFC0];
	p0 =	slt.u32 s29, $0x7F80;
	[tilespmem:s28+$0xFFFFFFF0] =	vst v11;
	v20 =	vshrl.u32 v11, $0x15;
	v22 =	vshrl.u32 v13, $0x15  }
0x574: {  	v14 =	vor.u32 $0x80000000, v14;
	v11 =	vld [tilespmem:s30+$0xFFFFFFF0];
	[tilespmem:s28+$0x20] =	vst v16  }
0x575: {  	v14 =	vxor.u32 v10, v14;
	v16 =	vld [tilespmem:s30+$0x20];
	[tilespmem:s28+$0x30] =	vst v17  }
0x576: {  	v17 =	vld [tilespmem:s30+$0x30];
	v10 =	vshra.s32 v15, $0x1F;
	[tilespmem:s28+$0x10] =	vst v13  }
0x577: {  	v24 =	vshrl.u32 v14, $0x15;
	v10 =	vor.u32 $0x80000000, v10;
	[tilespmem:v18+s22+$0x0] =	vst.idx.add.s32.msk $0xffff, v5  }
0x578: {  	v13 =	vxor.u32 v15, v10;
	[tilespmem:v22+s22+$0x0] =	vst.idx.add.s32.msk $0xffff, v5  }
0x579: {  	v10 =	vld [tilespmem:s30+$0xFFFFFFD0];
	[tilespmem:s28+$0x0] =	vst v13;
	v15 =	vshrl.u32 v13, $0x15  }
0x57a: {  	[tilespmem:v23+s22+$0x0] =	vst.idx.add.s32.msk $0xffff, v5  }
0x57b: {  	v18 =	vshra.s32 v21, $0x1F;
	v22 =	vshra.s32 v16, $0x1F;
	v13 =	vld [tilespmem:s30+$0x10];
	[tilespmem:s28+$0xFFFFFFD0] =	vst v14;
	s28 =	smov.u32 s31  }
0x57c: {  	v14 =	vshra.s32 v19, $0x1F;
	v22 =	vor.u32 $0x80000000, v22;
	[tilespmem:v24+s22+$0x0] =	vst.idx.add.s32.msk $0xffff, v5  }
.Ltmp33:
0x57d: {  	v23 =	vor.u32 $0x80000000, v14;
	v14 =	vor.u32 $0x80000000, v18;
	v18 =	vshra.s32 v17, $0x1F;
	[tilespmem:v12+s22+$0x0] =	vst.idx.add.s32.msk $0xffff, v5;
	(pc) =	sbr.rel @p0 .LBB2_61-.Ltmp33, $4  }
0x57e: {  	v21 =	vxor.u32 v21, v14;
	v12 =	vshra.s32 v11, $0x1F;
	v24 =	vor.u32 $0x80000000, v18;
	[tilespmem:v20+s22+$0x0] =	vst.idx.add.s32.msk $0xffff, v5  }
0x57f: {  	v14 =	vshra.s32 v10, $0x1F;
	v25 =	vshrl.u32 v21, $0x15;
	v18 =	vor.u32 $0x80000000, v12;
	[tilespmem:v15+s22+$0x0] =	vst.idx.add.s32.msk $0xffff, v5  }
0x580: {  	v16 =	vxor.u32 v16, v22;
	v19 =	vxor.u32 v19, v23;
	v20 =	vshra.s32 v13, $0x1F;
	[tilespmem:v9+s22+$0x0] =	vst.idx.add.s32.msk $0xffff, v5  }
0x581: {  	v12 =	vshrl.u32 v19, $0x15;
	v17 =	vxor.u32 v17, v24;
	v9 =	vmovc v25;
	[tilespmem:s31+$0xFFFFFFE0] =	vst v21;
	v15 =	vld [tilespmem:s30+$0x0];
	v20 =	vor.u32 $0x80000000, v20;
	s30 =	sadd.s32 $0x80, s30  }
0x582: {  	_ = 	snop  }
0x583: {  	[tilespmem:s28+$0xFFFFFFC0] =	vst v19  }
0x584: {  	[tilespmem:s28+$0x20] =	vst v16  }
0x585: {  	[tilespmem:s28+$0x30] =	vst v17  }
0x586: {  	v11 =	vxor.u32 v11, v18;
	v18 =	vshrl.u32 v17, $0x15;
	[tilespmem:v9+s22+$0x0] =	vst.idx.add.s32.msk $0xffff, v5  }
0x587: {  	v13 =	vxor.u32 v13, v20;
	[tilespmem:s28+$0xFFFFFFF0] =	vst v11  }
0x588: {  	v16 =	vshrl.u32 v16, $0x15;
	v14 =	vor.u32 $0x80000000, v14;
	[tilespmem:s28+$0x10] =	vst v13  }
0x589: {  	v19 =	vshrl.u32 v13, $0x15;
	v10 =	vxor.u32 v10, v14;
	[tilespmem:v12+s22+$0x0] =	vst.idx.add.s32.msk $0xffff, v5;
	v14 =	vshra.s32 v15, $0x1F  }
0x58a: {  	v11 =	vshrl.u32 v11, $0x15;
	[tilespmem:s28+$0xFFFFFFD0] =	vst v10;
	v14 =	vor.u32 $0x80000000, v14  }
0x58b: {  	v13 =	vshrl.u32 v10, $0x15;
	[tilespmem:v18+s22+$0x0] =	vst.idx.add.s32.msk $0xffff, v5;
	v14 =	vxor.u32 v15, v14  }
0x58c: {  	[tilespmem:s28+$0x0] =	vst v14;
	v14 =	vshrl.u32 v14, $0x15  }
0x58d: {  	[tilespmem:v16+s22+$0x0] =	vst.idx.add.s32.msk $0xffff, v5  }
0x58e: {  	[tilespmem:v19+s22+$0x0] =	vst.idx.add.s32.msk $0xffff, v5  }
0x58f: {  	[tilespmem:v11+s22+$0x0] =	vst.idx.add.s32.msk $0xffff, v5  }
0x590: {  	[tilespmem:v13+s22+$0x0] =	vst.idx.add.s32.msk $0xffff, v5  }
0x591: {  	s28 =	simm.s32 $0x0;
	[tilespmem:v14+s22+$0x0] =	vst.idx.add.s32.msk $0xffff, v5  }
0x592: {  	v9 =	vld [tilespmem:s28+$0x18000];
	_ =	sdelay $0x1  }
0x593: {  	vm2 =	veq.s32 v3, v0  }
0x594: {  	v8 =	vnsel vm2, $0x0, v8  }
0x595: {  	(xrf0) =	vadd.scan.msk.s32 $0xffff, v8  }
0x596: {  	(xrf0) =	vadd.scan.msk.s32 $0xffff, v9  }
0x597: {  	[tilespmem:s28+$0x18000] =	vst v4;
	s28 =	simm.s32 $0x10  }
0x598: {  	v12 =	vld [tilespmem:s28+$0x18000];
	v10 =	vperm.xlane v9, v6;
	_ =	sdelay $0x2  }
0x599: {  	v8, _, _ =	vpop (xrf0);
	(xrf0) =	vadd.scan.msk.s32 $0xffff, v10  }
0x59a: {  	v16 =	vimm.s32 $0x0;
	v8 =	vbroadcast v8, $0xF;
	v10, _, _ =	vpop (xrf0)  }
0x59b: {  	v13 =	vperm.xlane v12, v6;
	v11 =	vadd.s32 v16, v10  }
0x59c: {  	(xrf0) =	vadd.scan.msk.s32 $0xffff, v12;
	vm0 =	vlt.s32 v11, v8  }
0x59d: {  	[tilespmem:s28+$0x18000] =	vst v4;
	s28 =	simm.s32 $0x20;
	v18 =	vnsel vm0, $0x0, v9  }
0x59e: {  	v11 =	vld [tilespmem:s28+$0x18000];
	v14 =	vperm.xlane v18, v6;
	(xrf0) =	vadd.scan.msk.s32 $0xffff, v18  }
0x59f: {  	(xrf0) =	vadd.scan.msk.s32 $0xffff, v13;
	v13, _, _ =	vpop (xrf0)  }
0x5a0: {  	v9 =	vsub.s32 v16, v9;
	v13 =	vperm.xlane v13, v6  }
0x5a1: {  	v9 =	vadd.s32 v10, v9;
	(xrf0) =	vadd.scan.msk.s32 $0xffff, v14  }
0x5a2: {  	v14, _, _ =	vpop (xrf0);
	v15 =	vadd.s32 v13, v9  }
0x5a3: {  	(xrf0) =	vadd.scan.msk.s32 $0xffff, v11;
	v10 =	vadd.s32 v15, v14  }
0x5a4: {  	[tilespmem:s28+$0x18000] =	vst v4;
	s28 =	simm.s32 $0x30;
	vm1 =	vlt.s32 v10, v8  }
0x5a5: {  	v17 =	vperm.xlane v11, v6;
	v13 =	vld [tilespmem:s28+$0x18000];
	v9, _, _ =	vpop (xrf0);
	v10 =	vnsel vm1, $0x0, v12  }
0x5a6: {  	v19, _, _ =	vpop (xrf0);
	v62 =	vperm.xlane v10, v6;
	(xrf0) =	vadd.scan.msk.s32 $0xffff, v10  }
0x5a7: {  	v12 =	vsub.s32 v15, v12;
	v19 =	vperm.xlane v19, v6;
	v15, _, _ =	vpop (xrf0);
	(xrf0) =	vadd.scan.msk.s32 $0xffff, v17  }
0x5a8: {  	vm0 =	vmmov vm0;
	v12 =	vadd.s32 v14, v12;
	v21 =	vperm.xlane v15, v6;
	(xrf0) =	vadd.scan.msk.s32 $0xffff, v62  }
0x5a9: {  	vm3 =	vmmov vm1;
	v14, _, _ =	vpop (xrf0);
	v15 =	vadd.s32 v19, v12;
	v12 =	vmpcnt.ones.xlane vm0  }
0x5aa: {  	v17 =	vperm.xlane v13, v6;
	v19 =	vadd.s32 v15, v14;
	v63 =	vadd.s32 v16, v21;
	(xrf0) =	vadd.scan.msk.s32 $0xffff, v13  }
0x5ab: {  	s29 =	simm.s32 $0x140;
	[tilespmem:s28+$0x18000] =	vst v4;
	s28 =	simm.s32 $0x40;
	vm4 =	vlt.s32 v19, v8;
	v12 =	vadd.s32 v16, v12;
	v16 =	vsub.s32 v63, v18  }
.LBB2_63:
0x5ac: {  	p0 =	sne.s32 s29, $0x1FC0;
	v18 =	vld [tilespmem:s28+$0x18000];
	v16 =	vadd.s32 v9, v16;
	v9, _, _ =	vpop (xrf0);
	v19 =	vmov v10;
	v10 =	vnsel vm4, $0x0, v11;
	s30 =	smov.u32 s29;
	s29 =	sadd.s32 $0x40, s29  }
0x5ad: {  	[tilespmem:s28+$0x18000] =	vst v4;
	v20 =	vperm.xlane v10, v6;
	(xrf0) =	vadd.scan.msk.s32 $0xffff, v10;
	v21, _, _ =	vpop (xrf0)  }
.Ltmp34:
0x5ae: {  	v15 =	vsub.s32 v15, v11;
	v11 =	vmov v13;
	(xrf0) =	vadd.scan.msk.s32 $0xffff, v17;
	v17 =	vperm.xlane v21, v6;
	v21, _, _ =	vpop (xrf0);
	(pc) =	sbr.rel @p0 .LBB2_63-.Ltmp34, $4  }
0x5af: {  	v13 =	vadd.s32 v14, v15;
	(xrf0) =	vadd.scan.msk.s32 $0xffff, v20;
	v20 =	vperm.xlane v21, v6  }
0x5b0: {  	v22 =	vmpcnt.ones.xlane vm3;
	vm3 =	vmmov vm4;
	v14, _, _ =	vpop (xrf0);
	v15 =	vadd.s32 v17, v13  }
0x5b1: {  	v17 =	vperm.xlane v18, v6;
	(xrf0) =	vadd.scan.msk.s32 $0xffff, v18;
	v21 =	vadd.s32 v15, v14;
	v16 =	vadd.s32 v16, v20  }
0x5b2: {  	s28 =	sshra.s32 s30, $0x2;
	v12 =	vadd.s32 v12, v22;
	v13 =	vmovc v18;
	vm4 =	vlt.s32 v21, v8;
	v16 =	vsub.s32 v16, v19  }
0x5b3: {  	v18 =	vld [tilespmem:s28+$0x18000];
	v19 =	vnsel vm4, $0x0, v11  }
0x5b4: {  	(xrf0) =	vadd.scan.msk.s32 $0xffff, v19;
	v20 =	vperm.xlane v19, v6  }
0x5b5: {  	(xrf0) =	vadd.scan.msk.s32 $0xffff, v17  }
0x5b6: {  	v17, _, _ =	vpop (xrf0)  }
0x5b7: {  	v21, _, _ =	vpop (xrf0);
	(xrf0) =	vadd.scan.msk.s32 $0xffff, v20  }
0x5b8: {  	v20, _, _ =	vpop (xrf0);
	(xrf0) =	vadd.scan.msk.s32 $0xffff, v18  }
0x5b9: {  	v11 =	vsub.s32 v15, v11;
	v21 =	vperm.xlane v21, v6;
	v15, _, _ =	vpop (xrf0)  }
0x5ba: {  	v11 =	vadd.s32 v14, v11;
	v14, _, _ =	vpop (xrf0)  }
0x5bb: {  	v11 =	vadd.s32 v21, v11;
	v58, _, _ =	vpop (xrf0)  }
0x5bc: {  	v22 =	vadd.s32 v11, v15;
	v11 =	vsub.s32 v11, v13;
	v21 =	vperm.xlane v58, v6  }
0x5bd: {  	v11 =	vadd.s32 v15, v11;
	v59, _, _ =	vpop (xrf0)  }
0x5be: {  	vm0 =	vlt.s32 v22, v8;
	v11 =	vadd.s32 v21, v11;
	v60, _, _ =	vpop (xrf0)  }
0x5bf: {  	v15 =	vperm.xlane v18, v6;
	v13 =	vnsel vm0, $0x0, v13;
	v11 =	vadd.s32 v11, v60  }
0x5c0: {  	v61 =	vperm.xlane v13, v6;
	(xrf0) =	vadd.scan.msk.s32 $0xffff, v13;
	vm1 =	vlt.s32 v11, v8;
	v11 =	vperm.xlane v20, v6  }
0x5c1: {  	v9 =	vadd.s32 v9, v16;
	(xrf0) =	vadd.scan.msk.s32 $0xffff, v15;
	v15 =	vnsel vm1, $0x0, v18  }
0x5c2: {  	(xrf0) =	vadd.scan.msk.s32 $0xffff, v61;
	v16 =	vperm.xlane v15, v6;
	v9 =	vadd.s32 v9, v11  }
0x5c3: {  	v9 =	vsub.s32 v9, v10;
	v10 =	vperm.xlane v59, v6;
	_ =	sdelay $0x1  }
0x5c4: {  	(xrf0) =	vadd.scan.msk.s32 $0xffff, v15  }
0x5c5: {  	v11 =	vmpcnt.ones.xlane vm3;
	(xrf0) =	vadd.scan.msk.s32 $0xffff, v16;
	v9 =	vadd.s32 v17, v9;
	v16, _, _ =	vpop (xrf0)  }
0x5c6: {  	v9 =	vadd.s32 v9, v10;
	v10, _, _ =	vpop (xrf0)  }
0x5c7: {  	v11 =	vadd.s32 v12, v11;
	v12, _, _ =	vpop (xrf0)  }
0x5c8: {  	vm3 =	vmmov vm4;
	v12 =	vperm.xlane v12, v6  }
0x5c9: {  	[tilespmem:s28+$0x18000] =	vst v4;
	s28 =	simm.s32 $0x10040;
	vm0 =	vmmov vm0;
	v10 =	vmpcnt.ones.xlane vm3  }
0x5ca: {  	v18 =	vmpcnt.ones.xlane vm0;
	v17 =	vld [tilespmem:s28+$0xFFFFFFC0];
	v9 =	vsub.s32 v9, v19  }
0x5cb: {  	vm0 =	vmmov vm1;
	v9 =	vadd.s32 v14, v9;
	v14, _, _ =	vpop (xrf0);
	v10 =	vadd.s32 v11, v10  }
0x5cc: {  	v11 =	vmpcnt.ones.xlane vm0;
	v9 =	vadd.s32 v9, v12;
	v10 =	vadd.s32 v10, v18;
	v18 =	vld [tilespmem:s28+$0xFFFFFFE0];
	v12, _, _ =	vpop (xrf0)  }
0x5cd: {  	v13 =	vsub.s32 v9, v13;
	v12 =	vperm.xlane v12, v6  }
0x5ce: {  	v9 =	vadd.s32 v10, v11;
	v10 =	vadd.s32 v16, v13  }
0x5cf: {  	v20 =	vld [tilespmem:s28+$0x20];
	v11 =	vand.u32 $0x7FF, v9;
	v13 =	vshrl.u32 v17, $0x15;
	v10 =	vadd.s32 v10, v12  }
0x5d0: {  	v19 =	vld [tilespmem:s28+$0xFFFFFFF0];
	vm0 =	veq.s32 v13, v11;
	v10 =	vsub.s32 v10, v15  }
0x5d1: {  	v12 =	vshrl.u32 v17, $0xA;
	v10 =	vadd.s32 v14, v10;
	v14 =	vshrl.u32 v18, $0x15  }
0x5d2: {  	v62 =	vld [tilespmem:s28+$0x30];
	v63 =	vand.u32 $0x7FF, v12;
	v15 =	vshrl.u32 v18, $0xA;
	vm5 =	veq.s32 v14, v11  }
0x5d3: {  	v12 =	vld [tilespmem:s28+$0xFFFFFFD0];
	v15 =	vand.u32 $0x7FF, v15;
	_ =	sdelay $0x1  }
0x5d4: {  	v16 =	vld [tilespmem:s28+$0x10];
	v13 =	vshrl.u32 v19, $0xA;
	v18 =	vshrl.u32 v20, $0x15;
	v14 =	vshrl.u32 v19, $0x15  }
0x5d5: {  	v17 =	vld [tilespmem:s28+$0x0];
	vm4 =	veq.s32 v18, v11;
	vm3 =	veq.s32 v14, v11;
	v14 =	vshrl.u32 v20, $0xA  }
0x5d6: {  	s29 =	simm.s32 $0x100C0;
	s28 =	simm.s32 $0x0;
	v19 =	vshrl.u32 v62, $0x15;
	v18 =	vshrl.u32 v62, $0xA;
	v14 =	vand.u32 $0x7FF, v14;
	[tilespmem:v63+s22+$0x0] =	vst.idx.add.s32.msk vm0, v5  }
.LBB2_65:
0x5d7: {  	s28 =	sadd.s32 $0x80, s28;
	v20 =	vshrl.u32 v12, $0x15;
	[tilespmem:v15+s22+$0x0] =	vst.idx.add.s32.msk vm5, v5;
	vm0 =	veq.s32 v19, v11  }
0x5d8: {  	v12 =	vshrl.u32 v12, $0xA;
	v15 =	vand.u32 $0x7FF, v13;
	v19 =	vld [tilespmem:s29+$0xFFFFFFF0];
	p0 =	slt.u32 s28, $0x7F80;
	vm1 =	veq.s32 v20, v11  }
0x5d9: {  	v18 =	vand.u32 $0x7FF, v18;
	v21 =	vand.u32 $0x7FF, v12;
	v20 =	vld [tilespmem:s29+$0xFFFFFFE0];
	v12 =	vshrl.u32 v16, $0x15  }
0x5da: {  	v22 =	vld [tilespmem:s29+$0xFFFFFFC0];
	v13 =	vshrl.u32 v17, $0x15;
	vm6 =	veq.s32 v12, v11;
	v12 =	vshrl.u32 v16, $0xA  }
0x5db: {  	v23 =	vld [tilespmem:s29+$0x30];
	vm7 =	veq.s32 v13, v11;
	v13 =	vshrl.u32 v17, $0xA;
	v16 =	vand.u32 $0x7FF, v12  }
0x5dc: {  	v24 =	vld [tilespmem:s29+$0x20];
	v17 =	vand.u32 $0x7FF, v13  }
0x5dd: {  	v12 =	vld [tilespmem:s29+$0xFFFFFFD0];
	v13 =	vshrl.u32 v19, $0xA  }
0x5de: {  	[tilespmem:v15+s22+$0x0] =	vst.idx.add.s32.msk vm3, v5  }
0x5df: {  	v25 =	vshrl.u32 v20, $0x15;
	v20 =	vshrl.u32 v20, $0xA;
	v15 =	vshrl.u32 v22, $0x15;
	[tilespmem:v14+s22+$0x0] =	vst.idx.add.s32.msk vm4, v5  }
0x5e0: {  	v14 =	vshrl.u32 v22, $0xA;
	vm5 =	veq.s32 v25, v11;
	vm8 =	veq.s32 v15, v11;
	[tilespmem:v16+s22+$0x0] =	vst.idx.add.s32.msk vm6, v5  }
0x5e1: {  	v14 =	vand.u32 $0x7FF, v14;
	v15 =	vand.u32 $0x7FF, v20;
	[tilespmem:v17+s22+$0x0] =	vst.idx.add.s32.msk vm7, v5  }
.Ltmp35:
0x5e2: {  	v16 =	vshrl.u32 v19, $0x15;
	[tilespmem:v18+s22+$0x0] =	vst.idx.add.s32.msk vm0, v5;
	(pc) =	sbr.rel @p0 .LBB2_65-.Ltmp35, $4  }
0x5e3: {  	vm3 =	veq.s32 v16, v11;
	[tilespmem:v21+s22+$0x0] =	vst.idx.add.s32.msk vm1, v5  }
0x5e4: {  	v18 =	vshrl.u32 v24, $0x15;
	v16 =	vld [tilespmem:s29+$0x10]  }
0x5e5: {  	vm4 =	veq.s32 v18, v11;
	v18 =	vshrl.u32 v24, $0xA;
	v17 =	vld [tilespmem:s29+$0x0]  }
0x5e6: {  	v19 =	vshrl.u32 v23, $0x15;
	s29 =	sadd.s32 $0x80, s29;
	[tilespmem:v14+s22+$0x0] =	vst.idx.add.s32.msk vm8, v5;
	v14 =	vand.u32 $0x7FF, v18;
	v18 =	vshrl.u32 v23, $0xA  }
0x5e7: {  	_ = 	snop  }
0x5e8: {  	v13 =	vand.u32 $0x7FF, v13  }
0x5e9: {  	vm6 =	veq.s32 v19, v11;
	v20 =	vshrl.u32 v16, $0x15;
	v16 =	vshrl.u32 v16, $0xA  }
0x5ea: {  	v21 =	vshrl.u32 v17, $0x15;
	vm0 =	veq.s32 v20, v11;
	v17 =	vshrl.u32 v17, $0xA  }
0x5eb: {  	v16 =	vand.u32 $0x7FF, v16;
	v20 =	vshrl.u32 v12, $0x15;
	vm1 =	veq.s32 v21, v11  }
0x5ec: {  	[tilespmem:v15+s22+$0x0] =	vst.idx.add.s32.msk vm5, v5;
	vm5 =	veq.s32 v20, v11;
	v11 =	vshrl.u32 v12, $0xA;
	v12 =	vand.u32 $0x7FF, v18  }
0x5ed: {  	v17 =	vand.u32 $0x7FF, v17  }
0x5ee: {  	[tilespmem:v14+s22+$0x0] =	vst.idx.add.s32.msk vm4, v5;
	v11 =	vand.u32 $0x7FF, v11  }
0x5ef: {  	[tilespmem:v13+s22+$0x0] =	vst.idx.add.s32.msk vm3, v5  }
0x5f0: {  	[tilespmem:v16+s22+$0x0] =	vst.idx.add.s32.msk vm0, v5  }
0x5f1: {  	[tilespmem:v12+s22+$0x0] =	vst.idx.add.s32.msk vm6, v5  }
0x5f2: {  	[tilespmem:v17+s22+$0x0] =	vst.idx.add.s32.msk vm1, v5  }
0x5f3: {  	s28 =	simm.s32 $0x0;
	[tilespmem:v11+s22+$0x0] =	vst.idx.add.s32.msk vm5, v5  }
0x5f4: {  	v11 =	vld [tilespmem:s28+$0x18000];
	_ =	sdelay $0x4  }
0x5f5: {  	(xrf0) =	vadd.scan.msk.s32 $0xffff, v11;
	_ =	sdelay $0x1  }
0x5f6: {  	[tilespmem:s28+$0x18000] =	vst v4;
	s28 =	simm.s32 $0x10  }
0x5f7: {  	v13 =	vld [tilespmem:s28+$0x18000]  }
0x5f8: {  	v12 =	vperm.xlane v11, v6;
	_ =	sdelay $0x1  }
0x5f9: {  	v17 =	vimm.s32 $0x0;
	(xrf0) =	vadd.scan.msk.s32 $0xffff, v12;
	v14, _, _ =	vpop (xrf0)  }
0x5fa: {  	v10 =	vsub.s32 v8, v10;
	v8 =	vadd.s32 v17, v14  }
0x5fb: {  	vm0 =	vlt.s32 v8, v10;
	v8 =	vperm.xlane v13, v6  }
0x5fc: {  	(xrf0) =	vadd.scan.msk.s32 $0xffff, v13  }
0x5fd: {  	[tilespmem:s28+$0x18000] =	vst v4;
	s28 =	simm.s32 $0x20;
	v19 =	vnsel vm0, $0x0, v11  }
0x5fe: {  	v12 =	vld [tilespmem:s28+$0x18000];
	v15 =	vperm.xlane v19, v6;
	(xrf0) =	vadd.scan.msk.s32 $0xffff, v19  }
0x5ff: {  	(xrf0) =	vadd.scan.msk.s32 $0xffff, v8;
	v8, _, _ =	vpop (xrf0)  }
0x600: {  	v11 =	vsub.s32 v17, v11;
	v8 =	vperm.xlane v8, v6  }
0x601: {  	v11 =	vadd.s32 v14, v11;
	(xrf0) =	vadd.scan.msk.s32 $0xffff, v15  }
0x602: {  	v15, _, _ =	vpop (xrf0);
	v16 =	vadd.s32 v8, v11  }
0x603: {  	(xrf0) =	vadd.scan.msk.s32 $0xffff, v12;
	v8 =	vadd.s32 v16, v15  }
0x604: {  	[tilespmem:s28+$0x18000] =	vst v4;
	s28 =	simm.s32 $0x30;
	vm1 =	vlt.s32 v8, v10  }
0x605: {  	v18 =	vperm.xlane v12, v6;
	v14 =	vld [tilespmem:s28+$0x18000];
	v11, _, _ =	vpop (xrf0);
	v8 =	vnsel vm1, $0x0, v13  }
0x606: {  	v20, _, _ =	vpop (xrf0);
	v62 =	vperm.xlane v8, v6;
	(xrf0) =	vadd.scan.msk.s32 $0xffff, v8  }
0x607: {  	v20 =	vperm.xlane v20, v6;
	v13 =	vsub.s32 v16, v13;
	v16, _, _ =	vpop (xrf0);
	(xrf0) =	vadd.scan.msk.s32 $0xffff, v18  }
0x608: {  	vm0 =	vmmov vm0;
	v13 =	vadd.s32 v15, v13;
	v22 =	vperm.xlane v16, v6;
	(xrf0) =	vadd.scan.msk.s32 $0xffff, v62  }
0x609: {  	vm3 =	vmmov vm1;
	v15, _, _ =	vpop (xrf0);
	v16 =	vadd.s32 v20, v13;
	v13 =	vmpcnt.ones.xlane vm0  }
0x60a: {  	v18 =	vperm.xlane v14, v6;
	v20 =	vadd.s32 v16, v15;
	v63 =	vadd.s32 v17, v22;
	(xrf0) =	vadd.scan.msk.s32 $0xffff, v14  }
0x60b: {  	s29 =	simm.s32 $0x140;
	[tilespmem:s28+$0x18000] =	vst v4;
	s28 =	simm.s32 $0x40;
	vm4 =	vlt.s32 v20, v10;
	v13 =	vadd.s32 v17, v13;
	v17 =	vsub.s32 v63, v19  }
.LBB2_67:
0x60c: {  	p0 =	sne.s32 s29, $0x1FC0;
	v19 =	vld [tilespmem:s28+$0x18000];
	v17 =	vadd.s32 v11, v17;
	v11, _, _ =	vpop (xrf0);
	v20 =	vmov v8;
	v8 =	vnsel vm4, $0x0, v12;
	s30 =	smov.u32 s29;
	s29 =	sadd.s32 $0x40, s29  }
0x60d: {  	[tilespmem:s28+$0x18000] =	vst v4;
	v21 =	vperm.xlane v8, v6;
	(xrf0) =	vadd.scan.msk.s32 $0xffff, v8;
	v22, _, _ =	vpop (xrf0)  }
.Ltmp36:
0x60e: {  	v16 =	vsub.s32 v16, v12;
	v12 =	vmov v14;
	(xrf0) =	vadd.scan.msk.s32 $0xffff, v18;
	v18 =	vperm.xlane v22, v6;
	v22, _, _ =	vpop (xrf0);
	(pc) =	sbr.rel @p0 .LBB2_67-.Ltmp36, $4  }
0x60f: {  	v14 =	vadd.s32 v15, v16;
	(xrf0) =	vadd.scan.msk.s32 $0xffff, v21;
	v21 =	vperm.xlane v22, v6  }
0x610: {  	v23 =	vmpcnt.ones.xlane vm3;
	vm3 =	vmmov vm4;
	v15, _, _ =	vpop (xrf0);
	v16 =	vadd.s32 v18, v14  }
0x611: {  	v18 =	vperm.xlane v19, v6;
	(xrf0) =	vadd.scan.msk.s32 $0xffff, v19;
	v22 =	vadd.s32 v16, v15;
	v17 =	vadd.s32 v17, v21  }
0x612: {  	s28 =	sshra.s32 s30, $0x2;
	v13 =	vadd.s32 v13, v23;
	v14 =	vmovc v19;
	vm4 =	vlt.s32 v22, v10;
	v17 =	vsub.s32 v17, v20  }
0x613: {  	v19 =	vld [tilespmem:s28+$0x18000];
	v20 =	vnsel vm4, $0x0, v12  }
0x614: {  	(xrf0) =	vadd.scan.msk.s32 $0xffff, v20  }
0x615: {  	v45, _, _ =	vpop (xrf0);
	v21 =	vperm.xlane v20, v6;
	(xrf0) =	vadd.scan.msk.s32 $0xffff, v18  }
0x616: {  	v22, _, _ =	vpop (xrf0)  }
0x617: {  	v12 =	vsub.s32 v16, v12;
	v46 =	vperm.xlane v22, v6;
	(xrf0) =	vadd.scan.msk.s32 $0xffff, v21  }
0x618: {  	v12 =	vadd.s32 v15, v12;
	v16, _, _ =	vpop (xrf0);
	(xrf0) =	vadd.scan.msk.s32 $0xffff, v19  }
0x619: {  	v47, _, _ =	vpop (xrf0);
	v12 =	vadd.s32 v46, v12  }
0x61a: {  	v21 =	vadd.s32 v12, v47;
	v15, _, _ =	vpop (xrf0)  }
0x61b: {  	v12 =	vsub.s32 v12, v14;
	vm0 =	vlt.s32 v21, v10;
	v23, _, _ =	vpop (xrf0)  }
0x61c: {  	v49 =	vperm.xlane v19, v6;
	v14 =	vnsel vm0, $0x0, v14;
	v48 =	vperm.xlane v23, v6  }
0x61d: {  	v52 =	vmpcnt.ones.xlane vm3;
	v12 =	vadd.s32 v47, v12;
	v24, _, _ =	vpop (xrf0);
	(xrf0) =	vadd.scan.msk.s32 $0xffff, v14  }
0x61e: {  	v16 =	vperm.xlane v16, v6;
	v50 =	vperm.xlane v14, v6;
	(xrf0) =	vadd.scan.msk.s32 $0xffff, v49;
	v12 =	vadd.s32 v48, v12;
	v51, _, _ =	vpop (xrf0)  }
0x61f: {  	v11 =	vadd.s32 v11, v17;
	vm3 =	vmmov vm4;
	v12 =	vadd.s32 v12, v51  }
0x620: {  	v13 =	vadd.s32 v13, v52;
	v11 =	vadd.s32 v11, v16;
	(xrf0) =	vadd.scan.msk.s32 $0xffff, v50;
	vm1 =	vlt.s32 v12, v10  }
0x621: {  	v8 =	vsub.s32 v11, v8;
	v11 =	vmpcnt.ones.xlane vm3;
	v12 =	vnsel vm1, $0x0, v19  }
0x622: {  	[tilespmem:s28+$0x18000] =	vst v4;
	v17 =	vperm.xlane v24, v6;
	v16 =	vperm.xlane v12, v6  }
0x623: {  	vm0 =	vmmov vm0;
	v8 =	vadd.s32 v45, v8;
	v11 =	vadd.s32 v13, v11;
	(xrf0) =	vadd.scan.msk.s32 $0xffff, v12;
	v53, _, _ =	vpop (xrf0)  }
0x624: {  	s28 =	simm.s32 $0x10040;
	v8 =	vadd.s32 v8, v17;
	v13, _, _ =	vpop (xrf0);
	(xrf0) =	vadd.scan.msk.s32 $0xffff, v16;
	v16 =	vmpcnt.ones.xlane vm0;
	vm0 =	vmmov vm1  }
0x625: {  	v54 =	vld [tilespmem:s28+$0x30];
	v8 =	vsub.s32 v8, v20;
	v13 =	vmpcnt.ones.xlane vm0  }
0x626: {  	v8 =	vadd.s32 v15, v8;
	v15 =	vld [tilespmem:s28+$0xFFFFFFF0];
	v17, _, _ =	vpop (xrf0);
	v11 =	vadd.s32 v11, v16  }
0x627: {  	v17 =	vperm.xlane v17, v6;
	v16 =	vld [tilespmem:s28+$0xFFFFFFD0];
	v11 =	vadd.s32 v11, v13  }
0x628: {  	v9 =	vshll.u32 v9, $0x15;
	v13 =	vld [tilespmem:s28+$0xFFFFFFE0];
	v11 =	vshll.u32 v11, $0xA  }
0x629: {  	v17 =	vadd.s32 v8, v17;
	v8 =	vor.u32 v9, v11  }
0x62a: {  	v56 =	vld [tilespmem:s28+$0x0];
	v11 =	vsub.s32 v17, v14;
	v17 =	vshrl.u32 v54, $0xA;
	v9 =	vshrl.u32 v8, $0xA  }
0x62b: {  	v61 =	vld [tilespmem:s28+$0xFFFFFFC0];
	v18 =	vand.u32 $0x3FF, v54;
	v60 =	vshrl.u32 v15, $0xA;
	v55, _, _ =	vpop (xrf0);
	vm0 =	veq.s32 v17, v9  }
0x62c: {  	v59 =	vld [tilespmem:s28+$0x20];
	v63 =	vand.u32 $0x3FF, v15;
	v14, _, _ =	vpop (xrf0);
	v57 =	vshrl.u32 v16, $0xA;
	vm6 =	veq.s32 v60, v9  }
0x62d: {  	v14 =	vperm.xlane v14, v6;
	v17 =	vld [tilespmem:s28+$0x10];
	vm1 =	veq.s32 v57, v9;
	v58 =	vshrl.u32 v13, $0xA  }
0x62e: {  	v11 =	vadd.s32 v53, v11;
	v16 =	vand.u32 $0x3FF, v16;
	vm5 =	veq.s32 v58, v9  }
0x62f: {  	v62 =	vand.u32 $0x3FF, v13;
	v11 =	vadd.s32 v11, v14  }
0x630: {  	v15 =	vand.u32 $0x3FF, v61;
	v11 =	vsub.s32 v11, v12  }
0x631: {  	v14 =	vshrl.u32 v59, $0xA;
	v12 =	vshrl.u32 v56, $0xA;
	v11 =	vadd.s32 v55, v11;
	[tilespmem:v18+s22+$0x0] =	vst.idx.add.s32.msk vm0, v5  }
0x632: {  	vm3 =	veq.s32 v12, v9;
	v12 =	vand.u32 $0x3FF, v56;
	v13 =	vshrl.u32 v17, $0xA;
	[tilespmem:v63+s22+$0x0] =	vst.idx.add.s32.msk vm6, v5  }
0x633: {  	vm4 =	veq.s32 v13, v9;
	v13 =	vand.u32 $0x3FF, v17;
	[tilespmem:v16+s22+$0x0] =	vst.idx.add.s32.msk vm1, v5;
	v16 =	vshrl.u32 v61, $0xA  }
0x634: {  	s29 =	simm.s32 $0x100C0;
	s28 =	simm.s32 $0x0;
	[tilespmem:v62+s22+$0x0] =	vst.idx.add.s32.msk vm5, v5;
	vm5 =	veq.s32 v14, v9;
	vm0 =	veq.s32 v16, v9;
	v14 =	vand.u32 $0x3FF, v59  }
.LBB2_69:
0x635: {  	v16 =	vld [tilespmem:s29+$0x30];
	s28 =	sadd.s32 $0x80, s28  }
0x636: {  	v17 =	vld [tilespmem:s29+$0xFFFFFFD0];
	p0 =	slt.u32 s28, $0x7F80  }
0x637: {  	v18 =	vld [tilespmem:s29+$0xFFFFFFE0]  }
0x638: {  	v19 =	vld [tilespmem:s29+$0xFFFFFFF0]  }
0x639: {  	v20 =	vld [tilespmem:s29+$0x0]  }
0x63a: {  	v21 =	vld [tilespmem:s29+$0x10];
	v22 =	vshrl.u32 v16, $0xA  }
0x63b: {  	v23 =	vshrl.u32 v17, $0xA;
	v17 =	vand.u32 $0x3FF, v17;
	v24 =	vld [tilespmem:s29+$0x20];
	vm1 =	veq.s32 v22, v9  }
0x63c: {  	v16 =	vand.u32 $0x3FF, v16;
	v22 =	vld [tilespmem:s29+$0xFFFFFFC0];
	vm6 =	veq.s32 v23, v9;
	v23 =	vshrl.u32 v18, $0xA  }
0x63d: {  	v18 =	vand.u32 $0x3FF, v18;
	vm7 =	veq.s32 v23, v9;
	v23 =	vshrl.u32 v19, $0xA;
	[tilespmem:v15+s22+$0x0] =	vst.idx.add.s32.msk vm0, v5  }
0x63e: {  	v19 =	vand.u32 $0x3FF, v19;
	vm8 =	veq.s32 v23, v9;
	v15 =	vshrl.u32 v20, $0xA;
	[tilespmem:v12+s22+$0x0] =	vst.idx.add.s32.msk vm3, v5  }
0x63f: {  	v12 =	vand.u32 $0x3FF, v20;
	vm3 =	veq.s32 v15, v9;
	v15 =	vshrl.u32 v21, $0xA;
	[tilespmem:v13+s22+$0x0] =	vst.idx.add.s32.msk vm4, v5  }
.Ltmp37:
0x640: {  	v13 =	vand.u32 $0x3FF, v21;
	vm4 =	veq.s32 v15, v9;
	v20 =	vshrl.u32 v24, $0xA;
	[tilespmem:v14+s22+$0x0] =	vst.idx.add.s32.msk vm5, v5;
	(pc) =	sbr.rel @p0 .LBB2_69-.Ltmp37, $4  }
0x641: {  	v14 =	vshrl.u32 v22, $0xA;
	v15 =	vand.u32 $0x3FF, v22;
	vm5 =	veq.s32 v20, v9;
	[tilespmem:v16+s22+$0x0] =	vst.idx.add.s32.msk vm1, v5  }
0x642: {  	vm0 =	veq.s32 v14, v9;
	[tilespmem:v17+s22+$0x0] =	vst.idx.add.s32.msk vm6, v5;
	v14 =	vand.u32 $0x3FF, v24  }
0x643: {  	[tilespmem:v18+s22+$0x0] =	vst.idx.add.s32.msk vm7, v5  }
0x644: {  	s29 =	sadd.s32 $0x80, s29;
	[tilespmem:v19+s22+$0x0] =	vst.idx.add.s32.msk vm8, v5  }
0x645: {  	_ =	sdelay $0x4  }
0x646: {  	[tilespmem:v15+s22+$0x0] =	vst.idx.add.s32.msk vm0, v5  }
0x647: {  	[tilespmem:v12+s22+$0x0] =	vst.idx.add.s32.msk vm3, v5  }
0x648: {  	[tilespmem:v13+s22+$0x0] =	vst.idx.add.s32.msk vm4, v5  }
0x649: {  	[tilespmem:v14+s22+$0x0] =	vst.idx.add.s32.msk vm5, v5;
	s28 =	simm.s32 $0x0  }
0x64a: {  	v12 =	vld [tilespmem:s28+$0x18000];
	_ =	sdelay $0x4  }
0x64b: {  	(xrf0) =	vadd.scan.msk.s32 $0xffff, v12;
	_ =	sdelay $0x1  }
0x64c: {  	[tilespmem:s28+$0x18000] =	vst v4;
	s28 =	simm.s32 $0x10  }
0x64d: {  	v15 =	vld [tilespmem:s28+$0x18000];
	v9 =	vperm.xlane v12, v6;
	_ =	sdelay $0x1  }
0x64e: {  	(xrf0) =	vadd.scan.msk.s32 $0xffff, v9  }
0x64f: {  	v16 =	vimm.s32 $0x0;
	v13, _, _ =	vpop (xrf0)  }
0x650: {  	v9 =	vsub.s32 v10, v11;
	v10 =	vadd.s32 v16, v13  }
0x651: {  	(xrf0) =	vadd.scan.msk.s32 $0xffff, v15;
	vm0 =	vlt.s32 v10, v9;
	v10 =	vsub.s32 v10, v12  }
0x652: {  	v11 =	vperm.xlane v15, v6;
	v17 =	vnsel vm0, $0x0, v12;
	vm1 =	vlt.s32 v10, v9  }
0x653: {  	v10 =	vperm.xlane v17, v6;
	v18 =	vnsel vm1, $0x0, v12  }
0x654: {  	(xrf0) =	vadd.scan.msk.s32 $0xffff, v11;
	v14, _, _ =	vpop (xrf0);
	v11 =	vperm.xlane v18, v6  }
0x655: {  	v12 =	vsub.s32 v16, v12;
	(xrf0) =	vadd.scan.msk.s32 $0xffff, v10;
	v10 =	vperm.xlane v14, v6  }
0x656: {  	[tilespmem:s28+$0x18000] =	vst v4;
	s28 =	simm.s32 $0x20;
	(xrf0) =	vadd.scan.msk.s32 $0xffff, v11;
	v11 =	vadd.s32 v13, v12  }
0x657: {  	v19, _, _ =	vpop (xrf0);
	v14 =	vld [tilespmem:s28+$0x18000];
	v12 =	vadd.s32 v10, v11  }
0x658: {  	v10 =	vadd.s32 v12, v19  }
0x659: {  	vm3 =	vlt.s32 v10, v9;
	v10 =	vsub.s32 v10, v15;
	_ =	sdelay $0x1  }
0x65a: {  	v20 =	vmpcnt.ones.xlane vm0;
	v21, _, _ =	vpop (xrf0);
	(xrf0) =	vadd.scan.msk.s32 $0xffff, v17;
	vm0 =	vlt.s32 v10, v9  }
0x65b: {  	(xrf0) =	vadd.scan.msk.s32 $0xffff, v18;
	v22 =	vperm.xlane v14, v6;
	v11 =	vnsel vm3, $0x0, v15;
	v13 =	vnsel vm0, $0x0, v15;
	v10, _, _ =	vpop (xrf0)  }
0x65c: {  	(xrf0) =	vadd.scan.msk.s32 $0xffff, v14;
	v24 =	vperm.xlane v10, v6;
	v10 =	vadd.s32 v16, v20;
	v20 =	vperm.xlane v13, v6  }
0x65d: {  	v23 =	vperm.xlane v11, v6;
	v25, _, _ =	vpop (xrf0)  }
0x65e: {  	v21 =	vperm.xlane v21, v6;
	(xrf0) =	vadd.scan.msk.s32 $0xffff, v22;
	v62 =	vperm.xlane v25, v6  }
0x65f: {  	s29 =	simm.s32 $0x30;
	[tilespmem:s28+$0x18000] =	vst v4;
	v12 =	vsub.s32 v12, v15;
	(xrf0) =	vadd.scan.msk.s32 $0xffff, v23;
	v63 =	vadd.s32 v16, v24  }
0x660: {  	v12 =	vadd.s32 v19, v12;
	v15 =	vld [tilespmem:s29+$0x18000];
	(xrf0) =	vadd.scan.msk.s32 $0xffff, v20;
	v17 =	vsub.s32 v63, v17;
	v19 =	vadd.s32 v16, v62;
	v20, _, _ =	vpop (xrf0)  }
0x661: {  	s28 =	simm.s32 $0x100;
	[tilespmem:s29+$0x18000] =	vst v4;
	v16 =	vadd.s32 v21, v12;
	v12 =	vadd.s32 v20, v17;
	v17 =	vsub.s32 v19, v18;
	v18, _, _ =	vpop (xrf0)  }
.LBB2_71:
0x662: {  	p0 =	sne.s32 s28, $0xFC0;
	v19, _, _ =	vpop (xrf0);
	v24 =	vmpcnt.ones.xlane vm3;
	v17 =	vadd.s32 v18, v17;
	v18 =	vmov v11;
	s29 =	smov.u32 s28;
	s28 =	sadd.s32 $0x40, s28  }
0x663: {  	v21 =	vmovc v13;
	v22 =	vmov v14;
	v11 =	vadd.s32 v16, v19;
	(xrf0) =	vadd.scan.msk.s32 $0xffff, v18  }
0x664: {  	vm3 =	vlt.s32 v11, v9;
	v13 =	vsub.s32 v11, v22;
	v23, _, _ =	vpop (xrf0);
	v10 =	vadd.s32 v10, v24;
	(xrf0) =	vadd.scan.msk.s32 $0xffff, v21  }
0x665: {  	v27 =	vperm.xlane v15, v6;
	(xrf0) =	vadd.scan.msk.s32 $0xffff, v15;
	v11 =	vnsel vm3, $0x0, v22;
	vm0 =	vlt.s32 v13, v9;
	v20, _, _ =	vpop (xrf0)  }
.Ltmp38:
0x666: {  	v24 =	vperm.xlane v11, v6;
	v13 =	vnsel vm0, $0x0, v22;
	v20 =	vperm.xlane v20, v6;
	v25, _, _ =	vpop (xrf0);
	(pc) =	sbr.rel @p0 .LBB2_71-.Ltmp38, $4  }
0x667: {  	v14 =	vmovc v15;
	(xrf0) =	vadd.scan.msk.s32 $0xffff, v27;
	v26 =	vperm.xlane v13, v6;
	v25 =	vperm.xlane v25, v6  }
0x668: {  	s29 =	sshra.s32 s29, $0x2;
	v16 =	vsub.s32 v16, v22;
	v23 =	vperm.xlane v23, v6;
	(xrf0) =	vadd.scan.msk.s32 $0xffff, v24;
	v12 =	vadd.s32 v12, v20  }
0x669: {  	v16 =	vadd.s32 v19, v16;
	v15 =	vld [tilespmem:s29+$0x18000];
	(xrf0) =	vadd.scan.msk.s32 $0xffff, v26;
	v12 =	vsub.s32 v12, v18;
	v17 =	vadd.s32 v17, v25;
	v18, _, _ =	vpop (xrf0)  }
0x66a: {  	v16 =	vadd.s32 v23, v16;
	[tilespmem:s29+$0x18000] =	vst v4;
	v12 =	vadd.s32 v18, v12;
	v17 =	vsub.s32 v17, v21;
	v18, _, _ =	vpop (xrf0)  }
0x66b: {  	_ = 	snop  }
0x66c: {  	(xrf0) =	vadd.scan.msk.s32 $0xffff, v11  }
0x66d: {  	(xrf0) =	vadd.scan.msk.s32 $0xffff, v13  }
0x66e: {  	v19, _, _ =	vpop (xrf0);
	(xrf0) =	vadd.scan.msk.s32 $0xffff, v15  }
0x66f: {  	v20, _, _ =	vpop (xrf0)  }
0x670: {  	v38 =	vsub.s32 v16, v14;
	v22, _, _ =	vpop (xrf0)  }
0x671: {  	v21 =	vadd.s32 v16, v19;
	v16 =	vadd.s32 v19, v38;
	v23, _, _ =	vpop (xrf0)  }
0x672: {  	vm4 =	vlt.s32 v21, v9;
	v21 =	vsub.s32 v21, v14;
	v20 =	vperm.xlane v20, v6;
	v25, _, _ =	vpop (xrf0)  }
0x673: {  	v24 =	vperm.xlane v15, v6;
	v26 =	vnsel vm4, $0x0, v14;
	vm0 =	vlt.s32 v21, v9;
	v39, _, _ =	vpop (xrf0)  }
0x674: {  	v40 =	vnsel vm0, $0x0, v14;
	v41 =	vperm.xlane v26, v6;
	v16 =	vadd.s32 v20, v16;
	v42, _, _ =	vpop (xrf0)  }
0x675: {  	v43 =	vperm.xlane v40, v6;
	(xrf0) =	vadd.scan.msk.s32 $0xffff, v24;
	v16 =	vadd.s32 v16, v42  }
0x676: {  	(xrf0) =	vadd.scan.msk.s32 $0xffff, v41;
	vm5 =	vlt.s32 v16, v9;
	v16 =	vsub.s32 v16, v15  }
0x677: {  	(xrf0) =	vadd.scan.msk.s32 $0xffff, v43;
	v44 =	vnsel vm5, $0x0, v15;
	vm15 =	vlt.s32 v16, v9  }
0x678: {  	(xrf0) =	vadd.scan.msk.s32 $0xffff, v26;
	v45 =	vnsel vm15, $0x0, v15;
	v46 =	vperm.xlane v44, v6  }
0x679: {  	(xrf0) =	vadd.scan.msk.s32 $0xffff, v40;
	v47 =	vperm.xlane v45, v6  }
0x67a: {  	(xrf0) =	vadd.scan.msk.s32 $0xffff, v46  }
0x67b: {  	v48, _, _ =	vpop (xrf0);
	(xrf0) =	vadd.scan.msk.s32 $0xffff, v47  }
0x67c: {  	v16 =	vperm.xlane v23, v6;
	v49, _, _ =	vpop (xrf0)  }
0x67d: {  	v17 =	vadd.s32 v18, v17;
	v50, _, _ =	vpop (xrf0)  }
0x67e: {  	v16 =	vadd.s32 v17, v16;
	(xrf0) =	vadd.scan.msk.s32 $0xffff, v44;
	v51, _, _ =	vpop (xrf0)  }
0x67f: {  	v52 =	vsub.s32 v16, v13;
	v53 =	vperm.xlane v50, v6;
	(xrf0) =	vadd.scan.msk.s32 $0xffff, v45;
	v54, _, _ =	vpop (xrf0)  }
0x680: {  	v13 =	vadd.s32 v39, v52;
	v55, _, _ =	vpop (xrf0)  }
0x681: {  	v13 =	vadd.s32 v13, v53;
	v56, _, _ =	vpop (xrf0)  }
0x682: {  	v13 =	vsub.s32 v13, v40;
	v57 =	vperm.xlane v56, v6  }
0x683: {  	v13 =	vadd.s32 v54, v13  }
0x684: {  	v58, _, _ =	vpop (xrf0);
	v13 =	vadd.s32 v13, v57  }
0x685: {  	v59, _, _ =	vpop (xrf0);
	v13 =	vsub.s32 v13, v45  }
0x686: {  	v13 =	vadd.s32 v59, v13  }
0x687: {  	v13 =	vsub.s32 v9, v13  }
0x688: {  	v13 =	vnsel vm9, $0x0, v13  }
0x689: {  	(xrf0) =	vadd.scan.msk.s32 $0xffff, v13;
	_ =	sdelay $0x5  }
0x68a: {  	v13, _, _ =	vpop (xrf0)  }
0x68b: {  	(v2sf) =	vpush v13, $0xF;
	_ =	sdelay $0x8  }
0x68c: {  	v7 =	vnsel vm2, $0x0, v7  }
0x68d: {  	(xrf2) =	vadd.scan.msk.f32 $0xffff, v7  }
0x68e: {  	v7 =	vperm.xlane v22, v6;
	_ =	sdelay $0x1  }
0x68f: {  	v7 =	vadd.s32 v12, v7  }
0x690: {  	v7 =	vsub.s32 v7, v11;
	v11 =	vperm.xlane v49, v6  }
0x691: {  	v7 =	vadd.s32 v25, v7;
	s28 =	spop (v2sf)  }
0x692: {  	v60 =	vmpcnt.ones.xlane vm3;
	v7 =	vadd.s32 v7, v11;
	p0 =	sne.s32 s28, $0x0  }
.Ltmp39:
0x693: {  	v11 =	vmpcnt.ones.xlane vm4;
	v7 =	vsub.s32 v7, v26;
	v61 =	vperm.xlane v55, v6;
	(pc) =	sbr.rel @!p0 .LBB2_76-.Ltmp39, $4  }
0x694: {  	v10 =	vadd.s32 v10, v60;
	v62 =	vmpcnt.ones.xlane vm5;
	v7 =	vadd.s32 v51, v7  }
0x695: {  	v10 =	vadd.s32 v10, v11;
	v7 =	vadd.s32 v7, v61  }
0x696: {  	v63, _, _ =	vpop (xrf2);
	v11 =	vadd.s32 v10, v62;
	v7 =	vsub.s32 v7, v44  }
0x697: {  	s29 =	simm.s32 $0x10040;
	v8 =	vor.u32 v8, v11;
	v10 =	vadd.s32 v58, v7;
	v7 =	vbroadcast v63, $0xF;
	s28 =	simm.s32 $0x8040  }
0x698: {  	v16 =	vld [tilespmem:s29+$0xFFFFFFE0]  }
0x699: {  	v9 =	vsub.s32 v9, v10;
	v10 =	vld [tilespmem:s28+$0xFFFFFFE0]  }
0x69a: {  	v18 =	vld [tilespmem:s28+$0xFFFFFFD0]  }
0x69b: {  	v14 =	vld [tilespmem:s28+$0x0]  }
0x69c: {  	v19 =	vld [tilespmem:s29+$0x0]  }
0x69d: {  	v21 =	vld [tilespmem:s29+$0xFFFFFFC0]  }
0x69e: {  	v22 =	vld [tilespmem:s29+$0x10]  }
0x69f: {  	v13 =	vld [tilespmem:s29+$0x20]  }
0x6a0: {  	v23 =	vld [tilespmem:s29+$0xFFFFFFF0]  }
0x6a1: {  	v11 =	vimm.s32 $0x0;
	v26 =	vld [tilespmem:s29+$0xFFFFFFD0]  }
0x6a2: {  	vm12 =	veq.s32 v16, v8;
	v15 =	vmul.f32 v10, v7;
	v17 =	vmul.f32 v14, v7  }
0x6a3: {  	vm2 =	veq.s32 v21, v8;
	vm1 =	vlt.u32 v21, v8;
	v10 =	vmul.f32 v18, v7  }
0x6a4: {  	vm6 =	vlt.u32 v16, v8;
	vm8 =	vlt.u32 v22, v8;
	vm13 =	veq.s32 v13, v8;
	v18 =	vld [tilespmem:s29+$0x30]  }
0x6a5: {  	vm5 =	vlt.u32 v23, v8;
	vm11 =	vlt.u32 v19, v8;
	vm14 =	veq.s32 v19, v8  }
0x6a6: {  	v20 =	vld [tilespmem:s28+$0xFFFFFFF0];
	vm3 =	veq.s32 v26, v8;
	vm7 =	veq.s32 v23, v8;
	v24 =	vsel vm12, $0x1, v4  }
0x6a7: {  	vm0 =	veq.s32 v22, v8;
	v21 =	vmpcnt.ones.xlane vm2;
	v16 =	vsel vm14, $0x1, v4;
	(xrf0) =	vadd.scan.msk.s32 $0xffff, v24  }
0x6a8: {  	v25 =	vmpcnt.ones.xlane vm12;
	v23 =	vmpcnt.ones.xlane vm3;
	v19 =	vsel vm0, $0x1, v4;
	(xrf0) =	vadd.scan.msk.s32 $0xffff, v16  }
0x6a9: {  	v22 =	vsel vm13, $0x1, v4;
	v21 =	vadd.s32 v11, v21;
	(xrf0) =	vadd.scan.msk.s32 $0xffff, v19;
	vm10 =	veq.s32 v18, v8  }
0x6aa: {  	v23 =	vadd.s32 v21, v23;
	vm4 =	vlt.u32 v18, v8;
	(xrf0) =	vadd.scan.msk.s32 $0xffff, v22;
	v18 =	vsel vm10, $0x1, v4  }
0x6ab: {  	v14 =	vmul.f32 v20, v7;
	v20 =	vld [tilespmem:s28+$0xFFFFFFC0];
	(xrf0) =	vadd.scan.msk.s32 $0xffff, v18;
	v18 =	vadd.s32 v23, v25;
	v25 =	vsel vm7, $0x1, v4  }
0x6ac: {  	v27 =	vmpcnt.ones.xlane vm7;
	v22 =	vsel vm3, $0x1, v4  }
0x6ad: {  	v28, _, _ =	vpop (xrf0);
	(xrf0) =	vadd.scan.msk.s32 $0xffff, v22  }
0x6ae: {  	v22 =	vadd.s32 v23, v28;
	v23 =	vadd.s32 v18, v27;
	(xrf0) =	vadd.scan.msk.s32 $0xffff, v25;
	v25, _, _ =	vpop (xrf0)  }
0x6af: {  	vm15 =	vle.s32 v22, v9;
	v22 =	vadd.s32 v23, v25  }
0x6b0: {  	v16 =	vmul.f32 v20, v7;
	v20 =	vmpcnt.ones.xlane vm14  }
0x6b1: {  	v24 =	vmpcnt.ones.xlane vm0  }
0x6b2: {  	v20 =	vadd.s32 v23, v20;
	vm12 =	vmand vm12, vm15;
	vm15 =	vle.s32 v22, v9;
	v22, _, _ =	vpop (xrf0)  }
0x6b3: {  	v22 =	vadd.s32 v20, v22;
	v20 =	vadd.s32 v20, v24  }
0x6b4: {  	v27 =	vmpcnt.ones.xlane vm13  }
0x6b5: {  	v29 =	vsel vm2, $0x1, v4;
	vm15 =	vmand vm14, vm15;
	v23, _, _ =	vpop (xrf0)  }
0x6b6: {  	v12 =	vld [tilespmem:s28+$0x20];
	vm14 =	vle.s32 v22, v9;
	v24 =	vadd.s32 v20, v23;
	v23 =	vadd.s32 v20, v27;
	v20, _, _ =	vpop (xrf0)  }
0x6b7: {  	vm14 =	vmand vm0, vm14;
	vm0 =	vle.s32 v24, v9;
	v24 =	vadd.s32 v23, v20;
	v20, _, _ =	vpop (xrf0);
	(xrf0) =	vadd.scan.msk.s32 $0xffff, v29;
	_ =	sdelay $0x3  }
0x6b8: {  	v12 =	vmul.f32 v12, v7;
	vm9 =	vlt.u32 v26, v8;
	v19 =	vmpcnt.ones.xlane vm10;
	v22 =	vld [tilespmem:s28+$0x10]  }
0x6b9: {  	s30 =	simm.s32 $0x100C0;
	s31 =	simm.s32 $0x80C0;
	s29 =	simm.s32 $0x0;
	vm13 =	vmand vm13, vm0;
	v20 =	vadd.s32 v21, v20;
	v21 =	vld [tilespmem:s28+$0x30];
	vm0 =	vle.s32 v24, v9;
	v24, _, _ =	vpop (xrf0)  }
.LBB2_74:
0x6ba: {  	v25 =	vld [tilespmem:s30+$0xFFFFFFE0];
	s29 =	sadd.s32 $0x80, s29;
	vm11 =	vmor vm11, vm15;
	vm8 =	vmor vm8, vm14;
	v19 =	vadd.s32 v23, v19;
	v23, _, _ =	vpop (xrf0)  }
0x6bb: {  	vm6 =	vmor vm6, vm12;
	v26 =	vld [tilespmem:s31+$0xFFFFFFE0];
	p0 =	slt.u32 s29, $0x7F80;
	v23 =	vadd.s32 v11, v23;
	v17 =	vnsel vm11, $0x0, v17;
	v11 =	vmovc v19  }
0x6bc: {  	v18 =	vadd.s32 v18, v24;
	v15 =	vnsel vm6, $0x0, v15;
	v27 =	vld [tilespmem:s31+$0x20];
	vm11 =	vle.s32 v23, v9;
	[tilespmem:s28+$0x0] =	vst v17  }
0x6bd: {  	vm0 =	vmand vm10, vm0;
	vm6 =	vle.s32 v18, v9;
	v23 =	vld [tilespmem:s31+$0xFFFFFFD0];
	[tilespmem:s28+$0xFFFFFFE0] =	vst v15;
	v15 =	vmul.f32 v22, v7  }
0x6be: {  	v18 =	vmul.f32 v21, v7;
	vm6 =	vmand vm7, vm6;
	vm7 =	vlt.u32 v13, v8;
	v17 =	vld [tilespmem:s31+$0x0]  }
0x6bf: {  	vm5 =	vmor vm5, vm6;
	vm6 =	vmor vm7, vm13;
	vm12 =	veq.s32 v25, v8;
	v21 =	vld [tilespmem:s30+$0x0]  }
0x6c0: {  	v14 =	vnsel vm5, $0x0, v14;
	v24 =	vnsel vm8, $0x0, v15;
	v13 =	vsel vm12, $0x1, v4;
	v22 =	vld [tilespmem:s31+$0xFFFFFFF0]  }
0x6c1: {  	vm2 =	vmand vm2, vm11;
	v12 =	vnsel vm6, $0x0, v12;
	v28 =	vld [tilespmem:s30+$0xFFFFFFC0];
	(xrf0) =	vadd.scan.msk.s32 $0xffff, v13;
	[tilespmem:s28+$0xFFFFFFF0] =	vst v14  }
0x6c2: {  	vm1 =	vmor vm1, vm2;
	v15 =	vmul.f32 v26, v7;
	v26 =	vmpcnt.ones.xlane vm12;
	v29 =	vld [tilespmem:s30+$0x10];
	[tilespmem:s28+$0x20] =	vst v12  }
0x6c3: {  	vm0 =	vmor vm4, vm0;
	v14 =	vnsel vm1, $0x0, v16;
	vm1 =	vle.s32 v20, v9;
	v13 =	vld [tilespmem:s30+$0x20];
	[tilespmem:s28+$0x10] =	vst v24  }
0x6c4: {  	v12 =	vmul.f32 v27, v7;
	vm1 =	vmand vm3, vm1;
	v17 =	vmul.f32 v17, v7;
	v16 =	vld [tilespmem:s30+$0xFFFFFFF0];
	[tilespmem:s28+$0xFFFFFFC0] =	vst v14  }
0x6c5: {  	vm3 =	vmor vm9, vm1;
	v20 =	vld [tilespmem:s30+$0xFFFFFFD0];
	v14 =	vmul.f32 v22, v7  }
0x6c6: {  	v22 =	vnsel vm3, $0x0, v10;
	vm1 =	vlt.u32 v28, v8;
	vm2 =	veq.s32 v28, v8  }
0x6c7: {  	vm6 =	vlt.u32 v25, v8;
	v10 =	vmul.f32 v23, v7;
	v24 =	vld [tilespmem:s31+$0xFFFFFFC0];
	v27 =	vmpcnt.ones.xlane vm2;
	v23, _, _ =	vpop (xrf0);
	[tilespmem:s28+$0xFFFFFFD0] =	vst v22  }
0x6c8: {  	v18 =	vnsel vm0, $0x0, v18;
	vm8 =	vlt.u32 v29, v8;
	vm13 =	veq.s32 v13, v8;
	v22 =	vld [tilespmem:s30+$0x30]  }
0x6c9: {  	vm11 =	vlt.u32 v21, v8;
	vm0 =	veq.s32 v21, v8;
	vm5 =	vlt.u32 v16, v8;
	[tilespmem:s28+$0x30] =	vst v18;
	s28 =	smov.u32 s31  }
0x6ca: {  	vm7 =	veq.s32 v16, v8;
	v16 =	vsel vm0, $0x1, v4;
	vm3 =	veq.s32 v20, v8  }
0x6cb: {  	vm14 =	veq.s32 v29, v8;
	v21 =	vadd.s32 v19, v27;
	v18 =	vmpcnt.ones.xlane vm3;
	(xrf0) =	vadd.scan.msk.s32 $0xffff, v16  }
0x6cc: {  	v19 =	vsel vm14, $0x1, v4;
	v16 =	vmul.f32 v24, v7;
	v24 =	vmpcnt.ones.xlane vm0  }
0x6cd: {  	v25 =	vsel vm13, $0x1, v4;
	vm4 =	vlt.u32 v22, v8;
	vm10 =	veq.s32 v22, v8;
	(xrf0) =	vadd.scan.msk.s32 $0xffff, v19  }
0x6ce: {  	v22 =	vmpcnt.ones.xlane vm14;
	v27 =	vsel vm10, $0x1, v4;
	v19 =	vmpcnt.ones.xlane vm10;
	(xrf0) =	vadd.scan.msk.s32 $0xffff, v25  }
0x6cf: {  	v29 =	vmpcnt.ones.xlane vm7;
	v28 =	vadd.s32 v21, v18;
	v25 =	vsel vm3, $0x1, v4;
	(xrf0) =	vadd.scan.msk.s32 $0xffff, v27  }
0x6d0: {  	v30 =	vsel vm7, $0x1, v4;
	v18 =	vadd.s32 v28, v26;
	v27 =	vsel vm2, $0x1, v4;
	(xrf0) =	vadd.scan.msk.s32 $0xffff, v25  }
0x6d1: {  	v23 =	vadd.s32 v28, v23;
	v28 =	vmpcnt.ones.xlane vm13;
	v25 =	vadd.s32 v18, v29;
	(xrf0) =	vadd.scan.msk.s32 $0xffff, v30;
	v26, _, _ =	vpop (xrf0)  }
0x6d2: {  	vm15 =	vle.s32 v23, v9;
	v24 =	vadd.s32 v25, v24;
	v26 =	vadd.s32 v25, v26;
	(xrf0) =	vadd.scan.msk.s32 $0xffff, v27  }
.Ltmp40:
0x6d3: {  	vm9 =	vlt.u32 v20, v8;
	vm12 =	vmand vm12, vm15;
	vm15 =	vle.s32 v26, v9;
	v20, _, _ =	vpop (xrf0);
	(pc) =	sbr.rel @p0 .LBB2_74-.Ltmp40, $4  }
0x6d4: {  	v22 =	vadd.s32 v24, v22;
	vm15 =	vmand vm0, vm15;
	v26 =	vadd.s32 v24, v20;
	v23, _, _ =	vpop (xrf0)  }
0x6d5: {  	vm0 =	vle.s32 v26, v9;
	v25 =	vadd.s32 v22, v23;
	v23 =	vadd.s32 v22, v28;
	v24, _, _ =	vpop (xrf0)  }
0x6d6: {  	v22 =	vld [tilespmem:s31+$0x10];
	vm14 =	vmand vm14, vm0;
	vm0 =	vle.s32 v25, v9;
	v25 =	vadd.s32 v23, v24;
	v20, _, _ =	vpop (xrf0)  }
0x6d7: {  	s30 =	sadd.s32 $0x80, s30;
	s31 =	sadd.s32 $0x80, s31;
	v20 =	vadd.s32 v21, v20;
	vm13 =	vmand vm13, vm0;
	v21 =	vld [tilespmem:s28+$0x30];
	vm0 =	vle.s32 v25, v9;
	v24, _, _ =	vpop (xrf0)  }
.Ltmp41:
0x6d8: {  	_ = 	snop;
	(pc) =	sbr.rel .LBB2_75-.Ltmp41, $1  }
0x6d9: {  	_ =	sdelay $0x3  }
.LBB2_76:
0x6da: {  	v9 =	vld [tilespmem:s28+$0x30]  }
0x6db: {  	v10 =	vld [tilespmem:s29+$0x30]  }
0x6dc: {  	v11 =	vld [tilespmem:s28+$0xFFFFFFC0]  }
0x6dd: {  	v12 =	vld [tilespmem:s28+$0xFFFFFFD0]  }
0x6de: {  	v13 =	vld [tilespmem:s28+$0xFFFFFFE0]  }
0x6df: {  	v14 =	vld [tilespmem:s28+$0xFFFFFFF0]  }
0x6e0: {  	v17 =	vld [tilespmem:s28+$0x0]  }
0x6e1: {  	v20 =	vld [tilespmem:s28+$0x10]  }
0x6e2: {  	v21 =	vld [tilespmem:s28+$0x20]  }
0x6e3: {  	v22 =	vld [tilespmem:s29+$0xFFFFFFD0]  }
0x6e4: {  	v23 =	vld [tilespmem:s29+$0xFFFFFFE0]  }
0x6e5: {  	v18 =	vld [tilespmem:s29+$0xFFFFFFF0];
	v15 =	vmul.f32 v9, v7;
	v9 =	vmul.f32 v11, v7  }
0x6e6: {  	v16 =	vld [tilespmem:s29+$0x0];
	v24 =	vmul.f32 v12, v7;
	v19 =	vmul.f32 v13, v7  }
0x6e7: {  	vm0 =	vgt.u32 v10, v8;
	v13 =	vld [tilespmem:s29+$0x10];
	v12 =	vmul.f32 v17, v7;
	v11 =	vmul.f32 v20, v7  }
0x6e8: {  	v10 =	vsel vm0, $0x0, v15;
	v15 =	vmul.f32 v14, v7;
	vm0 =	vgt.u32 v22, v8;
	v14 =	vld [tilespmem:s29+$0x20]  }
0x6e9: {  	s30 =	simm.s32 $0x0;
	s31 =	simm.s32 $0x80C0;
	v17 =	vld [tilespmem:s29+$0xFFFFFFC0];
	[tilespmem:s28+$0x30] =	vst v10;
	v10 =	vmul.f32 v21, v7;
	v20 =	vsel vm0, $0x0, v24;
	vm0 =	vgt.u32 v23, v8  }
.LBB2_77:
0x6ea: {  	v21 =	vld [tilespmem:s31+$0x30];
	s30 =	sadd.s32 $0x80, s30;
	[tilespmem:s28+$0xFFFFFFD0] =	vst v20;
	v19 =	vsel vm0, $0x0, v19;
	vm0 =	vgt.u32 v18, v8;
	s29 =	sadd.s32 $0x80, s29  }
0x6eb: {  	v18 =	vld [tilespmem:s29+$0x30];
	p0 =	slt.u32 s30, $0x7F80;
	[tilespmem:s28+$0xFFFFFFE0] =	vst v19;
	v15 =	vsel vm0, $0x0, v15;
	vm0 =	vgt.u32 v16, v8  }
0x6ec: {  	v16 =	vld [tilespmem:s31+$0xFFFFFFC0];
	[tilespmem:s28+$0xFFFFFFF0] =	vst v15;
	v12 =	vsel vm0, $0x0, v12;
	vm0 =	vgt.u32 v13, v8  }
0x6ed: {  	v13 =	vld [tilespmem:s31+$0xFFFFFFD0];
	[tilespmem:s28+$0x0] =	vst v12;
	v11 =	vsel vm0, $0x0, v11;
	vm0 =	vgt.u32 v14, v8  }
0x6ee: {  	v12 =	vld [tilespmem:s31+$0xFFFFFFE0];
	vm1 =	vgt.u32 v17, v8;
	[tilespmem:s28+$0x10] =	vst v11;
	v10 =	vsel vm0, $0x0, v10  }
0x6ef: {  	v11 =	vld [tilespmem:s31+$0xFFFFFFF0];
	v14 =	vmul.f32 v21, v7;
	v9 =	vsel vm1, $0x0, v9;
	[tilespmem:s28+$0x20] =	vst v10  }
0x6f0: {  	v10 =	vld [tilespmem:s31+$0x0];
	vm0 =	vgt.u32 v18, v8;
	[tilespmem:s28+$0xFFFFFFC0] =	vst v9;
	s28 =	smov.u32 s31  }
0x6f1: {  	v9 =	vmul.f32 v16, v7;
	v17 =	vld [tilespmem:s31+$0x10];
	v14 =	vsel vm0, $0x0, v14  }
0x6f2: {  	v20 =	vmul.f32 v13, v7;
	v21 =	vld [tilespmem:s31+$0x20];
	[tilespmem:s31+$0x30] =	vst v14  }
0x6f3: {  	v14 =	vld [tilespmem:s29+$0xFFFFFFD0];
	v19 =	vmul.f32 v12, v7  }
0x6f4: {  	v22 =	vld [tilespmem:s29+$0xFFFFFFE0];
	v15 =	vmul.f32 v11, v7  }
.Ltmp42:
0x6f5: {  	v18 =	vld [tilespmem:s29+$0xFFFFFFF0];
	v12 =	vmul.f32 v10, v7;
	(pc) =	sbr.rel @p0 .LBB2_77-.Ltmp42, $4  }
0x6f6: {  	v16 =	vld [tilespmem:s29+$0x0];
	v11 =	vmul.f32 v17, v7  }
0x6f7: {  	v13 =	vld [tilespmem:s29+$0x10];
	v10 =	vmul.f32 v21, v7  }
0x6f8: {  	vm0 =	vgt.u32 v14, v8;
	v14 =	vld [tilespmem:s29+$0x20]  }
0x6f9: {  	s31 =	sadd.s32 $0x80, s31;
	v17 =	vld [tilespmem:s29+$0xFFFFFFC0];
	v20 =	vsel vm0, $0x0, v20;
	vm0 =	vgt.u32 v22, v8  }
0x6fa: {  	[tilespmem:s28+$0xFFFFFFD0] =	vst v20;
	v7 =	vsel vm0, $0x0, v19;
	vm12 =	vgt.u32 v18, v8  }
0x6fb: {  	[tilespmem:s28+$0xFFFFFFE0] =	vst v7;
	v7 =	vsel vm12, $0x0, v15;
	vm13 =	vgt.u32 v16, v8  }
.Ltmp43:
0x6fc: {  	[tilespmem:s28+$0xFFFFFFF0] =	vst v7;
	v7 =	vsel vm13, $0x0, v12;
	vm14 =	vgt.u32 v13, v8;
	(pc) =	sbr.rel .LBB2_79-.Ltmp43, $4  }
0x6fd: {  	[tilespmem:s28+$0x0] =	vst v7;
	v7 =	vsel vm14, $0x0, v11;
	vm15 =	vgt.u32 v14, v8  }
0x6fe: {  	vm1 =	vgt.u32 v17, v8;
	[tilespmem:s28+$0x10] =	vst v7;
	v7 =	vsel vm15, $0x0, v10  }
0x6ff: {  	v8 =	vsel vm1, $0x0, v9;
	[tilespmem:s28+$0x20] =	vst v7  }
0x700: {  	[tilespmem:s28+$0xFFFFFFC0] =	vst v8  }
.LBB2_80:
0x701: {  	_ =	sfence.sel $0x180000  }
0x702: {  	[bflag:$0x0] =	sbarrier.arrive $0xFFFF  }
0x703: {  	p0 =	sne.s32 s1, $0x0;
	_ =	strace $0x90000047  }
0x704: {  	s0 =	sadd.s32 @!p0 $0x100000, s0;
	[bflag:$0x2] =	sbarrier.arrive $0xFFFF  }
0x705: {  	[sflag:s0] =	ssyncadd.tile.s32 @!p0 $0x1;
	_ =	shalt  }
.Lfunc_end2:
_tile_overlayer_lowered:
.L_overlay_start_2:
0x706: {  	(tag) =	ssettag $0x2  }
0x707: {  	s0 =	rddreg [dreg:$0x0];
	s2 =	stileid.u32  }
0x708: {  	s1 =	rddreg [dreg:$0x1];
	p0 =	sne.s32 s2, $0x0  }
0x709: {  	s3 =	rddreg [dreg:$0x2];
	[bflag:$0x3] =	sbarrier.arrive $0xFFFF;
	s2 =	simm.s32 @!p0 $0x1C05  }
0x70a: {  	[timem:s3], [sflag:s2] =	dma.local @!p0 [hbm:s0], s1  }
0x70b: {  	s0 =	simm.s32 @!p0 $0x5  }
0x70c: {  	_ =	swait.ge @!p0 [sflag:s0], s1  }
0x70d: {  	s1 =	ssub.s32 @!p0 $0x0, s1;
	[sflag:s0] =	ssyncset.done @!p0 $0x0  }
0x70e: {  	[sflag:s0] =	ssyncadd.s32 @!p0 s1  }
0x70f: {  	[bflag:$0x3] =	sbarrier.arrive $0xFFFF  }
0x710: {  	_ =	shalt  }

</sc_bundles>
